<compile_context>
chip_gen: v7x
topology: tpu7x:2x2x1
jax: 0.10.2.dev20260603
libtpu: 0.0.44.dev20260713+nightly
codegen_flags: <defaults>
</compile_context>

<pallas_src>
import functools

import jax
import jax.numpy as jnp
from jax import lax
from jax.experimental import pallas as pl
from jax.experimental.pallas import tpu as pltpu
from jax.experimental.pallas import tpu_sc as plsc

S = 2048
D = 1024
INNER = 256
E = 64
K = 8
CAP = 512
TOK = 256
NC = 2
NSUB = 16
NW = NC * NSUB
TPW = S // NW


HIMASK = -65536


def _pack_halves(vbf):
    n = vbf.shape[1] // 2
    af = lax.bitcast_convert_type(vbf[:, :n].astype(jnp.float32), jnp.int32)
    bf = lax.bitcast_convert_type(vbf[:, n:].astype(jnp.float32), jnp.int32)
    return lax.shift_right_logical(af, 16) | (bf & HIMASK)


def _unpack_halves(w):
    a = lax.bitcast_convert_type(lax.shift_left(w, 16), jnp.float32)
    b = lax.bitcast_convert_type(w & HIMASK, jnp.float32)
    return jnp.concatenate([a, b], axis=1)


def _router_body(x_ref, ct_ref, b_ref, w1_ref, b1_ref, w2_ref, b2_ref,
                 w3_ref, b3_ref, base_ref, aff_ref, gate_ref, topi_ref,
                 dsc_ref, dsct_ref, dcbt_ref, wexp_ref, xbf_ref, cnt_ref):
    pid = pl.program_id(0)

    @pl.when(pid == 0)
    def _init():
        cnt_ref[...] = jnp.zeros_like(cnt_ref)

    x = x_ref[...]
    xbf = x.astype(jnp.bfloat16)
    xbf_ref[...] = _pack_halves(xbf)
    aff = jax.nn.sigmoid(
        jnp.dot(x, ct_ref[...], preferred_element_type=jnp.float32))
    aff_ref[...] = aff
    cur = aff + b_ref[...]
    lanes = lax.broadcasted_iota(jnp.int32, (TOK, E), 1)
    ams, avals, onehots = [], [], []
    for _ in range(K):
        mx = jnp.max(cur, axis=1, keepdims=True)
        am = jnp.min(jnp.where(cur == mx, lanes, E), axis=1, keepdims=True)
        oh = lanes == am
        avals.append(jnp.sum(jnp.where(oh, aff, 0.0), axis=1, keepdims=True))
        ams.append(am)
        onehots.append(oh)
        cur = jnp.where(oh, -jnp.inf, cur)
    topi = jnp.concatenate(ams, axis=1)
    sel = jnp.concatenate(avals, axis=1)
    mx = jnp.max(sel, axis=1, keepdims=True)
    ex = jnp.exp(sel - mx)
    gate = ex / jnp.sum(ex, axis=1, keepdims=True)
    topi_ref[...] = topi
    gate_ref[...] = gate

    usage = jnp.zeros((TOK, E), jnp.int32)
    for oh in onehots:
        usage = usage + oh.astype(jnp.int32)
    incl = usage
    shift = 1
    while shift < TOK:
        incl = incl + jnp.concatenate(
            [jnp.zeros((shift, E), jnp.int32), incl[:TOK - shift]], axis=0)
        shift *= 2
    basecnt = (incl - usage) + cnt_ref[0:1, :]
    dsc_cols, wc_cols = [], []
    for k in range(K):
        slot = jnp.sum(jnp.where(onehots[k], basecnt, 0), axis=1,
                       keepdims=True)
        dest = ams[k] * CAP + slot
        valid = slot < CAP
        dsc_cols.append(jnp.where(valid, dest, E * CAP))
        wc_cols.append(jnp.where(valid, gate[:, k:k + 1], 0.0))
    dsc = jnp.concatenate(dsc_cols, axis=1)
    dsc_ref[...] = dsc
    dsct = jnp.transpose(dsc)
    dsct_ref[...] = dsct
    dcbt_ref[...] = dsct
    wexp_ref[...] = jnp.broadcast_to(
        jnp.concatenate(wc_cols, axis=1)[:, :, None], (TOK, K, 128))
    cnt_ref[0:1, :] = cnt_ref[0:1, :] + incl[TOK - 1:TOK, :]

    xb = x.astype(jnp.bfloat16)
    a = jnp.dot(xb, w1_ref[...],
                preferred_element_type=jnp.float32) + b1_ref[...]
    u = jnp.dot(xb, w3_ref[...],
                preferred_element_type=jnp.float32) + b3_ref[...]
    h = ((a * jax.nn.sigmoid(a)) * u).astype(jnp.bfloat16)
    sh = jnp.dot(h, w2_ref[...],
                 preferred_element_type=jnp.float32) + b2_ref[...]
    base_ref[...] = x + sh


def _run_router(x2d, ct, b2d, w1, b1, w2, b2, w3, b3):
    return pl.pallas_call(
        _router_body,
        grid=(S // TOK,),
        in_specs=[
            pl.BlockSpec((TOK, D), lambda i: (i, 0)),
            pl.BlockSpec((D, E), lambda i: (0, 0)),
            pl.BlockSpec((1, E), lambda i: (0, 0)),
            pl.BlockSpec((D, INNER), lambda i: (0, 0)),
            pl.BlockSpec((1, INNER), lambda i: (0, 0)),
            pl.BlockSpec((INNER, D), lambda i: (0, 0)),
            pl.BlockSpec((1, D), lambda i: (0, 0)),
            pl.BlockSpec((D, INNER), lambda i: (0, 0)),
            pl.BlockSpec((1, INNER), lambda i: (0, 0)),
        ],
        out_specs=[
            pl.BlockSpec((TOK, D), lambda i: (i, 0)),
            pl.BlockSpec((TOK, E), lambda i: (i, 0)),
            pl.BlockSpec((TOK, K), lambda i: (i, 0)),
            pl.BlockSpec((TOK, K), lambda i: (i, 0)),
            pl.BlockSpec((TOK, K), lambda i: (i, 0)),
            pl.BlockSpec((K, TOK), lambda i: (0, i)),
            pl.BlockSpec((K, TOK), lambda i: (0, i)),
            pl.BlockSpec((TOK, K, 128), lambda i: (i, 0, 0)),
            pl.BlockSpec((TOK, D // 2), lambda i: (i, 0)),
        ],
        out_shape=[
            jax.ShapeDtypeStruct((S, D), jnp.float32),
            jax.ShapeDtypeStruct((S, E), jnp.float32),
            jax.ShapeDtypeStruct((S, K), jnp.float32),
            jax.ShapeDtypeStruct((S, K), jnp.int32),
            jax.ShapeDtypeStruct((S, K), jnp.int32),
            jax.ShapeDtypeStruct((K, S), jnp.int32),
            jax.ShapeDtypeStruct((K, S), jnp.int32),
            jax.ShapeDtypeStruct((S, K, 128), jnp.float32),
            jax.ShapeDtypeStruct((S, D // 2), jnp.int32),
        ],
        scratch_shapes=[pltpu.VMEM((8, E), jnp.int32)],
    )(x2d, ct, b2d, w1, b1, w2, b2, w3, b3)


def _ffn_body(xd_ref, wd_ref, w1_ref, b1_ref, w2_ref, b2_ref, w3_ref, b3_ref,
              y_ref):
    pid = pl.program_id(0)

    @pl.when(pid < E)
    def _compute():
        x = _unpack_halves(xd_ref[...]).astype(jnp.bfloat16)
        a = jnp.dot(x, w1_ref[0],
                    preferred_element_type=jnp.float32) + b1_ref[0]
        u = jnp.dot(x, w3_ref[0],
                    preferred_element_type=jnp.float32) + b3_ref[0]
        h = ((a * jax.nn.sigmoid(a)) * u).astype(jnp.bfloat16)
        y = jnp.dot(h, w2_ref[0],
                    preferred_element_type=jnp.float32) + b2_ref[0]
        y_ref[...] = y * wd_ref[...][:, 0:1]

    @pl.when(pid == E)
    def _zero_pad():
        y_ref[...] = jnp.zeros_like(y_ref)


def _run_ffn(disp, wdisp, rW1b, rb1, rW2b, rb2, rW3b, rb3):
    def clamped(*unit):
        def index_map(e):
            return (jnp.minimum(e, E - 1),) + unit
        return index_map

    return pl.pallas_call(
        _ffn_body,
        grid=(E + 1,),
        in_specs=[
            pl.BlockSpec((CAP, D // 2), clamped(0)),
            pl.BlockSpec((CAP, 128), clamped(0)),
            pl.BlockSpec((1, D, INNER), clamped(0, 0)),
            pl.BlockSpec((1, 1, INNER), clamped(0, 0)),
            pl.BlockSpec((1, INNER, D), clamped(0, 0)),
            pl.BlockSpec((1, 1, D), clamped(0, 0)),
            pl.BlockSpec((1, D, INNER), clamped(0, 0)),
            pl.BlockSpec((1, 1, INNER), clamped(0, 0)),
        ],
        out_specs=pl.BlockSpec((CAP, D), lambda e: (e, 0)),
        out_shape=jax.ShapeDtypeStruct((E * CAP + CAP, D), jnp.float32),
    )(disp, wdisp, rW1b, rb1.reshape(E, 1, INNER), rW2b,
      rb2.reshape(E, 1, D), rW3b, rb3.reshape(E, 1, INNER))


def _run_dispatch(xbf, dsc_t, dsc_flat, wexp_flat):
    mesh = plsc.VectorSubcoreMesh(core_axis_name="c", subcore_axis_name="s")
    chunk = 32
    pch = chunk * K

    @functools.partial(
        pl.kernel,
        mesh=mesh,
        out_type=[jax.ShapeDtypeStruct((E * CAP + 8, D // 2), jnp.int32),
                  jax.ShapeDtypeStruct((E * CAP + 8, 128), jnp.float32)],
        scratch_types=(
            [pltpu.VMEM((chunk, D // 2), jnp.int32),
             pltpu.VMEM((pch, 128), jnp.float32),
             pltpu.VMEM((pch,), jnp.int32)]
            + [pltpu.VMEM((chunk,), jnp.int32) for _ in range(K)]
            + [pltpu.SemaphoreType.DMA]
        ),
    )
    def body(x_hbm, dsct_hbm, dscf_hbm, wexpf_hbm, disp_hbm, wdisp_hbm,
             x_v, w_v, idxw_v, *rest):
        idx_vs, sem = rest[:K], rest[K]
        wid = lax.axis_index("s") * NC + lax.axis_index("c")
        for c in range(TPW // chunk):
            t0 = wid * TPW + c * chunk
            p0 = t0 * K
            cps = [pltpu.async_copy(x_hbm.at[pl.ds(t0, chunk)], x_v, sem),
                   pltpu.async_copy(dscf_hbm.at[pl.ds(p0, pch)], idxw_v, sem),
                   pltpu.async_copy(wexpf_hbm.at[pl.ds(p0, pch)], w_v, sem)]
            cps += [pltpu.async_copy(dsct_hbm.at[k, pl.ds(t0, chunk)],
                                     idx_vs[k], sem) for k in range(K)]
            for cp in cps:
                cp.wait()
            cps = [pltpu.async_copy(x_v, disp_hbm.at[idx_vs[k]], sem)
                   for k in range(K)]
            cps.append(pltpu.async_copy(w_v, wdisp_hbm.at[idxw_v], sem))
            for cp in cps:
                cp.wait()

    return body(xbf, dsc_t, dsc_flat, wexp_flat)


def _run_combine(base_flat, ybuf, dcb_t):
    mesh = plsc.VectorSubcoreMesh(core_axis_name="c", subcore_axis_name="s")
    T = 8

    @functools.partial(
        pl.kernel,
        mesh=mesh,
        out_type=jax.ShapeDtypeStruct((S * D,), jnp.float32),
        scratch_types=(
            [pltpu.VMEM((K * T, D), jnp.float32),
             pltpu.VMEM((T * D,), jnp.float32),
             pltpu.VMEM((T * D,), jnp.float32)]
            + [pltpu.VMEM((T,), jnp.int32) for _ in range(K)]
            + [pltpu.SemaphoreType.DMA]
        ),
    )
    def body(base_hbm, y_hbm, dcb_hbm, hid_hbm, g_v, b_v, o_v, *rest):
        idx_vs, sem = rest[:K], rest[K]
        wid = lax.axis_index("s") * NC + lax.axis_index("c")

        def chunk_body(c, carry):
            t0 = wid * TPW + c * T
            cps = [pltpu.async_copy(base_hbm.at[pl.ds(t0 * D, T * D)], b_v,
                                    sem)]
            cps += [pltpu.async_copy(dcb_hbm.at[k, pl.ds(t0, T)], idx_vs[k],
                                     sem) for k in range(K)]
            for cp in cps:
                cp.wait()
            cps = [pltpu.async_copy(y_hbm.at[idx_vs[k]],
                                    g_v.at[pl.ds(k * T, T)], sem)
                   for k in range(K)]
            for cp in cps:
                cp.wait()
            for t in range(T):

                def vec_body(j, inner, _t=t):
                    sl = pl.ds(j * 16, 16)
                    acc = b_v[pl.ds(_t * D + j * 16, 16)]
                    for k in range(K):
                        acc = acc + g_v[k * T + _t, sl]
                    o_v[pl.ds(_t * D + j * 16, 16)] = acc
                    return inner

                lax.fori_loop(0, D // 16, vec_body, 0)
            pltpu.sync_copy(o_v, hid_hbm.at[pl.ds(t0 * D, T * D)])
            return carry

        lax.fori_loop(0, TPW // T, chunk_body, 0)

    return body(base_flat, ybuf, dcb_t)


def kernel(input_embeddings, centroids, biases, sW1, sb1, sW2, sb2, sW3, sb3,
           rW1, rb1, rW2, rb2, rW3, rb3):
    x2d = input_embeddings.reshape(S, D)
    base, aff, gate, topi, dsc, dsc_t, dcb_t, wexp, xbf = _run_router(
        x2d, centroids.T, biases.reshape(1, E),
        sW1[0].astype(jnp.bfloat16), sb1, sW2[0].astype(jnp.bfloat16), sb2,
        sW3[0].astype(jnp.bfloat16), sb3)
    disp, wdisp = _run_dispatch(xbf, dsc_t, dsc.reshape(S * K),
                                wexp.reshape(S * K, 128))
    ybuf = _run_ffn(disp, wdisp, rW1.astype(jnp.bfloat16), rb1,
                    rW2.astype(jnp.bfloat16), rb2,
                    rW3.astype(jnp.bfloat16), rb3)
    hid = _run_combine(base.reshape(S * D), ybuf, dcb_t)
    return (hid.reshape(1, S, D), aff.reshape(1, S, E),
            gate.reshape(1, S, K), topi.reshape(1, S, K))

# --- scband reference (transcript-rebuilt; emitter-appended) ---
"""Pipeline reference for scband-mo-e-8074538516568 (READ-ONLY COPY).

The authoritative reference and input builder live on the scoring server;
editing this copy changes nothing except your own understanding.
"""

import jax, jax.numpy as jnp
import numpy as np

B, S, DIM = 1, 2048, 1024
INTER = 256
E, K, NS = 64, 8, 1
CAP = 512


def expert_apply(x, w1, b1, w2, b2, w3, b3):
    return (jax.nn.silu(x @ w1 + b1) * (x @ w3 + b3)) @ w2 + b2


def setup_inputs(seed: int = 0):
    key = jax.random.key(seed)
    ks = jax.random.split(key, 10)
    inp = {}
    inp['input_embeddings'] = jax.random.normal(ks[0], (B, S, DIM), dtype=jnp.float32)
    inp['centroids'] = jax.random.normal(ks[1], (E, DIM), dtype=jnp.float32)
    inp['biases'] = jnp.zeros((E,), jnp.float32)
    inp['sW1'] = 0.02 * jax.random.normal(ks[2], (NS, DIM, INTER), dtype=jnp.float32)
    inp['sb1'] = jnp.zeros((NS, INTER), jnp.float32)
    inp['sW2'] = 0.02 * jax.random.normal(ks[3], (NS, INTER, DIM), dtype=jnp.float32)
    inp['sb2'] = jnp.zeros((NS, DIM), jnp.float32)
    inp['sW3'] = 0.02 * jax.random.normal(ks[4], (NS, DIM, INTER), dtype=jnp.float32)
    inp['sb3'] = jnp.zeros((NS, INTER), jnp.float32)
    inp['rW1'] = 0.02 * jax.random.normal(ks[5], (E, DIM, INTER), dtype=jnp.float32)
    inp['rb1'] = jnp.zeros((E, INTER), jnp.float32)
    inp['rW2'] = 0.02 * jax.random.normal(ks[6], (E, INTER, DIM), dtype=jnp.float32)
    inp['rb2'] = jnp.zeros((E, DIM), jnp.float32)
    inp['rW3'] = 0.02 * jax.random.normal(ks[7], (E, DIM, INTER), dtype=jnp.float32)
    inp['rb3'] = jnp.zeros((E, INTER), jnp.float32)
    return inp


def _moe_forward(x, centroids, biases, sW1, sb1, sW2, sb2, sW3, sb3, rW1, rb1, rW2, rb2, rW3, rb3):
    Bsz, Sl, D = x.shape
    shared = jnp.stack([expert_apply(x, sW1[i], sb1[i], sW2[i], sb2[i], sW3[i], sb3[i]) for i in range(NS)], axis=2).mean(axis=2)
    affinity = jax.nn.sigmoid(jnp.einsum('bsd,ed->bse', x, centroids))
    biased = affinity + biases[None, None, :]
    topv, topi = jax.lax.top_k(biased, K)
    sel = jnp.take_along_axis(affinity, topi, axis=-1)
    gating = jax.nn.softmax(sel, axis=-1)
    flat_idx = topi.reshape(-1)
    flat_w = gating.reshape(-1)
    flat_x = jnp.broadcast_to(x[:, :, None, :], (Bsz, Sl, K, D)).reshape(-1, D)
    routed = jnp.zeros_like(flat_x)
    for e in range(E):
        mask = flat_idx == e
        order = jnp.argsort(1 - mask.astype(jnp.int32))
        idxs = order[:CAP]
        valid = mask[idxs].astype(flat_x.dtype)
        xe = flat_x[idxs]
        ye = expert_apply(xe, rW1[e], rb1[e], rW2[e], rb2[e], rW3[e], rb3[e])
        routed = routed.at[idxs].add(ye * (flat_w[idxs] * valid)[:, None])
    routed = routed.reshape(Bsz, Sl, K, D).sum(axis=2)
    hidden = x + shared + routed
    return hidden, affinity, gating, topi


def reference(input_embeddings, centroids, biases, sW1, sb1, sW2, sb2, sW3, sb3, rW1, rb1, rW2, rb2, rW3, rb3):
    return _moe_forward(input_embeddings, centroids, biases, sW1, sb1, sW2, sb2, sW3, sb3, rW1, rb1, rW2, rb2, rW3, rb3)

if __name__ == "__main__":
    import jax
    _d = setup_inputs()
    print(jax.jit(kernel)(*tuple(_d.values())))

</pallas_src>

<mosaic_0001>
#map = affine_map<(d0, d1) -> (0)>
#map1 = affine_map<(d0, d1) -> (0, 0)>
module attributes {stable_mosaic.version = 14 : i64} {
  func.func @body(%arg0: i32, %arg1: i32, %arg2: memref<2097152xf32, #tpu.memory_space<hbm>>, %arg3: memref<33280x1024xf32, #tpu.memory_space<hbm>>, %arg4: memref<8x2048xi32, #tpu.memory_space<hbm>>, %arg5: memref<2097152xf32, #tpu.memory_space<hbm>>, %arg6: memref<64x1024xf32, #tpu.memory_space<vmem>>, %arg7: memref<8192xf32, #tpu.memory_space<vmem>>, %arg8: memref<8192xf32, #tpu.memory_space<vmem>>, %arg9: memref<8xi32, #tpu.memory_space<vmem>>, %arg10: memref<8xi32, #tpu.memory_space<vmem>>, %arg11: memref<8xi32, #tpu.memory_space<vmem>>, %arg12: memref<8xi32, #tpu.memory_space<vmem>>, %arg13: memref<8xi32, #tpu.memory_space<vmem>>, %arg14: memref<8xi32, #tpu.memory_space<vmem>>, %arg15: memref<8xi32, #tpu.memory_space<vmem>>, %arg16: memref<8xi32, #tpu.memory_space<vmem>>, %arg17: memref<!tpu.dma_semaphore, #tpu.memory_space<semaphore_mem>>) attributes {dimension_semantics = [#tpu.dimension_semantics<core_parallel>, #tpu.dimension_semantics<subcore_parallel>], iteration_bounds = array<i64: 2, 16>, scalar_prefetch = 0 : i64, scratch_operands = 12 : i64, tpu.core_type = #tpu.core_type<sc_vector_subcore>, window_params = [{transform_indices = #map}, {transform_indices = #map1}, {transform_indices = #map1}, {transform_indices = #map}]} {
    %mul3A = arith.constant 2 : i32
    %mul3A_0 = arith.muli %arg1, %mul3A : i32
    %add3A = arith.addi %mul3A_0, %arg0 : i32
    %scan3A = arith.constant 0 : i32
    %scan3A_1 = arith.constant 0 : i32
    %scan3A_2 = arith.constant 8 : i32
    %scan3A_3 = arith.addi %scan3A_1, %scan3A_2 : i32
    %scan3A_4 = arith.constant 1 : i32
    scf.for %scan3A_6 = %scan3A_1 to %scan3A_3 step %scan3A_4  : i32 {
      %mul3A_7 = arith.constant 64 : i32
      %mul3A_8 = arith.muli %add3A, %mul3A_7 : i32
      %mul3A_9 = arith.constant 8 : i32
      %mul3A_10 = arith.muli %scan3A_6, %mul3A_9 : i32
      %add3A_11 = arith.addi %mul3A_8, %mul3A_10 : i32
      %mul3A_12 = arith.constant 1024 : i32
      %mul3A_13 = arith.muli %add3A_11, %mul3A_12 : i32
      %dma_start3A = tpu.memref_slice %arg2[%mul3A_13] : memref<2097152xf32, #tpu.memory_space<hbm>> -> memref<8192xf32, #tpu.memory_space<hbm>>
      %dma_start3A_14 = tpu.memref_slice %arg2[%mul3A_13] : memref<2097152xf32, #tpu.memory_space<hbm>> -> memref<8192xf32, #tpu.memory_space<hbm>>
      tpu.enqueue_dma source(%dma_start3A_14 : memref<8192xf32, #tpu.memory_space<hbm>>) target(%arg7 : memref<8192xf32, #tpu.memory_space<vmem>>) target_semaphore(%arg17 : memref<!tpu.dma_semaphore, #tpu.memory_space<semaphore_mem>>)
      %dma_start3A_15 = arith.constant 0 : i32
      %dma_start3A_16 = tpu.memref_slice %arg4[%dma_start3A_15, %add3A_11] : memref<8x2048xi32, #tpu.memory_space<hbm>> -> memref<1x8xi32, #tpu.memory_space<hbm>>
      %dma_start3A_17 = tpu.memref_squeeze %dma_start3A_16 : memref<1x8xi32, #tpu.memory_space<hbm>> -> memref<8xi32, #tpu.memory_space<hbm>>
      %dma_start3A_18 = tpu.memref_slice %arg4[%dma_start3A_15, %add3A_11] : memref<8x2048xi32, #tpu.memory_space<hbm>> -> memref<1x8xi32, #tpu.memory_space<hbm>>
      %dma_start3A_19 = tpu.memref_squeeze %dma_start3A_18 : memref<1x8xi32, #tpu.memory_space<hbm>> -> memref<8xi32, #tpu.memory_space<hbm>>
      tpu.enqueue_dma source(%dma_start3A_19 : memref<8xi32, #tpu.memory_space<hbm>>) target(%arg9 : memref<8xi32, #tpu.memory_space<vmem>>) target_semaphore(%arg17 : memref<!tpu.dma_semaphore, #tpu.memory_space<semaphore_mem>>)
      %dma_start3A_20 = arith.constant 1 : i32
      %dma_start3A_21 = tpu.memref_slice %arg4[%dma_start3A_20, %add3A_11] : memref<8x2048xi32, #tpu.memory_space<hbm>> -> memref<1x8xi32, #tpu.memory_space<hbm>>
      %dma_start3A_22 = tpu.memref_squeeze %dma_start3A_21 : memref<1x8xi32, #tpu.memory_space<hbm>> -> memref<8xi32, #tpu.memory_space<hbm>>
      %dma_start3A_23 = tpu.memref_slice %arg4[%dma_start3A_20, %add3A_11] : memref<8x2048xi32, #tpu.memory_space<hbm>> -> memref<1x8xi32, #tpu.memory_space<hbm>>
      %dma_start3A_24 = tpu.memref_squeeze %dma_start3A_23 : memref<1x8xi32, #tpu.memory_space<hbm>> -> memref<8xi32, #tpu.memory_space<hbm>>
      tpu.enqueue_dma source(%dma_start3A_24 : memref<8xi32, #tpu.memory_space<hbm>>) target(%arg10 : memref<8xi32, #tpu.memory_space<vmem>>) target_semaphore(%arg17 : memref<!tpu.dma_semaphore, #tpu.memory_space<semaphore_mem>>)
      %dma_start3A_25 = arith.constant 2 : i32
      %dma_start3A_26 = tpu.memref_slice %arg4[%dma_start3A_25, %add3A_11] : memref<8x2048xi32, #tpu.memory_space<hbm>> -> memref<1x8xi32, #tpu.memory_space<hbm>>
      %dma_start3A_27 = tpu.memref_squeeze %dma_start3A_26 : memref<1x8xi32, #tpu.memory_space<hbm>> -> memref<8xi32, #tpu.memory_space<hbm>>
      %dma_start3A_28 = tpu.memref_slice %arg4[%dma_start3A_25, %add3A_11] : memref<8x2048xi32, #tpu.memory_space<hbm>> -> memref<1x8xi32, #tpu.memory_space<hbm>>
      %dma_start3A_29 = tpu.memref_squeeze %dma_start3A_28 : memref<1x8xi32, #tpu.memory_space<hbm>> -> memref<8xi32, #tpu.memory_space<hbm>>
      tpu.enqueue_dma source(%dma_start3A_29 : memref<8xi32, #tpu.memory_space<hbm>>) target(%arg11 : memref<8xi32, #tpu.memory_space<vmem>>) target_semaphore(%arg17 : memref<!tpu.dma_semaphore, #tpu.memory_space<semaphore_mem>>)
      %dma_start3A_30 = arith.constant 3 : i32
      %dma_start3A_31 = tpu.memref_slice %arg4[%dma_start3A_30, %add3A_11] : memref<8x2048xi32, #tpu.memory_space<hbm>> -> memref<1x8xi32, #tpu.memory_space<hbm>>
      %dma_start3A_32 = tpu.memref_squeeze %dma_start3A_31 : memref<1x8xi32, #tpu.memory_space<hbm>> -> memref<8xi32, #tpu.memory_space<hbm>>
      %dma_start3A_33 = tpu.memref_slice %arg4[%dma_start3A_30, %add3A_11] : memref<8x2048xi32, #tpu.memory_space<hbm>> -> memref<1x8xi32, #tpu.memory_space<hbm>>
      %dma_start3A_34 = tpu.memref_squeeze %dma_start3A_33 : memref<1x8xi32, #tpu.memory_space<hbm>> -> memref<8xi32, #tpu.memory_space<hbm>>
      tpu.enqueue_dma source(%dma_start3A_34 : memref<8xi32, #tpu.memory_space<hbm>>) target(%arg12 : memref<8xi32, #tpu.memory_space<vmem>>) target_semaphore(%arg17 : memref<!tpu.dma_semaphore, #tpu.memory_space<semaphore_mem>>)
      %dma_start3A_35 = arith.constant 4 : i32
      %dma_start3A_36 = tpu.memref_slice %arg4[%dma_start3A_35, %add3A_11] : memref<8x2048xi32, #tpu.memory_space<hbm>> -> memref<1x8xi32, #tpu.memory_space<hbm>>
      %dma_start3A_37 = tpu.memref_squeeze %dma_start3A_36 : memref<1x8xi32, #tpu.memory_space<hbm>> -> memref<8xi32, #tpu.memory_space<hbm>>
      %dma_start3A_38 = tpu.memref_slice %arg4[%dma_start3A_35, %add3A_11] : memref<8x2048xi32, #tpu.memory_space<hbm>> -> memref<1x8xi32, #tpu.memory_space<hbm>>
      %dma_start3A_39 = tpu.memref_squeeze %dma_start3A_38 : memref<1x8xi32, #tpu.memory_space<hbm>> -> memref<8xi32, #tpu.memory_space<hbm>>
      tpu.enqueue_dma source(%dma_start3A_39 : memref<8xi32, #tpu.memory_space<hbm>>) target(%arg13 : memref<8xi32, #tpu.memory_space<vmem>>) target_semaphore(%arg17 : memref<!tpu.dma_semaphore, #tpu.memory_space<semaphore_mem>>)
      %dma_start3A_40 = arith.constant 5 : i32
      %dma_start3A_41 = tpu.memref_slice %arg4[%dma_start3A_40, %add3A_11] : memref<8x2048xi32, #tpu.memory_space<hbm>> -> memref<1x8xi32, #tpu.memory_space<hbm>>
      %dma_start3A_42 = tpu.memref_squeeze %dma_start3A_41 : memref<1x8xi32, #tpu.memory_space<hbm>> -> memref<8xi32, #tpu.memory_space<hbm>>
      %dma_start3A_43 = tpu.memref_slice %arg4[%dma_start3A_40, %add3A_11] : memref<8x2048xi32, #tpu.memory_space<hbm>> -> memref<1x8xi32, #tpu.memory_space<hbm>>
      %dma_start3A_44 = tpu.memref_squeeze %dma_start3A_43 : memref<1x8xi32, #tpu.memory_space<hbm>> -> memref<8xi32, #tpu.memory_space<hbm>>
      tpu.enqueue_dma source(%dma_start3A_44 : memref<8xi32, #tpu.memory_space<hbm>>) target(%arg14 : memref<8xi32, #tpu.memory_space<vmem>>) target_semaphore(%arg17 : memref<!tpu.dma_semaphore, #tpu.memory_space<semaphore_mem>>)
      %dma_start3A_45 = arith.constant 6 : i32
      %dma_start3A_46 = tpu.memref_slice %arg4[%dma_start3A_45, %add3A_11] : memref<8x2048xi32, #tpu.memory_space<hbm>> -> memref<1x8xi32, #tpu.memory_space<hbm>>
      %dma_start3A_47 = tpu.memref_squeeze %dma_start3A_46 : memref<1x8xi32, #tpu.memory_space<hbm>> -> memref<8xi32, #tpu.memory_space<hbm>>
      %dma_start3A_48 = tpu.memref_slice %arg4[%dma_start3A_45, %add3A_11] : memref<8x2048xi32, #tpu.memory_space<hbm>> -> memref<1x8xi32, #tpu.memory_space<hbm>>
      %dma_start3A_49 = tpu.memref_squeeze %dma_start3A_48 : memref<1x8xi32, #tpu.memory_space<hbm>> -> memref<8xi32, #tpu.memory_space<hbm>>
      tpu.enqueue_dma source(%dma_start3A_49 : memref<8xi32, #tpu.memory_space<hbm>>) target(%arg15 : memref<8xi32, #tpu.memory_space<vmem>>) target_semaphore(%arg17 : memref<!tpu.dma_semaphore, #tpu.memory_space<semaphore_mem>>)
      %dma_start3A_50 = arith.constant 7 : i32
      %dma_start3A_51 = tpu.memref_slice %arg4[%dma_start3A_50, %add3A_11] : memref<8x2048xi32, #tpu.memory_space<hbm>> -> memref<1x8xi32, #tpu.memory_space<hbm>>
      %dma_start3A_52 = tpu.memref_squeeze %dma_start3A_51 : memref<1x8xi32, #tpu.memory_space<hbm>> -> memref<8xi32, #tpu.memory_space<hbm>>
      %dma_start3A_53 = tpu.memref_slice %arg4[%dma_start3A_50, %add3A_11] : memref<8x2048xi32, #tpu.memory_space<hbm>> -> memref<1x8xi32, #tpu.memory_space<hbm>>
      %dma_start3A_54 = tpu.memref_squeeze %dma_start3A_53 : memref<1x8xi32, #tpu.memory_space<hbm>> -> memref<8xi32, #tpu.memory_space<hbm>>
      tpu.enqueue_dma source(%dma_start3A_54 : memref<8xi32, #tpu.memory_space<hbm>>) target(%arg16 : memref<8xi32, #tpu.memory_space<vmem>>) target_semaphore(%arg17 : memref<!tpu.dma_semaphore, #tpu.memory_space<semaphore_mem>>)
      %dma_wait3A = tpu.memref_slice %arg2[%mul3A_13] : memref<2097152xf32, #tpu.memory_space<hbm>> -> memref<8192xf32, #tpu.memory_space<hbm>>
      %dma_wait3A_55 = tpu.memref_slice %arg2[%mul3A_13] : memref<2097152xf32, #tpu.memory_space<hbm>> -> memref<8192xf32, #tpu.memory_space<hbm>>
      tpu.wait_dma2 semaphore(%arg17 : memref<!tpu.dma_semaphore, #tpu.memory_space<semaphore_mem>>) src(%dma_wait3A_55 : memref<8192xf32, #tpu.memory_space<hbm>>) dst(%arg7 : memref<8192xf32, #tpu.memory_space<vmem>>)
      %dma_wait3A_56 = arith.constant 0 : i32
      %dma_wait3A_57 = tpu.memref_slice %arg4[%dma_wait3A_56, %add3A_11] : memref<8x2048xi32, #tpu.memory_space<hbm>> -> memref<1x8xi32, #tpu.memory_space<hbm>>
      %dma_wait3A_58 = tpu.memref_squeeze %dma_wait3A_57 : memref<1x8xi32, #tpu.memory_space<hbm>> -> memref<8xi32, #tpu.memory_space<hbm>>
      %dma_wait3A_59 = tpu.memref_slice %arg4[%dma_wait3A_56, %add3A_11] : memref<8x2048xi32, #tpu.memory_space<hbm>> -> memref<1x8xi32, #tpu.memory_space<hbm>>
      %dma_wait3A_60 = tpu.memref_squeeze %dma_wait3A_59 : memref<1x8xi32, #tpu.memory_space<hbm>> -> memref<8xi32, #tpu.memory_space<hbm>>
      tpu.wait_dma2 semaphore(%arg17 : memref<!tpu.dma_semaphore, #tpu.memory_space<semaphore_mem>>) src(%dma_wait3A_60 : memref<8xi32, #tpu.memory_space<hbm>>) dst(%arg9 : memref<8xi32, #tpu.memory_space<vmem>>)
      %dma_wait3A_61 = arith.constant 1 : i32
      %dma_wait3A_62 = tpu.memref_slice %arg4[%dma_wait3A_61, %add3A_11] : memref<8x2048xi32, #tpu.memory_space<hbm>> -> memref<1x8xi32, #tpu.memory_space<hbm>>
      %dma_wait3A_63 = tpu.memref_squeeze %dma_wait3A_62 : memref<1x8xi32, #tpu.memory_space<hbm>> -> memref<8xi32, #tpu.memory_space<hbm>>
      %dma_wait3A_64 = tpu.memref_slice %arg4[%dma_wait3A_61, %add3A_11] : memref<8x2048xi32, #tpu.memory_space<hbm>> -> memref<1x8xi32, #tpu.memory_space<hbm>>
      %dma_wait3A_65 = tpu.memref_squeeze %dma_wait3A_64 : memref<1x8xi32, #tpu.memory_space<hbm>> -> memref<8xi32, #tpu.memory_space<hbm>>
      tpu.wait_dma2 semaphore(%arg17 : memref<!tpu.dma_semaphore, #tpu.memory_space<semaphore_mem>>) src(%dma_wait3A_65 : memref<8xi32, #tpu.memory_space<hbm>>) dst(%arg10 : memref<8xi32, #tpu.memory_space<vmem>>)
      %dma_wait3A_66 = arith.constant 2 : i32
      %dma_wait3A_67 = tpu.memref_slice %arg4[%dma_wait3A_66, %add3A_11] : memref<8x2048xi32, #tpu.memory_space<hbm>> -> memref<1x8xi32, #tpu.memory_space<hbm>>
      %dma_wait3A_68 = tpu.memref_squeeze %dma_wait3A_67 : memref<1x8xi32, #tpu.memory_space<hbm>> -> memref<8xi32, #tpu.memory_space<hbm>>
      %dma_wait3A_69 = tpu.memref_slice %arg4[%dma_wait3A_66, %add3A_11] : memref<8x2048xi32, #tpu.memory_space<hbm>> -> memref<1x8xi32, #tpu.memory_space<hbm>>
      %dma_wait3A_70 = tpu.memref_squeeze %dma_wait3A_69 : memref<1x8xi32, #tpu.memory_space<hbm>> -> memref<8xi32, #tpu.memory_space<hbm>>
      tpu.wait_dma2 semaphore(%arg17 : memref<!tpu.dma_semaphore, #tpu.memory_space<semaphore_mem>>) src(%dma_wait3A_70 : memref<8xi32, #tpu.memory_space<hbm>>) dst(%arg11 : memref<8xi32, #tpu.memory_space<vmem>>)
      %dma_wait3A_71 = arith.constant 3 : i32
      %dma_wait3A_72 = tpu.memref_slice %arg4[%dma_wait3A_71, %add3A_11] : memref<8x2048xi32, #tpu.memory_space<hbm>> -> memref<1x8xi32, #tpu.memory_space<hbm>>
      %dma_wait3A_73 = tpu.memref_squeeze %dma_wait3A_72 : memref<1x8xi32, #tpu.memory_space<hbm>> -> memref<8xi32, #tpu.memory_space<hbm>>
      %dma_wait3A_74 = tpu.memref_slice %arg4[%dma_wait3A_71, %add3A_11] : memref<8x2048xi32, #tpu.memory_space<hbm>> -> memref<1x8xi32, #tpu.memory_space<hbm>>
      %dma_wait3A_75 = tpu.memref_squeeze %dma_wait3A_74 : memref<1x8xi32, #tpu.memory_space<hbm>> -> memref<8xi32, #tpu.memory_space<hbm>>
      tpu.wait_dma2 semaphore(%arg17 : memref<!tpu.dma_semaphore, #tpu.memory_space<semaphore_mem>>) src(%dma_wait3A_75 : memref<8xi32, #tpu.memory_space<hbm>>) dst(%arg12 : memref<8xi32, #tpu.memory_space<vmem>>)
      %dma_wait3A_76 = arith.constant 4 : i32
      %dma_wait3A_77 = tpu.memref_slice %arg4[%dma_wait3A_76, %add3A_11] : memref<8x2048xi32, #tpu.memory_space<hbm>> -> memref<1x8xi32, #tpu.memory_space<hbm>>
      %dma_wait3A_78 = tpu.memref_squeeze %dma_wait3A_77 : memref<1x8xi32, #tpu.memory_space<hbm>> -> memref<8xi32, #tpu.memory_space<hbm>>
      %dma_wait3A_79 = tpu.memref_slice %arg4[%dma_wait3A_76, %add3A_11] : memref<8x2048xi32, #tpu.memory_space<hbm>> -> memref<1x8xi32, #tpu.memory_space<hbm>>
      %dma_wait3A_80 = tpu.memref_squeeze %dma_wait3A_79 : memref<1x8xi32, #tpu.memory_space<hbm>> -> memref<8xi32, #tpu.memory_space<hbm>>
      tpu.wait_dma2 semaphore(%arg17 : memref<!tpu.dma_semaphore, #tpu.memory_space<semaphore_mem>>) src(%dma_wait3A_80 : memref<8xi32, #tpu.memory_space<hbm>>) dst(%arg13 : memref<8xi32, #tpu.memory_space<vmem>>)
      %dma_wait3A_81 = arith.constant 5 : i32
      %dma_wait3A_82 = tpu.memref_slice %arg4[%dma_wait3A_81, %add3A_11] : memref<8x2048xi32, #tpu.memory_space<hbm>> -> memref<1x8xi32, #tpu.memory_space<hbm>>
      %dma_wait3A_83 = tpu.memref_squeeze %dma_wait3A_82 : memref<1x8xi32, #tpu.memory_space<hbm>> -> memref<8xi32, #tpu.memory_space<hbm>>
      %dma_wait3A_84 = tpu.memref_slice %arg4[%dma_wait3A_81, %add3A_11] : memref<8x2048xi32, #tpu.memory_space<hbm>> -> memref<1x8xi32, #tpu.memory_space<hbm>>
      %dma_wait3A_85 = tpu.memref_squeeze %dma_wait3A_84 : memref<1x8xi32, #tpu.memory_space<hbm>> -> memref<8xi32, #tpu.memory_space<hbm>>
      tpu.wait_dma2 semaphore(%arg17 : memref<!tpu.dma_semaphore, #tpu.memory_space<semaphore_mem>>) src(%dma_wait3A_85 : memref<8xi32, #tpu.memory_space<hbm>>) dst(%arg14 : memref<8xi32, #tpu.memory_space<vmem>>)
      %dma_wait3A_86 = arith.constant 6 : i32
      %dma_wait3A_87 = tpu.memref_slice %arg4[%dma_wait3A_86, %add3A_11] : memref<8x2048xi32, #tpu.memory_space<hbm>> -> memref<1x8xi32, #tpu.memory_space<hbm>>
      %dma_wait3A_88 = tpu.memref_squeeze %dma_wait3A_87 : memref<1x8xi32, #tpu.memory_space<hbm>> -> memref<8xi32, #tpu.memory_space<hbm>>
      %dma_wait3A_89 = tpu.memref_slice %arg4[%dma_wait3A_86, %add3A_11] : memref<8x2048xi32, #tpu.memory_space<hbm>> -> memref<1x8xi32, #tpu.memory_space<hbm>>
      %dma_wait3A_90 = tpu.memref_squeeze %dma_wait3A_89 : memref<1x8xi32, #tpu.memory_space<hbm>> -> memref<8xi32, #tpu.memory_space<hbm>>
      tpu.wait_dma2 semaphore(%arg17 : memref<!tpu.dma_semaphore, #tpu.memory_space<semaphore_mem>>) src(%dma_wait3A_90 : memref<8xi32, #tpu.memory_space<hbm>>) dst(%arg15 : memref<8xi32, #tpu.memory_space<vmem>>)
      %dma_wait3A_91 = arith.constant 7 : i32
      %dma_wait3A_92 = tpu.memref_slice %arg4[%dma_wait3A_91, %add3A_11] : memref<8x2048xi32, #tpu.memory_space<hbm>> -> memref<1x8xi32, #tpu.memory_space<hbm>>
      %dma_wait3A_93 = tpu.memref_squeeze %dma_wait3A_92 : memref<1x8xi32, #tpu.memory_space<hbm>> -> memref<8xi32, #tpu.memory_space<hbm>>
      %dma_wait3A_94 = tpu.memref_slice %arg4[%dma_wait3A_91, %add3A_11] : memref<8x2048xi32, #tpu.memory_space<hbm>> -> memref<1x8xi32, #tpu.memory_space<hbm>>
      %dma_wait3A_95 = tpu.memref_squeeze %dma_wait3A_94 : memref<1x8xi32, #tpu.memory_space<hbm>> -> memref<8xi32, #tpu.memory_space<hbm>>
      tpu.wait_dma2 semaphore(%arg17 : memref<!tpu.dma_semaphore, #tpu.memory_space<semaphore_mem>>) src(%dma_wait3A_95 : memref<8xi32, #tpu.memory_space<hbm>>) dst(%arg16 : memref<8xi32, #tpu.memory_space<vmem>>)
      %dma_start3A_96 = arith.constant 0 : i32
      %dma_start3A_97 = arith.constant 0 : i32
      %dma_start3A_98 = tpu.memref_slice %arg6[%dma_start3A_96, %dma_start3A_97] : memref<64x1024xf32, #tpu.memory_space<vmem>> -> memref<8x1024xf32, #tpu.memory_space<vmem>>
      %dma_start3A_99 = arith.constant 0 : i32
      %dma_start3A_100 = arith.constant 0 : i32
      %dma_start3A_101 = tpu.memref_slice %arg3[%dma_start3A_99, %dma_start3A_100] : memref<33280x1024xf32, #tpu.memory_space<hbm>> -> memref<33280x1024xf32, #tpu.memory_space<hbm>>
      tpu.enqueue_indirect_dma source(%dma_start3A_101 : memref<33280x1024xf32, #tpu.memory_space<hbm>>) target(%dma_start3A_98 : memref<8x1024xf32, #tpu.memory_space<vmem>>) offsets(%arg9 : memref<8xi32, #tpu.memory_space<vmem>>) semaphore(%arg17 : memref<!tpu.dma_semaphore, #tpu.memory_space<semaphore_mem>>)
      %dma_start3A_102 = arith.constant 8 : i32
      %dma_start3A_103 = arith.constant 0 : i32
      %dma_start3A_104 = tpu.memref_slice %arg6[%dma_start3A_102, %dma_start3A_103] : memref<64x1024xf32, #tpu.memory_space<vmem>> -> memref<8x1024xf32, #tpu.memory_space<vmem>>
      %dma_start3A_105 = arith.constant 0 : i32
      %dma_start3A_106 = arith.constant 0 : i32
      %dma_start3A_107 = tpu.memref_slice %arg3[%dma_start3A_105, %dma_start3A_106] : memref<33280x1024xf32, #tpu.memory_space<hbm>> -> memref<33280x1024xf32, #tpu.memory_space<hbm>>
      tpu.enqueue_indirect_dma source(%dma_start3A_107 : memref<33280x1024xf32, #tpu.memory_space<hbm>>) target(%dma_start3A_104 : memref<8x1024xf32, #tpu.memory_space<vmem>>) offsets(%arg10 : memref<8xi32, #tpu.memory_space<vmem>>) semaphore(%arg17 : memref<!tpu.dma_semaphore, #tpu.memory_space<semaphore_mem>>)
      %dma_start3A_108 = arith.constant 16 : i32
      %dma_start3A_109 = arith.constant 0 : i32
      %dma_start3A_110 = tpu.memref_slice %arg6[%dma_start3A_108, %dma_start3A_109] : memref<64x1024xf32, #tpu.memory_space<vmem>> -> memref<8x1024xf32, #tpu.memory_space<vmem>>
      %dma_start3A_111 = arith.constant 0 : i32
      %dma_start3A_112 = arith.constant 0 : i32
      %dma_start3A_113 = tpu.memref_slice %arg3[%dma_start3A_111, %dma_start3A_112] : memref<33280x1024xf32, #tpu.memory_space<hbm>> -> memref<33280x1024xf32, #tpu.memory_space<hbm>>
      tpu.enqueue_indirect_dma source(%dma_start3A_113 : memref<33280x1024xf32, #tpu.memory_space<hbm>>) target(%dma_start3A_110 : memref<8x1024xf32, #tpu.memory_space<vmem>>) offsets(%arg11 : memref<8xi32, #tpu.memory_space<vmem>>) semaphore(%arg17 : memref<!tpu.dma_semaphore, #tpu.memory_space<semaphore_mem>>)
      %dma_start3A_114 = arith.constant 24 : i32
      %dma_start3A_115 = arith.constant 0 : i32
      %dma_start3A_116 = tpu.memref_slice %arg6[%dma_start3A_114, %dma_start3A_115] : memref<64x1024xf32, #tpu.memory_space<vmem>> -> memref<8x1024xf32, #tpu.memory_space<vmem>>
      %dma_start3A_117 = arith.constant 0 : i32
      %dma_start3A_118 = arith.constant 0 : i32
      %dma_start3A_119 = tpu.memref_slice %arg3[%dma_start3A_117, %dma_start3A_118] : memref<33280x1024xf32, #tpu.memory_space<hbm>> -> memref<33280x1024xf32, #tpu.memory_space<hbm>>
      tpu.enqueue_indirect_dma source(%dma_start3A_119 : memref<33280x1024xf32, #tpu.memory_space<hbm>>) target(%dma_start3A_116 : memref<8x1024xf32, #tpu.memory_space<vmem>>) offsets(%arg12 : memref<8xi32, #tpu.memory_space<vmem>>) semaphore(%arg17 : memref<!tpu.dma_semaphore, #tpu.memory_space<semaphore_mem>>)
      %dma_start3A_120 = arith.constant 32 : i32
      %dma_start3A_121 = arith.constant 0 : i32
      %dma_start3A_122 = tpu.memref_slice %arg6[%dma_start3A_120, %dma_start3A_121] : memref<64x1024xf32, #tpu.memory_space<vmem>> -> memref<8x1024xf32, #tpu.memory_space<vmem>>
      %dma_start3A_123 = arith.constant 0 : i32
      %dma_start3A_124 = arith.constant 0 : i32
      %dma_start3A_125 = tpu.memref_slice %arg3[%dma_start3A_123, %dma_start3A_124] : memref<33280x1024xf32, #tpu.memory_space<hbm>> -> memref<33280x1024xf32, #tpu.memory_space<hbm>>
      tpu.enqueue_indirect_dma source(%dma_start3A_125 : memref<33280x1024xf32, #tpu.memory_space<hbm>>) target(%dma_start3A_122 : memref<8x1024xf32, #tpu.memory_space<vmem>>) offsets(%arg13 : memref<8xi32, #tpu.memory_space<vmem>>) semaphore(%arg17 : memref<!tpu.dma_semaphore, #tpu.memory_space<semaphore_mem>>)
      %dma_start3A_126 = arith.constant 40 : i32
      %dma_start3A_127 = arith.constant 0 : i32
      %dma_start3A_128 = tpu.memref_slice %arg6[%dma_start3A_126, %dma_start3A_127] : memref<64x1024xf32, #tpu.memory_space<vmem>> -> memref<8x1024xf32, #tpu.memory_space<vmem>>
      %dma_start3A_129 = arith.constant 0 : i32
      %dma_start3A_130 = arith.constant 0 : i32
      %dma_start3A_131 = tpu.memref_slice %arg3[%dma_start3A_129, %dma_start3A_130] : memref<33280x1024xf32, #tpu.memory_space<hbm>> -> memref<33280x1024xf32, #tpu.memory_space<hbm>>
      tpu.enqueue_indirect_dma source(%dma_start3A_131 : memref<33280x1024xf32, #tpu.memory_space<hbm>>) target(%dma_start3A_128 : memref<8x1024xf32, #tpu.memory_space<vmem>>) offsets(%arg14 : memref<8xi32, #tpu.memory_space<vmem>>) semaphore(%arg17 : memref<!tpu.dma_semaphore, #tpu.memory_space<semaphore_mem>>)
      %dma_start3A_132 = arith.constant 48 : i32
      %dma_start3A_133 = arith.constant 0 : i32
      %dma_start3A_134 = tpu.memref_slice %arg6[%dma_start3A_132, %dma_start3A_133] : memref<64x1024xf32, #tpu.memory_space<vmem>> -> memref<8x1024xf32, #tpu.memory_space<vmem>>
      %dma_start3A_135 = arith.constant 0 : i32
      %dma_start3A_136 = arith.constant 0 : i32
      %dma_start3A_137 = tpu.memref_slice %arg3[%dma_start3A_135, %dma_start3A_136] : memref<33280x1024xf32, #tpu.memory_space<hbm>> -> memref<33280x1024xf32, #tpu.memory_space<hbm>>
      tpu.enqueue_indirect_dma source(%dma_start3A_137 : memref<33280x1024xf32, #tpu.memory_space<hbm>>) target(%dma_start3A_134 : memref<8x1024xf32, #tpu.memory_space<vmem>>) offsets(%arg15 : memref<8xi32, #tpu.memory_space<vmem>>) semaphore(%arg17 : memref<!tpu.dma_semaphore, #tpu.memory_space<semaphore_mem>>)
      %dma_start3A_138 = arith.constant 56 : i32
      %dma_start3A_139 = arith.constant 0 : i32
      %dma_start3A_140 = tpu.memref_slice %arg6[%dma_start3A_138, %dma_start3A_139] : memref<64x1024xf32, #tpu.memory_space<vmem>> -> memref<8x1024xf32, #tpu.memory_space<vmem>>
      %dma_start3A_141 = arith.constant 0 : i32
      %dma_start3A_142 = arith.constant 0 : i32
      %dma_start3A_143 = tpu.memref_slice %arg3[%dma_start3A_141, %dma_start3A_142] : memref<33280x1024xf32, #tpu.memory_space<hbm>> -> memref<33280x1024xf32, #tpu.memory_space<hbm>>
      tpu.enqueue_indirect_dma source(%dma_start3A_143 : memref<33280x1024xf32, #tpu.memory_space<hbm>>) target(%dma_start3A_140 : memref<8x1024xf32, #tpu.memory_space<vmem>>) offsets(%arg16 : memref<8xi32, #tpu.memory_space<vmem>>) semaphore(%arg17 : memref<!tpu.dma_semaphore, #tpu.memory_space<semaphore_mem>>)
      %dma_wait3A_144 = arith.constant 0 : i32
      %dma_wait3A_145 = arith.constant 0 : i32
      %dma_wait3A_146 = tpu.memref_slice %arg6[%dma_wait3A_144, %dma_wait3A_145] : memref<64x1024xf32, #tpu.memory_space<vmem>> -> memref<8x1024xf32, #tpu.memory_space<vmem>>
      %dma_wait3A_147 = arith.constant 0 : i32
      %dma_wait3A_148 = arith.constant 0 : i32
      %dma_wait3A_149 = tpu.memref_slice %arg3[%dma_wait3A_147, %dma_wait3A_148] : memref<33280x1024xf32, #tpu.memory_space<hbm>> -> memref<33280x1024xf32, #tpu.memory_space<hbm>>
      tpu.wait_indirect_dma semaphore(%arg17 : memref<!tpu.dma_semaphore, #tpu.memory_space<semaphore_mem>>) src(%dma_wait3A_149 : memref<33280x1024xf32, #tpu.memory_space<hbm>>) dst(%dma_wait3A_146 : memref<8x1024xf32, #tpu.memory_space<vmem>>)
      %dma_wait3A_150 = arith.constant 8 : i32
      %dma_wait3A_151 = arith.constant 0 : i32
      %dma_wait3A_152 = tpu.memref_slice %arg6[%dma_wait3A_150, %dma_wait3A_151] : memref<64x1024xf32, #tpu.memory_space<vmem>> -> memref<8x1024xf32, #tpu.memory_space<vmem>>
      %dma_wait3A_153 = arith.constant 0 : i32
      %dma_wait3A_154 = arith.constant 0 : i32
      %dma_wait3A_155 = tpu.memref_slice %arg3[%dma_wait3A_153, %dma_wait3A_154] : memref<33280x1024xf32, #tpu.memory_space<hbm>> -> memref<33280x1024xf32, #tpu.memory_space<hbm>>
      tpu.wait_indirect_dma semaphore(%arg17 : memref<!tpu.dma_semaphore, #tpu.memory_space<semaphore_mem>>) src(%dma_wait3A_155 : memref<33280x1024xf32, #tpu.memory_space<hbm>>) dst(%dma_wait3A_152 : memref<8x1024xf32, #tpu.memory_space<vmem>>)
      %dma_wait3A_156 = arith.constant 16 : i32
      %dma_wait3A_157 = arith.constant 0 : i32
      %dma_wait3A_158 = tpu.memref_slice %arg6[%dma_wait3A_156, %dma_wait3A_157] : memref<64x1024xf32, #tpu.memory_space<vmem>> -> memref<8x1024xf32, #tpu.memory_space<vmem>>
      %dma_wait3A_159 = arith.constant 0 : i32
      %dma_wait3A_160 = arith.constant 0 : i32
      %dma_wait3A_161 = tpu.memref_slice %arg3[%dma_wait3A_159, %dma_wait3A_160] : memref<33280x1024xf32, #tpu.memory_space<hbm>> -> memref<33280x1024xf32, #tpu.memory_space<hbm>>
      tpu.wait_indirect_dma semaphore(%arg17 : memref<!tpu.dma_semaphore, #tpu.memory_space<semaphore_mem>>) src(%dma_wait3A_161 : memref<33280x1024xf32, #tpu.memory_space<hbm>>) dst(%dma_wait3A_158 : memref<8x1024xf32, #tpu.memory_space<vmem>>)
      %dma_wait3A_162 = arith.constant 24 : i32
      %dma_wait3A_163 = arith.constant 0 : i32
      %dma_wait3A_164 = tpu.memref_slice %arg6[%dma_wait3A_162, %dma_wait3A_163] : memref<64x1024xf32, #tpu.memory_space<vmem>> -> memref<8x1024xf32, #tpu.memory_space<vmem>>
      %dma_wait3A_165 = arith.constant 0 : i32
      %dma_wait3A_166 = arith.constant 0 : i32
      %dma_wait3A_167 = tpu.memref_slice %arg3[%dma_wait3A_165, %dma_wait3A_166] : memref<33280x1024xf32, #tpu.memory_space<hbm>> -> memref<33280x1024xf32, #tpu.memory_space<hbm>>
      tpu.wait_indirect_dma semaphore(%arg17 : memref<!tpu.dma_semaphore, #tpu.memory_space<semaphore_mem>>) src(%dma_wait3A_167 : memref<33280x1024xf32, #tpu.memory_space<hbm>>) dst(%dma_wait3A_164 : memref<8x1024xf32, #tpu.memory_space<vmem>>)
      %dma_wait3A_168 = arith.constant 32 : i32
      %dma_wait3A_169 = arith.constant 0 : i32
      %dma_wait3A_170 = tpu.memref_slice %arg6[%dma_wait3A_168, %dma_wait3A_169] : memref<64x1024xf32, #tpu.memory_space<vmem>> -> memref<8x1024xf32, #tpu.memory_space<vmem>>
      %dma_wait3A_171 = arith.constant 0 : i32
      %dma_wait3A_172 = arith.constant 0 : i32
      %dma_wait3A_173 = tpu.memref_slice %arg3[%dma_wait3A_171, %dma_wait3A_172] : memref<33280x1024xf32, #tpu.memory_space<hbm>> -> memref<33280x1024xf32, #tpu.memory_space<hbm>>
      tpu.wait_indirect_dma semaphore(%arg17 : memref<!tpu.dma_semaphore, #tpu.memory_space<semaphore_mem>>) src(%dma_wait3A_173 : memref<33280x1024xf32, #tpu.memory_space<hbm>>) dst(%dma_wait3A_170 : memref<8x1024xf32, #tpu.memory_space<vmem>>)
      %dma_wait3A_174 = arith.constant 40 : i32
      %dma_wait3A_175 = arith.constant 0 : i32
      %dma_wait3A_176 = tpu.memref_slice %arg6[%dma_wait3A_174, %dma_wait3A_175] : memref<64x1024xf32, #tpu.memory_space<vmem>> -> memref<8x1024xf32, #tpu.memory_space<vmem>>
      %dma_wait3A_177 = arith.constant 0 : i32
      %dma_wait3A_178 = arith.constant 0 : i32
      %dma_wait3A_179 = tpu.memref_slice %arg3[%dma_wait3A_177, %dma_wait3A_178] : memref<33280x1024xf32, #tpu.memory_space<hbm>> -> memref<33280x1024xf32, #tpu.memory_space<hbm>>
      tpu.wait_indirect_dma semaphore(%arg17 : memref<!tpu.dma_semaphore, #tpu.memory_space<semaphore_mem>>) src(%dma_wait3A_179 : memref<33280x1024xf32, #tpu.memory_space<hbm>>) dst(%dma_wait3A_176 : memref<8x1024xf32, #tpu.memory_space<vmem>>)
      %dma_wait3A_180 = arith.constant 48 : i32
      %dma_wait3A_181 = arith.constant 0 : i32
      %dma_wait3A_182 = tpu.memref_slice %arg6[%dma_wait3A_180, %dma_wait3A_181] : memref<64x1024xf32, #tpu.memory_space<vmem>> -> memref<8x1024xf32, #tpu.memory_space<vmem>>
      %dma_wait3A_183 = arith.constant 0 : i32
      %dma_wait3A_184 = arith.constant 0 : i32
      %dma_wait3A_185 = tpu.memref_slice %arg3[%dma_wait3A_183, %dma_wait3A_184] : memref<33280x1024xf32, #tpu.memory_space<hbm>> -> memref<33280x1024xf32, #tpu.memory_space<hbm>>
      tpu.wait_indirect_dma semaphore(%arg17 : memref<!tpu.dma_semaphore, #tpu.memory_space<semaphore_mem>>) src(%dma_wait3A_185 : memref<33280x1024xf32, #tpu.memory_space<hbm>>) dst(%dma_wait3A_182 : memref<8x1024xf32, #tpu.memory_space<vmem>>)
      %dma_wait3A_186 = arith.constant 56 : i32
      %dma_wait3A_187 = arith.constant 0 : i32
      %dma_wait3A_188 = tpu.memref_slice %arg6[%dma_wait3A_186, %dma_wait3A_187] : memref<64x1024xf32, #tpu.memory_space<vmem>> -> memref<8x1024xf32, #tpu.memory_space<vmem>>
      %dma_wait3A_189 = arith.constant 0 : i32
      %dma_wait3A_190 = arith.constant 0 : i32
      %dma_wait3A_191 = tpu.memref_slice %arg3[%dma_wait3A_189, %dma_wait3A_190] : memref<33280x1024xf32, #tpu.memory_space<hbm>> -> memref<33280x1024xf32, #tpu.memory_space<hbm>>
      tpu.wait_indirect_dma semaphore(%arg17 : memref<!tpu.dma_semaphore, #tpu.memory_space<semaphore_mem>>) src(%dma_wait3A_191 : memref<33280x1024xf32, #tpu.memory_space<hbm>>) dst(%dma_wait3A_188 : memref<8x1024xf32, #tpu.memory_space<vmem>>)
      %scan3A_192 = arith.constant 0 : i32
      %scan3A_193 = arith.constant 0 : i32
      %scan3A_194 = arith.constant 64 : i32
      %scan3A_195 = arith.addi %scan3A_193, %scan3A_194 : i32
      %scan3A_196 = arith.constant 1 : i32
      scf.for %scan3A_242 = %scan3A_193 to %scan3A_195 step %scan3A_196  : i32 {
        %mul3A_243 = arith.constant 16 : i32
        %mul3A_244 = arith.muli %scan3A_242, %mul3A_243 : i32
        %mul3A_245 = arith.constant 16 : i32
        %mul3A_246 = arith.muli %scan3A_242, %mul3A_245 : i32
        %add3A_247 = arith.constant 0 : i32
        %add3A_248 = arith.addi %add3A_247, %mul3A_246 : i32
        %get3A = arith.index_cast %add3A_248 : i32 to index
        %get3A_249 = tpu.vector_load %arg7[%get3A] {strides = array<i32>} : memref<8192xf32, #tpu.memory_space<vmem>>, vector<16xf32>,
        %get3A_250 = vector.shape_cast %get3A_249 : vector<16xf32> to vector<16xf32>
        %get3A_251 = arith.constant 0 : i32
        %get3A_252 = arith.index_cast %get3A_251 : i32 to index
        %get3A_253 = arith.index_cast %mul3A_244 : i32 to index
        %get3A_254 = tpu.vector_load %arg6[%get3A_252, %get3A_253] {strides = array<i32>} : memref<64x1024xf32, #tpu.memory_space<vmem>>, vector<1x16xf32>,
        %get3A_255 = vector.shape_cast %get3A_254 : vector<1x16xf32> to vector<16xf32>
        %add3A_256 = arith.addf %get3A_250, %get3A_255 : vector<16xf32>
        %get3A_257 = arith.constant 8 : i32
        %get3A_258 = arith.index_cast %get3A_257 : i32 to index
        %get3A_259 = arith.index_cast %mul3A_244 : i32 to index
        %get3A_260 = tpu.vector_load %arg6[%get3A_258, %get3A_259] {strides = array<i32>} : memref<64x1024xf32, #tpu.memory_space<vmem>>, vector<1x16xf32>,
        %get3A_261 = vector.shape_cast %get3A_260 : vector<1x16xf32> to vector<16xf32>
        %add3A_262 = arith.addf %add3A_256, %get3A_261 : vector<16xf32>
        %get3A_263 = arith.constant 16 : i32
        %get3A_264 = arith.index_cast %get3A_263 : i32 to index
        %get3A_265 = arith.index_cast %mul3A_244 : i32 to index
        %get3A_266 = tpu.vector_load %arg6[%get3A_264, %get3A_265] {strides = array<i32>} : memref<64x1024xf32, #tpu.memory_space<vmem>>, vector<1x16xf32>,
        %get3A_267 = vector.shape_cast %get3A_266 : vector<1x16xf32> to vector<16xf32>
        %add3A_268 = arith.addf %add3A_262, %get3A_267 : vector<16xf32>
        %get3A_269 = arith.constant 24 : i32
        %get3A_270 = arith.index_cast %get3A_269 : i32 to index
        %get3A_271 = arith.index_cast %mul3A_244 : i32 to index
        %get3A_272 = tpu.vector_load %arg6[%get3A_270, %get3A_271] {strides = array<i32>} : memref<64x1024xf32, #tpu.memory_space<vmem>>, vector<1x16xf32>,
        %get3A_273 = vector.shape_cast %get3A_272 : vector<1x16xf32> to vector<16xf32>
        %add3A_274 = arith.addf %add3A_268, %get3A_273 : vector<16xf32>
        %get3A_275 = arith.constant 32 : i32
        %get3A_276 = arith.index_cast %get3A_275 : i32 to index
        %get3A_277 = arith.index_cast %mul3A_244 : i32 to index
        %get3A_278 = tpu.vector_load %arg6[%get3A_276, %get3A_277] {strides = array<i32>} : memref<64x1024xf32, #tpu.memory_space<vmem>>, vector<1x16xf32>,
        %get3A_279 = vector.shape_cast %get3A_278 : vector<1x16xf32> to vector<16xf32>
        %add3A_280 = arith.addf %add3A_274, %get3A_279 : vector<16xf32>
        %get3A_281 = arith.constant 40 : i32
        %get3A_282 = arith.index_cast %get3A_281 : i32 to index
        %get3A_283 = arith.index_cast %mul3A_244 : i32 to index
        %get3A_284 = tpu.vector_load %arg6[%get3A_282, %get3A_283] {strides = array<i32>} : memref<64x1024xf32, #tpu.memory_space<vmem>>, vector<1x16xf32>,
        %get3A_285 = vector.shape_cast %get3A_284 : vector<1x16xf32> to vector<16xf32>
        %add3A_286 = arith.addf %add3A_280, %get3A_285 : vector<16xf32>
        %get3A_287 = arith.constant 48 : i32
        %get3A_288 = arith.index_cast %get3A_287 : i32 to index
        %get3A_289 = arith.index_cast %mul3A_244 : i32 to index
        %get3A_290 = tpu.vector_load %arg6[%get3A_288, %get3A_289] {strides = array<i32>} : memref<64x1024xf32, #tpu.memory_space<vmem>>, vector<1x16xf32>,
        %get3A_291 = vector.shape_cast %get3A_290 : vector<1x16xf32> to vector<16xf32>
        %add3A_292 = arith.addf %add3A_286, %get3A_291 : vector<16xf32>
        %get3A_293 = arith.constant 56 : i32
        %get3A_294 = arith.index_cast %get3A_293 : i32 to index
        %get3A_295 = arith.index_cast %mul3A_244 : i32 to index
        %get3A_296 = tpu.vector_load %arg6[%get3A_294, %get3A_295] {strides = array<i32>} : memref<64x1024xf32, #tpu.memory_space<vmem>>, vector<1x16xf32>,
        %get3A_297 = vector.shape_cast %get3A_296 : vector<1x16xf32> to vector<16xf32>
        %add3A_298 = arith.addf %add3A_292, %get3A_297 : vector<16xf32>
        %mul3A_299 = arith.constant 16 : i32
        %mul3A_300 = arith.muli %scan3A_242, %mul3A_299 : i32
        %add3A_301 = arith.constant 0 : i32
        %add3A_302 = arith.addi %add3A_301, %mul3A_300 : i32
        %swap3A = arith.index_cast %add3A_302 : i32 to index
        %swap3A_303 = tpu.vector_load %arg8[%swap3A] {strides = array<i32>} : memref<8192xf32, #tpu.memory_space<vmem>>, vector<16xf32>,
        %swap3A_304 = vector.shape_cast %swap3A_303 : vector<16xf32> to vector<16xf32>
        %swap3A_305 = vector.shape_cast %add3A_298 : vector<16xf32> to vector<16xf32>
        tpu.vector_store %arg8[%swap3A], %swap3A_305 {strides = array<i32>} : memref<8192xf32, #tpu.memory_space<vmem>>, vector<16xf32>,
      }
      %scan3A_197 = arith.constant 64 : i32
      %scan3A_198 = arith.constant 0 : i32
      %scan3A_199 = arith.constant 0 : i32
      %scan3A_200 = arith.constant 64 : i32
      %scan3A_201 = arith.addi %scan3A_199, %scan3A_200 : i32
      %scan3A_202 = arith.constant 1 : i32
      scf.for %scan3A_242 = %scan3A_199 to %scan3A_201 step %scan3A_202  : i32 {
        %mul3A_243 = arith.constant 16 : i32
        %mul3A_244 = arith.muli %scan3A_242, %mul3A_243 : i32
        %mul3A_245 = arith.constant 16 : i32
        %mul3A_246 = arith.muli %scan3A_242, %mul3A_245 : i32
        %add3A_247 = arith.constant 1024 : i32
        %add3A_248 = arith.addi %add3A_247, %mul3A_246 : i32
        %get3A = arith.index_cast %add3A_248 : i32 to index
        %get3A_249 = tpu.vector_load %arg7[%get3A] {strides = array<i32>} : memref<8192xf32, #tpu.memory_space<vmem>>, vector<16xf32>,
        %get3A_250 = vector.shape_cast %get3A_249 : vector<16xf32> to vector<16xf32>
        %get3A_251 = arith.constant 1 : i32
        %get3A_252 = arith.index_cast %get3A_251 : i32 to index
        %get3A_253 = arith.index_cast %mul3A_244 : i32 to index
        %get3A_254 = tpu.vector_load %arg6[%get3A_252, %get3A_253] {strides = array<i32>} : memref<64x1024xf32, #tpu.memory_space<vmem>>, vector<1x16xf32>,
        %get3A_255 = vector.shape_cast %get3A_254 : vector<1x16xf32> to vector<16xf32>
        %add3A_256 = arith.addf %get3A_250, %get3A_255 : vector<16xf32>
        %get3A_257 = arith.constant 9 : i32
        %get3A_258 = arith.index_cast %get3A_257 : i32 to index
        %get3A_259 = arith.index_cast %mul3A_244 : i32 to index
        %get3A_260 = tpu.vector_load %arg6[%get3A_258, %get3A_259] {strides = array<i32>} : memref<64x1024xf32, #tpu.memory_space<vmem>>, vector<1x16xf32>,
        %get3A_261 = vector.shape_cast %get3A_260 : vector<1x16xf32> to vector<16xf32>
        %add3A_262 = arith.addf %add3A_256, %get3A_261 : vector<16xf32>
        %get3A_263 = arith.constant 17 : i32
        %get3A_264 = arith.index_cast %get3A_263 : i32 to index
        %get3A_265 = arith.index_cast %mul3A_244 : i32 to index
        %get3A_266 = tpu.vector_load %arg6[%get3A_264, %get3A_265] {strides = array<i32>} : memref<64x1024xf32, #tpu.memory_space<vmem>>, vector<1x16xf32>,
        %get3A_267 = vector.shape_cast %get3A_266 : vector<1x16xf32> to vector<16xf32>
        %add3A_268 = arith.addf %add3A_262, %get3A_267 : vector<16xf32>
        %get3A_269 = arith.constant 25 : i32
        %get3A_270 = arith.index_cast %get3A_269 : i32 to index
        %get3A_271 = arith.index_cast %mul3A_244 : i32 to index
        %get3A_272 = tpu.vector_load %arg6[%get3A_270, %get3A_271] {strides = array<i32>} : memref<64x1024xf32, #tpu.memory_space<vmem>>, vector<1x16xf32>,
        %get3A_273 = vector.shape_cast %get3A_272 : vector<1x16xf32> to vector<16xf32>
        %add3A_274 = arith.addf %add3A_268, %get3A_273 : vector<16xf32>
        %get3A_275 = arith.constant 33 : i32
        %get3A_276 = arith.index_cast %get3A_275 : i32 to index
        %get3A_277 = arith.index_cast %mul3A_244 : i32 to index
        %get3A_278 = tpu.vector_load %arg6[%get3A_276, %get3A_277] {strides = array<i32>} : memref<64x1024xf32, #tpu.memory_space<vmem>>, vector<1x16xf32>,
        %get3A_279 = vector.shape_cast %get3A_278 : vector<1x16xf32> to vector<16xf32>
        %add3A_280 = arith.addf %add3A_274, %get3A_279 : vector<16xf32>
        %get3A_281 = arith.constant 41 : i32
        %get3A_282 = arith.index_cast %get3A_281 : i32 to index
        %get3A_283 = arith.index_cast %mul3A_244 : i32 to index
        %get3A_284 = tpu.vector_load %arg6[%get3A_282, %get3A_283] {strides = array<i32>} : memref<64x1024xf32, #tpu.memory_space<vmem>>, vector<1x16xf32>,
        %get3A_285 = vector.shape_cast %get3A_284 : vector<1x16xf32> to vector<16xf32>
        %add3A_286 = arith.addf %add3A_280, %get3A_285 : vector<16xf32>
        %get3A_287 = arith.constant 49 : i32
        %get3A_288 = arith.index_cast %get3A_287 : i32 to index
        %get3A_289 = arith.index_cast %mul3A_244 : i32 to index
        %get3A_290 = tpu.vector_load %arg6[%get3A_288, %get3A_289] {strides = array<i32>} : memref<64x1024xf32, #tpu.memory_space<vmem>>, vector<1x16xf32>,
        %get3A_291 = vector.shape_cast %get3A_290 : vector<1x16xf32> to vector<16xf32>
        %add3A_292 = arith.addf %add3A_286, %get3A_291 : vector<16xf32>
        %get3A_293 = arith.constant 57 : i32
        %get3A_294 = arith.index_cast %get3A_293 : i32 to index
        %get3A_295 = arith.index_cast %mul3A_244 : i32 to index
        %get3A_296 = tpu.vector_load %arg6[%get3A_294, %get3A_295] {strides = array<i32>} : memref<64x1024xf32, #tpu.memory_space<vmem>>, vector<1x16xf32>,
        %get3A_297 = vector.shape_cast %get3A_296 : vector<1x16xf32> to vector<16xf32>
        %add3A_298 = arith.addf %add3A_292, %get3A_297 : vector<16xf32>
        %mul3A_299 = arith.constant 16 : i32
        %mul3A_300 = arith.muli %scan3A_242, %mul3A_299 : i32
        %add3A_301 = arith.constant 1024 : i32
        %add3A_302 = arith.addi %add3A_301, %mul3A_300 : i32
        %swap3A = arith.index_cast %add3A_302 : i32 to index
        %swap3A_303 = tpu.vector_load %arg8[%swap3A] {strides = array<i32>} : memref<8192xf32, #tpu.memory_space<vmem>>, vector<16xf32>,
        %swap3A_304 = vector.shape_cast %swap3A_303 : vector<16xf32> to vector<16xf32>
        %swap3A_305 = vector.shape_cast %add3A_298 : vector<16xf32> to vector<16xf32>
        tpu.vector_store %arg8[%swap3A], %swap3A_305 {strides = array<i32>} : memref<8192xf32, #tpu.memory_space<vmem>>, vector<16xf32>,
      }
      %scan3A_203 = arith.constant 64 : i32
      %scan3A_204 = arith.constant 0 : i32
      %scan3A_205 = arith.constant 0 : i32
      %scan3A_206 = arith.constant 64 : i32
      %scan3A_207 = arith.addi %scan3A_205, %scan3A_206 : i32
      %scan3A_208 = arith.constant 1 : i32
      scf.for %scan3A_242 = %scan3A_205 to %scan3A_207 step %scan3A_208  : i32 {
        %mul3A_243 = arith.constant 16 : i32
        %mul3A_244 = arith.muli %scan3A_242, %mul3A_243 : i32
        %mul3A_245 = arith.constant 16 : i32
        %mul3A_246 = arith.muli %scan3A_242, %mul3A_245 : i32
        %add3A_247 = arith.constant 2048 : i32
        %add3A_248 = arith.addi %add3A_247, %mul3A_246 : i32
        %get3A = arith.index_cast %add3A_248 : i32 to index
        %get3A_249 = tpu.vector_load %arg7[%get3A] {strides = array<i32>} : memref<8192xf32, #tpu.memory_space<vmem>>, vector<16xf32>,
        %get3A_250 = vector.shape_cast %get3A_249 : vector<16xf32> to vector<16xf32>
        %get3A_251 = arith.constant 2 : i32
        %get3A_252 = arith.index_cast %get3A_251 : i32 to index
        %get3A_253 = arith.index_cast %mul3A_244 : i32 to index
        %get3A_254 = tpu.vector_load %arg6[%get3A_252, %get3A_253] {strides = array<i32>} : memref<64x1024xf32, #tpu.memory_space<vmem>>, vector<1x16xf32>,
        %get3A_255 = vector.shape_cast %get3A_254 : vector<1x16xf32> to vector<16xf32>
        %add3A_256 = arith.addf %get3A_250, %get3A_255 : vector<16xf32>
        %get3A_257 = arith.constant 10 : i32
        %get3A_258 = arith.index_cast %get3A_257 : i32 to index
        %get3A_259 = arith.index_cast %mul3A_244 : i32 to index
        %get3A_260 = tpu.vector_load %arg6[%get3A_258, %get3A_259] {strides = array<i32>} : memref<64x1024xf32, #tpu.memory_space<vmem>>, vector<1x16xf32>,
        %get3A_261 = vector.shape_cast %get3A_260 : vector<1x16xf32> to vector<16xf32>
        %add3A_262 = arith.addf %add3A_256, %get3A_261 : vector<16xf32>
        %get3A_263 = arith.constant 18 : i32
        %get3A_264 = arith.index_cast %get3A_263 : i32 to index
        %get3A_265 = arith.index_cast %mul3A_244 : i32 to index
        %get3A_266 = tpu.vector_load %arg6[%get3A_264, %get3A_265] {strides = array<i32>} : memref<64x1024xf32, #tpu.memory_space<vmem>>, vector<1x16xf32>,
        %get3A_267 = vector.shape_cast %get3A_266 : vector<1x16xf32> to vector<16xf32>
        %add3A_268 = arith.addf %add3A_262, %get3A_267 : vector<16xf32>
        %get3A_269 = arith.constant 26 : i32
        %get3A_270 = arith.index_cast %get3A_269 : i32 to index
        %get3A_271 = arith.index_cast %mul3A_244 : i32 to index
        %get3A_272 = tpu.vector_load %arg6[%get3A_270, %get3A_271] {strides = array<i32>} : memref<64x1024xf32, #tpu.memory_space<vmem>>, vector<1x16xf32>,
        %get3A_273 = vector.shape_cast %get3A_272 : vector<1x16xf32> to vector<16xf32>
        %add3A_274 = arith.addf %add3A_268, %get3A_273 : vector<16xf32>
        %get3A_275 = arith.constant 34 : i32
        %get3A_276 = arith.index_cast %get3A_275 : i32 to index
        %get3A_277 = arith.index_cast %mul3A_244 : i32 to index
        %get3A_278 = tpu.vector_load %arg6[%get3A_276, %get3A_277] {strides = array<i32>} : memref<64x1024xf32, #tpu.memory_space<vmem>>, vector<1x16xf32>,
        %get3A_279 = vector.shape_cast %get3A_278 : vector<1x16xf32> to vector<16xf32>
        %add3A_280 = arith.addf %add3A_274, %get3A_279 : vector<16xf32>
        %get3A_281 = arith.constant 42 : i32
        %get3A_282 = arith.index_cast %get3A_281 : i32 to index
        %get3A_283 = arith.index_cast %mul3A_244 : i32 to index
        %get3A_284 = tpu.vector_load %arg6[%get3A_282, %get3A_283] {strides = array<i32>} : memref<64x1024xf32, #tpu.memory_space<vmem>>, vector<1x16xf32>,
        %get3A_285 = vector.shape_cast %get3A_284 : vector<1x16xf32> to vector<16xf32>
        %add3A_286 = arith.addf %add3A_280, %get3A_285 : vector<16xf32>
        %get3A_287 = arith.constant 50 : i32
        %get3A_288 = arith.index_cast %get3A_287 : i32 to index
        %get3A_289 = arith.index_cast %mul3A_244 : i32 to index
        %get3A_290 = tpu.vector_load %arg6[%get3A_288, %get3A_289] {strides = array<i32>} : memref<64x1024xf32, #tpu.memory_space<vmem>>, vector<1x16xf32>,
        %get3A_291 = vector.shape_cast %get3A_290 : vector<1x16xf32> to vector<16xf32>
        %add3A_292 = arith.addf %add3A_286, %get3A_291 : vector<16xf32>
        %get3A_293 = arith.constant 58 : i32
        %get3A_294 = arith.index_cast %get3A_293 : i32 to index
        %get3A_295 = arith.index_cast %mul3A_244 : i32 to index
        %get3A_296 = tpu.vector_load %arg6[%get3A_294, %get3A_295] {strides = array<i32>} : memref<64x1024xf32, #tpu.memory_space<vmem>>, vector<1x16xf32>,
        %get3A_297 = vector.shape_cast %get3A_296 : vector<1x16xf32> to vector<16xf32>
        %add3A_298 = arith.addf %add3A_292, %get3A_297 : vector<16xf32>
        %mul3A_299 = arith.constant 16 : i32
        %mul3A_300 = arith.muli %scan3A_242, %mul3A_299 : i32
        %add3A_301 = arith.constant 2048 : i32
        %add3A_302 = arith.addi %add3A_301, %mul3A_300 : i32
        %swap3A = arith.index_cast %add3A_302 : i32 to index
        %swap3A_303 = tpu.vector_load %arg8[%swap3A] {strides = array<i32>} : memref<8192xf32, #tpu.memory_space<vmem>>, vector<16xf32>,
        %swap3A_304 = vector.shape_cast %swap3A_303 : vector<16xf32> to vector<16xf32>
        %swap3A_305 = vector.shape_cast %add3A_298 : vector<16xf32> to vector<16xf32>
        tpu.vector_store %arg8[%swap3A], %swap3A_305 {strides = array<i32>} : memref<8192xf32, #tpu.memory_space<vmem>>, vector<16xf32>,
      }
      %scan3A_209 = arith.constant 64 : i32
      %scan3A_210 = arith.constant 0 : i32
      %scan3A_211 = arith.constant 0 : i32
      %scan3A_212 = arith.constant 64 : i32
      %scan3A_213 = arith.addi %scan3A_211, %scan3A_212 : i32
      %scan3A_214 = arith.constant 1 : i32
      scf.for %scan3A_242 = %scan3A_211 to %scan3A_213 step %scan3A_214  : i32 {
        %mul3A_243 = arith.constant 16 : i32
        %mul3A_244 = arith.muli %scan3A_242, %mul3A_243 : i32
        %mul3A_245 = arith.constant 16 : i32
        %mul3A_246 = arith.muli %scan3A_242, %mul3A_245 : i32
        %add3A_247 = arith.constant 3072 : i32
        %add3A_248 = arith.addi %add3A_247, %mul3A_246 : i32
        %get3A = arith.index_cast %add3A_248 : i32 to index
        %get3A_249 = tpu.vector_load %arg7[%get3A] {strides = array<i32>} : memref<8192xf32, #tpu.memory_space<vmem>>, vector<16xf32>,
        %get3A_250 = vector.shape_cast %get3A_249 : vector<16xf32> to vector<16xf32>
        %get3A_251 = arith.constant 3 : i32
        %get3A_252 = arith.index_cast %get3A_251 : i32 to index
        %get3A_253 = arith.index_cast %mul3A_244 : i32 to index
        %get3A_254 = tpu.vector_load %arg6[%get3A_252, %get3A_253] {strides = array<i32>} : memref<64x1024xf32, #tpu.memory_space<vmem>>, vector<1x16xf32>,
        %get3A_255 = vector.shape_cast %get3A_254 : vector<1x16xf32> to vector<16xf32>
        %add3A_256 = arith.addf %get3A_250, %get3A_255 : vector<16xf32>
        %get3A_257 = arith.constant 11 : i32
        %get3A_258 = arith.index_cast %get3A_257 : i32 to index
        %get3A_259 = arith.index_cast %mul3A_244 : i32 to index
        %get3A_260 = tpu.vector_load %arg6[%get3A_258, %get3A_259] {strides = array<i32>} : memref<64x1024xf32, #tpu.memory_space<vmem>>, vector<1x16xf32>,
        %get3A_261 = vector.shape_cast %get3A_260 : vector<1x16xf32> to vector<16xf32>
        %add3A_262 = arith.addf %add3A_256, %get3A_261 : vector<16xf32>
        %get3A_263 = arith.constant 19 : i32
        %get3A_264 = arith.index_cast %get3A_263 : i32 to index
        %get3A_265 = arith.index_cast %mul3A_244 : i32 to index
        %get3A_266 = tpu.vector_load %arg6[%get3A_264, %get3A_265] {strides = array<i32>} : memref<64x1024xf32, #tpu.memory_space<vmem>>, vector<1x16xf32>,
        %get3A_267 = vector.shape_cast %get3A_266 : vector<1x16xf32> to vector<16xf32>
        %add3A_268 = arith.addf %add3A_262, %get3A_267 : vector<16xf32>
        %get3A_269 = arith.constant 27 : i32
        %get3A_270 = arith.index_cast %get3A_269 : i32 to index
        %get3A_271 = arith.index_cast %mul3A_244 : i32 to index
        %get3A_272 = tpu.vector_load %arg6[%get3A_270, %get3A_271] {strides = array<i32>} : memref<64x1024xf32, #tpu.memory_space<vmem>>, vector<1x16xf32>,
        %get3A_273 = vector.shape_cast %get3A_272 : vector<1x16xf32> to vector<16xf32>
        %add3A_274 = arith.addf %add3A_268, %get3A_273 : vector<16xf32>
        %get3A_275 = arith.constant 35 : i32
        %get3A_276 = arith.index_cast %get3A_275 : i32 to index
        %get3A_277 = arith.index_cast %mul3A_244 : i32 to index
        %get3A_278 = tpu.vector_load %arg6[%get3A_276, %get3A_277] {strides = array<i32>} : memref<64x1024xf32, #tpu.memory_space<vmem>>, vector<1x16xf32>,
        %get3A_279 = vector.shape_cast %get3A_278 : vector<1x16xf32> to vector<16xf32>
        %add3A_280 = arith.addf %add3A_274, %get3A_279 : vector<16xf32>
        %get3A_281 = arith.constant 43 : i32
        %get3A_282 = arith.index_cast %get3A_281 : i32 to index
        %get3A_283 = arith.index_cast %mul3A_244 : i32 to index
        %get3A_284 = tpu.vector_load %arg6[%get3A_282, %get3A_283] {strides = array<i32>} : memref<64x1024xf32, #tpu.memory_space<vmem>>, vector<1x16xf32>,
        %get3A_285 = vector.shape_cast %get3A_284 : vector<1x16xf32> to vector<16xf32>
        %add3A_286 = arith.addf %add3A_280, %get3A_285 : vector<16xf32>
        %get3A_287 = arith.constant 51 : i32
        %get3A_288 = arith.index_cast %get3A_287 : i32 to index
        %get3A_289 = arith.index_cast %mul3A_244 : i32 to index
        %get3A_290 = tpu.vector_load %arg6[%get3A_288, %get3A_289] {strides = array<i32>} : memref<64x1024xf32, #tpu.memory_space<vmem>>, vector<1x16xf32>,
        %get3A_291 = vector.shape_cast %get3A_290 : vector<1x16xf32> to vector<16xf32>
        %add3A_292 = arith.addf %add3A_286, %get3A_291 : vector<16xf32>
        %get3A_293 = arith.constant 59 : i32
        %get3A_294 = arith.index_cast %get3A_293 : i32 to index
        %get3A_295 = arith.index_cast %mul3A_244 : i32 to index
        %get3A_296 = tpu.vector_load %arg6[%get3A_294, %get3A_295] {strides = array<i32>} : memref<64x1024xf32, #tpu.memory_space<vmem>>, vector<1x16xf32>,
        %get3A_297 = vector.shape_cast %get3A_296 : vector<1x16xf32> to vector<16xf32>
        %add3A_298 = arith.addf %add3A_292, %get3A_297 : vector<16xf32>
        %mul3A_299 = arith.constant 16 : i32
        %mul3A_300 = arith.muli %scan3A_242, %mul3A_299 : i32
        %add3A_301 = arith.constant 3072 : i32
        %add3A_302 = arith.addi %add3A_301, %mul3A_300 : i32
        %swap3A = arith.index_cast %add3A_302 : i32 to index
        %swap3A_303 = tpu.vector_load %arg8[%swap3A] {strides = array<i32>} : memref<8192xf32, #tpu.memory_space<vmem>>, vector<16xf32>,
        %swap3A_304 = vector.shape_cast %swap3A_303 : vector<16xf32> to vector<16xf32>
        %swap3A_305 = vector.shape_cast %add3A_298 : vector<16xf32> to vector<16xf32>
        tpu.vector_store %arg8[%swap3A], %swap3A_305 {strides = array<i32>} : memref<8192xf32, #tpu.memory_space<vmem>>, vector<16xf32>,
      }
      %scan3A_215 = arith.constant 64 : i32
      %scan3A_216 = arith.constant 0 : i32
      %scan3A_217 = arith.constant 0 : i32
      %scan3A_218 = arith.constant 64 : i32
      %scan3A_219 = arith.addi %scan3A_217, %scan3A_218 : i32
      %scan3A_220 = arith.constant 1 : i32
      scf.for %scan3A_242 = %scan3A_217 to %scan3A_219 step %scan3A_220  : i32 {
        %mul3A_243 = arith.constant 16 : i32
        %mul3A_244 = arith.muli %scan3A_242, %mul3A_243 : i32
        %mul3A_245 = arith.constant 16 : i32
        %mul3A_246 = arith.muli %scan3A_242, %mul3A_245 : i32
        %add3A_247 = arith.constant 4096 : i32
        %add3A_248 = arith.addi %add3A_247, %mul3A_246 : i32
        %get3A = arith.index_cast %add3A_248 : i32 to index
        %get3A_249 = tpu.vector_load %arg7[%get3A] {strides = array<i32>} : memref<8192xf32, #tpu.memory_space<vmem>>, vector<16xf32>,
        %get3A_250 = vector.shape_cast %get3A_249 : vector<16xf32> to vector<16xf32>
        %get3A_251 = arith.constant 4 : i32
        %get3A_252 = arith.index_cast %get3A_251 : i32 to index
        %get3A_253 = arith.index_cast %mul3A_244 : i32 to index
        %get3A_254 = tpu.vector_load %arg6[%get3A_252, %get3A_253] {strides = array<i32>} : memref<64x1024xf32, #tpu.memory_space<vmem>>, vector<1x16xf32>,
        %get3A_255 = vector.shape_cast %get3A_254 : vector<1x16xf32> to vector<16xf32>
        %add3A_256 = arith.addf %get3A_250, %get3A_255 : vector<16xf32>
        %get3A_257 = arith.constant 12 : i32
        %get3A_258 = arith.index_cast %get3A_257 : i32 to index
        %get3A_259 = arith.index_cast %mul3A_244 : i32 to index
        %get3A_260 = tpu.vector_load %arg6[%get3A_258, %get3A_259] {strides = array<i32>} : memref<64x1024xf32, #tpu.memory_space<vmem>>, vector<1x16xf32>,
        %get3A_261 = vector.shape_cast %get3A_260 : vector<1x16xf32> to vector<16xf32>
        %add3A_262 = arith.addf %add3A_256, %get3A_261 : vector<16xf32>
        %get3A_263 = arith.constant 20 : i32
        %get3A_264 = arith.index_cast %get3A_263 : i32 to index
        %get3A_265 = arith.index_cast %mul3A_244 : i32 to index
        %get3A_266 = tpu.vector_load %arg6[%get3A_264, %get3A_265] {strides = array<i32>} : memref<64x1024xf32, #tpu.memory_space<vmem>>, vector<1x16xf32>,
        %get3A_267 = vector.shape_cast %get3A_266 : vector<1x16xf32> to vector<16xf32>
        %add3A_268 = arith.addf %add3A_262, %get3A_267 : vector<16xf32>
        %get3A_269 = arith.constant 28 : i32
        %get3A_270 = arith.index_cast %get3A_269 : i32 to index
        %get3A_271 = arith.index_cast %mul3A_244 : i32 to index
        %get3A_272 = tpu.vector_load %arg6[%get3A_270, %get3A_271] {strides = array<i32>} : memref<64x1024xf32, #tpu.memory_space<vmem>>, vector<1x16xf32>,
        %get3A_273 = vector.shape_cast %get3A_272 : vector<1x16xf32> to vector<16xf32>
        %add3A_274 = arith.addf %add3A_268, %get3A_273 : vector<16xf32>
        %get3A_275 = arith.constant 36 : i32
        %get3A_276 = arith.index_cast %get3A_275 : i32 to index
        %get3A_277 = arith.index_cast %mul3A_244 : i32 to index
        %get3A_278 = tpu.vector_load %arg6[%get3A_276, %get3A_277] {strides = array<i32>} : memref<64x1024xf32, #tpu.memory_space<vmem>>, vector<1x16xf32>,
        %get3A_279 = vector.shape_cast %get3A_278 : vector<1x16xf32> to vector<16xf32>
        %add3A_280 = arith.addf %add3A_274, %get3A_279 : vector<16xf32>
        %get3A_281 = arith.constant 44 : i32
        %get3A_282 = arith.index_cast %get3A_281 : i32 to index
        %get3A_283 = arith.index_cast %mul3A_244 : i32 to index
        %get3A_284 = tpu.vector_load %arg6[%get3A_282, %get3A_283] {strides = array<i32>} : memref<64x1024xf32, #tpu.memory_space<vmem>>, vector<1x16xf32>,
        %get3A_285 = vector.shape_cast %get3A_284 : vector<1x16xf32> to vector<16xf32>
        %add3A_286 = arith.addf %add3A_280, %get3A_285 : vector<16xf32>
        %get3A_287 = arith.constant 52 : i32
        %get3A_288 = arith.index_cast %get3A_287 : i32 to index
        %get3A_289 = arith.index_cast %mul3A_244 : i32 to index
        %get3A_290 = tpu.vector_load %arg6[%get3A_288, %get3A_289] {strides = array<i32>} : memref<64x1024xf32, #tpu.memory_space<vmem>>, vector<1x16xf32>,
        %get3A_291 = vector.shape_cast %get3A_290 : vector<1x16xf32> to vector<16xf32>
        %add3A_292 = arith.addf %add3A_286, %get3A_291 : vector<16xf32>
        %get3A_293 = arith.constant 60 : i32
        %get3A_294 = arith.index_cast %get3A_293 : i32 to index
        %get3A_295 = arith.index_cast %mul3A_244 : i32 to index
        %get3A_296 = tpu.vector_load %arg6[%get3A_294, %get3A_295] {strides = array<i32>} : memref<64x1024xf32, #tpu.memory_space<vmem>>, vector<1x16xf32>,
        %get3A_297 = vector.shape_cast %get3A_296 : vector<1x16xf32> to vector<16xf32>
        %add3A_298 = arith.addf %add3A_292, %get3A_297 : vector<16xf32>
        %mul3A_299 = arith.constant 16 : i32
        %mul3A_300 = arith.muli %scan3A_242, %mul3A_299 : i32
        %add3A_301 = arith.constant 4096 : i32
        %add3A_302 = arith.addi %add3A_301, %mul3A_300 : i32
        %swap3A = arith.index_cast %add3A_302 : i32 to index
        %swap3A_303 = tpu.vector_load %arg8[%swap3A] {strides = array<i32>} : memref<8192xf32, #tpu.memory_space<vmem>>, vector<16xf32>,
        %swap3A_304 = vector.shape_cast %swap3A_303 : vector<16xf32> to vector<16xf32>
        %swap3A_305 = vector.shape_cast %add3A_298 : vector<16xf32> to vector<16xf32>
        tpu.vector_store %arg8[%swap3A], %swap3A_305 {strides = array<i32>} : memref<8192xf32, #tpu.memory_space<vmem>>, vector<16xf32>,
      }
      %scan3A_221 = arith.constant 64 : i32
      %scan3A_222 = arith.constant 0 : i32
      %scan3A_223 = arith.constant 0 : i32
      %scan3A_224 = arith.constant 64 : i32
      %scan3A_225 = arith.addi %scan3A_223, %scan3A_224 : i32
      %scan3A_226 = arith.constant 1 : i32
      scf.for %scan3A_242 = %scan3A_223 to %scan3A_225 step %scan3A_226  : i32 {
        %mul3A_243 = arith.constant 16 : i32
        %mul3A_244 = arith.muli %scan3A_242, %mul3A_243 : i32
        %mul3A_245 = arith.constant 16 : i32
        %mul3A_246 = arith.muli %scan3A_242, %mul3A_245 : i32
        %add3A_247 = arith.constant 5120 : i32
        %add3A_248 = arith.addi %add3A_247, %mul3A_246 : i32
        %get3A = arith.index_cast %add3A_248 : i32 to index
        %get3A_249 = tpu.vector_load %arg7[%get3A] {strides = array<i32>} : memref<8192xf32, #tpu.memory_space<vmem>>, vector<16xf32>,
        %get3A_250 = vector.shape_cast %get3A_249 : vector<16xf32> to vector<16xf32>
        %get3A_251 = arith.constant 5 : i32
        %get3A_252 = arith.index_cast %get3A_251 : i32 to index
        %get3A_253 = arith.index_cast %mul3A_244 : i32 to index
        %get3A_254 = tpu.vector_load %arg6[%get3A_252, %get3A_253] {strides = array<i32>} : memref<64x1024xf32, #tpu.memory_space<vmem>>, vector<1x16xf32>,
        %get3A_255 = vector.shape_cast %get3A_254 : vector<1x16xf32> to vector<16xf32>
        %add3A_256 = arith.addf %get3A_250, %get3A_255 : vector<16xf32>
        %get3A_257 = arith.constant 13 : i32
        %get3A_258 = arith.index_cast %get3A_257 : i32 to index
        %get3A_259 = arith.index_cast %mul3A_244 : i32 to index
        %get3A_260 = tpu.vector_load %arg6[%get3A_258, %get3A_259] {strides = array<i32>} : memref<64x1024xf32, #tpu.memory_space<vmem>>, vector<1x16xf32>,
        %get3A_261 = vector.shape_cast %get3A_260 : vector<1x16xf32> to vector<16xf32>
        %add3A_262 = arith.addf %add3A_256, %get3A_261 : vector<16xf32>
        %get3A_263 = arith.constant 21 : i32
        %get3A_264 = arith.index_cast %get3A_263 : i32 to index
        %get3A_265 = arith.index_cast %mul3A_244 : i32 to index
        %get3A_266 = tpu.vector_load %arg6[%get3A_264, %get3A_265] {strides = array<i32>} : memref<64x1024xf32, #tpu.memory_space<vmem>>, vector<1x16xf32>,
        %get3A_267 = vector.shape_cast %get3A_266 : vector<1x16xf32> to vector<16xf32>
        %add3A_268 = arith.addf %add3A_262, %get3A_267 : vector<16xf32>
        %get3A_269 = arith.constant 29 : i32
        %get3A_270 = arith.index_cast %get3A_269 : i32 to index
        %get3A_271 = arith.index_cast %mul3A_244 : i32 to index
        %get3A_272 = tpu.vector_load %arg6[%get3A_270, %get3A_271] {strides = array<i32>} : memref<64x1024xf32, #tpu.memory_space<vmem>>, vector<1x16xf32>,
        %get3A_273 = vector.shape_cast %get3A_272 : vector<1x16xf32> to vector<16xf32>
        %add3A_274 = arith.addf %add3A_268, %get3A_273 : vector<16xf32>
        %get3A_275 = arith.constant 37 : i32
        %get3A_276 = arith.index_cast %get3A_275 : i32 to index
        %get3A_277 = arith.index_cast %mul3A_244 : i32 to index
        %get3A_278 = tpu.vector_load %arg6[%get3A_276, %get3A_277] {strides = array<i32>} : memref<64x1024xf32, #tpu.memory_space<vmem>>, vector<1x16xf32>,
        %get3A_279 = vector.shape_cast %get3A_278 : vector<1x16xf32> to vector<16xf32>
        %add3A_280 = arith.addf %add3A_274, %get3A_279 : vector<16xf32>
        %get3A_281 = arith.constant 45 : i32
        %get3A_282 = arith.index_cast %get3A_281 : i32 to index
        %get3A_283 = arith.index_cast %mul3A_244 : i32 to index
        %get3A_284 = tpu.vector_load %arg6[%get3A_282, %get3A_283] {strides = array<i32>} : memref<64x1024xf32, #tpu.memory_space<vmem>>, vector<1x16xf32>,
        %get3A_285 = vector.shape_cast %get3A_284 : vector<1x16xf32> to vector<16xf32>
        %add3A_286 = arith.addf %add3A_280, %get3A_285 : vector<16xf32>
        %get3A_287 = arith.constant 53 : i32
        %get3A_288 = arith.index_cast %get3A_287 : i32 to index
        %get3A_289 = arith.index_cast %mul3A_244 : i32 to index
        %get3A_290 = tpu.vector_load %arg6[%get3A_288, %get3A_289] {strides = array<i32>} : memref<64x1024xf32, #tpu.memory_space<vmem>>, vector<1x16xf32>,
        %get3A_291 = vector.shape_cast %get3A_290 : vector<1x16xf32> to vector<16xf32>
        %add3A_292 = arith.addf %add3A_286, %get3A_291 : vector<16xf32>
        %get3A_293 = arith.constant 61 : i32
        %get3A_294 = arith.index_cast %get3A_293 : i32 to index
        %get3A_295 = arith.index_cast %mul3A_244 : i32 to index
        %get3A_296 = tpu.vector_load %arg6[%get3A_294, %get3A_295] {strides = array<i32>} : memref<64x1024xf32, #tpu.memory_space<vmem>>, vector<1x16xf32>,
        %get3A_297 = vector.shape_cast %get3A_296 : vector<1x16xf32> to vector<16xf32>
        %add3A_298 = arith.addf %add3A_292, %get3A_297 : vector<16xf32>
        %mul3A_299 = arith.constant 16 : i32
        %mul3A_300 = arith.muli %scan3A_242, %mul3A_299 : i32
        %add3A_301 = arith.constant 5120 : i32
        %add3A_302 = arith.addi %add3A_301, %mul3A_300 : i32
        %swap3A = arith.index_cast %add3A_302 : i32 to index
        %swap3A_303 = tpu.vector_load %arg8[%swap3A] {strides = array<i32>} : memref<8192xf32, #tpu.memory_space<vmem>>, vector<16xf32>,
        %swap3A_304 = vector.shape_cast %swap3A_303 : vector<16xf32> to vector<16xf32>
        %swap3A_305 = vector.shape_cast %add3A_298 : vector<16xf32> to vector<16xf32>
        tpu.vector_store %arg8[%swap3A], %swap3A_305 {strides = array<i32>} : memref<8192xf32, #tpu.memory_space<vmem>>, vector<16xf32>,
      }
      %scan3A_227 = arith.constant 64 : i32
      %scan3A_228 = arith.constant 0 : i32
      %scan3A_229 = arith.constant 0 : i32
      %scan3A_230 = arith.constant 64 : i32
      %scan3A_231 = arith.addi %scan3A_229, %scan3A_230 : i32
      %scan3A_232 = arith.constant 1 : i32
      scf.for %scan3A_242 = %scan3A_229 to %scan3A_231 step %scan3A_232  : i32 {
        %mul3A_243 = arith.constant 16 : i32
        %mul3A_244 = arith.muli %scan3A_242, %mul3A_243 : i32
        %mul3A_245 = arith.constant 16 : i32
        %mul3A_246 = arith.muli %scan3A_242, %mul3A_245 : i32
        %add3A_247 = arith.constant 6144 : i32
        %add3A_248 = arith.addi %add3A_247, %mul3A_246 : i32
        %get3A = arith.index_cast %add3A_248 : i32 to index
        %get3A_249 = tpu.vector_load %arg7[%get3A] {strides = array<i32>} : memref<8192xf32, #tpu.memory_space<vmem>>, vector<16xf32>,
        %get3A_250 = vector.shape_cast %get3A_249 : vector<16xf32> to vector<16xf32>
        %get3A_251 = arith.constant 6 : i32
        %get3A_252 = arith.index_cast %get3A_251 : i32 to index
        %get3A_253 = arith.index_cast %mul3A_244 : i32 to index
        %get3A_254 = tpu.vector_load %arg6[%get3A_252, %get3A_253] {strides = array<i32>} : memref<64x1024xf32, #tpu.memory_space<vmem>>, vector<1x16xf32>,
        %get3A_255 = vector.shape_cast %get3A_254 : vector<1x16xf32> to vector<16xf32>
        %add3A_256 = arith.addf %get3A_250, %get3A_255 : vector<16xf32>
        %get3A_257 = arith.constant 14 : i32
        %get3A_258 = arith.index_cast %get3A_257 : i32 to index
        %get3A_259 = arith.index_cast %mul3A_244 : i32 to index
        %get3A_260 = tpu.vector_load %arg6[%get3A_258, %get3A_259] {strides = array<i32>} : memref<64x1024xf32, #tpu.memory_space<vmem>>, vector<1x16xf32>,
        %get3A_261 = vector.shape_cast %get3A_260 : vector<1x16xf32> to vector<16xf32>
        %add3A_262 = arith.addf %add3A_256, %get3A_261 : vector<16xf32>
        %get3A_263 = arith.constant 22 : i32
        %get3A_264 = arith.index_cast %get3A_263 : i32 to index
        %get3A_265 = arith.index_cast %mul3A_244 : i32 to index
        %get3A_266 = tpu.vector_load %arg6[%get3A_264, %get3A_265] {strides = array<i32>} : memref<64x1024xf32, #tpu.memory_space<vmem>>, vector<1x16xf32>,
        %get3A_267 = vector.shape_cast %get3A_266 : vector<1x16xf32> to vector<16xf32>
        %add3A_268 = arith.addf %add3A_262, %get3A_267 : vector<16xf32>
        %get3A_269 = arith.constant 30 : i32
        %get3A_270 = arith.index_cast %get3A_269 : i32 to index
        %get3A_271 = arith.index_cast %mul3A_244 : i32 to index
        %get3A_272 = tpu.vector_load %arg6[%get3A_270, %get3A_271] {strides = array<i32>} : memref<64x1024xf32, #tpu.memory_space<vmem>>, vector<1x16xf32>,
        %get3A_273 = vector.shape_cast %get3A_272 : vector<1x16xf32> to vector<16xf32>
        %add3A_274 = arith.addf %add3A_268, %get3A_273 : vector<16xf32>
        %get3A_275 = arith.constant 38 : i32
        %get3A_276 = arith.index_cast %get3A_275 : i32 to index
        %get3A_277 = arith.index_cast %mul3A_244 : i32 to index
        %get3A_278 = tpu.vector_load %arg6[%get3A_276, %get3A_277] {strides = array<i32>} : memref<64x1024xf32, #tpu.memory_space<vmem>>, vector<1x16xf32>,
        %get3A_279 = vector.shape_cast %get3A_278 : vector<1x16xf32> to vector<16xf32>
        %add3A_280 = arith.addf %add3A_274, %get3A_279 : vector<16xf32>
        %get3A_281 = arith.constant 46 : i32
        %get3A_282 = arith.index_cast %get3A_281 : i32 to index
        %get3A_283 = arith.index_cast %mul3A_244 : i32 to index
        %get3A_284 = tpu.vector_load %arg6[%get3A_282, %get3A_283] {strides = array<i32>} : memref<64x1024xf32, #tpu.memory_space<vmem>>, vector<1x16xf32>,
        %get3A_285 = vector.shape_cast %get3A_284 : vector<1x16xf32> to vector<16xf32>
        %add3A_286 = arith.addf %add3A_280, %get3A_285 : vector<16xf32>
        %get3A_287 = arith.constant 54 : i32
        %get3A_288 = arith.index_cast %get3A_287 : i32 to index
        %get3A_289 = arith.index_cast %mul3A_244 : i32 to index
        %get3A_290 = tpu.vector_load %arg6[%get3A_288, %get3A_289] {strides = array<i32>} : memref<64x1024xf32, #tpu.memory_space<vmem>>, vector<1x16xf32>,
        %get3A_291 = vector.shape_cast %get3A_290 : vector<1x16xf32> to vector<16xf32>
        %add3A_292 = arith.addf %add3A_286, %get3A_291 : vector<16xf32>
        %get3A_293 = arith.constant 62 : i32
        %get3A_294 = arith.index_cast %get3A_293 : i32 to index
        %get3A_295 = arith.index_cast %mul3A_244 : i32 to index
        %get3A_296 = tpu.vector_load %arg6[%get3A_294, %get3A_295] {strides = array<i32>} : memref<64x1024xf32, #tpu.memory_space<vmem>>, vector<1x16xf32>,
        %get3A_297 = vector.shape_cast %get3A_296 : vector<1x16xf32> to vector<16xf32>
        %add3A_298 = arith.addf %add3A_292, %get3A_297 : vector<16xf32>
        %mul3A_299 = arith.constant 16 : i32
        %mul3A_300 = arith.muli %scan3A_242, %mul3A_299 : i32
        %add3A_301 = arith.constant 6144 : i32
        %add3A_302 = arith.addi %add3A_301, %mul3A_300 : i32
        %swap3A = arith.index_cast %add3A_302 : i32 to index
        %swap3A_303 = tpu.vector_load %arg8[%swap3A] {strides = array<i32>} : memref<8192xf32, #tpu.memory_space<vmem>>, vector<16xf32>,
        %swap3A_304 = vector.shape_cast %swap3A_303 : vector<16xf32> to vector<16xf32>
        %swap3A_305 = vector.shape_cast %add3A_298 : vector<16xf32> to vector<16xf32>
        tpu.vector_store %arg8[%swap3A], %swap3A_305 {strides = array<i32>} : memref<8192xf32, #tpu.memory_space<vmem>>, vector<16xf32>,
      }
      %scan3A_233 = arith.constant 64 : i32
      %scan3A_234 = arith.constant 0 : i32
      %scan3A_235 = arith.constant 0 : i32
      %scan3A_236 = arith.constant 64 : i32
      %scan3A_237 = arith.addi %scan3A_235, %scan3A_236 : i32
      %scan3A_238 = arith.constant 1 : i32
      scf.for %scan3A_242 = %scan3A_235 to %scan3A_237 step %scan3A_238  : i32 {
        %mul3A_243 = arith.constant 16 : i32
        %mul3A_244 = arith.muli %scan3A_242, %mul3A_243 : i32
        %mul3A_245 = arith.constant 16 : i32
        %mul3A_246 = arith.muli %scan3A_242, %mul3A_245 : i32
        %add3A_247 = arith.constant 7168 : i32
        %add3A_248 = arith.addi %add3A_247, %mul3A_246 : i32
        %get3A = arith.index_cast %add3A_248 : i32 to index
        %get3A_249 = tpu.vector_load %arg7[%get3A] {strides = array<i32>} : memref<8192xf32, #tpu.memory_space<vmem>>, vector<16xf32>,
        %get3A_250 = vector.shape_cast %get3A_249 : vector<16xf32> to vector<16xf32>
        %get3A_251 = arith.constant 7 : i32
        %get3A_252 = arith.index_cast %get3A_251 : i32 to index
        %get3A_253 = arith.index_cast %mul3A_244 : i32 to index
        %get3A_254 = tpu.vector_load %arg6[%get3A_252, %get3A_253] {strides = array<i32>} : memref<64x1024xf32, #tpu.memory_space<vmem>>, vector<1x16xf32>,
        %get3A_255 = vector.shape_cast %get3A_254 : vector<1x16xf32> to vector<16xf32>
        %add3A_256 = arith.addf %get3A_250, %get3A_255 : vector<16xf32>
        %get3A_257 = arith.constant 15 : i32
        %get3A_258 = arith.index_cast %get3A_257 : i32 to index
        %get3A_259 = arith.index_cast %mul3A_244 : i32 to index
        %get3A_260 = tpu.vector_load %arg6[%get3A_258, %get3A_259] {strides = array<i32>} : memref<64x1024xf32, #tpu.memory_space<vmem>>, vector<1x16xf32>,
        %get3A_261 = vector.shape_cast %get3A_260 : vector<1x16xf32> to vector<16xf32>
        %add3A_262 = arith.addf %add3A_256, %get3A_261 : vector<16xf32>
        %get3A_263 = arith.constant 23 : i32
        %get3A_264 = arith.index_cast %get3A_263 : i32 to index
        %get3A_265 = arith.index_cast %mul3A_244 : i32 to index
        %get3A_266 = tpu.vector_load %arg6[%get3A_264, %get3A_265] {strides = array<i32>} : memref<64x1024xf32, #tpu.memory_space<vmem>>, vector<1x16xf32>,
        %get3A_267 = vector.shape_cast %get3A_266 : vector<1x16xf32> to vector<16xf32>
        %add3A_268 = arith.addf %add3A_262, %get3A_267 : vector<16xf32>
        %get3A_269 = arith.constant 31 : i32
        %get3A_270 = arith.index_cast %get3A_269 : i32 to index
        %get3A_271 = arith.index_cast %mul3A_244 : i32 to index
        %get3A_272 = tpu.vector_load %arg6[%get3A_270, %get3A_271] {strides = array<i32>} : memref<64x1024xf32, #tpu.memory_space<vmem>>, vector<1x16xf32>,
        %get3A_273 = vector.shape_cast %get3A_272 : vector<1x16xf32> to vector<16xf32>
        %add3A_274 = arith.addf %add3A_268, %get3A_273 : vector<16xf32>
        %get3A_275 = arith.constant 39 : i32
        %get3A_276 = arith.index_cast %get3A_275 : i32 to index
        %get3A_277 = arith.index_cast %mul3A_244 : i32 to index
        %get3A_278 = tpu.vector_load %arg6[%get3A_276, %get3A_277] {strides = array<i32>} : memref<64x1024xf32, #tpu.memory_space<vmem>>, vector<1x16xf32>,
        %get3A_279 = vector.shape_cast %get3A_278 : vector<1x16xf32> to vector<16xf32>
        %add3A_280 = arith.addf %add3A_274, %get3A_279 : vector<16xf32>
        %get3A_281 = arith.constant 47 : i32
        %get3A_282 = arith.index_cast %get3A_281 : i32 to index
        %get3A_283 = arith.index_cast %mul3A_244 : i32 to index
        %get3A_284 = tpu.vector_load %arg6[%get3A_282, %get3A_283] {strides = array<i32>} : memref<64x1024xf32, #tpu.memory_space<vmem>>, vector<1x16xf32>,
        %get3A_285 = vector.shape_cast %get3A_284 : vector<1x16xf32> to vector<16xf32>
        %add3A_286 = arith.addf %add3A_280, %get3A_285 : vector<16xf32>
        %get3A_287 = arith.constant 55 : i32
        %get3A_288 = arith.index_cast %get3A_287 : i32 to index
        %get3A_289 = arith.index_cast %mul3A_244 : i32 to index
        %get3A_290 = tpu.vector_load %arg6[%get3A_288, %get3A_289] {strides = array<i32>} : memref<64x1024xf32, #tpu.memory_space<vmem>>, vector<1x16xf32>,
        %get3A_291 = vector.shape_cast %get3A_290 : vector<1x16xf32> to vector<16xf32>
        %add3A_292 = arith.addf %add3A_286, %get3A_291 : vector<16xf32>
        %get3A_293 = arith.constant 63 : i32
        %get3A_294 = arith.index_cast %get3A_293 : i32 to index
        %get3A_295 = arith.index_cast %mul3A_244 : i32 to index
        %get3A_296 = tpu.vector_load %arg6[%get3A_294, %get3A_295] {strides = array<i32>} : memref<64x1024xf32, #tpu.memory_space<vmem>>, vector<1x16xf32>,
        %get3A_297 = vector.shape_cast %get3A_296 : vector<1x16xf32> to vector<16xf32>
        %add3A_298 = arith.addf %add3A_292, %get3A_297 : vector<16xf32>
        %mul3A_299 = arith.constant 16 : i32
        %mul3A_300 = arith.muli %scan3A_242, %mul3A_299 : i32
        %add3A_301 = arith.constant 7168 : i32
        %add3A_302 = arith.addi %add3A_301, %mul3A_300 : i32
        %swap3A = arith.index_cast %add3A_302 : i32 to index
        %swap3A_303 = tpu.vector_load %arg8[%swap3A] {strides = array<i32>} : memref<8192xf32, #tpu.memory_space<vmem>>, vector<16xf32>,
        %swap3A_304 = vector.shape_cast %swap3A_303 : vector<16xf32> to vector<16xf32>
        %swap3A_305 = vector.shape_cast %add3A_298 : vector<16xf32> to vector<16xf32>
        tpu.vector_store %arg8[%swap3A], %swap3A_305 {strides = array<i32>} : memref<8192xf32, #tpu.memory_space<vmem>>, vector<16xf32>,
      }
      %scan3A_239 = arith.constant 64 : i32
      %mul3A_240 = arith.constant 1024 : i32
      %mul3A_241 = arith.muli %add3A_11, %mul3A_240 : i32
      "tpu.region"() ({
        %run_scoped3A = tpu.sem_alloc : memref<!tpu.dma_semaphore, #tpu.memory_space<semaphore_mem>>
        %dma_start3A_242 = tpu.memref_slice %arg5[%mul3A_241] : memref<2097152xf32, #tpu.memory_space<hbm>> -> memref<8192xf32, #tpu.memory_space<hbm>>
        %dma_start3A_243 = tpu.memref_slice %arg5[%mul3A_241] : memref<2097152xf32, #tpu.memory_space<hbm>> -> memref<8192xf32, #tpu.memory_space<hbm>>
        tpu.enqueue_dma source(%arg8 : memref<8192xf32, #tpu.memory_space<vmem>>) target(%dma_start3A_243 : memref<8192xf32, #tpu.memory_space<hbm>>) target_semaphore(%run_scoped3A : memref<!tpu.dma_semaphore, #tpu.memory_space<semaphore_mem>>)
        %dma_wait3A_244 = tpu.memref_slice %arg5[%mul3A_241] : memref<2097152xf32, #tpu.memory_space<hbm>> -> memref<8192xf32, #tpu.memory_space<hbm>>
        %dma_wait3A_245 = tpu.memref_slice %arg5[%mul3A_241] : memref<2097152xf32, #tpu.memory_space<hbm>> -> memref<8192xf32, #tpu.memory_space<hbm>>
        tpu.wait_dma2 semaphore(%run_scoped3A : memref<!tpu.dma_semaphore, #tpu.memory_space<semaphore_mem>>) src(%arg8 : memref<8192xf32, #tpu.memory_space<vmem>>) dst(%dma_wait3A_245 : memref<8192xf32, #tpu.memory_space<hbm>>)
        tpu.yield
      }) : () -> ()
    }
    %scan3A_5 = arith.constant 8 : i32
    return
  }
}

#map = affine_map<(d0, d1) -> (0, 0)>
#map1 = affine_map<(d0, d1) -> (0)>
module attributes {stable_mosaic.version = 14 : i64} {
  func.func @body(%arg0: i32, %arg1: i32, %arg2: memref<2048x512xi32, #tpu.memory_space<hbm>>, %arg3: memref<8x2048xi32, #tpu.memory_space<hbm>>, %arg4: memref<16384xi32, #tpu.memory_space<hbm>>, %arg5: memref<16384x128xf32, #tpu.memory_space<hbm>>, %arg6: memref<32776x512xi32, #tpu.memory_space<hbm>>, %arg7: memref<32776x128xf32, #tpu.memory_space<hbm>>, %arg8: memref<32x512xi32, #tpu.memory_space<vmem>>, %arg9: memref<256x128xf32, #tpu.memory_space<vmem>>, %arg10: memref<256xi32, #tpu.memory_space<vmem>>, %arg11: memref<32xi32, #tpu.memory_space<vmem>>, %arg12: memref<32xi32, #tpu.memory_space<vmem>>, %arg13: memref<32xi32, #tpu.memory_space<vmem>>, %arg14: memref<32xi32, #tpu.memory_space<vmem>>, %arg15: memref<32xi32, #tpu.memory_space<vmem>>, %arg16: memref<32xi32, #tpu.memory_space<vmem>>, %arg17: memref<32xi32, #tpu.memory_space<vmem>>, %arg18: memref<32xi32, #tpu.memory_space<vmem>>, %arg19: memref<!tpu.dma_semaphore, #tpu.memory_space<semaphore_mem>>) attributes {dimension_semantics = [#tpu.dimension_semantics<core_parallel>, #tpu.dimension_semantics<subcore_parallel>], iteration_bounds = array<i64: 2, 16>, scalar_prefetch = 0 : i64, scratch_operands = 12 : i64, tpu.core_type = #tpu.core_type<sc_vector_subcore>, window_params = [{transform_indices = #map}, {transform_indices = #map}, {transform_indices = #map1}, {transform_indices = #map}, {transform_indices = #map}, {transform_indices = #map}]} {
    %mul3A = arith.constant 2 : i32
    %mul3A_0 = arith.muli %arg1, %mul3A : i32
    %add3A = arith.addi %mul3A_0, %arg0 : i32
    %mul3A_1 = arith.constant 64 : i32
    %mul3A_2 = arith.muli %add3A, %mul3A_1 : i32
    %add3A_3 = arith.constant 0 : i32
    %add3A_4 = arith.addi %mul3A_2, %add3A_3 : i32
    %mul3A_5 = arith.constant 8 : i32
    %mul3A_6 = arith.muli %add3A_4, %mul3A_5 : i32
    %dma_start3A = arith.constant 0 : i32
    %dma_start3A_7 = tpu.memref_slice %arg2[%add3A_4, %dma_start3A] : memref<2048x512xi32, #tpu.memory_space<hbm>> -> memref<32x512xi32, #tpu.memory_space<hbm>>
    %dma_start3A_8 = arith.constant 0 : i32
    %dma_start3A_9 = tpu.memref_slice %arg2[%add3A_4, %dma_start3A_8] : memref<2048x512xi32, #tpu.memory_space<hbm>> -> memref<32x512xi32, #tpu.memory_space<hbm>>
    tpu.enqueue_dma source(%dma_start3A_9 : memref<32x512xi32, #tpu.memory_space<hbm>>) target(%arg8 : memref<32x512xi32, #tpu.memory_space<vmem>>) target_semaphore(%arg19 : memref<!tpu.dma_semaphore, #tpu.memory_space<semaphore_mem>>)
    %dma_start3A_10 = tpu.memref_slice %arg4[%mul3A_6] : memref<16384xi32, #tpu.memory_space<hbm>> -> memref<256xi32, #tpu.memory_space<hbm>>
    %dma_start3A_11 = tpu.memref_slice %arg4[%mul3A_6] : memref<16384xi32, #tpu.memory_space<hbm>> -> memref<256xi32, #tpu.memory_space<hbm>>
    tpu.enqueue_dma source(%dma_start3A_11 : memref<256xi32, #tpu.memory_space<hbm>>) target(%arg10 : memref<256xi32, #tpu.memory_space<vmem>>) target_semaphore(%arg19 : memref<!tpu.dma_semaphore, #tpu.memory_space<semaphore_mem>>)
    %dma_start3A_12 = arith.constant 0 : i32
    %dma_start3A_13 = tpu.memref_slice %arg5[%mul3A_6, %dma_start3A_12] : memref<16384x128xf32, #tpu.memory_space<hbm>> -> memref<256x128xf32, #tpu.memory_space<hbm>>
    %dma_start3A_14 = arith.constant 0 : i32
    %dma_start3A_15 = tpu.memref_slice %arg5[%mul3A_6, %dma_start3A_14] : memref<16384x128xf32, #tpu.memory_space<hbm>> -> memref<256x128xf32, #tpu.memory_space<hbm>>
    tpu.enqueue_dma source(%dma_start3A_15 : memref<256x128xf32, #tpu.memory_space<hbm>>) target(%arg9 : memref<256x128xf32, #tpu.memory_space<vmem>>) target_semaphore(%arg19 : memref<!tpu.dma_semaphore, #tpu.memory_space<semaphore_mem>>)
    %dma_start3A_16 = arith.constant 0 : i32
    %dma_start3A_17 = tpu.memref_slice %arg3[%dma_start3A_16, %add3A_4] : memref<8x2048xi32, #tpu.memory_space<hbm>> -> memref<1x32xi32, #tpu.memory_space<hbm>>
    %dma_start3A_18 = tpu.memref_squeeze %dma_start3A_17 : memref<1x32xi32, #tpu.memory_space<hbm>> -> memref<32xi32, #tpu.memory_space<hbm>>
    %dma_start3A_19 = tpu.memref_slice %arg3[%dma_start3A_16, %add3A_4] : memref<8x2048xi32, #tpu.memory_space<hbm>> -> memref<1x32xi32, #tpu.memory_space<hbm>>
    %dma_start3A_20 = tpu.memref_squeeze %dma_start3A_19 : memref<1x32xi32, #tpu.memory_space<hbm>> -> memref<32xi32, #tpu.memory_space<hbm>>
    tpu.enqueue_dma source(%dma_start3A_20 : memref<32xi32, #tpu.memory_space<hbm>>) target(%arg11 : memref<32xi32, #tpu.memory_space<vmem>>) target_semaphore(%arg19 : memref<!tpu.dma_semaphore, #tpu.memory_space<semaphore_mem>>)
    %dma_start3A_21 = arith.constant 1 : i32
    %dma_start3A_22 = tpu.memref_slice %arg3[%dma_start3A_21, %add3A_4] : memref<8x2048xi32, #tpu.memory_space<hbm>> -> memref<1x32xi32, #tpu.memory_space<hbm>>
    %dma_start3A_23 = tpu.memref_squeeze %dma_start3A_22 : memref<1x32xi32, #tpu.memory_space<hbm>> -> memref<32xi32, #tpu.memory_space<hbm>>
    %dma_start3A_24 = tpu.memref_slice %arg3[%dma_start3A_21, %add3A_4] : memref<8x2048xi32, #tpu.memory_space<hbm>> -> memref<1x32xi32, #tpu.memory_space<hbm>>
    %dma_start3A_25 = tpu.memref_squeeze %dma_start3A_24 : memref<1x32xi32, #tpu.memory_space<hbm>> -> memref<32xi32, #tpu.memory_space<hbm>>
    tpu.enqueue_dma source(%dma_start3A_25 : memref<32xi32, #tpu.memory_space<hbm>>) target(%arg12 : memref<32xi32, #tpu.memory_space<vmem>>) target_semaphore(%arg19 : memref<!tpu.dma_semaphore, #tpu.memory_space<semaphore_mem>>)
    %dma_start3A_26 = arith.constant 2 : i32
    %dma_start3A_27 = tpu.memref_slice %arg3[%dma_start3A_26, %add3A_4] : memref<8x2048xi32, #tpu.memory_space<hbm>> -> memref<1x32xi32, #tpu.memory_space<hbm>>
    %dma_start3A_28 = tpu.memref_squeeze %dma_start3A_27 : memref<1x32xi32, #tpu.memory_space<hbm>> -> memref<32xi32, #tpu.memory_space<hbm>>
    %dma_start3A_29 = tpu.memref_slice %arg3[%dma_start3A_26, %add3A_4] : memref<8x2048xi32, #tpu.memory_space<hbm>> -> memref<1x32xi32, #tpu.memory_space<hbm>>
    %dma_start3A_30 = tpu.memref_squeeze %dma_start3A_29 : memref<1x32xi32, #tpu.memory_space<hbm>> -> memref<32xi32, #tpu.memory_space<hbm>>
    tpu.enqueue_dma source(%dma_start3A_30 : memref<32xi32, #tpu.memory_space<hbm>>) target(%arg13 : memref<32xi32, #tpu.memory_space<vmem>>) target_semaphore(%arg19 : memref<!tpu.dma_semaphore, #tpu.memory_space<semaphore_mem>>)
    %dma_start3A_31 = arith.constant 3 : i32
    %dma_start3A_32 = tpu.memref_slice %arg3[%dma_start3A_31, %add3A_4] : memref<8x2048xi32, #tpu.memory_space<hbm>> -> memref<1x32xi32, #tpu.memory_space<hbm>>
    %dma_start3A_33 = tpu.memref_squeeze %dma_start3A_32 : memref<1x32xi32, #tpu.memory_space<hbm>> -> memref<32xi32, #tpu.memory_space<hbm>>
    %dma_start3A_34 = tpu.memref_slice %arg3[%dma_start3A_31, %add3A_4] : memref<8x2048xi32, #tpu.memory_space<hbm>> -> memref<1x32xi32, #tpu.memory_space<hbm>>
    %dma_start3A_35 = tpu.memref_squeeze %dma_start3A_34 : memref<1x32xi32, #tpu.memory_space<hbm>> -> memref<32xi32, #tpu.memory_space<hbm>>
    tpu.enqueue_dma source(%dma_start3A_35 : memref<32xi32, #tpu.memory_space<hbm>>) target(%arg14 : memref<32xi32, #tpu.memory_space<vmem>>) target_semaphore(%arg19 : memref<!tpu.dma_semaphore, #tpu.memory_space<semaphore_mem>>)
    %dma_start3A_36 = arith.constant 4 : i32
    %dma_start3A_37 = tpu.memref_slice %arg3[%dma_start3A_36, %add3A_4] : memref<8x2048xi32, #tpu.memory_space<hbm>> -> memref<1x32xi32, #tpu.memory_space<hbm>>
    %dma_start3A_38 = tpu.memref_squeeze %dma_start3A_37 : memref<1x32xi32, #tpu.memory_space<hbm>> -> memref<32xi32, #tpu.memory_space<hbm>>
    %dma_start3A_39 = tpu.memref_slice %arg3[%dma_start3A_36, %add3A_4] : memref<8x2048xi32, #tpu.memory_space<hbm>> -> memref<1x32xi32, #tpu.memory_space<hbm>>
    %dma_start3A_40 = tpu.memref_squeeze %dma_start3A_39 : memref<1x32xi32, #tpu.memory_space<hbm>> -> memref<32xi32, #tpu.memory_space<hbm>>
    tpu.enqueue_dma source(%dma_start3A_40 : memref<32xi32, #tpu.memory_space<hbm>>) target(%arg15 : memref<32xi32, #tpu.memory_space<vmem>>) target_semaphore(%arg19 : memref<!tpu.dma_semaphore, #tpu.memory_space<semaphore_mem>>)
    %dma_start3A_41 = arith.constant 5 : i32
    %dma_start3A_42 = tpu.memref_slice %arg3[%dma_start3A_41, %add3A_4] : memref<8x2048xi32, #tpu.memory_space<hbm>> -> memref<1x32xi32, #tpu.memory_space<hbm>>
    %dma_start3A_43 = tpu.memref_squeeze %dma_start3A_42 : memref<1x32xi32, #tpu.memory_space<hbm>> -> memref<32xi32, #tpu.memory_space<hbm>>
    %dma_start3A_44 = tpu.memref_slice %arg3[%dma_start3A_41, %add3A_4] : memref<8x2048xi32, #tpu.memory_space<hbm>> -> memref<1x32xi32, #tpu.memory_space<hbm>>
    %dma_start3A_45 = tpu.memref_squeeze %dma_start3A_44 : memref<1x32xi32, #tpu.memory_space<hbm>> -> memref<32xi32, #tpu.memory_space<hbm>>
    tpu.enqueue_dma source(%dma_start3A_45 : memref<32xi32, #tpu.memory_space<hbm>>) target(%arg16 : memref<32xi32, #tpu.memory_space<vmem>>) target_semaphore(%arg19 : memref<!tpu.dma_semaphore, #tpu.memory_space<semaphore_mem>>)
    %dma_start3A_46 = arith.constant 6 : i32
    %dma_start3A_47 = tpu.memref_slice %arg3[%dma_start3A_46, %add3A_4] : memref<8x2048xi32, #tpu.memory_space<hbm>> -> memref<1x32xi32, #tpu.memory_space<hbm>>
    %dma_start3A_48 = tpu.memref_squeeze %dma_start3A_47 : memref<1x32xi32, #tpu.memory_space<hbm>> -> memref<32xi32, #tpu.memory_space<hbm>>
    %dma_start3A_49 = tpu.memref_slice %arg3[%dma_start3A_46, %add3A_4] : memref<8x2048xi32, #tpu.memory_space<hbm>> -> memref<1x32xi32, #tpu.memory_space<hbm>>
    %dma_start3A_50 = tpu.memref_squeeze %dma_start3A_49 : memref<1x32xi32, #tpu.memory_space<hbm>> -> memref<32xi32, #tpu.memory_space<hbm>>
    tpu.enqueue_dma source(%dma_start3A_50 : memref<32xi32, #tpu.memory_space<hbm>>) target(%arg17 : memref<32xi32, #tpu.memory_space<vmem>>) target_semaphore(%arg19 : memref<!tpu.dma_semaphore, #tpu.memory_space<semaphore_mem>>)
    %dma_start3A_51 = arith.constant 7 : i32
    %dma_start3A_52 = tpu.memref_slice %arg3[%dma_start3A_51, %add3A_4] : memref<8x2048xi32, #tpu.memory_space<hbm>> -> memref<1x32xi32, #tpu.memory_space<hbm>>
    %dma_start3A_53 = tpu.memref_squeeze %dma_start3A_52 : memref<1x32xi32, #tpu.memory_space<hbm>> -> memref<32xi32, #tpu.memory_space<hbm>>
    %dma_start3A_54 = tpu.memref_slice %arg3[%dma_start3A_51, %add3A_4] : memref<8x2048xi32, #tpu.memory_space<hbm>> -> memref<1x32xi32, #tpu.memory_space<hbm>>
    %dma_start3A_55 = tpu.memref_squeeze %dma_start3A_54 : memref<1x32xi32, #tpu.memory_space<hbm>> -> memref<32xi32, #tpu.memory_space<hbm>>
    tpu.enqueue_dma source(%dma_start3A_55 : memref<32xi32, #tpu.memory_space<hbm>>) target(%arg18 : memref<32xi32, #tpu.memory_space<vmem>>) target_semaphore(%arg19 : memref<!tpu.dma_semaphore, #tpu.memory_space<semaphore_mem>>)
    %dma_wait3A = arith.constant 0 : i32
    %dma_wait3A_56 = tpu.memref_slice %arg2[%add3A_4, %dma_wait3A] : memref<2048x512xi32, #tpu.memory_space<hbm>> -> memref<32x512xi32, #tpu.memory_space<hbm>>
    %dma_wait3A_57 = arith.constant 0 : i32
    %dma_wait3A_58 = tpu.memref_slice %arg2[%add3A_4, %dma_wait3A_57] : memref<2048x512xi32, #tpu.memory_space<hbm>> -> memref<32x512xi32, #tpu.memory_space<hbm>>
    tpu.wait_dma2 semaphore(%arg19 : memref<!tpu.dma_semaphore, #tpu.memory_space<semaphore_mem>>) src(%dma_wait3A_58 : memref<32x512xi32, #tpu.memory_space<hbm>>) dst(%arg8 : memref<32x512xi32, #tpu.memory_space<vmem>>)
    %dma_wait3A_59 = tpu.memref_slice %arg4[%mul3A_6] : memref<16384xi32, #tpu.memory_space<hbm>> -> memref<256xi32, #tpu.memory_space<hbm>>
    %dma_wait3A_60 = tpu.memref_slice %arg4[%mul3A_6] : memref<16384xi32, #tpu.memory_space<hbm>> -> memref<256xi32, #tpu.memory_space<hbm>>
    tpu.wait_dma2 semaphore(%arg19 : memref<!tpu.dma_semaphore, #tpu.memory_space<semaphore_mem>>) src(%dma_wait3A_60 : memref<256xi32, #tpu.memory_space<hbm>>) dst(%arg10 : memref<256xi32, #tpu.memory_space<vmem>>)
    %dma_wait3A_61 = arith.constant 0 : i32
    %dma_wait3A_62 = tpu.memref_slice %arg5[%mul3A_6, %dma_wait3A_61] : memref<16384x128xf32, #tpu.memory_space<hbm>> -> memref<256x128xf32, #tpu.memory_space<hbm>>
    %dma_wait3A_63 = arith.constant 0 : i32
    %dma_wait3A_64 = tpu.memref_slice %arg5[%mul3A_6, %dma_wait3A_63] : memref<16384x128xf32, #tpu.memory_space<hbm>> -> memref<256x128xf32, #tpu.memory_space<hbm>>
    tpu.wait_dma2 semaphore(%arg19 : memref<!tpu.dma_semaphore, #tpu.memory_space<semaphore_mem>>) src(%dma_wait3A_64 : memref<256x128xf32, #tpu.memory_space<hbm>>) dst(%arg9 : memref<256x128xf32, #tpu.memory_space<vmem>>)
    %dma_wait3A_65 = arith.constant 0 : i32
    %dma_wait3A_66 = tpu.memref_slice %arg3[%dma_wait3A_65, %add3A_4] : memref<8x2048xi32, #tpu.memory_space<hbm>> -> memref<1x32xi32, #tpu.memory_space<hbm>>
    %dma_wait3A_67 = tpu.memref_squeeze %dma_wait3A_66 : memref<1x32xi32, #tpu.memory_space<hbm>> -> memref<32xi32, #tpu.memory_space<hbm>>
    %dma_wait3A_68 = tpu.memref_slice %arg3[%dma_wait3A_65, %add3A_4] : memref<8x2048xi32, #tpu.memory_space<hbm>> -> memref<1x32xi32, #tpu.memory_space<hbm>>
    %dma_wait3A_69 = tpu.memref_squeeze %dma_wait3A_68 : memref<1x32xi32, #tpu.memory_space<hbm>> -> memref<32xi32, #tpu.memory_space<hbm>>
    tpu.wait_dma2 semaphore(%arg19 : memref<!tpu.dma_semaphore, #tpu.memory_space<semaphore_mem>>) src(%dma_wait3A_69 : memref<32xi32, #tpu.memory_space<hbm>>) dst(%arg11 : memref<32xi32, #tpu.memory_space<vmem>>)
    %dma_wait3A_70 = arith.constant 1 : i32
    %dma_wait3A_71 = tpu.memref_slice %arg3[%dma_wait3A_70, %add3A_4] : memref<8x2048xi32, #tpu.memory_space<hbm>> -> memref<1x32xi32, #tpu.memory_space<hbm>>
    %dma_wait3A_72 = tpu.memref_squeeze %dma_wait3A_71 : memref<1x32xi32, #tpu.memory_space<hbm>> -> memref<32xi32, #tpu.memory_space<hbm>>
    %dma_wait3A_73 = tpu.memref_slice %arg3[%dma_wait3A_70, %add3A_4] : memref<8x2048xi32, #tpu.memory_space<hbm>> -> memref<1x32xi32, #tpu.memory_space<hbm>>
    %dma_wait3A_74 = tpu.memref_squeeze %dma_wait3A_73 : memref<1x32xi32, #tpu.memory_space<hbm>> -> memref<32xi32, #tpu.memory_space<hbm>>
    tpu.wait_dma2 semaphore(%arg19 : memref<!tpu.dma_semaphore, #tpu.memory_space<semaphore_mem>>) src(%dma_wait3A_74 : memref<32xi32, #tpu.memory_space<hbm>>) dst(%arg12 : memref<32xi32, #tpu.memory_space<vmem>>)
    %dma_wait3A_75 = arith.constant 2 : i32
    %dma_wait3A_76 = tpu.memref_slice %arg3[%dma_wait3A_75, %add3A_4] : memref<8x2048xi32, #tpu.memory_space<hbm>> -> memref<1x32xi32, #tpu.memory_space<hbm>>
    %dma_wait3A_77 = tpu.memref_squeeze %dma_wait3A_76 : memref<1x32xi32, #tpu.memory_space<hbm>> -> memref<32xi32, #tpu.memory_space<hbm>>
    %dma_wait3A_78 = tpu.memref_slice %arg3[%dma_wait3A_75, %add3A_4] : memref<8x2048xi32, #tpu.memory_space<hbm>> -> memref<1x32xi32, #tpu.memory_space<hbm>>
    %dma_wait3A_79 = tpu.memref_squeeze %dma_wait3A_78 : memref<1x32xi32, #tpu.memory_space<hbm>> -> memref<32xi32, #tpu.memory_space<hbm>>
    tpu.wait_dma2 semaphore(%arg19 : memref<!tpu.dma_semaphore, #tpu.memory_space<semaphore_mem>>) src(%dma_wait3A_79 : memref<32xi32, #tpu.memory_space<hbm>>) dst(%arg13 : memref<32xi32, #tpu.memory_space<vmem>>)
    %dma_wait3A_80 = arith.constant 3 : i32
    %dma_wait3A_81 = tpu.memref_slice %arg3[%dma_wait3A_80, %add3A_4] : memref<8x2048xi32, #tpu.memory_space<hbm>> -> memref<1x32xi32, #tpu.memory_space<hbm>>
    %dma_wait3A_82 = tpu.memref_squeeze %dma_wait3A_81 : memref<1x32xi32, #tpu.memory_space<hbm>> -> memref<32xi32, #tpu.memory_space<hbm>>
    %dma_wait3A_83 = tpu.memref_slice %arg3[%dma_wait3A_80, %add3A_4] : memref<8x2048xi32, #tpu.memory_space<hbm>> -> memref<1x32xi32, #tpu.memory_space<hbm>>
    %dma_wait3A_84 = tpu.memref_squeeze %dma_wait3A_83 : memref<1x32xi32, #tpu.memory_space<hbm>> -> memref<32xi32, #tpu.memory_space<hbm>>
    tpu.wait_dma2 semaphore(%arg19 : memref<!tpu.dma_semaphore, #tpu.memory_space<semaphore_mem>>) src(%dma_wait3A_84 : memref<32xi32, #tpu.memory_space<hbm>>) dst(%arg14 : memref<32xi32, #tpu.memory_space<vmem>>)
    %dma_wait3A_85 = arith.constant 4 : i32
    %dma_wait3A_86 = tpu.memref_slice %arg3[%dma_wait3A_85, %add3A_4] : memref<8x2048xi32, #tpu.memory_space<hbm>> -> memref<1x32xi32, #tpu.memory_space<hbm>>
    %dma_wait3A_87 = tpu.memref_squeeze %dma_wait3A_86 : memref<1x32xi32, #tpu.memory_space<hbm>> -> memref<32xi32, #tpu.memory_space<hbm>>
    %dma_wait3A_88 = tpu.memref_slice %arg3[%dma_wait3A_85, %add3A_4] : memref<8x2048xi32, #tpu.memory_space<hbm>> -> memref<1x32xi32, #tpu.memory_space<hbm>>
    %dma_wait3A_89 = tpu.memref_squeeze %dma_wait3A_88 : memref<1x32xi32, #tpu.memory_space<hbm>> -> memref<32xi32, #tpu.memory_space<hbm>>
    tpu.wait_dma2 semaphore(%arg19 : memref<!tpu.dma_semaphore, #tpu.memory_space<semaphore_mem>>) src(%dma_wait3A_89 : memref<32xi32, #tpu.memory_space<hbm>>) dst(%arg15 : memref<32xi32, #tpu.memory_space<vmem>>)
    %dma_wait3A_90 = arith.constant 5 : i32
    %dma_wait3A_91 = tpu.memref_slice %arg3[%dma_wait3A_90, %add3A_4] : memref<8x2048xi32, #tpu.memory_space<hbm>> -> memref<1x32xi32, #tpu.memory_space<hbm>>
    %dma_wait3A_92 = tpu.memref_squeeze %dma_wait3A_91 : memref<1x32xi32, #tpu.memory_space<hbm>> -> memref<32xi32, #tpu.memory_space<hbm>>
    %dma_wait3A_93 = tpu.memref_slice %arg3[%dma_wait3A_90, %add3A_4] : memref<8x2048xi32, #tpu.memory_space<hbm>> -> memref<1x32xi32, #tpu.memory_space<hbm>>
    %dma_wait3A_94 = tpu.memref_squeeze %dma_wait3A_93 : memref<1x32xi32, #tpu.memory_space<hbm>> -> memref<32xi32, #tpu.memory_space<hbm>>
    tpu.wait_dma2 semaphore(%arg19 : memref<!tpu.dma_semaphore, #tpu.memory_space<semaphore_mem>>) src(%dma_wait3A_94 : memref<32xi32, #tpu.memory_space<hbm>>) dst(%arg16 : memref<32xi32, #tpu.memory_space<vmem>>)
    %dma_wait3A_95 = arith.constant 6 : i32
    %dma_wait3A_96 = tpu.memref_slice %arg3[%dma_wait3A_95, %add3A_4] : memref<8x2048xi32, #tpu.memory_space<hbm>> -> memref<1x32xi32, #tpu.memory_space<hbm>>
    %dma_wait3A_97 = tpu.memref_squeeze %dma_wait3A_96 : memref<1x32xi32, #tpu.memory_space<hbm>> -> memref<32xi32, #tpu.memory_space<hbm>>
    %dma_wait3A_98 = tpu.memref_slice %arg3[%dma_wait3A_95, %add3A_4] : memref<8x2048xi32, #tpu.memory_space<hbm>> -> memref<1x32xi32, #tpu.memory_space<hbm>>
    %dma_wait3A_99 = tpu.memref_squeeze %dma_wait3A_98 : memref<1x32xi32, #tpu.memory_space<hbm>> -> memref<32xi32, #tpu.memory_space<hbm>>
    tpu.wait_dma2 semaphore(%arg19 : memref<!tpu.dma_semaphore, #tpu.memory_space<semaphore_mem>>) src(%dma_wait3A_99 : memref<32xi32, #tpu.memory_space<hbm>>) dst(%arg17 : memref<32xi32, #tpu.memory_space<vmem>>)
    %dma_wait3A_100 = arith.constant 7 : i32
    %dma_wait3A_101 = tpu.memref_slice %arg3[%dma_wait3A_100, %add3A_4] : memref<8x2048xi32, #tpu.memory_space<hbm>> -> memref<1x32xi32, #tpu.memory_space<hbm>>
    %dma_wait3A_102 = tpu.memref_squeeze %dma_wait3A_101 : memref<1x32xi32, #tpu.memory_space<hbm>> -> memref<32xi32, #tpu.memory_space<hbm>>
    %dma_wait3A_103 = tpu.memref_slice %arg3[%dma_wait3A_100, %add3A_4] : memref<8x2048xi32, #tpu.memory_space<hbm>> -> memref<1x32xi32, #tpu.memory_space<hbm>>
    %dma_wait3A_104 = tpu.memref_squeeze %dma_wait3A_103 : memref<1x32xi32, #tpu.memory_space<hbm>> -> memref<32xi32, #tpu.memory_space<hbm>>
    tpu.wait_dma2 semaphore(%arg19 : memref<!tpu.dma_semaphore, #tpu.memory_space<semaphore_mem>>) src(%dma_wait3A_104 : memref<32xi32, #tpu.memory_space<hbm>>) dst(%arg18 : memref<32xi32, #tpu.memory_space<vmem>>)
    %dma_start3A_105 = arith.constant 0 : i32
    %dma_start3A_106 = arith.constant 0 : i32
    %dma_start3A_107 = tpu.memref_slice %arg6[%dma_start3A_105, %dma_start3A_106] : memref<32776x512xi32, #tpu.memory_space<hbm>> -> memref<32776x512xi32, #tpu.memory_space<hbm>>
    tpu.enqueue_indirect_dma source(%arg8 : memref<32x512xi32, #tpu.memory_space<vmem>>) target(%dma_start3A_107 : memref<32776x512xi32, #tpu.memory_space<hbm>>) offsets(%arg11 : memref<32xi32, #tpu.memory_space<vmem>>) semaphore(%arg19 : memref<!tpu.dma_semaphore, #tpu.memory_space<semaphore_mem>>)
    %dma_start3A_108 = arith.constant 0 : i32
    %dma_start3A_109 = arith.constant 0 : i32
    %dma_start3A_110 = tpu.memref_slice %arg6[%dma_start3A_108, %dma_start3A_109] : memref<32776x512xi32, #tpu.memory_space<hbm>> -> memref<32776x512xi32, #tpu.memory_space<hbm>>
    tpu.enqueue_indirect_dma source(%arg8 : memref<32x512xi32, #tpu.memory_space<vmem>>) target(%dma_start3A_110 : memref<32776x512xi32, #tpu.memory_space<hbm>>) offsets(%arg12 : memref<32xi32, #tpu.memory_space<vmem>>) semaphore(%arg19 : memref<!tpu.dma_semaphore, #tpu.memory_space<semaphore_mem>>)
    %dma_start3A_111 = arith.constant 0 : i32
    %dma_start3A_112 = arith.constant 0 : i32
    %dma_start3A_113 = tpu.memref_slice %arg6[%dma_start3A_111, %dma_start3A_112] : memref<32776x512xi32, #tpu.memory_space<hbm>> -> memref<32776x512xi32, #tpu.memory_space<hbm>>
    tpu.enqueue_indirect_dma source(%arg8 : memref<32x512xi32, #tpu.memory_space<vmem>>) target(%dma_start3A_113 : memref<32776x512xi32, #tpu.memory_space<hbm>>) offsets(%arg13 : memref<32xi32, #tpu.memory_space<vmem>>) semaphore(%arg19 : memref<!tpu.dma_semaphore, #tpu.memory_space<semaphore_mem>>)
    %dma_start3A_114 = arith.constant 0 : i32
    %dma_start3A_115 = arith.constant 0 : i32
    %dma_start3A_116 = tpu.memref_slice %arg6[%dma_start3A_114, %dma_start3A_115] : memref<32776x512xi32, #tpu.memory_space<hbm>> -> memref<32776x512xi32, #tpu.memory_space<hbm>>
    tpu.enqueue_indirect_dma source(%arg8 : memref<32x512xi32, #tpu.memory_space<vmem>>) target(%dma_start3A_116 : memref<32776x512xi32, #tpu.memory_space<hbm>>) offsets(%arg14 : memref<32xi32, #tpu.memory_space<vmem>>) semaphore(%arg19 : memref<!tpu.dma_semaphore, #tpu.memory_space<semaphore_mem>>)
    %dma_start3A_117 = arith.constant 0 : i32
    %dma_start3A_118 = arith.constant 0 : i32
    %dma_start3A_119 = tpu.memref_slice %arg6[%dma_start3A_117, %dma_start3A_118] : memref<32776x512xi32, #tpu.memory_space<hbm>> -> memref<32776x512xi32, #tpu.memory_space<hbm>>
    tpu.enqueue_indirect_dma source(%arg8 : memref<32x512xi32, #tpu.memory_space<vmem>>) target(%dma_start3A_119 : memref<32776x512xi32, #tpu.memory_space<hbm>>) offsets(%arg15 : memref<32xi32, #tpu.memory_space<vmem>>) semaphore(%arg19 : memref<!tpu.dma_semaphore, #tpu.memory_space<semaphore_mem>>)
    %dma_start3A_120 = arith.constant 0 : i32
    %dma_start3A_121 = arith.constant 0 : i32
    %dma_start3A_122 = tpu.memref_slice %arg6[%dma_start3A_120, %dma_start3A_121] : memref<32776x512xi32, #tpu.memory_space<hbm>> -> memref<32776x512xi32, #tpu.memory_space<hbm>>
    tpu.enqueue_indirect_dma source(%arg8 : memref<32x512xi32, #tpu.memory_space<vmem>>) target(%dma_start3A_122 : memref<32776x512xi32, #tpu.memory_space<hbm>>) offsets(%arg16 : memref<32xi32, #tpu.memory_space<vmem>>) semaphore(%arg19 : memref<!tpu.dma_semaphore, #tpu.memory_space<semaphore_mem>>)
    %dma_start3A_123 = arith.constant 0 : i32
    %dma_start3A_124 = arith.constant 0 : i32
    %dma_start3A_125 = tpu.memref_slice %arg6[%dma_start3A_123, %dma_start3A_124] : memref<32776x512xi32, #tpu.memory_space<hbm>> -> memref<32776x512xi32, #tpu.memory_space<hbm>>
    tpu.enqueue_indirect_dma source(%arg8 : memref<32x512xi32, #tpu.memory_space<vmem>>) target(%dma_start3A_125 : memref<32776x512xi32, #tpu.memory_space<hbm>>) offsets(%arg17 : memref<32xi32, #tpu.memory_space<vmem>>) semaphore(%arg19 : memref<!tpu.dma_semaphore, #tpu.memory_space<semaphore_mem>>)
    %dma_start3A_126 = arith.constant 0 : i32
    %dma_start3A_127 = arith.constant 0 : i32
    %dma_start3A_128 = tpu.memref_slice %arg6[%dma_start3A_126, %dma_start3A_127] : memref<32776x512xi32, #tpu.memory_space<hbm>> -> memref<32776x512xi32, #tpu.memory_space<hbm>>
    tpu.enqueue_indirect_dma source(%arg8 : memref<32x512xi32, #tpu.memory_space<vmem>>) target(%dma_start3A_128 : memref<32776x512xi32, #tpu.memory_space<hbm>>) offsets(%arg18 : memref<32xi32, #tpu.memory_space<vmem>>) semaphore(%arg19 : memref<!tpu.dma_semaphore, #tpu.memory_space<semaphore_mem>>)
    %dma_start3A_129 = arith.constant 0 : i32
    %dma_start3A_130 = arith.constant 0 : i32
    %dma_start3A_131 = tpu.memref_slice %arg7[%dma_start3A_129, %dma_start3A_130] : memref<32776x128xf32, #tpu.memory_space<hbm>> -> memref<32776x128xf32, #tpu.memory_space<hbm>>
    tpu.enqueue_indirect_dma source(%arg9 : memref<256x128xf32, #tpu.memory_space<vmem>>) target(%dma_start3A_131 : memref<32776x128xf32, #tpu.memory_space<hbm>>) offsets(%arg10 : memref<256xi32, #tpu.memory_space<vmem>>) semaphore(%arg19 : memref<!tpu.dma_semaphore, #tpu.memory_space<semaphore_mem>>)
    %dma_wait3A_132 = arith.constant 0 : i32
    %dma_wait3A_133 = arith.constant 0 : i32
    %dma_wait3A_134 = tpu.memref_slice %arg6[%dma_wait3A_132, %dma_wait3A_133] : memref<32776x512xi32, #tpu.memory_space<hbm>> -> memref<32776x512xi32, #tpu.memory_space<hbm>>
    tpu.wait_indirect_dma semaphore(%arg19 : memref<!tpu.dma_semaphore, #tpu.memory_space<semaphore_mem>>) src(%arg8 : memref<32x512xi32, #tpu.memory_space<vmem>>) dst(%dma_wait3A_134 : memref<32776x512xi32, #tpu.memory_space<hbm>>)
    %dma_wait3A_135 = arith.constant 0 : i32
    %dma_wait3A_136 = arith.constant 0 : i32
    %dma_wait3A_137 = tpu.memref_slice %arg6[%dma_wait3A_135, %dma_wait3A_136] : memref<32776x512xi32, #tpu.memory_space<hbm>> -> memref<32776x512xi32, #tpu.memory_space<hbm>>
    tpu.wait_indirect_dma semaphore(%arg19 : memref<!tpu.dma_semaphore, #tpu.memory_space<semaphore_mem>>) src(%arg8 : memref<32x512xi32, #tpu.memory_space<vmem>>) dst(%dma_wait3A_137 : memref<32776x512xi32, #tpu.memory_space<hbm>>)
    %dma_wait3A_138 = arith.constant 0 : i32
    %dma_wait3A_139 = arith.constant 0 : i32
    %dma_wait3A_140 = tpu.memref_slice %arg6[%dma_wait3A_138, %dma_wait3A_139] : memref<32776x512xi32, #tpu.memory_space<hbm>> -> memref<32776x512xi32, #tpu.memory_space<hbm>>
    tpu.wait_indirect_dma semaphore(%arg19 : memref<!tpu.dma_semaphore, #tpu.memory_space<semaphore_mem>>) src(%arg8 : memref<32x512xi32, #tpu.memory_space<vmem>>) dst(%dma_wait3A_140 : memref<32776x512xi32, #tpu.memory_space<hbm>>)
    %dma_wait3A_141 = arith.constant 0 : i32
    %dma_wait3A_142 = arith.constant 0 : i32
    %dma_wait3A_143 = tpu.memref_slice %arg6[%dma_wait3A_141, %dma_wait3A_142] : memref<32776x512xi32, #tpu.memory_space<hbm>> -> memref<32776x512xi32, #tpu.memory_space<hbm>>
    tpu.wait_indirect_dma semaphore(%arg19 : memref<!tpu.dma_semaphore, #tpu.memory_space<semaphore_mem>>) src(%arg8 : memref<32x512xi32, #tpu.memory_space<vmem>>) dst(%dma_wait3A_143 : memref<32776x512xi32, #tpu.memory_space<hbm>>)
    %dma_wait3A_144 = arith.constant 0 : i32
    %dma_wait3A_145 = arith.constant 0 : i32
    %dma_wait3A_146 = tpu.memref_slice %arg6[%dma_wait3A_144, %dma_wait3A_145] : memref<32776x512xi32, #tpu.memory_space<hbm>> -> memref<32776x512xi32, #tpu.memory_space<hbm>>
    tpu.wait_indirect_dma semaphore(%arg19 : memref<!tpu.dma_semaphore, #tpu.memory_space<semaphore_mem>>) src(%arg8 : memref<32x512xi32, #tpu.memory_space<vmem>>) dst(%dma_wait3A_146 : memref<32776x512xi32, #tpu.memory_space<hbm>>)
    %dma_wait3A_147 = arith.constant 0 : i32
    %dma_wait3A_148 = arith.constant 0 : i32
    %dma_wait3A_149 = tpu.memref_slice %arg6[%dma_wait3A_147, %dma_wait3A_148] : memref<32776x512xi32, #tpu.memory_space<hbm>> -> memref<32776x512xi32, #tpu.memory_space<hbm>>
    tpu.wait_indirect_dma semaphore(%arg19 : memref<!tpu.dma_semaphore, #tpu.memory_space<semaphore_mem>>) src(%arg8 : memref<32x512xi32, #tpu.memory_space<vmem>>) dst(%dma_wait3A_149 : memref<32776x512xi32, #tpu.memory_space<hbm>>)
    %dma_wait3A_150 = arith.constant 0 : i32
    %dma_wait3A_151 = arith.constant 0 : i32
    %dma_wait3A_152 = tpu.memref_slice %arg6[%dma_wait3A_150, %dma_wait3A_151] : memref<32776x512xi32, #tpu.memory_space<hbm>> -> memref<32776x512xi32, #tpu.memory_space<hbm>>
    tpu.wait_indirect_dma semaphore(%arg19 : memref<!tpu.dma_semaphore, #tpu.memory_space<semaphore_mem>>) src(%arg8 : memref<32x512xi32, #tpu.memory_space<vmem>>) dst(%dma_wait3A_152 : memref<32776x512xi32, #tpu.memory_space<hbm>>)
    %dma_wait3A_153 = arith.constant 0 : i32
    %dma_wait3A_154 = arith.constant 0 : i32
    %dma_wait3A_155 = tpu.memref_slice %arg6[%dma_wait3A_153, %dma_wait3A_154] : memref<32776x512xi32, #tpu.memory_space<hbm>> -> memref<32776x512xi32, #tpu.memory_space<hbm>>
    tpu.wait_indirect_dma semaphore(%arg19 : memref<!tpu.dma_semaphore, #tpu.memory_space<semaphore_mem>>) src(%arg8 : memref<32x512xi32, #tpu.memory_space<vmem>>) dst(%dma_wait3A_155 : memref<32776x512xi32, #tpu.memory_space<hbm>>)
    %dma_wait3A_156 = arith.constant 0 : i32
    %dma_wait3A_157 = arith.constant 0 : i32
    %dma_wait3A_158 = tpu.memref_slice %arg7[%dma_wait3A_156, %dma_wait3A_157] : memref<32776x128xf32, #tpu.memory_space<hbm>> -> memref<32776x128xf32, #tpu.memory_space<hbm>>
    tpu.wait_indirect_dma semaphore(%arg19 : memref<!tpu.dma_semaphore, #tpu.memory_space<semaphore_mem>>) src(%arg9 : memref<256x128xf32, #tpu.memory_space<vmem>>) dst(%dma_wait3A_158 : memref<32776x128xf32, #tpu.memory_space<hbm>>)
    %mul3A_159 = arith.constant 64 : i32
    %mul3A_160 = arith.muli %add3A, %mul3A_159 : i32
    %add3A_161 = arith.constant 32 : i32
    %add3A_162 = arith.addi %mul3A_160, %add3A_161 : i32
    %mul3A_163 = arith.constant 8 : i32
    %mul3A_164 = arith.muli %add3A_162, %mul3A_163 : i32
    %dma_start3A_165 = arith.constant 0 : i32
    %dma_start3A_166 = tpu.memref_slice %arg2[%add3A_162, %dma_start3A_165] : memref<2048x512xi32, #tpu.memory_space<hbm>> -> memref<32x512xi32, #tpu.memory_space<hbm>>
    %dma_start3A_167 = arith.constant 0 : i32
    %dma_start3A_168 = tpu.memref_slice %arg2[%add3A_162, %dma_start3A_167] : memref<2048x512xi32, #tpu.memory_space<hbm>> -> memref<32x512xi32, #tpu.memory_space<hbm>>
    tpu.enqueue_dma source(%dma_start3A_168 : memref<32x512xi32, #tpu.memory_space<hbm>>) target(%arg8 : memref<32x512xi32, #tpu.memory_space<vmem>>) target_semaphore(%arg19 : memref<!tpu.dma_semaphore, #tpu.memory_space<semaphore_mem>>)
    %dma_start3A_169 = tpu.memref_slice %arg4[%mul3A_164] : memref<16384xi32, #tpu.memory_space<hbm>> -> memref<256xi32, #tpu.memory_space<hbm>>
    %dma_start3A_170 = tpu.memref_slice %arg4[%mul3A_164] : memref<16384xi32, #tpu.memory_space<hbm>> -> memref<256xi32, #tpu.memory_space<hbm>>
    tpu.enqueue_dma source(%dma_start3A_170 : memref<256xi32, #tpu.memory_space<hbm>>) target(%arg10 : memref<256xi32, #tpu.memory_space<vmem>>) target_semaphore(%arg19 : memref<!tpu.dma_semaphore, #tpu.memory_space<semaphore_mem>>)
    %dma_start3A_171 = arith.constant 0 : i32
    %dma_start3A_172 = tpu.memref_slice %arg5[%mul3A_164, %dma_start3A_171] : memref<16384x128xf32, #tpu.memory_space<hbm>> -> memref<256x128xf32, #tpu.memory_space<hbm>>
    %dma_start3A_173 = arith.constant 0 : i32
    %dma_start3A_174 = tpu.memref_slice %arg5[%mul3A_164, %dma_start3A_173] : memref<16384x128xf32, #tpu.memory_space<hbm>> -> memref<256x128xf32, #tpu.memory_space<hbm>>
    tpu.enqueue_dma source(%dma_start3A_174 : memref<256x128xf32, #tpu.memory_space<hbm>>) target(%arg9 : memref<256x128xf32, #tpu.memory_space<vmem>>) target_semaphore(%arg19 : memref<!tpu.dma_semaphore, #tpu.memory_space<semaphore_mem>>)
    %dma_start3A_175 = arith.constant 0 : i32
    %dma_start3A_176 = tpu.memref_slice %arg3[%dma_start3A_175, %add3A_162] : memref<8x2048xi32, #tpu.memory_space<hbm>> -> memref<1x32xi32, #tpu.memory_space<hbm>>
    %dma_start3A_177 = tpu.memref_squeeze %dma_start3A_176 : memref<1x32xi32, #tpu.memory_space<hbm>> -> memref<32xi32, #tpu.memory_space<hbm>>
    %dma_start3A_178 = tpu.memref_slice %arg3[%dma_start3A_175, %add3A_162] : memref<8x2048xi32, #tpu.memory_space<hbm>> -> memref<1x32xi32, #tpu.memory_space<hbm>>
    %dma_start3A_179 = tpu.memref_squeeze %dma_start3A_178 : memref<1x32xi32, #tpu.memory_space<hbm>> -> memref<32xi32, #tpu.memory_space<hbm>>
    tpu.enqueue_dma source(%dma_start3A_179 : memref<32xi32, #tpu.memory_space<hbm>>) target(%arg11 : memref<32xi32, #tpu.memory_space<vmem>>) target_semaphore(%arg19 : memref<!tpu.dma_semaphore, #tpu.memory_space<semaphore_mem>>)
    %dma_start3A_180 = arith.constant 1 : i32
    %dma_start3A_181 = tpu.memref_slice %arg3[%dma_start3A_180, %add3A_162] : memref<8x2048xi32, #tpu.memory_space<hbm>> -> memref<1x32xi32, #tpu.memory_space<hbm>>
    %dma_start3A_182 = tpu.memref_squeeze %dma_start3A_181 : memref<1x32xi32, #tpu.memory_space<hbm>> -> memref<32xi32, #tpu.memory_space<hbm>>
    %dma_start3A_183 = tpu.memref_slice %arg3[%dma_start3A_180, %add3A_162] : memref<8x2048xi32, #tpu.memory_space<hbm>> -> memref<1x32xi32, #tpu.memory_space<hbm>>
    %dma_start3A_184 = tpu.memref_squeeze %dma_start3A_183 : memref<1x32xi32, #tpu.memory_space<hbm>> -> memref<32xi32, #tpu.memory_space<hbm>>
    tpu.enqueue_dma source(%dma_start3A_184 : memref<32xi32, #tpu.memory_space<hbm>>) target(%arg12 : memref<32xi32, #tpu.memory_space<vmem>>) target_semaphore(%arg19 : memref<!tpu.dma_semaphore, #tpu.memory_space<semaphore_mem>>)
    %dma_start3A_185 = arith.constant 2 : i32
    %dma_start3A_186 = tpu.memref_slice %arg3[%dma_start3A_185, %add3A_162] : memref<8x2048xi32, #tpu.memory_space<hbm>> -> memref<1x32xi32, #tpu.memory_space<hbm>>
    %dma_start3A_187 = tpu.memref_squeeze %dma_start3A_186 : memref<1x32xi32, #tpu.memory_space<hbm>> -> memref<32xi32, #tpu.memory_space<hbm>>
    %dma_start3A_188 = tpu.memref_slice %arg3[%dma_start3A_185, %add3A_162] : memref<8x2048xi32, #tpu.memory_space<hbm>> -> memref<1x32xi32, #tpu.memory_space<hbm>>
    %dma_start3A_189 = tpu.memref_squeeze %dma_start3A_188 : memref<1x32xi32, #tpu.memory_space<hbm>> -> memref<32xi32, #tpu.memory_space<hbm>>
    tpu.enqueue_dma source(%dma_start3A_189 : memref<32xi32, #tpu.memory_space<hbm>>) target(%arg13 : memref<32xi32, #tpu.memory_space<vmem>>) target_semaphore(%arg19 : memref<!tpu.dma_semaphore, #tpu.memory_space<semaphore_mem>>)
    %dma_start3A_190 = arith.constant 3 : i32
    %dma_start3A_191 = tpu.memref_slice %arg3[%dma_start3A_190, %add3A_162] : memref<8x2048xi32, #tpu.memory_space<hbm>> -> memref<1x32xi32, #tpu.memory_space<hbm>>
    %dma_start3A_192 = tpu.memref_squeeze %dma_start3A_191 : memref<1x32xi32, #tpu.memory_space<hbm>> -> memref<32xi32, #tpu.memory_space<hbm>>
    %dma_start3A_193 = tpu.memref_slice %arg3[%dma_start3A_190, %add3A_162] : memref<8x2048xi32, #tpu.memory_space<hbm>> -> memref<1x32xi32, #tpu.memory_space<hbm>>
    %dma_start3A_194 = tpu.memref_squeeze %dma_start3A_193 : memref<1x32xi32, #tpu.memory_space<hbm>> -> memref<32xi32, #tpu.memory_space<hbm>>
    tpu.enqueue_dma source(%dma_start3A_194 : memref<32xi32, #tpu.memory_space<hbm>>) target(%arg14 : memref<32xi32, #tpu.memory_space<vmem>>) target_semaphore(%arg19 : memref<!tpu.dma_semaphore, #tpu.memory_space<semaphore_mem>>)
    %dma_start3A_195 = arith.constant 4 : i32
    %dma_start3A_196 = tpu.memref_slice %arg3[%dma_start3A_195, %add3A_162] : memref<8x2048xi32, #tpu.memory_space<hbm>> -> memref<1x32xi32, #tpu.memory_space<hbm>>
    %dma_start3A_197 = tpu.memref_squeeze %dma_start3A_196 : memref<1x32xi32, #tpu.memory_space<hbm>> -> memref<32xi32, #tpu.memory_space<hbm>>
    %dma_start3A_198 = tpu.memref_slice %arg3[%dma_start3A_195, %add3A_162] : memref<8x2048xi32, #tpu.memory_space<hbm>> -> memref<1x32xi32, #tpu.memory_space<hbm>>
    %dma_start3A_199 = tpu.memref_squeeze %dma_start3A_198 : memref<1x32xi32, #tpu.memory_space<hbm>> -> memref<32xi32, #tpu.memory_space<hbm>>
    tpu.enqueue_dma source(%dma_start3A_199 : memref<32xi32, #tpu.memory_space<hbm>>) target(%arg15 : memref<32xi32, #tpu.memory_space<vmem>>) target_semaphore(%arg19 : memref<!tpu.dma_semaphore, #tpu.memory_space<semaphore_mem>>)
    %dma_start3A_200 = arith.constant 5 : i32
    %dma_start3A_201 = tpu.memref_slice %arg3[%dma_start3A_200, %add3A_162] : memref<8x2048xi32, #tpu.memory_space<hbm>> -> memref<1x32xi32, #tpu.memory_space<hbm>>
    %dma_start3A_202 = tpu.memref_squeeze %dma_start3A_201 : memref<1x32xi32, #tpu.memory_space<hbm>> -> memref<32xi32, #tpu.memory_space<hbm>>
    %dma_start3A_203 = tpu.memref_slice %arg3[%dma_start3A_200, %add3A_162] : memref<8x2048xi32, #tpu.memory_space<hbm>> -> memref<1x32xi32, #tpu.memory_space<hbm>>
    %dma_start3A_204 = tpu.memref_squeeze %dma_start3A_203 : memref<1x32xi32, #tpu.memory_space<hbm>> -> memref<32xi32, #tpu.memory_space<hbm>>
    tpu.enqueue_dma source(%dma_start3A_204 : memref<32xi32, #tpu.memory_space<hbm>>) target(%arg16 : memref<32xi32, #tpu.memory_space<vmem>>) target_semaphore(%arg19 : memref<!tpu.dma_semaphore, #tpu.memory_space<semaphore_mem>>)
    %dma_start3A_205 = arith.constant 6 : i32
    %dma_start3A_206 = tpu.memref_slice %arg3[%dma_start3A_205, %add3A_162] : memref<8x2048xi32, #tpu.memory_space<hbm>> -> memref<1x32xi32, #tpu.memory_space<hbm>>
    %dma_start3A_207 = tpu.memref_squeeze %dma_start3A_206 : memref<1x32xi32, #tpu.memory_space<hbm>> -> memref<32xi32, #tpu.memory_space<hbm>>
    %dma_start3A_208 = tpu.memref_slice %arg3[%dma_start3A_205, %add3A_162] : memref<8x2048xi32, #tpu.memory_space<hbm>> -> memref<1x32xi32, #tpu.memory_space<hbm>>
    %dma_start3A_209 = tpu.memref_squeeze %dma_start3A_208 : memref<1x32xi32, #tpu.memory_space<hbm>> -> memref<32xi32, #tpu.memory_space<hbm>>
    tpu.enqueue_dma source(%dma_start3A_209 : memref<32xi32, #tpu.memory_space<hbm>>) target(%arg17 : memref<32xi32, #tpu.memory_space<vmem>>) target_semaphore(%arg19 : memref<!tpu.dma_semaphore, #tpu.memory_space<semaphore_mem>>)
    %dma_start3A_210 = arith.constant 7 : i32
    %dma_start3A_211 = tpu.memref_slice %arg3[%dma_start3A_210, %add3A_162] : memref<8x2048xi32, #tpu.memory_space<hbm>> -> memref<1x32xi32, #tpu.memory_space<hbm>>
    %dma_start3A_212 = tpu.memref_squeeze %dma_start3A_211 : memref<1x32xi32, #tpu.memory_space<hbm>> -> memref<32xi32, #tpu.memory_space<hbm>>
    %dma_start3A_213 = tpu.memref_slice %arg3[%dma_start3A_210, %add3A_162] : memref<8x2048xi32, #tpu.memory_space<hbm>> -> memref<1x32xi32, #tpu.memory_space<hbm>>
    %dma_start3A_214 = tpu.memref_squeeze %dma_start3A_213 : memref<1x32xi32, #tpu.memory_space<hbm>> -> memref<32xi32, #tpu.memory_space<hbm>>
    tpu.enqueue_dma source(%dma_start3A_214 : memref<32xi32, #tpu.memory_space<hbm>>) target(%arg18 : memref<32xi32, #tpu.memory_space<vmem>>) target_semaphore(%arg19 : memref<!tpu.dma_semaphore, #tpu.memory_space<semaphore_mem>>)
    %dma_wait3A_215 = arith.constant 0 : i32
    %dma_wait3A_216 = tpu.memref_slice %arg2[%add3A_162, %dma_wait3A_215] : memref<2048x512xi32, #tpu.memory_space<hbm>> -> memref<32x512xi32, #tpu.memory_space<hbm>>
    %dma_wait3A_217 = arith.constant 0 : i32
    %dma_wait3A_218 = tpu.memref_slice %arg2[%add3A_162, %dma_wait3A_217] : memref<2048x512xi32, #tpu.memory_space<hbm>> -> memref<32x512xi32, #tpu.memory_space<hbm>>
    tpu.wait_dma2 semaphore(%arg19 : memref<!tpu.dma_semaphore, #tpu.memory_space<semaphore_mem>>) src(%dma_wait3A_218 : memref<32x512xi32, #tpu.memory_space<hbm>>) dst(%arg8 : memref<32x512xi32, #tpu.memory_space<vmem>>)
    %dma_wait3A_219 = tpu.memref_slice %arg4[%mul3A_164] : memref<16384xi32, #tpu.memory_space<hbm>> -> memref<256xi32, #tpu.memory_space<hbm>>
    %dma_wait3A_220 = tpu.memref_slice %arg4[%mul3A_164] : memref<16384xi32, #tpu.memory_space<hbm>> -> memref<256xi32, #tpu.memory_space<hbm>>
    tpu.wait_dma2 semaphore(%arg19 : memref<!tpu.dma_semaphore, #tpu.memory_space<semaphore_mem>>) src(%dma_wait3A_220 : memref<256xi32, #tpu.memory_space<hbm>>) dst(%arg10 : memref<256xi32, #tpu.memory_space<vmem>>)
    %dma_wait3A_221 = arith.constant 0 : i32
    %dma_wait3A_222 = tpu.memref_slice %arg5[%mul3A_164, %dma_wait3A_221] : memref<16384x128xf32, #tpu.memory_space<hbm>> -> memref<256x128xf32, #tpu.memory_space<hbm>>
    %dma_wait3A_223 = arith.constant 0 : i32
    %dma_wait3A_224 = tpu.memref_slice %arg5[%mul3A_164, %dma_wait3A_223] : memref<16384x128xf32, #tpu.memory_space<hbm>> -> memref<256x128xf32, #tpu.memory_space<hbm>>
    tpu.wait_dma2 semaphore(%arg19 : memref<!tpu.dma_semaphore, #tpu.memory_space<semaphore_mem>>) src(%dma_wait3A_224 : memref<256x128xf32, #tpu.memory_space<hbm>>) dst(%arg9 : memref<256x128xf32, #tpu.memory_space<vmem>>)
    %dma_wait3A_225 = arith.constant 0 : i32
    %dma_wait3A_226 = tpu.memref_slice %arg3[%dma_wait3A_225, %add3A_162] : memref<8x2048xi32, #tpu.memory_space<hbm>> -> memref<1x32xi32, #tpu.memory_space<hbm>>
    %dma_wait3A_227 = tpu.memref_squeeze %dma_wait3A_226 : memref<1x32xi32, #tpu.memory_space<hbm>> -> memref<32xi32, #tpu.memory_space<hbm>>
    %dma_wait3A_228 = tpu.memref_slice %arg3[%dma_wait3A_225, %add3A_162] : memref<8x2048xi32, #tpu.memory_space<hbm>> -> memref<1x32xi32, #tpu.memory_space<hbm>>
    %dma_wait3A_229 = tpu.memref_squeeze %dma_wait3A_228 : memref<1x32xi32, #tpu.memory_space<hbm>> -> memref<32xi32, #tpu.memory_space<hbm>>
    tpu.wait_dma2 semaphore(%arg19 : memref<!tpu.dma_semaphore, #tpu.memory_space<semaphore_mem>>) src(%dma_wait3A_229 : memref<32xi32, #tpu.memory_space<hbm>>) dst(%arg11 : memref<32xi32, #tpu.memory_space<vmem>>)
    %dma_wait3A_230 = arith.constant 1 : i32
    %dma_wait3A_231 = tpu.memref_slice %arg3[%dma_wait3A_230, %add3A_162] : memref<8x2048xi32, #tpu.memory_space<hbm>> -> memref<1x32xi32, #tpu.memory_space<hbm>>
    %dma_wait3A_232 = tpu.memref_squeeze %dma_wait3A_231 : memref<1x32xi32, #tpu.memory_space<hbm>> -> memref<32xi32, #tpu.memory_space<hbm>>
    %dma_wait3A_233 = tpu.memref_slice %arg3[%dma_wait3A_230, %add3A_162] : memref<8x2048xi32, #tpu.memory_space<hbm>> -> memref<1x32xi32, #tpu.memory_space<hbm>>
    %dma_wait3A_234 = tpu.memref_squeeze %dma_wait3A_233 : memref<1x32xi32, #tpu.memory_space<hbm>> -> memref<32xi32, #tpu.memory_space<hbm>>
    tpu.wait_dma2 semaphore(%arg19 : memref<!tpu.dma_semaphore, #tpu.memory_space<semaphore_mem>>) src(%dma_wait3A_234 : memref<32xi32, #tpu.memory_space<hbm>>) dst(%arg12 : memref<32xi32, #tpu.memory_space<vmem>>)
    %dma_wait3A_235 = arith.constant 2 : i32
    %dma_wait3A_236 = tpu.memref_slice %arg3[%dma_wait3A_235, %add3A_162] : memref<8x2048xi32, #tpu.memory_space<hbm>> -> memref<1x32xi32, #tpu.memory_space<hbm>>
    %dma_wait3A_237 = tpu.memref_squeeze %dma_wait3A_236 : memref<1x32xi32, #tpu.memory_space<hbm>> -> memref<32xi32, #tpu.memory_space<hbm>>
    %dma_wait3A_238 = tpu.memref_slice %arg3[%dma_wait3A_235, %add3A_162] : memref<8x2048xi32, #tpu.memory_space<hbm>> -> memref<1x32xi32, #tpu.memory_space<hbm>>
    %dma_wait3A_239 = tpu.memref_squeeze %dma_wait3A_238 : memref<1x32xi32, #tpu.memory_space<hbm>> -> memref<32xi32, #tpu.memory_space<hbm>>
    tpu.wait_dma2 semaphore(%arg19 : memref<!tpu.dma_semaphore, #tpu.memory_space<semaphore_mem>>) src(%dma_wait3A_239 : memref<32xi32, #tpu.memory_space<hbm>>) dst(%arg13 : memref<32xi32, #tpu.memory_space<vmem>>)
    %dma_wait3A_240 = arith.constant 3 : i32
    %dma_wait3A_241 = tpu.memref_slice %arg3[%dma_wait3A_240, %add3A_162] : memref<8x2048xi32, #tpu.memory_space<hbm>> -> memref<1x32xi32, #tpu.memory_space<hbm>>
    %dma_wait3A_242 = tpu.memref_squeeze %dma_wait3A_241 : memref<1x32xi32, #tpu.memory_space<hbm>> -> memref<32xi32, #tpu.memory_space<hbm>>
    %dma_wait3A_243 = tpu.memref_slice %arg3[%dma_wait3A_240, %add3A_162] : memref<8x2048xi32, #tpu.memory_space<hbm>> -> memref<1x32xi32, #tpu.memory_space<hbm>>
    %dma_wait3A_244 = tpu.memref_squeeze %dma_wait3A_243 : memref<1x32xi32, #tpu.memory_space<hbm>> -> memref<32xi32, #tpu.memory_space<hbm>>
    tpu.wait_dma2 semaphore(%arg19 : memref<!tpu.dma_semaphore, #tpu.memory_space<semaphore_mem>>) src(%dma_wait3A_244 : memref<32xi32, #tpu.memory_space<hbm>>) dst(%arg14 : memref<32xi32, #tpu.memory_space<vmem>>)
    %dma_wait3A_245 = arith.constant 4 : i32
    %dma_wait3A_246 = tpu.memref_slice %arg3[%dma_wait3A_245, %add3A_162] : memref<8x2048xi32, #tpu.memory_space<hbm>> -> memref<1x32xi32, #tpu.memory_space<hbm>>
    %dma_wait3A_247 = tpu.memref_squeeze %dma_wait3A_246 : memref<1x32xi32, #tpu.memory_space<hbm>> -> memref<32xi32, #tpu.memory_space<hbm>>
    %dma_wait3A_248 = tpu.memref_slice %arg3[%dma_wait3A_245, %add3A_162] : memref<8x2048xi32, #tpu.memory_space<hbm>> -> memref<1x32xi32, #tpu.memory_space<hbm>>
    %dma_wait3A_249 = tpu.memref_squeeze %dma_wait3A_248 : memref<1x32xi32, #tpu.memory_space<hbm>> -> memref<32xi32, #tpu.memory_space<hbm>>
    tpu.wait_dma2 semaphore(%arg19 : memref<!tpu.dma_semaphore, #tpu.memory_space<semaphore_mem>>) src(%dma_wait3A_249 : memref<32xi32, #tpu.memory_space<hbm>>) dst(%arg15 : memref<32xi32, #tpu.memory_space<vmem>>)
    %dma_wait3A_250 = arith.constant 5 : i32
    %dma_wait3A_251 = tpu.memref_slice %arg3[%dma_wait3A_250, %add3A_162] : memref<8x2048xi32, #tpu.memory_space<hbm>> -> memref<1x32xi32, #tpu.memory_space<hbm>>
    %dma_wait3A_252 = tpu.memref_squeeze %dma_wait3A_251 : memref<1x32xi32, #tpu.memory_space<hbm>> -> memref<32xi32, #tpu.memory_space<hbm>>
    %dma_wait3A_253 = tpu.memref_slice %arg3[%dma_wait3A_250, %add3A_162] : memref<8x2048xi32, #tpu.memory_space<hbm>> -> memref<1x32xi32, #tpu.memory_space<hbm>>
    %dma_wait3A_254 = tpu.memref_squeeze %dma_wait3A_253 : memref<1x32xi32, #tpu.memory_space<hbm>> -> memref<32xi32, #tpu.memory_space<hbm>>
    tpu.wait_dma2 semaphore(%arg19 : memref<!tpu.dma_semaphore, #tpu.memory_space<semaphore_mem>>) src(%dma_wait3A_254 : memref<32xi32, #tpu.memory_space<hbm>>) dst(%arg16 : memref<32xi32, #tpu.memory_space<vmem>>)
    %dma_wait3A_255 = arith.constant 6 : i32
    %dma_wait3A_256 = tpu.memref_slice %arg3[%dma_wait3A_255, %add3A_162] : memref<8x2048xi32, #tpu.memory_space<hbm>> -> memref<1x32xi32, #tpu.memory_space<hbm>>
    %dma_wait3A_257 = tpu.memref_squeeze %dma_wait3A_256 : memref<1x32xi32, #tpu.memory_space<hbm>> -> memref<32xi32, #tpu.memory_space<hbm>>
    %dma_wait3A_258 = tpu.memref_slice %arg3[%dma_wait3A_255, %add3A_162] : memref<8x2048xi32, #tpu.memory_space<hbm>> -> memref<1x32xi32, #tpu.memory_space<hbm>>
    %dma_wait3A_259 = tpu.memref_squeeze %dma_wait3A_258 : memref<1x32xi32, #tpu.memory_space<hbm>> -> memref<32xi32, #tpu.memory_space<hbm>>
    tpu.wait_dma2 semaphore(%arg19 : memref<!tpu.dma_semaphore, #tpu.memory_space<semaphore_mem>>) src(%dma_wait3A_259 : memref<32xi32, #tpu.memory_space<hbm>>) dst(%arg17 : memref<32xi32, #tpu.memory_space<vmem>>)
    %dma_wait3A_260 = arith.constant 7 : i32
    %dma_wait3A_261 = tpu.memref_slice %arg3[%dma_wait3A_260, %add3A_162] : memref<8x2048xi32, #tpu.memory_space<hbm>> -> memref<1x32xi32, #tpu.memory_space<hbm>>
    %dma_wait3A_262 = tpu.memref_squeeze %dma_wait3A_261 : memref<1x32xi32, #tpu.memory_space<hbm>> -> memref<32xi32, #tpu.memory_space<hbm>>
    %dma_wait3A_263 = tpu.memref_slice %arg3[%dma_wait3A_260, %add3A_162] : memref<8x2048xi32, #tpu.memory_space<hbm>> -> memref<1x32xi32, #tpu.memory_space<hbm>>
    %dma_wait3A_264 = tpu.memref_squeeze %dma_wait3A_263 : memref<1x32xi32, #tpu.memory_space<hbm>> -> memref<32xi32, #tpu.memory_space<hbm>>
    tpu.wait_dma2 semaphore(%arg19 : memref<!tpu.dma_semaphore, #tpu.memory_space<semaphore_mem>>) src(%dma_wait3A_264 : memref<32xi32, #tpu.memory_space<hbm>>) dst(%arg18 : memref<32xi32, #tpu.memory_space<vmem>>)
    %dma_start3A_265 = arith.constant 0 : i32
    %dma_start3A_266 = arith.constant 0 : i32
    %dma_start3A_267 = tpu.memref_slice %arg6[%dma_start3A_265, %dma_start3A_266] : memref<32776x512xi32, #tpu.memory_space<hbm>> -> memref<32776x512xi32, #tpu.memory_space<hbm>>
    tpu.enqueue_indirect_dma source(%arg8 : memref<32x512xi32, #tpu.memory_space<vmem>>) target(%dma_start3A_267 : memref<32776x512xi32, #tpu.memory_space<hbm>>) offsets(%arg11 : memref<32xi32, #tpu.memory_space<vmem>>) semaphore(%arg19 : memref<!tpu.dma_semaphore, #tpu.memory_space<semaphore_mem>>)
    %dma_start3A_268 = arith.constant 0 : i32
    %dma_start3A_269 = arith.constant 0 : i32
    %dma_start3A_270 = tpu.memref_slice %arg6[%dma_start3A_268, %dma_start3A_269] : memref<32776x512xi32, #tpu.memory_space<hbm>> -> memref<32776x512xi32, #tpu.memory_space<hbm>>
    tpu.enqueue_indirect_dma source(%arg8 : memref<32x512xi32, #tpu.memory_space<vmem>>) target(%dma_start3A_270 : memref<32776x512xi32, #tpu.memory_space<hbm>>) offsets(%arg12 : memref<32xi32, #tpu.memory_space<vmem>>) semaphore(%arg19 : memref<!tpu.dma_semaphore, #tpu.memory_space<semaphore_mem>>)
    %dma_start3A_271 = arith.constant 0 : i32
    %dma_start3A_272 = arith.constant 0 : i32
    %dma_start3A_273 = tpu.memref_slice %arg6[%dma_start3A_271, %dma_start3A_272] : memref<32776x512xi32, #tpu.memory_space<hbm>> -> memref<32776x512xi32, #tpu.memory_space<hbm>>
    tpu.enqueue_indirect_dma source(%arg8 : memref<32x512xi32, #tpu.memory_space<vmem>>) target(%dma_start3A_273 : memref<32776x512xi32, #tpu.memory_space<hbm>>) offsets(%arg13 : memref<32xi32, #tpu.memory_space<vmem>>) semaphore(%arg19 : memref<!tpu.dma_semaphore, #tpu.memory_space<semaphore_mem>>)
    %dma_start3A_274 = arith.constant 0 : i32
    %dma_start3A_275 = arith.constant 0 : i32
    %dma_start3A_276 = tpu.memref_slice %arg6[%dma_start3A_274, %dma_start3A_275] : memref<32776x512xi32, #tpu.memory_space<hbm>> -> memref<32776x512xi32, #tpu.memory_space<hbm>>
    tpu.enqueue_indirect_dma source(%arg8 : memref<32x512xi32, #tpu.memory_space<vmem>>) target(%dma_start3A_276 : memref<32776x512xi32, #tpu.memory_space<hbm>>) offsets(%arg14 : memref<32xi32, #tpu.memory_space<vmem>>) semaphore(%arg19 : memref<!tpu.dma_semaphore, #tpu.memory_space<semaphore_mem>>)
    %dma_start3A_277 = arith.constant 0 : i32
    %dma_start3A_278 = arith.constant 0 : i32
    %dma_start3A_279 = tpu.memref_slice %arg6[%dma_start3A_277, %dma_start3A_278] : memref<32776x512xi32, #tpu.memory_space<hbm>> -> memref<32776x512xi32, #tpu.memory_space<hbm>>
    tpu.enqueue_indirect_dma source(%arg8 : memref<32x512xi32, #tpu.memory_space<vmem>>) target(%dma_start3A_279 : memref<32776x512xi32, #tpu.memory_space<hbm>>) offsets(%arg15 : memref<32xi32, #tpu.memory_space<vmem>>) semaphore(%arg19 : memref<!tpu.dma_semaphore, #tpu.memory_space<semaphore_mem>>)
    %dma_start3A_280 = arith.constant 0 : i32
    %dma_start3A_281 = arith.constant 0 : i32
    %dma_start3A_282 = tpu.memref_slice %arg6[%dma_start3A_280, %dma_start3A_281] : memref<32776x512xi32, #tpu.memory_space<hbm>> -> memref<32776x512xi32, #tpu.memory_space<hbm>>
    tpu.enqueue_indirect_dma source(%arg8 : memref<32x512xi32, #tpu.memory_space<vmem>>) target(%dma_start3A_282 : memref<32776x512xi32, #tpu.memory_space<hbm>>) offsets(%arg16 : memref<32xi32, #tpu.memory_space<vmem>>) semaphore(%arg19 : memref<!tpu.dma_semaphore, #tpu.memory_space<semaphore_mem>>)
    %dma_start3A_283 = arith.constant 0 : i32
    %dma_start3A_284 = arith.constant 0 : i32
    %dma_start3A_285 = tpu.memref_slice %arg6[%dma_start3A_283, %dma_start3A_284] : memref<32776x512xi32, #tpu.memory_space<hbm>> -> memref<32776x512xi32, #tpu.memory_space<hbm>>
    tpu.enqueue_indirect_dma source(%arg8 : memref<32x512xi32, #tpu.memory_space<vmem>>) target(%dma_start3A_285 : memref<32776x512xi32, #tpu.memory_space<hbm>>) offsets(%arg17 : memref<32xi32, #tpu.memory_space<vmem>>) semaphore(%arg19 : memref<!tpu.dma_semaphore, #tpu.memory_space<semaphore_mem>>)
    %dma_start3A_286 = arith.constant 0 : i32
    %dma_start3A_287 = arith.constant 0 : i32
    %dma_start3A_288 = tpu.memref_slice %arg6[%dma_start3A_286, %dma_start3A_287] : memref<32776x512xi32, #tpu.memory_space<hbm>> -> memref<32776x512xi32, #tpu.memory_space<hbm>>
    tpu.enqueue_indirect_dma source(%arg8 : memref<32x512xi32, #tpu.memory_space<vmem>>) target(%dma_start3A_288 : memref<32776x512xi32, #tpu.memory_space<hbm>>) offsets(%arg18 : memref<32xi32, #tpu.memory_space<vmem>>) semaphore(%arg19 : memref<!tpu.dma_semaphore, #tpu.memory_space<semaphore_mem>>)
    %dma_start3A_289 = arith.constant 0 : i32
    %dma_start3A_290 = arith.constant 0 : i32
    %dma_start3A_291 = tpu.memref_slice %arg7[%dma_start3A_289, %dma_start3A_290] : memref<32776x128xf32, #tpu.memory_space<hbm>> -> memref<32776x128xf32, #tpu.memory_space<hbm>>
    tpu.enqueue_indirect_dma source(%arg9 : memref<256x128xf32, #tpu.memory_space<vmem>>) target(%dma_start3A_291 : memref<32776x128xf32, #tpu.memory_space<hbm>>) offsets(%arg10 : memref<256xi32, #tpu.memory_space<vmem>>) semaphore(%arg19 : memref<!tpu.dma_semaphore, #tpu.memory_space<semaphore_mem>>)
    %dma_wait3A_292 = arith.constant 0 : i32
    %dma_wait3A_293 = arith.constant 0 : i32
    %dma_wait3A_294 = tpu.memref_slice %arg6[%dma_wait3A_292, %dma_wait3A_293] : memref<32776x512xi32, #tpu.memory_space<hbm>> -> memref<32776x512xi32, #tpu.memory_space<hbm>>
    tpu.wait_indirect_dma semaphore(%arg19 : memref<!tpu.dma_semaphore, #tpu.memory_space<semaphore_mem>>) src(%arg8 : memref<32x512xi32, #tpu.memory_space<vmem>>) dst(%dma_wait3A_294 : memref<32776x512xi32, #tpu.memory_space<hbm>>)
    %dma_wait3A_295 = arith.constant 0 : i32
    %dma_wait3A_296 = arith.constant 0 : i32
    %dma_wait3A_297 = tpu.memref_slice %arg6[%dma_wait3A_295, %dma_wait3A_296] : memref<32776x512xi32, #tpu.memory_space<hbm>> -> memref<32776x512xi32, #tpu.memory_space<hbm>>
    tpu.wait_indirect_dma semaphore(%arg19 : memref<!tpu.dma_semaphore, #tpu.memory_space<semaphore_mem>>) src(%arg8 : memref<32x512xi32, #tpu.memory_space<vmem>>) dst(%dma_wait3A_297 : memref<32776x512xi32, #tpu.memory_space<hbm>>)
    %dma_wait3A_298 = arith.constant 0 : i32
    %dma_wait3A_299 = arith.constant 0 : i32
    %dma_wait3A_300 = tpu.memref_slice %arg6[%dma_wait3A_298, %dma_wait3A_299] : memref<32776x512xi32, #tpu.memory_space<hbm>> -> memref<32776x512xi32, #tpu.memory_space<hbm>>
    tpu.wait_indirect_dma semaphore(%arg19 : memref<!tpu.dma_semaphore, #tpu.memory_space<semaphore_mem>>) src(%arg8 : memref<32x512xi32, #tpu.memory_space<vmem>>) dst(%dma_wait3A_300 : memref<32776x512xi32, #tpu.memory_space<hbm>>)
    %dma_wait3A_301 = arith.constant 0 : i32
    %dma_wait3A_302 = arith.constant 0 : i32
    %dma_wait3A_303 = tpu.memref_slice %arg6[%dma_wait3A_301, %dma_wait3A_302] : memref<32776x512xi32, #tpu.memory_space<hbm>> -> memref<32776x512xi32, #tpu.memory_space<hbm>>
    tpu.wait_indirect_dma semaphore(%arg19 : memref<!tpu.dma_semaphore, #tpu.memory_space<semaphore_mem>>) src(%arg8 : memref<32x512xi32, #tpu.memory_space<vmem>>) dst(%dma_wait3A_303 : memref<32776x512xi32, #tpu.memory_space<hbm>>)
    %dma_wait3A_304 = arith.constant 0 : i32
    %dma_wait3A_305 = arith.constant 0 : i32
    %dma_wait3A_306 = tpu.memref_slice %arg6[%dma_wait3A_304, %dma_wait3A_305] : memref<32776x512xi32, #tpu.memory_space<hbm>> -> memref<32776x512xi32, #tpu.memory_space<hbm>>
    tpu.wait_indirect_dma semaphore(%arg19 : memref<!tpu.dma_semaphore, #tpu.memory_space<semaphore_mem>>) src(%arg8 : memref<32x512xi32, #tpu.memory_space<vmem>>) dst(%dma_wait3A_306 : memref<32776x512xi32, #tpu.memory_space<hbm>>)
    %dma_wait3A_307 = arith.constant 0 : i32
    %dma_wait3A_308 = arith.constant 0 : i32
    %dma_wait3A_309 = tpu.memref_slice %arg6[%dma_wait3A_307, %dma_wait3A_308] : memref<32776x512xi32, #tpu.memory_space<hbm>> -> memref<32776x512xi32, #tpu.memory_space<hbm>>
    tpu.wait_indirect_dma semaphore(%arg19 : memref<!tpu.dma_semaphore, #tpu.memory_space<semaphore_mem>>) src(%arg8 : memref<32x512xi32, #tpu.memory_space<vmem>>) dst(%dma_wait3A_309 : memref<32776x512xi32, #tpu.memory_space<hbm>>)
    %dma_wait3A_310 = arith.constant 0 : i32
    %dma_wait3A_311 = arith.constant 0 : i32
    %dma_wait3A_312 = tpu.memref_slice %arg6[%dma_wait3A_310, %dma_wait3A_311] : memref<32776x512xi32, #tpu.memory_space<hbm>> -> memref<32776x512xi32, #tpu.memory_space<hbm>>
    tpu.wait_indirect_dma semaphore(%arg19 : memref<!tpu.dma_semaphore, #tpu.memory_space<semaphore_mem>>) src(%arg8 : memref<32x512xi32, #tpu.memory_space<vmem>>) dst(%dma_wait3A_312 : memref<32776x512xi32, #tpu.memory_space<hbm>>)
    %dma_wait3A_313 = arith.constant 0 : i32
    %dma_wait3A_314 = arith.constant 0 : i32
    %dma_wait3A_315 = tpu.memref_slice %arg6[%dma_wait3A_313, %dma_wait3A_314] : memref<32776x512xi32, #tpu.memory_space<hbm>> -> memref<32776x512xi32, #tpu.memory_space<hbm>>
    tpu.wait_indirect_dma semaphore(%arg19 : memref<!tpu.dma_semaphore, #tpu.memory_space<semaphore_mem>>) src(%arg8 : memref<32x512xi32, #tpu.memory_space<vmem>>) dst(%dma_wait3A_315 : memref<32776x512xi32, #tpu.memory_space<hbm>>)
    %dma_wait3A_316 = arith.constant 0 : i32
    %dma_wait3A_317 = arith.constant 0 : i32
    %dma_wait3A_318 = tpu.memref_slice %arg7[%dma_wait3A_316, %dma_wait3A_317] : memref<32776x128xf32, #tpu.memory_space<hbm>> -> memref<32776x128xf32, #tpu.memory_space<hbm>>
    tpu.wait_indirect_dma semaphore(%arg19 : memref<!tpu.dma_semaphore, #tpu.memory_space<semaphore_mem>>) src(%arg9 : memref<256x128xf32, #tpu.memory_space<vmem>>) dst(%dma_wait3A_318 : memref<32776x128xf32, #tpu.memory_space<hbm>>)
    return
  }
}

module attributes {stable_mosaic.version = 14 : i64} {
  func.func @_router_body(%arg0: i32, %arg1: memref<256x1024xf32, #tpu.memory_space<vmem>>, %arg2: memref<1024x64xf32, #tpu.memory_space<vmem>>, %arg3: memref<1x64xf32, #tpu.memory_space<vmem>>, %arg4: memref<1024x256xbf16, #tpu.memory_space<vmem>>, %arg5: memref<1x256xf32, #tpu.memory_space<vmem>>, %arg6: memref<256x1024xbf16, #tpu.memory_space<vmem>>, %arg7: memref<1x1024xf32, #tpu.memory_space<vmem>>, %arg8: memref<1024x256xbf16, #tpu.memory_space<vmem>>, %arg9: memref<1x256xf32, #tpu.memory_space<vmem>>, %arg10: memref<256x1024xf32, #tpu.memory_space<vmem>>, %arg11: memref<256x64xf32, #tpu.memory_space<vmem>>, %arg12: memref<256x8xf32, #tpu.memory_space<vmem>>, %arg13: memref<256x8xi32, #tpu.memory_space<vmem>>, %arg14: memref<256x8xi32, #tpu.memory_space<vmem>>, %arg15: memref<8x256xi32, #tpu.memory_space<vmem>>, %arg16: memref<8x256xi32, #tpu.memory_space<vmem>>, %arg17: memref<256x8x128xf32, #tpu.memory_space<vmem>>, %arg18: memref<256x512xi32, #tpu.memory_space<vmem>>, %arg19: memref<8x64xi32, #tpu.memory_space<vmem>>) attributes {dimension_semantics = [#tpu.dimension_semantics<arbitrary>], iteration_bounds = array<i64: 8>, scalar_prefetch = 0 : i64, scratch_operands = 1 : i64, tpu.core_type = #tpu.core_type<tc>, window_params = [{transform_indices = @transform_0, window_bounds = array<i64: 256, 1024>}, {pipeline_mode = #tpu.pipeline_mode<synchronous>, transform_indices = @transform_1, window_bounds = array<i64: 1024, 64>}, {pipeline_mode = #tpu.pipeline_mode<synchronous>, transform_indices = @transform_2, window_bounds = array<i64: 1, 64>}, {pipeline_mode = #tpu.pipeline_mode<synchronous>, transform_indices = @transform_3, window_bounds = array<i64: 1024, 256>}, {pipeline_mode = #tpu.pipeline_mode<synchronous>, transform_indices = @transform_4, window_bounds = array<i64: 1, 256>}, {pipeline_mode = #tpu.pipeline_mode<synchronous>, transform_indices = @transform_5, window_bounds = array<i64: 256, 1024>}, {pipeline_mode = #tpu.pipeline_mode<synchronous>, transform_indices = @transform_6, window_bounds = array<i64: 1, 1024>}, {pipeline_mode = #tpu.pipeline_mode<synchronous>, transform_indices = @transform_7, window_bounds = array<i64: 1024, 256>}, {pipeline_mode = #tpu.pipeline_mode<synchronous>, transform_indices = @transform_8, window_bounds = array<i64: 1, 256>}, {transform_indices = @transform_9, window_bounds = array<i64: 256, 1024>}, {transform_indices = @transform_10, window_bounds = array<i64: 256, 64>}, {transform_indices = @transform_11, window_bounds = array<i64: 256, 8>}, {transform_indices = @transform_12, window_bounds = array<i64: 256, 8>}, {transform_indices = @transform_13, window_bounds = array<i64: 256, 8>}, {transform_indices = @transform_14, window_bounds = array<i64: 8, 256>}, {transform_indices = @transform_15, window_bounds = array<i64: 8, 256>}, {transform_indices = @transform_16, window_bounds = array<i64: 256, 8, 128>}, {transform_indices = @transform_17, window_bounds = array<i64: 256, 512>}]} {
    %eq3A = arith.constant 0 : i32
    %eq3A_0 = arith.cmpi eq, %arg0, %eq3A : i32
    %convert_element_type3A = arith.extui %eq3A_0 : i1 to i32
    %cond3A = arith.constant 0 : i32
    %cond3A_1 = arith.cmpi ne, %convert_element_type3A, %cond3A : i32
    scf.if %cond3A_1 {
      %broadcast_in_dim3A_505 = arith.constant 0 : i32
      %broadcast_in_dim3A_506 = vector.broadcast %broadcast_in_dim3A_505 : i32 to vector<8x64xi32>
      %swap3A_507 = arith.constant 0 : index
      %swap3A_508 = arith.constant 0 : index
      %swap3A_509 = vector.load %arg19[%swap3A_507, %swap3A_508] : memref<8x64xi32, #tpu.memory_space<vmem>>, vector<8x64xi32>
      tpu.vector_store %arg19[%swap3A_507, %swap3A_508], %broadcast_in_dim3A_506 {strides = array<i32>} : memref<8x64xi32, #tpu.memory_space<vmem>>, vector<8x64xi32>,
    } else {
    }
    %get3A = arith.constant 0 : index
    %get3A_2 = arith.constant 0 : index
    %get3A_3 = vector.load %arg1[%get3A, %get3A_2] : memref<256x1024xf32, #tpu.memory_space<vmem>>, vector<256x1024xf32>
    %convert_element_type3A_4 = arith.truncf %get3A_3 : vector<256x1024xf32> to vector<256x1024xbf16>
    %slice3A = vector.extract_strided_slice %convert_element_type3A_4 {offsets = [0, 0], sizes = [256, 512], strides = [1, 1]} : vector<256x1024xbf16> to vector<256x512xbf16>
    %convert_element_type3A_5 = arith.extf %slice3A : vector<256x512xbf16> to vector<256x512xf32>
    %bitcast_convert_type3A = tpu.bitcast %convert_element_type3A_5 : vector<256x512xf32> -> vector<256x512xi32>
    %slice3A_6 = vector.extract_strided_slice %convert_element_type3A_4 {offsets = [0, 512], sizes = [256, 512], strides = [1, 1]} : vector<256x1024xbf16> to vector<256x512xbf16>
    %convert_element_type3A_7 = arith.extf %slice3A_6 : vector<256x512xbf16> to vector<256x512xf32>
    %bitcast_convert_type3A_8 = tpu.bitcast %convert_element_type3A_7 : vector<256x512xf32> -> vector<256x512xi32>
    %shift_right_logical3A = arith.constant 16 : i32
    %shift_right_logical3A_9 = vector.broadcast %shift_right_logical3A : i32 to vector<256x512xi32>
    %shift_right_logical3A_10 = arith.shrui %bitcast_convert_type3A, %shift_right_logical3A_9 : vector<256x512xi32>
    %and3A = arith.constant -65536 : i32
    %and3A_11 = vector.broadcast %and3A : i32 to vector<256x512xi32>
    %and3A_12 = arith.andi %bitcast_convert_type3A_8, %and3A_11 : vector<256x512xi32>
    %or3A = arith.ori %shift_right_logical3A_10, %and3A_12 : vector<256x512xi32>
    %swap3A = arith.constant 0 : index
    %swap3A_13 = arith.constant 0 : index
    %swap3A_14 = vector.load %arg18[%swap3A, %swap3A_13] : memref<256x512xi32, #tpu.memory_space<vmem>>, vector<256x512xi32>
    tpu.vector_store %arg18[%swap3A, %swap3A_13], %or3A {strides = array<i32>} : memref<256x512xi32, #tpu.memory_space<vmem>>, vector<256x512xi32>,
    %get3A_15 = arith.constant 0 : index
    %get3A_16 = arith.constant 0 : index
    %get3A_17 = vector.load %arg2[%get3A_15, %get3A_16] : memref<1024x64xf32, #tpu.memory_space<vmem>>, vector<1024x64xf32>
    %dot_general3A = arith.constant dense<0.000000e+00> : vector<256x64xf32>
    %dot_general3A_18 = tpu.matmul %get3A_3, %get3A_17, %dot_general3A {dimension_numbers = #tpu.dot_dimension_numbers<[1], [0], [0], [1], [0, 0, 1, 1], [], []>, transpose_lhs_hint = false} : vector<256x1024xf32>, vector<1024x64xf32>, vector<256x64xf32> -> vector<256x64xf32>
    %logistic3A = arith.negf %dot_general3A_18 : vector<256x64xf32>
    %logistic3A_19 = math.exp %logistic3A : vector<256x64xf32>
    %logistic3A_20 = arith.constant 1.000000e+00 : f32
    %logistic3A_21 = vector.broadcast %logistic3A_20 : f32 to vector<256x64xf32>
    %logistic3A_22 = arith.addf %logistic3A_21, %logistic3A_19 : vector<256x64xf32>
    %logistic3A_23 = arith.divf %logistic3A_21, %logistic3A_22 : vector<256x64xf32>
    %swap3A_24 = arith.constant 0 : index
    %swap3A_25 = arith.constant 0 : index
    %swap3A_26 = vector.load %arg11[%swap3A_24, %swap3A_25] : memref<256x64xf32, #tpu.memory_space<vmem>>, vector<256x64xf32>
    tpu.vector_store %arg11[%swap3A_24, %swap3A_25], %logistic3A_23 {strides = array<i32>} : memref<256x64xf32, #tpu.memory_space<vmem>>, vector<256x64xf32>,
    %get3A_27 = arith.constant 0 : index
    %get3A_28 = arith.constant 0 : index
    %get3A_29 = vector.load %arg3[%get3A_27, %get3A_28] : memref<1x64xf32, #tpu.memory_space<vmem>>, vector<1x64xf32>
    %add3A = vector.broadcast %get3A_29 : vector<1x64xf32> to vector<256x64xf32>
    %add3A_30 = arith.addf %logistic3A_23, %add3A : vector<256x64xf32>
    %iota3A = tpu.iota {dimensions = array<i32: 1>} : vector<256x64xi32>
    %reduce_max3A = arith.constant dense<0xFF800000> : vector<256xf32>
    %reduce_max3A_31 = vector.multi_reduction <maximumf>, %add3A_30, %reduce_max3A [1] : vector<256x64xf32> to vector<256xf32>
    %broadcast_in_dim3A = vector.shape_cast %reduce_max3A_31 : vector<256xf32> to vector<256x1xf32>
    %eq3A_32 = vector.broadcast %broadcast_in_dim3A : vector<256x1xf32> to vector<256x64xf32>
    %eq3A_33 = arith.cmpf oeq, %add3A_30, %eq3A_32 : vector<256x64xf32>
    %jit3A = arith.constant 64 : i32
    %broadcast_in_dim3A_34 = vector.broadcast %jit3A : i32 to vector<256x64xi32>
    %select_n3A = arith.select %eq3A_33, %iota3A, %broadcast_in_dim3A_34 : vector<256x64xi1>, vector<256x64xi32>
    %reduce_min3A = arith.constant dense<2147483647> : vector<256xi32>
    %reduce_min3A_35 = vector.multi_reduction <minsi>, %select_n3A, %reduce_min3A [1] : vector<256x64xi32> to vector<256xi32>
    %broadcast_in_dim3A_36 = vector.shape_cast %reduce_min3A_35 : vector<256xi32> to vector<256x1xi32>
    %eq3A_37 = vector.broadcast %broadcast_in_dim3A_36 : vector<256x1xi32> to vector<256x64xi32>
    %eq3A_38 = arith.cmpi eq, %iota3A, %eq3A_37 : vector<256x64xi32>
    %jit3A_39 = arith.constant 0.000000e+00 : f32
    %broadcast_in_dim3A_40 = vector.broadcast %jit3A_39 : f32 to vector<256x64xf32>
    %select_n3A_41 = arith.select %eq3A_38, %logistic3A_23, %broadcast_in_dim3A_40 : vector<256x64xi1>, vector<256x64xf32>
    %reduce_sum3A = arith.constant dense<0.000000e+00> : vector<256xf32>
    %reduce_sum3A_42 = vector.multi_reduction <add>, %select_n3A_41, %reduce_sum3A [1] : vector<256x64xf32> to vector<256xf32>
    %broadcast_in_dim3A_43 = vector.shape_cast %reduce_sum3A_42 : vector<256xf32> to vector<256x1xf32>
    %jit3A_44 = arith.constant 0xFF800000 : f32
    %broadcast_in_dim3A_45 = vector.broadcast %jit3A_44 : f32 to vector<256x64xf32>
    %select_n3A_46 = arith.select %eq3A_38, %broadcast_in_dim3A_45, %add3A_30 : vector<256x64xi1>, vector<256x64xf32>
    %reduce_max3A_47 = arith.constant dense<0xFF800000> : vector<256xf32>
    %reduce_max3A_48 = vector.multi_reduction <maximumf>, %select_n3A_46, %reduce_max3A_47 [1] : vector<256x64xf32> to vector<256xf32>
    %broadcast_in_dim3A_49 = vector.shape_cast %reduce_max3A_48 : vector<256xf32> to vector<256x1xf32>
    %eq3A_50 = vector.broadcast %broadcast_in_dim3A_49 : vector<256x1xf32> to vector<256x64xf32>
    %eq3A_51 = arith.cmpf oeq, %select_n3A_46, %eq3A_50 : vector<256x64xf32>
    %jit3A_52 = arith.constant 64 : i32
    %broadcast_in_dim3A_53 = vector.broadcast %jit3A_52 : i32 to vector<256x64xi32>
    %select_n3A_54 = arith.select %eq3A_51, %iota3A, %broadcast_in_dim3A_53 : vector<256x64xi1>, vector<256x64xi32>
    %reduce_min3A_55 = arith.constant dense<2147483647> : vector<256xi32>
    %reduce_min3A_56 = vector.multi_reduction <minsi>, %select_n3A_54, %reduce_min3A_55 [1] : vector<256x64xi32> to vector<256xi32>
    %broadcast_in_dim3A_57 = vector.shape_cast %reduce_min3A_56 : vector<256xi32> to vector<256x1xi32>
    %eq3A_58 = vector.broadcast %broadcast_in_dim3A_57 : vector<256x1xi32> to vector<256x64xi32>
    %eq3A_59 = arith.cmpi eq, %iota3A, %eq3A_58 : vector<256x64xi32>
    %jit3A_60 = arith.constant 0.000000e+00 : f32
    %broadcast_in_dim3A_61 = vector.broadcast %jit3A_60 : f32 to vector<256x64xf32>
    %select_n3A_62 = arith.select %eq3A_59, %logistic3A_23, %broadcast_in_dim3A_61 : vector<256x64xi1>, vector<256x64xf32>
    %reduce_sum3A_63 = arith.constant dense<0.000000e+00> : vector<256xf32>
    %reduce_sum3A_64 = vector.multi_reduction <add>, %select_n3A_62, %reduce_sum3A_63 [1] : vector<256x64xf32> to vector<256xf32>
    %broadcast_in_dim3A_65 = vector.shape_cast %reduce_sum3A_64 : vector<256xf32> to vector<256x1xf32>
    %jit3A_66 = arith.constant 0xFF800000 : f32
    %broadcast_in_dim3A_67 = vector.broadcast %jit3A_66 : f32 to vector<256x64xf32>
    %select_n3A_68 = arith.select %eq3A_59, %broadcast_in_dim3A_67, %select_n3A_46 : vector<256x64xi1>, vector<256x64xf32>
    %reduce_max3A_69 = arith.constant dense<0xFF800000> : vector<256xf32>
    %reduce_max3A_70 = vector.multi_reduction <maximumf>, %select_n3A_68, %reduce_max3A_69 [1] : vector<256x64xf32> to vector<256xf32>
    %broadcast_in_dim3A_71 = vector.shape_cast %reduce_max3A_70 : vector<256xf32> to vector<256x1xf32>
    %eq3A_72 = vector.broadcast %broadcast_in_dim3A_71 : vector<256x1xf32> to vector<256x64xf32>
    %eq3A_73 = arith.cmpf oeq, %select_n3A_68, %eq3A_72 : vector<256x64xf32>
    %jit3A_74 = arith.constant 64 : i32
    %broadcast_in_dim3A_75 = vector.broadcast %jit3A_74 : i32 to vector<256x64xi32>
    %select_n3A_76 = arith.select %eq3A_73, %iota3A, %broadcast_in_dim3A_75 : vector<256x64xi1>, vector<256x64xi32>
    %reduce_min3A_77 = arith.constant dense<2147483647> : vector<256xi32>
    %reduce_min3A_78 = vector.multi_reduction <minsi>, %select_n3A_76, %reduce_min3A_77 [1] : vector<256x64xi32> to vector<256xi32>
    %broadcast_in_dim3A_79 = vector.shape_cast %reduce_min3A_78 : vector<256xi32> to vector<256x1xi32>
    %eq3A_80 = vector.broadcast %broadcast_in_dim3A_79 : vector<256x1xi32> to vector<256x64xi32>
    %eq3A_81 = arith.cmpi eq, %iota3A, %eq3A_80 : vector<256x64xi32>
    %jit3A_82 = arith.constant 0.000000e+00 : f32
    %broadcast_in_dim3A_83 = vector.broadcast %jit3A_82 : f32 to vector<256x64xf32>
    %select_n3A_84 = arith.select %eq3A_81, %logistic3A_23, %broadcast_in_dim3A_83 : vector<256x64xi1>, vector<256x64xf32>
    %reduce_sum3A_85 = arith.constant dense<0.000000e+00> : vector<256xf32>
    %reduce_sum3A_86 = vector.multi_reduction <add>, %select_n3A_84, %reduce_sum3A_85 [1] : vector<256x64xf32> to vector<256xf32>
    %broadcast_in_dim3A_87 = vector.shape_cast %reduce_sum3A_86 : vector<256xf32> to vector<256x1xf32>
    %jit3A_88 = arith.constant 0xFF800000 : f32
    %broadcast_in_dim3A_89 = vector.broadcast %jit3A_88 : f32 to vector<256x64xf32>
    %select_n3A_90 = arith.select %eq3A_81, %broadcast_in_dim3A_89, %select_n3A_68 : vector<256x64xi1>, vector<256x64xf32>
    %reduce_max3A_91 = arith.constant dense<0xFF800000> : vector<256xf32>
    %reduce_max3A_92 = vector.multi_reduction <maximumf>, %select_n3A_90, %reduce_max3A_91 [1] : vector<256x64xf32> to vector<256xf32>
    %broadcast_in_dim3A_93 = vector.shape_cast %reduce_max3A_92 : vector<256xf32> to vector<256x1xf32>
    %eq3A_94 = vector.broadcast %broadcast_in_dim3A_93 : vector<256x1xf32> to vector<256x64xf32>
    %eq3A_95 = arith.cmpf oeq, %select_n3A_90, %eq3A_94 : vector<256x64xf32>
    %jit3A_96 = arith.constant 64 : i32
    %broadcast_in_dim3A_97 = vector.broadcast %jit3A_96 : i32 to vector<256x64xi32>
    %select_n3A_98 = arith.select %eq3A_95, %iota3A, %broadcast_in_dim3A_97 : vector<256x64xi1>, vector<256x64xi32>
    %reduce_min3A_99 = arith.constant dense<2147483647> : vector<256xi32>
    %reduce_min3A_100 = vector.multi_reduction <minsi>, %select_n3A_98, %reduce_min3A_99 [1] : vector<256x64xi32> to vector<256xi32>
    %broadcast_in_dim3A_101 = vector.shape_cast %reduce_min3A_100 : vector<256xi32> to vector<256x1xi32>
    %eq3A_102 = vector.broadcast %broadcast_in_dim3A_101 : vector<256x1xi32> to vector<256x64xi32>
    %eq3A_103 = arith.cmpi eq, %iota3A, %eq3A_102 : vector<256x64xi32>
    %jit3A_104 = arith.constant 0.000000e+00 : f32
    %broadcast_in_dim3A_105 = vector.broadcast %jit3A_104 : f32 to vector<256x64xf32>
    %select_n3A_106 = arith.select %eq3A_103, %logistic3A_23, %broadcast_in_dim3A_105 : vector<256x64xi1>, vector<256x64xf32>
    %reduce_sum3A_107 = arith.constant dense<0.000000e+00> : vector<256xf32>
    %reduce_sum3A_108 = vector.multi_reduction <add>, %select_n3A_106, %reduce_sum3A_107 [1] : vector<256x64xf32> to vector<256xf32>
    %broadcast_in_dim3A_109 = vector.shape_cast %reduce_sum3A_108 : vector<256xf32> to vector<256x1xf32>
    %jit3A_110 = arith.constant 0xFF800000 : f32
    %broadcast_in_dim3A_111 = vector.broadcast %jit3A_110 : f32 to vector<256x64xf32>
    %select_n3A_112 = arith.select %eq3A_103, %broadcast_in_dim3A_111, %select_n3A_90 : vector<256x64xi1>, vector<256x64xf32>
    %reduce_max3A_113 = arith.constant dense<0xFF800000> : vector<256xf32>
    %reduce_max3A_114 = vector.multi_reduction <maximumf>, %select_n3A_112, %reduce_max3A_113 [1] : vector<256x64xf32> to vector<256xf32>
    %broadcast_in_dim3A_115 = vector.shape_cast %reduce_max3A_114 : vector<256xf32> to vector<256x1xf32>
    %eq3A_116 = vector.broadcast %broadcast_in_dim3A_115 : vector<256x1xf32> to vector<256x64xf32>
    %eq3A_117 = arith.cmpf oeq, %select_n3A_112, %eq3A_116 : vector<256x64xf32>
    %jit3A_118 = arith.constant 64 : i32
    %broadcast_in_dim3A_119 = vector.broadcast %jit3A_118 : i32 to vector<256x64xi32>
    %select_n3A_120 = arith.select %eq3A_117, %iota3A, %broadcast_in_dim3A_119 : vector<256x64xi1>, vector<256x64xi32>
    %reduce_min3A_121 = arith.constant dense<2147483647> : vector<256xi32>
    %reduce_min3A_122 = vector.multi_reduction <minsi>, %select_n3A_120, %reduce_min3A_121 [1] : vector<256x64xi32> to vector<256xi32>
    %broadcast_in_dim3A_123 = vector.shape_cast %reduce_min3A_122 : vector<256xi32> to vector<256x1xi32>
    %eq3A_124 = vector.broadcast %broadcast_in_dim3A_123 : vector<256x1xi32> to vector<256x64xi32>
    %eq3A_125 = arith.cmpi eq, %iota3A, %eq3A_124 : vector<256x64xi32>
    %jit3A_126 = arith.constant 0.000000e+00 : f32
    %broadcast_in_dim3A_127 = vector.broadcast %jit3A_126 : f32 to vector<256x64xf32>
    %select_n3A_128 = arith.select %eq3A_125, %logistic3A_23, %broadcast_in_dim3A_127 : vector<256x64xi1>, vector<256x64xf32>
    %reduce_sum3A_129 = arith.constant dense<0.000000e+00> : vector<256xf32>
    %reduce_sum3A_130 = vector.multi_reduction <add>, %select_n3A_128, %reduce_sum3A_129 [1] : vector<256x64xf32> to vector<256xf32>
    %broadcast_in_dim3A_131 = vector.shape_cast %reduce_sum3A_130 : vector<256xf32> to vector<256x1xf32>
    %jit3A_132 = arith.constant 0xFF800000 : f32
    %broadcast_in_dim3A_133 = vector.broadcast %jit3A_132 : f32 to vector<256x64xf32>
    %select_n3A_134 = arith.select %eq3A_125, %broadcast_in_dim3A_133, %select_n3A_112 : vector<256x64xi1>, vector<256x64xf32>
    %reduce_max3A_135 = arith.constant dense<0xFF800000> : vector<256xf32>
    %reduce_max3A_136 = vector.multi_reduction <maximumf>, %select_n3A_134, %reduce_max3A_135 [1] : vector<256x64xf32> to vector<256xf32>
    %broadcast_in_dim3A_137 = vector.shape_cast %reduce_max3A_136 : vector<256xf32> to vector<256x1xf32>
    %eq3A_138 = vector.broadcast %broadcast_in_dim3A_137 : vector<256x1xf32> to vector<256x64xf32>
    %eq3A_139 = arith.cmpf oeq, %select_n3A_134, %eq3A_138 : vector<256x64xf32>
    %jit3A_140 = arith.constant 64 : i32
    %broadcast_in_dim3A_141 = vector.broadcast %jit3A_140 : i32 to vector<256x64xi32>
    %select_n3A_142 = arith.select %eq3A_139, %iota3A, %broadcast_in_dim3A_141 : vector<256x64xi1>, vector<256x64xi32>
    %reduce_min3A_143 = arith.constant dense<2147483647> : vector<256xi32>
    %reduce_min3A_144 = vector.multi_reduction <minsi>, %select_n3A_142, %reduce_min3A_143 [1] : vector<256x64xi32> to vector<256xi32>
    %broadcast_in_dim3A_145 = vector.shape_cast %reduce_min3A_144 : vector<256xi32> to vector<256x1xi32>
    %eq3A_146 = vector.broadcast %broadcast_in_dim3A_145 : vector<256x1xi32> to vector<256x64xi32>
    %eq3A_147 = arith.cmpi eq, %iota3A, %eq3A_146 : vector<256x64xi32>
    %jit3A_148 = arith.constant 0.000000e+00 : f32
    %broadcast_in_dim3A_149 = vector.broadcast %jit3A_148 : f32 to vector<256x64xf32>
    %select_n3A_150 = arith.select %eq3A_147, %logistic3A_23, %broadcast_in_dim3A_149 : vector<256x64xi1>, vector<256x64xf32>
    %reduce_sum3A_151 = arith.constant dense<0.000000e+00> : vector<256xf32>
    %reduce_sum3A_152 = vector.multi_reduction <add>, %select_n3A_150, %reduce_sum3A_151 [1] : vector<256x64xf32> to vector<256xf32>
    %broadcast_in_dim3A_153 = vector.shape_cast %reduce_sum3A_152 : vector<256xf32> to vector<256x1xf32>
    %jit3A_154 = arith.constant 0xFF800000 : f32
    %broadcast_in_dim3A_155 = vector.broadcast %jit3A_154 : f32 to vector<256x64xf32>
    %select_n3A_156 = arith.select %eq3A_147, %broadcast_in_dim3A_155, %select_n3A_134 : vector<256x64xi1>, vector<256x64xf32>
    %reduce_max3A_157 = arith.constant dense<0xFF800000> : vector<256xf32>
    %reduce_max3A_158 = vector.multi_reduction <maximumf>, %select_n3A_156, %reduce_max3A_157 [1] : vector<256x64xf32> to vector<256xf32>
    %broadcast_in_dim3A_159 = vector.shape_cast %reduce_max3A_158 : vector<256xf32> to vector<256x1xf32>
    %eq3A_160 = vector.broadcast %broadcast_in_dim3A_159 : vector<256x1xf32> to vector<256x64xf32>
    %eq3A_161 = arith.cmpf oeq, %select_n3A_156, %eq3A_160 : vector<256x64xf32>
    %jit3A_162 = arith.constant 64 : i32
    %broadcast_in_dim3A_163 = vector.broadcast %jit3A_162 : i32 to vector<256x64xi32>
    %select_n3A_164 = arith.select %eq3A_161, %iota3A, %broadcast_in_dim3A_163 : vector<256x64xi1>, vector<256x64xi32>
    %reduce_min3A_165 = arith.constant dense<2147483647> : vector<256xi32>
    %reduce_min3A_166 = vector.multi_reduction <minsi>, %select_n3A_164, %reduce_min3A_165 [1] : vector<256x64xi32> to vector<256xi32>
    %broadcast_in_dim3A_167 = vector.shape_cast %reduce_min3A_166 : vector<256xi32> to vector<256x1xi32>
    %eq3A_168 = vector.broadcast %broadcast_in_dim3A_167 : vector<256x1xi32> to vector<256x64xi32>
    %eq3A_169 = arith.cmpi eq, %iota3A, %eq3A_168 : vector<256x64xi32>
    %jit3A_170 = arith.constant 0.000000e+00 : f32
    %broadcast_in_dim3A_171 = vector.broadcast %jit3A_170 : f32 to vector<256x64xf32>
    %select_n3A_172 = arith.select %eq3A_169, %logistic3A_23, %broadcast_in_dim3A_171 : vector<256x64xi1>, vector<256x64xf32>
    %reduce_sum3A_173 = arith.constant dense<0.000000e+00> : vector<256xf32>
    %reduce_sum3A_174 = vector.multi_reduction <add>, %select_n3A_172, %reduce_sum3A_173 [1] : vector<256x64xf32> to vector<256xf32>
    %broadcast_in_dim3A_175 = vector.shape_cast %reduce_sum3A_174 : vector<256xf32> to vector<256x1xf32>
    %jit3A_176 = arith.constant 0xFF800000 : f32
    %broadcast_in_dim3A_177 = vector.broadcast %jit3A_176 : f32 to vector<256x64xf32>
    %select_n3A_178 = arith.select %eq3A_169, %broadcast_in_dim3A_177, %select_n3A_156 : vector<256x64xi1>, vector<256x64xf32>
    %reduce_max3A_179 = arith.constant dense<0xFF800000> : vector<256xf32>
    %reduce_max3A_180 = vector.multi_reduction <maximumf>, %select_n3A_178, %reduce_max3A_179 [1] : vector<256x64xf32> to vector<256xf32>
    %broadcast_in_dim3A_181 = vector.shape_cast %reduce_max3A_180 : vector<256xf32> to vector<256x1xf32>
    %eq3A_182 = vector.broadcast %broadcast_in_dim3A_181 : vector<256x1xf32> to vector<256x64xf32>
    %eq3A_183 = arith.cmpf oeq, %select_n3A_178, %eq3A_182 : vector<256x64xf32>
    %jit3A_184 = arith.constant 64 : i32
    %broadcast_in_dim3A_185 = vector.broadcast %jit3A_184 : i32 to vector<256x64xi32>
    %select_n3A_186 = arith.select %eq3A_183, %iota3A, %broadcast_in_dim3A_185 : vector<256x64xi1>, vector<256x64xi32>
    %reduce_min3A_187 = arith.constant dense<2147483647> : vector<256xi32>
    %reduce_min3A_188 = vector.multi_reduction <minsi>, %select_n3A_186, %reduce_min3A_187 [1] : vector<256x64xi32> to vector<256xi32>
    %broadcast_in_dim3A_189 = vector.shape_cast %reduce_min3A_188 : vector<256xi32> to vector<256x1xi32>
    %eq3A_190 = vector.broadcast %broadcast_in_dim3A_189 : vector<256x1xi32> to vector<256x64xi32>
    %eq3A_191 = arith.cmpi eq, %iota3A, %eq3A_190 : vector<256x64xi32>
    %jit3A_192 = arith.constant 0.000000e+00 : f32
    %broadcast_in_dim3A_193 = vector.broadcast %jit3A_192 : f32 to vector<256x64xf32>
    %select_n3A_194 = arith.select %eq3A_191, %logistic3A_23, %broadcast_in_dim3A_193 : vector<256x64xi1>, vector<256x64xf32>
    %reduce_sum3A_195 = arith.constant dense<0.000000e+00> : vector<256xf32>
    %reduce_sum3A_196 = vector.multi_reduction <add>, %select_n3A_194, %reduce_sum3A_195 [1] : vector<256x64xf32> to vector<256xf32>
    %broadcast_in_dim3A_197 = vector.shape_cast %reduce_sum3A_196 : vector<256xf32> to vector<256x1xf32>
    %concatenate3A = tpu.concatenate %broadcast_in_dim3A_36, %broadcast_in_dim3A_57, %broadcast_in_dim3A_79, %broadcast_in_dim3A_101, %broadcast_in_dim3A_123, %broadcast_in_dim3A_145, %broadcast_in_dim3A_167, %broadcast_in_dim3A_189 in 1 : vector<256x1xi32>, vector<256x1xi32>, vector<256x1xi32>, vector<256x1xi32>, vector<256x1xi32>, vector<256x1xi32>, vector<256x1xi32>, vector<256x1xi32> -> vector<256x8xi32>
    %concatenate3A_198 = tpu.concatenate %broadcast_in_dim3A_43, %broadcast_in_dim3A_65, %broadcast_in_dim3A_87, %broadcast_in_dim3A_109, %broadcast_in_dim3A_131, %broadcast_in_dim3A_153, %broadcast_in_dim3A_175, %broadcast_in_dim3A_197 in 1 : vector<256x1xf32>, vector<256x1xf32>, vector<256x1xf32>, vector<256x1xf32>, vector<256x1xf32>, vector<256x1xf32>, vector<256x1xf32>, vector<256x1xf32> -> vector<256x8xf32>
    %reduce_max3A_199 = arith.constant dense<0xFF800000> : vector<256xf32>
    %reduce_max3A_200 = vector.multi_reduction <maximumf>, %concatenate3A_198, %reduce_max3A_199 [1] : vector<256x8xf32> to vector<256xf32>
    %broadcast_in_dim3A_201 = vector.shape_cast %reduce_max3A_200 : vector<256xf32> to vector<256x1xf32>
    %sub3A = vector.broadcast %broadcast_in_dim3A_201 : vector<256x1xf32> to vector<256x8xf32>
    %sub3A_202 = arith.subf %concatenate3A_198, %sub3A : vector<256x8xf32>
    %exp3A = math.exp %sub3A_202 : vector<256x8xf32>
    %reduce_sum3A_203 = arith.constant dense<0.000000e+00> : vector<256xf32>
    %reduce_sum3A_204 = vector.multi_reduction <add>, %exp3A, %reduce_sum3A_203 [1] : vector<256x8xf32> to vector<256xf32>
    %broadcast_in_dim3A_205 = vector.shape_cast %reduce_sum3A_204 : vector<256xf32> to vector<256x1xf32>
    %div3A = vector.broadcast %broadcast_in_dim3A_205 : vector<256x1xf32> to vector<256x8xf32>
    %div3A_206 = arith.divf %exp3A, %div3A : vector<256x8xf32>
    %swap3A_207 = arith.constant 0 : index
    %swap3A_208 = arith.constant 0 : index
    %swap3A_209 = vector.load %arg13[%swap3A_207, %swap3A_208] : memref<256x8xi32, #tpu.memory_space<vmem>>, vector<256x8xi32>
    tpu.vector_store %arg13[%swap3A_207, %swap3A_208], %concatenate3A {strides = array<i32>} : memref<256x8xi32, #tpu.memory_space<vmem>>, vector<256x8xi32>,
    %swap3A_210 = arith.constant 0 : index
    %swap3A_211 = arith.constant 0 : index
    %swap3A_212 = vector.load %arg12[%swap3A_210, %swap3A_211] : memref<256x8xf32, #tpu.memory_space<vmem>>, vector<256x8xf32>
    tpu.vector_store %arg12[%swap3A_210, %swap3A_211], %div3A_206 {strides = array<i32>} : memref<256x8xf32, #tpu.memory_space<vmem>>, vector<256x8xf32>,
    %broadcast_in_dim3A_213 = arith.constant 0 : i32
    %broadcast_in_dim3A_214 = vector.broadcast %broadcast_in_dim3A_213 : i32 to vector<256x64xi32>
    %convert_element_type3A_215 = arith.extui %eq3A_38 : vector<256x64xi1> to vector<256x64xi32>
    %add3A_216 = arith.addi %broadcast_in_dim3A_214, %convert_element_type3A_215 : vector<256x64xi32>
    %convert_element_type3A_217 = arith.extui %eq3A_59 : vector<256x64xi1> to vector<256x64xi32>
    %add3A_218 = arith.addi %add3A_216, %convert_element_type3A_217 : vector<256x64xi32>
    %convert_element_type3A_219 = arith.extui %eq3A_81 : vector<256x64xi1> to vector<256x64xi32>
    %add3A_220 = arith.addi %add3A_218, %convert_element_type3A_219 : vector<256x64xi32>
    %convert_element_type3A_221 = arith.extui %eq3A_103 : vector<256x64xi1> to vector<256x64xi32>
    %add3A_222 = arith.addi %add3A_220, %convert_element_type3A_221 : vector<256x64xi32>
    %convert_element_type3A_223 = arith.extui %eq3A_125 : vector<256x64xi1> to vector<256x64xi32>
    %add3A_224 = arith.addi %add3A_222, %convert_element_type3A_223 : vector<256x64xi32>
    %convert_element_type3A_225 = arith.extui %eq3A_147 : vector<256x64xi1> to vector<256x64xi32>
    %add3A_226 = arith.addi %add3A_224, %convert_element_type3A_225 : vector<256x64xi32>
    %convert_element_type3A_227 = arith.extui %eq3A_169 : vector<256x64xi1> to vector<256x64xi32>
    %add3A_228 = arith.addi %add3A_226, %convert_element_type3A_227 : vector<256x64xi32>
    %convert_element_type3A_229 = arith.extui %eq3A_191 : vector<256x64xi1> to vector<256x64xi32>
    %add3A_230 = arith.addi %add3A_228, %convert_element_type3A_229 : vector<256x64xi32>
    %broadcast_in_dim3A_231 = arith.constant 0 : i32
    %broadcast_in_dim3A_232 = vector.broadcast %broadcast_in_dim3A_231 : i32 to vector<1x64xi32>
    %slice3A_233 = vector.extract_strided_slice %add3A_230 {offsets = [0, 0], sizes = [255, 64], strides = [1, 1]} : vector<256x64xi32> to vector<255x64xi32>
    %concatenate3A_234 = tpu.concatenate %broadcast_in_dim3A_232, %slice3A_233 in 0 : vector<1x64xi32>, vector<255x64xi32> -> vector<256x64xi32>
    %add3A_235 = arith.addi %add3A_230, %concatenate3A_234 : vector<256x64xi32>
    %broadcast_in_dim3A_236 = arith.constant 0 : i32
    %broadcast_in_dim3A_237 = vector.broadcast %broadcast_in_dim3A_236 : i32 to vector<2x64xi32>
    %slice3A_238 = vector.extract_strided_slice %add3A_235 {offsets = [0, 0], sizes = [254, 64], strides = [1, 1]} : vector<256x64xi32> to vector<254x64xi32>
    %concatenate3A_239 = tpu.concatenate %broadcast_in_dim3A_237, %slice3A_238 in 0 : vector<2x64xi32>, vector<254x64xi32> -> vector<256x64xi32>
    %add3A_240 = arith.addi %add3A_235, %concatenate3A_239 : vector<256x64xi32>
    %broadcast_in_dim3A_241 = arith.constant 0 : i32
    %broadcast_in_dim3A_242 = vector.broadcast %broadcast_in_dim3A_241 : i32 to vector<4x64xi32>
    %slice3A_243 = vector.extract_strided_slice %add3A_240 {offsets = [0, 0], sizes = [252, 64], strides = [1, 1]} : vector<256x64xi32> to vector<252x64xi32>
    %concatenate3A_244 = tpu.concatenate %broadcast_in_dim3A_242, %slice3A_243 in 0 : vector<4x64xi32>, vector<252x64xi32> -> vector<256x64xi32>
    %add3A_245 = arith.addi %add3A_240, %concatenate3A_244 : vector<256x64xi32>
    %broadcast_in_dim3A_246 = arith.constant 0 : i32
    %broadcast_in_dim3A_247 = vector.broadcast %broadcast_in_dim3A_246 : i32 to vector<8x64xi32>
    %slice3A_248 = vector.extract_strided_slice %add3A_245 {offsets = [0, 0], sizes = [248, 64], strides = [1, 1]} : vector<256x64xi32> to vector<248x64xi32>
    %concatenate3A_249 = tpu.concatenate %broadcast_in_dim3A_247, %slice3A_248 in 0 : vector<8x64xi32>, vector<248x64xi32> -> vector<256x64xi32>
    %add3A_250 = arith.addi %add3A_245, %concatenate3A_249 : vector<256x64xi32>
    %broadcast_in_dim3A_251 = arith.constant 0 : i32
    %broadcast_in_dim3A_252 = vector.broadcast %broadcast_in_dim3A_251 : i32 to vector<16x64xi32>
    %slice3A_253 = vector.extract_strided_slice %add3A_250 {offsets = [0, 0], sizes = [240, 64], strides = [1, 1]} : vector<256x64xi32> to vector<240x64xi32>
    %concatenate3A_254 = tpu.concatenate %broadcast_in_dim3A_252, %slice3A_253 in 0 : vector<16x64xi32>, vector<240x64xi32> -> vector<256x64xi32>
    %add3A_255 = arith.addi %add3A_250, %concatenate3A_254 : vector<256x64xi32>
    %broadcast_in_dim3A_256 = arith.constant 0 : i32
    %broadcast_in_dim3A_257 = vector.broadcast %broadcast_in_dim3A_256 : i32 to vector<32x64xi32>
    %slice3A_258 = vector.extract_strided_slice %add3A_255 {offsets = [0, 0], sizes = [224, 64], strides = [1, 1]} : vector<256x64xi32> to vector<224x64xi32>
    %concatenate3A_259 = tpu.concatenate %broadcast_in_dim3A_257, %slice3A_258 in 0 : vector<32x64xi32>, vector<224x64xi32> -> vector<256x64xi32>
    %add3A_260 = arith.addi %add3A_255, %concatenate3A_259 : vector<256x64xi32>
    %broadcast_in_dim3A_261 = arith.constant 0 : i32
    %broadcast_in_dim3A_262 = vector.broadcast %broadcast_in_dim3A_261 : i32 to vector<64x64xi32>
    %slice3A_263 = vector.extract_strided_slice %add3A_260 {offsets = [0, 0], sizes = [192, 64], strides = [1, 1]} : vector<256x64xi32> to vector<192x64xi32>
    %concatenate3A_264 = tpu.concatenate %broadcast_in_dim3A_262, %slice3A_263 in 0 : vector<64x64xi32>, vector<192x64xi32> -> vector<256x64xi32>
    %add3A_265 = arith.addi %add3A_260, %concatenate3A_264 : vector<256x64xi32>
    %broadcast_in_dim3A_266 = arith.constant 0 : i32
    %broadcast_in_dim3A_267 = vector.broadcast %broadcast_in_dim3A_266 : i32 to vector<128x64xi32>
    %slice3A_268 = vector.extract_strided_slice %add3A_265 {offsets = [0, 0], sizes = [128, 64], strides = [1, 1]} : vector<256x64xi32> to vector<128x64xi32>
    %concatenate3A_269 = tpu.concatenate %broadcast_in_dim3A_267, %slice3A_268 in 0 : vector<128x64xi32>, vector<128x64xi32> -> vector<256x64xi32>
    %add3A_270 = arith.addi %add3A_265, %concatenate3A_269 : vector<256x64xi32>
    %sub3A_271 = arith.subi %add3A_270, %add3A_230 : vector<256x64xi32>
    %get3A_272 = arith.constant 0 : index
    %get3A_273 = arith.constant 0 : index
    %get3A_274 = vector.load %arg19[%get3A_272, %get3A_273] : memref<8x64xi32, #tpu.memory_space<vmem>>, vector<1x64xi32>
    %add3A_275 = vector.broadcast %get3A_274 : vector<1x64xi32> to vector<256x64xi32>
    %add3A_276 = arith.addi %sub3A_271, %add3A_275 : vector<256x64xi32>
    %jit3A_277 = arith.constant 0 : i32
    %broadcast_in_dim3A_278 = vector.broadcast %jit3A_277 : i32 to vector<256x64xi32>
    %select_n3A_279 = arith.select %eq3A_38, %add3A_276, %broadcast_in_dim3A_278 : vector<256x64xi1>, vector<256x64xi32>
    %reduce_sum3A_280 = arith.constant dense<0> : vector<256xi32>
    %reduce_sum3A_281 = vector.multi_reduction <add>, %select_n3A_279, %reduce_sum3A_280 [1] : vector<256x64xi32> to vector<256xi32>
    %broadcast_in_dim3A_282 = vector.shape_cast %reduce_sum3A_281 : vector<256xi32> to vector<256x1xi32>
    %mul3A = arith.constant 512 : i32
    %mul3A_283 = vector.broadcast %mul3A : i32 to vector<256x1xi32>
    %mul3A_284 = arith.muli %broadcast_in_dim3A_36, %mul3A_283 : vector<256x1xi32>
    %add3A_285 = arith.addi %mul3A_284, %broadcast_in_dim3A_282 : vector<256x1xi32>
    %lt3A = arith.constant 512 : i32
    %lt3A_286 = vector.broadcast %lt3A : i32 to vector<256x1xi32>
    %lt3A_287 = arith.cmpi slt, %broadcast_in_dim3A_282, %lt3A_286 : vector<256x1xi32>
    %jit3A_288 = arith.constant 32768 : i32
    %broadcast_in_dim3A_289 = vector.broadcast %jit3A_288 : i32 to vector<256x1xi32>
    %select_n3A_290 = arith.select %lt3A_287, %add3A_285, %broadcast_in_dim3A_289 : vector<256x1xi1>, vector<256x1xi32>
    %slice3A_291 = vector.extract_strided_slice %div3A_206 {offsets = [0, 0], sizes = [256, 1], strides = [1, 1]} : vector<256x8xf32> to vector<256x1xf32>
    %jit3A_292 = arith.constant 0.000000e+00 : f32
    %broadcast_in_dim3A_293 = vector.broadcast %jit3A_292 : f32 to vector<256x1xf32>
    %select_n3A_294 = arith.select %lt3A_287, %slice3A_291, %broadcast_in_dim3A_293 : vector<256x1xi1>, vector<256x1xf32>
    %jit3A_295 = arith.constant 0 : i32
    %broadcast_in_dim3A_296 = vector.broadcast %jit3A_295 : i32 to vector<256x64xi32>
    %select_n3A_297 = arith.select %eq3A_59, %add3A_276, %broadcast_in_dim3A_296 : vector<256x64xi1>, vector<256x64xi32>
    %reduce_sum3A_298 = arith.constant dense<0> : vector<256xi32>
    %reduce_sum3A_299 = vector.multi_reduction <add>, %select_n3A_297, %reduce_sum3A_298 [1] : vector<256x64xi32> to vector<256xi32>
    %broadcast_in_dim3A_300 = vector.shape_cast %reduce_sum3A_299 : vector<256xi32> to vector<256x1xi32>
    %mul3A_301 = arith.constant 512 : i32
    %mul3A_302 = vector.broadcast %mul3A_301 : i32 to vector<256x1xi32>
    %mul3A_303 = arith.muli %broadcast_in_dim3A_57, %mul3A_302 : vector<256x1xi32>
    %add3A_304 = arith.addi %mul3A_303, %broadcast_in_dim3A_300 : vector<256x1xi32>
    %lt3A_305 = arith.constant 512 : i32
    %lt3A_306 = vector.broadcast %lt3A_305 : i32 to vector<256x1xi32>
    %lt3A_307 = arith.cmpi slt, %broadcast_in_dim3A_300, %lt3A_306 : vector<256x1xi32>
    %jit3A_308 = arith.constant 32768 : i32
    %broadcast_in_dim3A_309 = vector.broadcast %jit3A_308 : i32 to vector<256x1xi32>
    %select_n3A_310 = arith.select %lt3A_307, %add3A_304, %broadcast_in_dim3A_309 : vector<256x1xi1>, vector<256x1xi32>
    %slice3A_311 = vector.extract_strided_slice %div3A_206 {offsets = [0, 1], sizes = [256, 1], strides = [1, 1]} : vector<256x8xf32> to vector<256x1xf32>
    %jit3A_312 = arith.constant 0.000000e+00 : f32
    %broadcast_in_dim3A_313 = vector.broadcast %jit3A_312 : f32 to vector<256x1xf32>
    %select_n3A_314 = arith.select %lt3A_307, %slice3A_311, %broadcast_in_dim3A_313 : vector<256x1xi1>, vector<256x1xf32>
    %jit3A_315 = arith.constant 0 : i32
    %broadcast_in_dim3A_316 = vector.broadcast %jit3A_315 : i32 to vector<256x64xi32>
    %select_n3A_317 = arith.select %eq3A_81, %add3A_276, %broadcast_in_dim3A_316 : vector<256x64xi1>, vector<256x64xi32>
    %reduce_sum3A_318 = arith.constant dense<0> : vector<256xi32>
    %reduce_sum3A_319 = vector.multi_reduction <add>, %select_n3A_317, %reduce_sum3A_318 [1] : vector<256x64xi32> to vector<256xi32>
    %broadcast_in_dim3A_320 = vector.shape_cast %reduce_sum3A_319 : vector<256xi32> to vector<256x1xi32>
    %mul3A_321 = arith.constant 512 : i32
    %mul3A_322 = vector.broadcast %mul3A_321 : i32 to vector<256x1xi32>
    %mul3A_323 = arith.muli %broadcast_in_dim3A_79, %mul3A_322 : vector<256x1xi32>
    %add3A_324 = arith.addi %mul3A_323, %broadcast_in_dim3A_320 : vector<256x1xi32>
    %lt3A_325 = arith.constant 512 : i32
    %lt3A_326 = vector.broadcast %lt3A_325 : i32 to vector<256x1xi32>
    %lt3A_327 = arith.cmpi slt, %broadcast_in_dim3A_320, %lt3A_326 : vector<256x1xi32>
    %jit3A_328 = arith.constant 32768 : i32
    %broadcast_in_dim3A_329 = vector.broadcast %jit3A_328 : i32 to vector<256x1xi32>
    %select_n3A_330 = arith.select %lt3A_327, %add3A_324, %broadcast_in_dim3A_329 : vector<256x1xi1>, vector<256x1xi32>
    %slice3A_331 = vector.extract_strided_slice %div3A_206 {offsets = [0, 2], sizes = [256, 1], strides = [1, 1]} : vector<256x8xf32> to vector<256x1xf32>
    %jit3A_332 = arith.constant 0.000000e+00 : f32
    %broadcast_in_dim3A_333 = vector.broadcast %jit3A_332 : f32 to vector<256x1xf32>
    %select_n3A_334 = arith.select %lt3A_327, %slice3A_331, %broadcast_in_dim3A_333 : vector<256x1xi1>, vector<256x1xf32>
    %jit3A_335 = arith.constant 0 : i32
    %broadcast_in_dim3A_336 = vector.broadcast %jit3A_335 : i32 to vector<256x64xi32>
    %select_n3A_337 = arith.select %eq3A_103, %add3A_276, %broadcast_in_dim3A_336 : vector<256x64xi1>, vector<256x64xi32>
    %reduce_sum3A_338 = arith.constant dense<0> : vector<256xi32>
    %reduce_sum3A_339 = vector.multi_reduction <add>, %select_n3A_337, %reduce_sum3A_338 [1] : vector<256x64xi32> to vector<256xi32>
    %broadcast_in_dim3A_340 = vector.shape_cast %reduce_sum3A_339 : vector<256xi32> to vector<256x1xi32>
    %mul3A_341 = arith.constant 512 : i32
    %mul3A_342 = vector.broadcast %mul3A_341 : i32 to vector<256x1xi32>
    %mul3A_343 = arith.muli %broadcast_in_dim3A_101, %mul3A_342 : vector<256x1xi32>
    %add3A_344 = arith.addi %mul3A_343, %broadcast_in_dim3A_340 : vector<256x1xi32>
    %lt3A_345 = arith.constant 512 : i32
    %lt3A_346 = vector.broadcast %lt3A_345 : i32 to vector<256x1xi32>
    %lt3A_347 = arith.cmpi slt, %broadcast_in_dim3A_340, %lt3A_346 : vector<256x1xi32>
    %jit3A_348 = arith.constant 32768 : i32
    %broadcast_in_dim3A_349 = vector.broadcast %jit3A_348 : i32 to vector<256x1xi32>
    %select_n3A_350 = arith.select %lt3A_347, %add3A_344, %broadcast_in_dim3A_349 : vector<256x1xi1>, vector<256x1xi32>
    %slice3A_351 = vector.extract_strided_slice %div3A_206 {offsets = [0, 3], sizes = [256, 1], strides = [1, 1]} : vector<256x8xf32> to vector<256x1xf32>
    %jit3A_352 = arith.constant 0.000000e+00 : f32
    %broadcast_in_dim3A_353 = vector.broadcast %jit3A_352 : f32 to vector<256x1xf32>
    %select_n3A_354 = arith.select %lt3A_347, %slice3A_351, %broadcast_in_dim3A_353 : vector<256x1xi1>, vector<256x1xf32>
    %jit3A_355 = arith.constant 0 : i32
    %broadcast_in_dim3A_356 = vector.broadcast %jit3A_355 : i32 to vector<256x64xi32>
    %select_n3A_357 = arith.select %eq3A_125, %add3A_276, %broadcast_in_dim3A_356 : vector<256x64xi1>, vector<256x64xi32>
    %reduce_sum3A_358 = arith.constant dense<0> : vector<256xi32>
    %reduce_sum3A_359 = vector.multi_reduction <add>, %select_n3A_357, %reduce_sum3A_358 [1] : vector<256x64xi32> to vector<256xi32>
    %broadcast_in_dim3A_360 = vector.shape_cast %reduce_sum3A_359 : vector<256xi32> to vector<256x1xi32>
    %mul3A_361 = arith.constant 512 : i32
    %mul3A_362 = vector.broadcast %mul3A_361 : i32 to vector<256x1xi32>
    %mul3A_363 = arith.muli %broadcast_in_dim3A_123, %mul3A_362 : vector<256x1xi32>
    %add3A_364 = arith.addi %mul3A_363, %broadcast_in_dim3A_360 : vector<256x1xi32>
    %lt3A_365 = arith.constant 512 : i32
    %lt3A_366 = vector.broadcast %lt3A_365 : i32 to vector<256x1xi32>
    %lt3A_367 = arith.cmpi slt, %broadcast_in_dim3A_360, %lt3A_366 : vector<256x1xi32>
    %jit3A_368 = arith.constant 32768 : i32
    %broadcast_in_dim3A_369 = vector.broadcast %jit3A_368 : i32 to vector<256x1xi32>
    %select_n3A_370 = arith.select %lt3A_367, %add3A_364, %broadcast_in_dim3A_369 : vector<256x1xi1>, vector<256x1xi32>
    %slice3A_371 = vector.extract_strided_slice %div3A_206 {offsets = [0, 4], sizes = [256, 1], strides = [1, 1]} : vector<256x8xf32> to vector<256x1xf32>
    %jit3A_372 = arith.constant 0.000000e+00 : f32
    %broadcast_in_dim3A_373 = vector.broadcast %jit3A_372 : f32 to vector<256x1xf32>
    %select_n3A_374 = arith.select %lt3A_367, %slice3A_371, %broadcast_in_dim3A_373 : vector<256x1xi1>, vector<256x1xf32>
    %jit3A_375 = arith.constant 0 : i32
    %broadcast_in_dim3A_376 = vector.broadcast %jit3A_375 : i32 to vector<256x64xi32>
    %select_n3A_377 = arith.select %eq3A_147, %add3A_276, %broadcast_in_dim3A_376 : vector<256x64xi1>, vector<256x64xi32>
    %reduce_sum3A_378 = arith.constant dense<0> : vector<256xi32>
    %reduce_sum3A_379 = vector.multi_reduction <add>, %select_n3A_377, %reduce_sum3A_378 [1] : vector<256x64xi32> to vector<256xi32>
    %broadcast_in_dim3A_380 = vector.shape_cast %reduce_sum3A_379 : vector<256xi32> to vector<256x1xi32>
    %mul3A_381 = arith.constant 512 : i32
    %mul3A_382 = vector.broadcast %mul3A_381 : i32 to vector<256x1xi32>
    %mul3A_383 = arith.muli %broadcast_in_dim3A_145, %mul3A_382 : vector<256x1xi32>
    %add3A_384 = arith.addi %mul3A_383, %broadcast_in_dim3A_380 : vector<256x1xi32>
    %lt3A_385 = arith.constant 512 : i32
    %lt3A_386 = vector.broadcast %lt3A_385 : i32 to vector<256x1xi32>
    %lt3A_387 = arith.cmpi slt, %broadcast_in_dim3A_380, %lt3A_386 : vector<256x1xi32>
    %jit3A_388 = arith.constant 32768 : i32
    %broadcast_in_dim3A_389 = vector.broadcast %jit3A_388 : i32 to vector<256x1xi32>
    %select_n3A_390 = arith.select %lt3A_387, %add3A_384, %broadcast_in_dim3A_389 : vector<256x1xi1>, vector<256x1xi32>
    %slice3A_391 = vector.extract_strided_slice %div3A_206 {offsets = [0, 5], sizes = [256, 1], strides = [1, 1]} : vector<256x8xf32> to vector<256x1xf32>
    %jit3A_392 = arith.constant 0.000000e+00 : f32
    %broadcast_in_dim3A_393 = vector.broadcast %jit3A_392 : f32 to vector<256x1xf32>
    %select_n3A_394 = arith.select %lt3A_387, %slice3A_391, %broadcast_in_dim3A_393 : vector<256x1xi1>, vector<256x1xf32>
    %jit3A_395 = arith.constant 0 : i32
    %broadcast_in_dim3A_396 = vector.broadcast %jit3A_395 : i32 to vector<256x64xi32>
    %select_n3A_397 = arith.select %eq3A_169, %add3A_276, %broadcast_in_dim3A_396 : vector<256x64xi1>, vector<256x64xi32>
    %reduce_sum3A_398 = arith.constant dense<0> : vector<256xi32>
    %reduce_sum3A_399 = vector.multi_reduction <add>, %select_n3A_397, %reduce_sum3A_398 [1] : vector<256x64xi32> to vector<256xi32>
    %broadcast_in_dim3A_400 = vector.shape_cast %reduce_sum3A_399 : vector<256xi32> to vector<256x1xi32>
    %mul3A_401 = arith.constant 512 : i32
    %mul3A_402 = vector.broadcast %mul3A_401 : i32 to vector<256x1xi32>
    %mul3A_403 = arith.muli %broadcast_in_dim3A_167, %mul3A_402 : vector<256x1xi32>
    %add3A_404 = arith.addi %mul3A_403, %broadcast_in_dim3A_400 : vector<256x1xi32>
    %lt3A_405 = arith.constant 512 : i32
    %lt3A_406 = vector.broadcast %lt3A_405 : i32 to vector<256x1xi32>
    %lt3A_407 = arith.cmpi slt, %broadcast_in_dim3A_400, %lt3A_406 : vector<256x1xi32>
    %jit3A_408 = arith.constant 32768 : i32
    %broadcast_in_dim3A_409 = vector.broadcast %jit3A_408 : i32 to vector<256x1xi32>
    %select_n3A_410 = arith.select %lt3A_407, %add3A_404, %broadcast_in_dim3A_409 : vector<256x1xi1>, vector<256x1xi32>
    %slice3A_411 = vector.extract_strided_slice %div3A_206 {offsets = [0, 6], sizes = [256, 1], strides = [1, 1]} : vector<256x8xf32> to vector<256x1xf32>
    %jit3A_412 = arith.constant 0.000000e+00 : f32
    %broadcast_in_dim3A_413 = vector.broadcast %jit3A_412 : f32 to vector<256x1xf32>
    %select_n3A_414 = arith.select %lt3A_407, %slice3A_411, %broadcast_in_dim3A_413 : vector<256x1xi1>, vector<256x1xf32>
    %jit3A_415 = arith.constant 0 : i32
    %broadcast_in_dim3A_416 = vector.broadcast %jit3A_415 : i32 to vector<256x64xi32>
    %select_n3A_417 = arith.select %eq3A_191, %add3A_276, %broadcast_in_dim3A_416 : vector<256x64xi1>, vector<256x64xi32>
    %reduce_sum3A_418 = arith.constant dense<0> : vector<256xi32>
    %reduce_sum3A_419 = vector.multi_reduction <add>, %select_n3A_417, %reduce_sum3A_418 [1] : vector<256x64xi32> to vector<256xi32>
    %broadcast_in_dim3A_420 = vector.shape_cast %reduce_sum3A_419 : vector<256xi32> to vector<256x1xi32>
    %mul3A_421 = arith.constant 512 : i32
    %mul3A_422 = vector.broadcast %mul3A_421 : i32 to vector<256x1xi32>
    %mul3A_423 = arith.muli %broadcast_in_dim3A_189, %mul3A_422 : vector<256x1xi32>
    %add3A_424 = arith.addi %mul3A_423, %broadcast_in_dim3A_420 : vector<256x1xi32>
    %lt3A_425 = arith.constant 512 : i32
    %lt3A_426 = vector.broadcast %lt3A_425 : i32 to vector<256x1xi32>
    %lt3A_427 = arith.cmpi slt, %broadcast_in_dim3A_420, %lt3A_426 : vector<256x1xi32>
    %jit3A_428 = arith.constant 32768 : i32
    %broadcast_in_dim3A_429 = vector.broadcast %jit3A_428 : i32 to vector<256x1xi32>
    %select_n3A_430 = arith.select %lt3A_427, %add3A_424, %broadcast_in_dim3A_429 : vector<256x1xi1>, vector<256x1xi32>
    %slice3A_431 = vector.extract_strided_slice %div3A_206 {offsets = [0, 7], sizes = [256, 1], strides = [1, 1]} : vector<256x8xf32> to vector<256x1xf32>
    %jit3A_432 = arith.constant 0.000000e+00 : f32
    %broadcast_in_dim3A_433 = vector.broadcast %jit3A_432 : f32 to vector<256x1xf32>
    %select_n3A_434 = arith.select %lt3A_427, %slice3A_431, %broadcast_in_dim3A_433 : vector<256x1xi1>, vector<256x1xf32>
    %concatenate3A_435 = tpu.concatenate %select_n3A_290, %select_n3A_310, %select_n3A_330, %select_n3A_350, %select_n3A_370, %select_n3A_390, %select_n3A_410, %select_n3A_430 in 1 : vector<256x1xi32>, vector<256x1xi32>, vector<256x1xi32>, vector<256x1xi32>, vector<256x1xi32>, vector<256x1xi32>, vector<256x1xi32>, vector<256x1xi32> -> vector<256x8xi32>
    %swap3A_436 = arith.constant 0 : index
    %swap3A_437 = arith.constant 0 : index
    %swap3A_438 = vector.load %arg14[%swap3A_436, %swap3A_437] : memref<256x8xi32, #tpu.memory_space<vmem>>, vector<256x8xi32>
    tpu.vector_store %arg14[%swap3A_436, %swap3A_437], %concatenate3A_435 {strides = array<i32>} : memref<256x8xi32, #tpu.memory_space<vmem>>, vector<256x8xi32>,
    %transpose3A = tpu.transpose %concatenate3A_435, [1, 0] : vector<256x8xi32> -> vector<8x256xi32>
    %swap3A_439 = arith.constant 0 : index
    %swap3A_440 = arith.constant 0 : index
    %swap3A_441 = vector.load %arg15[%swap3A_439, %swap3A_440] : memref<8x256xi32, #tpu.memory_space<vmem>>, vector<8x256xi32>
    tpu.vector_store %arg15[%swap3A_439, %swap3A_440], %transpose3A {strides = array<i32>} : memref<8x256xi32, #tpu.memory_space<vmem>>, vector<8x256xi32>,
    %swap3A_442 = arith.constant 0 : index
    %swap3A_443 = arith.constant 0 : index
    %swap3A_444 = vector.load %arg16[%swap3A_442, %swap3A_443] : memref<8x256xi32, #tpu.memory_space<vmem>>, vector<8x256xi32>
    tpu.vector_store %arg16[%swap3A_442, %swap3A_443], %transpose3A {strides = array<i32>} : memref<8x256xi32, #tpu.memory_space<vmem>>, vector<8x256xi32>,
    %concatenate3A_445 = tpu.concatenate %select_n3A_294, %select_n3A_314, %select_n3A_334, %select_n3A_354, %select_n3A_374, %select_n3A_394, %select_n3A_414, %select_n3A_434 in 1 : vector<256x1xf32>, vector<256x1xf32>, vector<256x1xf32>, vector<256x1xf32>, vector<256x1xf32>, vector<256x1xf32>, vector<256x1xf32>, vector<256x1xf32> -> vector<256x8xf32>
    %broadcast_in_dim3A_446 = vector.shape_cast %concatenate3A_445 : vector<256x8xf32> to vector<256x8x1xf32>
    %broadcast_in_dim3A_447 = vector.shape_cast %broadcast_in_dim3A_446 : vector<256x8x1xf32> to vector<256x8x1xf32>
    %broadcast_in_dim3A_448 = vector.broadcast %broadcast_in_dim3A_447 : vector<256x8x1xf32> to vector<256x8x128xf32>
    %swap3A_449 = arith.constant 0 : index
    %swap3A_450 = arith.constant 0 : index
    %swap3A_451 = arith.constant 0 : index
    %swap3A_452 = vector.load %arg17[%swap3A_449, %swap3A_450, %swap3A_451] : memref<256x8x128xf32, #tpu.memory_space<vmem>>, vector<256x8x128xf32>
    tpu.vector_store %arg17[%swap3A_449, %swap3A_450, %swap3A_451], %broadcast_in_dim3A_448 {strides = array<i32>} : memref<256x8x128xf32, #tpu.memory_space<vmem>>, vector<256x8x128xf32>,
    %get3A_453 = arith.constant 0 : index
    %get3A_454 = arith.constant 0 : index
    %get3A_455 = vector.load %arg19[%get3A_453, %get3A_454] : memref<8x64xi32, #tpu.memory_space<vmem>>, vector<1x64xi32>
    %slice3A_456 = vector.extract_strided_slice %add3A_270 {offsets = [255, 0], sizes = [1, 64], strides = [1, 1]} : vector<256x64xi32> to vector<1x64xi32>
    %add3A_457 = arith.addi %get3A_455, %slice3A_456 : vector<1x64xi32>
    %swap3A_458 = arith.constant 0 : index
    %swap3A_459 = arith.constant 0 : index
    %swap3A_460 = vector.load %arg19[%swap3A_458, %swap3A_459] : memref<8x64xi32, #tpu.memory_space<vmem>>, vector<1x64xi32>
    tpu.vector_store %arg19[%swap3A_458, %swap3A_459], %add3A_457 {strides = array<i32>} : memref<8x64xi32, #tpu.memory_space<vmem>>, vector<1x64xi32>,
    %convert_element_type3A_461 = arith.truncf %get3A_3 : vector<256x1024xf32> to vector<256x1024xbf16>
    %get3A_462 = arith.constant 0 : index
    %get3A_463 = arith.constant 0 : index
    %get3A_464 = vector.load %arg4[%get3A_462, %get3A_463] : memref<1024x256xbf16, #tpu.memory_space<vmem>>, vector<1024x256xbf16>
    %dot_general3A_465 = arith.constant dense<0.000000e+00> : vector<256x256xf32>
    %dot_general3A_466 = tpu.matmul %convert_element_type3A_461, %get3A_464, %dot_general3A_465 {dimension_numbers = #tpu.dot_dimension_numbers<[1], [0], [0], [1], [0, 0, 1, 1], [], []>, transpose_lhs_hint = false} : vector<256x1024xbf16>, vector<1024x256xbf16>, vector<256x256xf32> -> vector<256x256xf32>
    %get3A_467 = arith.constant 0 : index
    %get3A_468 = arith.constant 0 : index
    %get3A_469 = vector.load %arg5[%get3A_467, %get3A_468] : memref<1x256xf32, #tpu.memory_space<vmem>>, vector<1x256xf32>
    %add3A_470 = vector.broadcast %get3A_469 : vector<1x256xf32> to vector<256x256xf32>
    %add3A_471 = arith.addf %dot_general3A_466, %add3A_470 : vector<256x256xf32>
    %get3A_472 = arith.constant 0 : index
    %get3A_473 = arith.constant 0 : index
    %get3A_474 = vector.load %arg8[%get3A_472, %get3A_473] : memref<1024x256xbf16, #tpu.memory_space<vmem>>, vector<1024x256xbf16>
    %dot_general3A_475 = arith.constant dense<0.000000e+00> : vector<256x256xf32>
    %dot_general3A_476 = tpu.matmul %convert_element_type3A_461, %get3A_474, %dot_general3A_475 {dimension_numbers = #tpu.dot_dimension_numbers<[1], [0], [0], [1], [0, 0, 1, 1], [], []>, transpose_lhs_hint = false} : vector<256x1024xbf16>, vector<1024x256xbf16>, vector<256x256xf32> -> vector<256x256xf32>
    %get3A_477 = arith.constant 0 : index
    %get3A_478 = arith.constant 0 : index
    %get3A_479 = vector.load %arg9[%get3A_477, %get3A_478] : memref<1x256xf32, #tpu.memory_space<vmem>>, vector<1x256xf32>
    %add3A_480 = vector.broadcast %get3A_479 : vector<1x256xf32> to vector<256x256xf32>
    %add3A_481 = arith.addf %dot_general3A_476, %add3A_480 : vector<256x256xf32>
    %logistic3A_482 = arith.negf %add3A_471 : vector<256x256xf32>
    %logistic3A_483 = math.exp %logistic3A_482 : vector<256x256xf32>
    %logistic3A_484 = arith.constant 1.000000e+00 : f32
    %logistic3A_485 = vector.broadcast %logistic3A_484 : f32 to vector<256x256xf32>
    %logistic3A_486 = arith.addf %logistic3A_485, %logistic3A_483 : vector<256x256xf32>
    %logistic3A_487 = arith.divf %logistic3A_485, %logistic3A_486 : vector<256x256xf32>
    %mul3A_488 = arith.mulf %add3A_471, %logistic3A_487 : vector<256x256xf32>
    %mul3A_489 = arith.mulf %mul3A_488, %add3A_481 : vector<256x256xf32>
    %convert_element_type3A_490 = arith.truncf %mul3A_489 : vector<256x256xf32> to vector<256x256xbf16>
    %get3A_491 = arith.constant 0 : index
    %get3A_492 = arith.constant 0 : index
    %get3A_493 = vector.load %arg6[%get3A_491, %get3A_492] : memref<256x1024xbf16, #tpu.memory_space<vmem>>, vector<256x1024xbf16>
    %dot_general3A_494 = arith.constant dense<0.000000e+00> : vector<256x1024xf32>
    %dot_general3A_495 = tpu.matmul %convert_element_type3A_490, %get3A_493, %dot_general3A_494 {dimension_numbers = #tpu.dot_dimension_numbers<[1], [0], [0], [1], [0, 0, 1, 1], [], []>, transpose_lhs_hint = false} : vector<256x256xbf16>, vector<256x1024xbf16>, vector<256x1024xf32> -> vector<256x1024xf32>
    %get3A_496 = arith.constant 0 : index
    %get3A_497 = arith.constant 0 : index
    %get3A_498 = vector.load %arg7[%get3A_496, %get3A_497] : memref<1x1024xf32, #tpu.memory_space<vmem>>, vector<1x1024xf32>
    %add3A_499 = vector.broadcast %get3A_498 : vector<1x1024xf32> to vector<256x1024xf32>
    %add3A_500 = arith.addf %dot_general3A_495, %add3A_499 : vector<256x1024xf32>
    %add3A_501 = arith.addf %get3A_3, %add3A_500 : vector<256x1024xf32>
    %swap3A_502 = arith.constant 0 : index
    %swap3A_503 = arith.constant 0 : index
    %swap3A_504 = vector.load %arg10[%swap3A_502, %swap3A_503] : memref<256x1024xf32, #tpu.memory_space<vmem>>, vector<256x1024xf32>
    tpu.vector_store %arg10[%swap3A_502, %swap3A_503], %add3A_501 {strides = array<i32>} : memref<256x1024xf32, #tpu.memory_space<vmem>>, vector<256x1024xf32>,
    return
  }
  func.func @transform_0(%arg0: i32) -> (i32, i32) {
    %c0_i32 = arith.constant 0 : i32
    %c0_i32_0 = arith.constant 0 : i32
    return %arg0, %c0_i32 : i32, i32
  }
  func.func @transform_1(%arg0: i32) -> (i32, i32) {
    %c0_i32 = arith.constant 0 : i32
    %c0_i32_0 = arith.constant 0 : i32
    %c0_i32_1 = arith.constant 0 : i32
    return %c0_i32, %c0_i32_0 : i32, i32
  }
  func.func @transform_2(%arg0: i32) -> (i32, i32) {
    %c0_i32 = arith.constant 0 : i32
    %c0_i32_0 = arith.constant 0 : i32
    %c0_i32_1 = arith.constant 0 : i32
    return %c0_i32, %c0_i32_0 : i32, i32
  }
  func.func @transform_3(%arg0: i32) -> (i32, i32) {
    %c0_i32 = arith.constant 0 : i32
    %c0_i32_0 = arith.constant 0 : i32
    %c0_i32_1 = arith.constant 0 : i32
    return %c0_i32, %c0_i32_0 : i32, i32
  }
  func.func @transform_4(%arg0: i32) -> (i32, i32) {
    %c0_i32 = arith.constant 0 : i32
    %c0_i32_0 = arith.constant 0 : i32
    %c0_i32_1 = arith.constant 0 : i32
    return %c0_i32, %c0_i32_0 : i32, i32
  }
  func.func @transform_5(%arg0: i32) -> (i32, i32) {
    %c0_i32 = arith.constant 0 : i32
    %c0_i32_0 = arith.constant 0 : i32
    %c0_i32_1 = arith.constant 0 : i32
    return %c0_i32, %c0_i32_0 : i32, i32
  }
  func.func @transform_6(%arg0: i32) -> (i32, i32) {
    %c0_i32 = arith.constant 0 : i32
    %c0_i32_0 = arith.constant 0 : i32
    %c0_i32_1 = arith.constant 0 : i32
    return %c0_i32, %c0_i32_0 : i32, i32
  }
  func.func @transform_7(%arg0: i32) -> (i32, i32) {
    %c0_i32 = arith.constant 0 : i32
    %c0_i32_0 = arith.constant 0 : i32
    %c0_i32_1 = arith.constant 0 : i32
    return %c0_i32, %c0_i32_0 : i32, i32
  }
  func.func @transform_8(%arg0: i32) -> (i32, i32) {
    %c0_i32 = arith.constant 0 : i32
    %c0_i32_0 = arith.constant 0 : i32
    %c0_i32_1 = arith.constant 0 : i32
    return %c0_i32, %c0_i32_0 : i32, i32
  }
  func.func @transform_9(%arg0: i32) -> (i32, i32) {
    %c0_i32 = arith.constant 0 : i32
    %c0_i32_0 = arith.constant 0 : i32
    return %arg0, %c0_i32 : i32, i32
  }
  func.func @transform_10(%arg0: i32) -> (i32, i32) {
    %c0_i32 = arith.constant 0 : i32
    %c0_i32_0 = arith.constant 0 : i32
    return %arg0, %c0_i32 : i32, i32
  }
  func.func @transform_11(%arg0: i32) -> (i32, i32) {
    %c0_i32 = arith.constant 0 : i32
    %c0_i32_0 = arith.constant 0 : i32
    return %arg0, %c0_i32 : i32, i32
  }
  func.func @transform_12(%arg0: i32) -> (i32, i32) {
    %c0_i32 = arith.constant 0 : i32
    %c0_i32_0 = arith.constant 0 : i32
    return %arg0, %c0_i32 : i32, i32
  }
  func.func @transform_13(%arg0: i32) -> (i32, i32) {
    %c0_i32 = arith.constant 0 : i32
    %c0_i32_0 = arith.constant 0 : i32
    return %arg0, %c0_i32 : i32, i32
  }
  func.func @transform_14(%arg0: i32) -> (i32, i32) {
    %c0_i32 = arith.constant 0 : i32
    %c0_i32_0 = arith.constant 0 : i32
    return %c0_i32, %arg0 : i32, i32
  }
  func.func @transform_15(%arg0: i32) -> (i32, i32) {
    %c0_i32 = arith.constant 0 : i32
    %c0_i32_0 = arith.constant 0 : i32
    return %c0_i32, %arg0 : i32, i32
  }
  func.func @transform_16(%arg0: i32) -> (i32, i32, i32) {
    %c0_i32 = arith.constant 0 : i32
    %c0_i32_0 = arith.constant 0 : i32
    %c0_i32_1 = arith.constant 0 : i32
    return %arg0, %c0_i32, %c0_i32_0 : i32, i32, i32
  }
  func.func @transform_17(%arg0: i32) -> (i32, i32) {
    %c0_i32 = arith.constant 0 : i32
    %c0_i32_0 = arith.constant 0 : i32
    return %arg0, %c0_i32 : i32, i32
  }
}

module attributes {stable_mosaic.version = 14 : i64} {
  func.func @_ffn_body(%arg0: i32, %arg1: memref<512x512xi32, #tpu.memory_space<vmem>>, %arg2: memref<512x128xf32, #tpu.memory_space<vmem>>, %arg3: memref<1x1024x256xbf16, #tpu.memory_space<vmem>>, %arg4: memref<1x1x256xf32, #tpu.memory_space<vmem>>, %arg5: memref<1x256x1024xbf16, #tpu.memory_space<vmem>>, %arg6: memref<1x1x1024xf32, #tpu.memory_space<vmem>>, %arg7: memref<1x1024x256xbf16, #tpu.memory_space<vmem>>, %arg8: memref<1x1x256xf32, #tpu.memory_space<vmem>>, %arg9: memref<512x1024xf32, #tpu.memory_space<vmem>>) attributes {dimension_semantics = [#tpu.dimension_semantics<arbitrary>], iteration_bounds = array<i64: 65>, scalar_prefetch = 0 : i64, scratch_operands = 0 : i64, tpu.core_type = #tpu.core_type<tc>, window_params = [{transform_indices = @transform_0, window_bounds = array<i64: 512, 512>}, {transform_indices = @transform_1, window_bounds = array<i64: 512, 128>}, {transform_indices = @transform_2, window_bounds = array<i64: 1, 1024, 256>}, {transform_indices = @transform_3, window_bounds = array<i64: 1, 1, 256>}, {transform_indices = @transform_4, window_bounds = array<i64: 1, 256, 1024>}, {transform_indices = @transform_5, window_bounds = array<i64: 1, 1, 1024>}, {transform_indices = @transform_6, window_bounds = array<i64: 1, 1024, 256>}, {transform_indices = @transform_7, window_bounds = array<i64: 1, 1, 256>}, {transform_indices = @transform_8, window_bounds = array<i64: 512, 1024>}]} {
    %lt3A = arith.constant 64 : i32
    %lt3A_0 = arith.cmpi slt, %arg0, %lt3A : i32
    %convert_element_type3A = arith.extui %lt3A_0 : i1 to i32
    %cond3A = arith.constant 0 : i32
    %cond3A_1 = arith.cmpi ne, %convert_element_type3A, %cond3A : i32
    scf.if %cond3A_1 {
      %get3A = arith.constant 0 : index
      %get3A_6 = arith.constant 0 : index
      %get3A_7 = vector.load %arg1[%get3A, %get3A_6] : memref<512x512xi32, #tpu.memory_space<vmem>>, vector<512x512xi32>
      %shift_left3A = arith.constant 16 : i32
      %shift_left3A_8 = vector.broadcast %shift_left3A : i32 to vector<512x512xi32>
      %shift_left3A_9 = arith.shli %get3A_7, %shift_left3A_8 : vector<512x512xi32>
      %bitcast_convert_type3A = tpu.bitcast %shift_left3A_9 : vector<512x512xi32> -> vector<512x512xf32>
      %and3A = arith.constant -65536 : i32
      %and3A_10 = vector.broadcast %and3A : i32 to vector<512x512xi32>
      %and3A_11 = arith.andi %get3A_7, %and3A_10 : vector<512x512xi32>
      %bitcast_convert_type3A_12 = tpu.bitcast %and3A_11 : vector<512x512xi32> -> vector<512x512xf32>
      %concatenate3A = tpu.concatenate %bitcast_convert_type3A, %bitcast_convert_type3A_12 in 1 : vector<512x512xf32>, vector<512x512xf32> -> vector<512x1024xf32>
      %convert_element_type3A_13 = arith.truncf %concatenate3A : vector<512x1024xf32> to vector<512x1024xbf16>
      %get3A_14 = arith.constant 0 : index
      %get3A_15 = arith.constant 0 : index
      %get3A_16 = arith.constant 0 : index
      %get3A_17 = vector.load %arg3[%get3A_14, %get3A_15, %get3A_16] : memref<1x1024x256xbf16, #tpu.memory_space<vmem>>, vector<1x1024x256xbf16>
      %get3A_18 = vector.shape_cast %get3A_17 : vector<1x1024x256xbf16> to vector<1024x256xbf16>
      %dot_general3A = arith.constant dense<0.000000e+00> : vector<512x256xf32>
      %dot_general3A_19 = tpu.matmul %convert_element_type3A_13, %get3A_18, %dot_general3A {dimension_numbers = #tpu.dot_dimension_numbers<[1], [0], [0], [1], [0, 0, 1, 1], [], []>, transpose_lhs_hint = false} : vector<512x1024xbf16>, vector<1024x256xbf16>, vector<512x256xf32> -> vector<512x256xf32>
      %get3A_20 = arith.constant 0 : index
      %get3A_21 = arith.constant 0 : index
      %get3A_22 = arith.constant 0 : index
      %get3A_23 = vector.load %arg4[%get3A_20, %get3A_21, %get3A_22] : memref<1x1x256xf32, #tpu.memory_space<vmem>>, vector<1x1x256xf32>
      %get3A_24 = vector.shape_cast %get3A_23 : vector<1x1x256xf32> to vector<1x256xf32>
      %add3A = vector.broadcast %get3A_24 : vector<1x256xf32> to vector<512x256xf32>
      %add3A_25 = arith.addf %dot_general3A_19, %add3A : vector<512x256xf32>
      %get3A_26 = arith.constant 0 : index
      %get3A_27 = arith.constant 0 : index
      %get3A_28 = arith.constant 0 : index
      %get3A_29 = vector.load %arg7[%get3A_26, %get3A_27, %get3A_28] : memref<1x1024x256xbf16, #tpu.memory_space<vmem>>, vector<1x1024x256xbf16>
      %get3A_30 = vector.shape_cast %get3A_29 : vector<1x1024x256xbf16> to vector<1024x256xbf16>
      %dot_general3A_31 = arith.constant dense<0.000000e+00> : vector<512x256xf32>
      %dot_general3A_32 = tpu.matmul %convert_element_type3A_13, %get3A_30, %dot_general3A_31 {dimension_numbers = #tpu.dot_dimension_numbers<[1], [0], [0], [1], [0, 0, 1, 1], [], []>, transpose_lhs_hint = false} : vector<512x1024xbf16>, vector<1024x256xbf16>, vector<512x256xf32> -> vector<512x256xf32>
      %get3A_33 = arith.constant 0 : index
      %get3A_34 = arith.constant 0 : index
      %get3A_35 = arith.constant 0 : index
      %get3A_36 = vector.load %arg8[%get3A_33, %get3A_34, %get3A_35] : memref<1x1x256xf32, #tpu.memory_space<vmem>>, vector<1x1x256xf32>
      %get3A_37 = vector.shape_cast %get3A_36 : vector<1x1x256xf32> to vector<1x256xf32>
      %add3A_38 = vector.broadcast %get3A_37 : vector<1x256xf32> to vector<512x256xf32>
      %add3A_39 = arith.addf %dot_general3A_32, %add3A_38 : vector<512x256xf32>
      %logistic3A = arith.negf %add3A_25 : vector<512x256xf32>
      %logistic3A_40 = math.exp %logistic3A : vector<512x256xf32>
      %logistic3A_41 = arith.constant 1.000000e+00 : f32
      %logistic3A_42 = vector.broadcast %logistic3A_41 : f32 to vector<512x256xf32>
      %logistic3A_43 = arith.addf %logistic3A_42, %logistic3A_40 : vector<512x256xf32>
      %logistic3A_44 = arith.divf %logistic3A_42, %logistic3A_43 : vector<512x256xf32>
      %mul3A = arith.mulf %add3A_25, %logistic3A_44 : vector<512x256xf32>
      %mul3A_45 = arith.mulf %mul3A, %add3A_39 : vector<512x256xf32>
      %convert_element_type3A_46 = arith.truncf %mul3A_45 : vector<512x256xf32> to vector<512x256xbf16>
      %get3A_47 = arith.constant 0 : index
      %get3A_48 = arith.constant 0 : index
      %get3A_49 = arith.constant 0 : index
      %get3A_50 = vector.load %arg5[%get3A_47, %get3A_48, %get3A_49] : memref<1x256x1024xbf16, #tpu.memory_space<vmem>>, vector<1x256x1024xbf16>
      %get3A_51 = vector.shape_cast %get3A_50 : vector<1x256x1024xbf16> to vector<256x1024xbf16>
      %dot_general3A_52 = arith.constant dense<0.000000e+00> : vector<512x1024xf32>
      %dot_general3A_53 = tpu.matmul %convert_element_type3A_46, %get3A_51, %dot_general3A_52 {dimension_numbers = #tpu.dot_dimension_numbers<[1], [0], [0], [1], [0, 0, 1, 1], [], []>, transpose_lhs_hint = false} : vector<512x256xbf16>, vector<256x1024xbf16>, vector<512x1024xf32> -> vector<512x1024xf32>
      %get3A_54 = arith.constant 0 : index
      %get3A_55 = arith.constant 0 : index
      %get3A_56 = arith.constant 0 : index
      %get3A_57 = vector.load %arg6[%get3A_54, %get3A_55, %get3A_56] : memref<1x1x1024xf32, #tpu.memory_space<vmem>>, vector<1x1x1024xf32>
      %get3A_58 = vector.shape_cast %get3A_57 : vector<1x1x1024xf32> to vector<1x1024xf32>
      %add3A_59 = vector.broadcast %get3A_58 : vector<1x1024xf32> to vector<512x1024xf32>
      %add3A_60 = arith.addf %dot_general3A_53, %add3A_59 : vector<512x1024xf32>
      %get3A_61 = arith.constant 0 : index
      %get3A_62 = arith.constant 0 : index
      %get3A_63 = vector.load %arg2[%get3A_61, %get3A_62] : memref<512x128xf32, #tpu.memory_space<vmem>>, vector<512x128xf32>
      %slice3A = vector.extract_strided_slice %get3A_63 {offsets = [0, 0], sizes = [512, 1], strides = [1, 1]} : vector<512x128xf32> to vector<512x1xf32>
      %mul3A_64 = vector.broadcast %slice3A : vector<512x1xf32> to vector<512x1024xf32>
      %mul3A_65 = arith.mulf %add3A_60, %mul3A_64 : vector<512x1024xf32>
      %swap3A = arith.constant 0 : index
      %swap3A_66 = arith.constant 0 : index
      %swap3A_67 = vector.load %arg9[%swap3A, %swap3A_66] : memref<512x1024xf32, #tpu.memory_space<vmem>>, vector<512x1024xf32>
      tpu.vector_store %arg9[%swap3A, %swap3A_66], %mul3A_65 {strides = array<i32>} : memref<512x1024xf32, #tpu.memory_space<vmem>>, vector<512x1024xf32>,
    } else {
    }
    %eq3A = arith.constant 64 : i32
    %eq3A_2 = arith.cmpi eq, %arg0, %eq3A : i32
    %convert_element_type3A_3 = arith.extui %eq3A_2 : i1 to i32
    %cond3A_4 = arith.constant 0 : i32
    %cond3A_5 = arith.cmpi ne, %convert_element_type3A_3, %cond3A_4 : i32
    scf.if %cond3A_5 {
      %broadcast_in_dim3A = arith.constant 0.000000e+00 : f32
      %broadcast_in_dim3A_6 = vector.broadcast %broadcast_in_dim3A : f32 to vector<512x1024xf32>
      %swap3A = arith.constant 0 : index
      %swap3A_7 = arith.constant 0 : index
      %swap3A_8 = vector.load %arg9[%swap3A, %swap3A_7] : memref<512x1024xf32, #tpu.memory_space<vmem>>, vector<512x1024xf32>
      tpu.vector_store %arg9[%swap3A, %swap3A_7], %broadcast_in_dim3A_6 {strides = array<i32>} : memref<512x1024xf32, #tpu.memory_space<vmem>>, vector<512x1024xf32>,
    } else {
    }
    return
  }
  func.func @transform_0(%arg0: i32) -> (i32, i32) {
    %min3A = arith.constant 63 : i32
    %min3A_0 = arith.minsi %arg0, %min3A : i32
    %c0_i32 = arith.constant 0 : i32
    %c0_i32_1 = arith.constant 0 : i32
    return %min3A_0, %c0_i32 : i32, i32
  }
  func.func @transform_1(%arg0: i32) -> (i32, i32) {
    %min3A = arith.constant 63 : i32
    %min3A_0 = arith.minsi %arg0, %min3A : i32
    %c0_i32 = arith.constant 0 : i32
    %c0_i32_1 = arith.constant 0 : i32
    return %min3A_0, %c0_i32 : i32, i32
  }
  func.func @transform_2(%arg0: i32) -> (i32, i32, i32) {
    %min3A = arith.constant 63 : i32
    %min3A_0 = arith.minsi %arg0, %min3A : i32
    %c0_i32 = arith.constant 0 : i32
    %c0_i32_1 = arith.constant 0 : i32
    %c0_i32_2 = arith.constant 0 : i32
    return %min3A_0, %c0_i32, %c0_i32_1 : i32, i32, i32
  }
  func.func @transform_3(%arg0: i32) -> (i32, i32, i32) {
    %min3A = arith.constant 63 : i32
    %min3A_0 = arith.minsi %arg0, %min3A : i32
    %c0_i32 = arith.constant 0 : i32
    %c0_i32_1 = arith.constant 0 : i32
    %c0_i32_2 = arith.constant 0 : i32
    return %min3A_0, %c0_i32, %c0_i32_1 : i32, i32, i32
  }
  func.func @transform_4(%arg0: i32) -> (i32, i32, i32) {
    %min3A = arith.constant 63 : i32
    %min3A_0 = arith.minsi %arg0, %min3A : i32
    %c0_i32 = arith.constant 0 : i32
    %c0_i32_1 = arith.constant 0 : i32
    %c0_i32_2 = arith.constant 0 : i32
    return %min3A_0, %c0_i32, %c0_i32_1 : i32, i32, i32
  }
  func.func @transform_5(%arg0: i32) -> (i32, i32, i32) {
    %min3A = arith.constant 63 : i32
    %min3A_0 = arith.minsi %arg0, %min3A : i32
    %c0_i32 = arith.constant 0 : i32
    %c0_i32_1 = arith.constant 0 : i32
    %c0_i32_2 = arith.constant 0 : i32
    return %min3A_0, %c0_i32, %c0_i32_1 : i32, i32, i32
  }
  func.func @transform_6(%arg0: i32) -> (i32, i32, i32) {
    %min3A = arith.constant 63 : i32
    %min3A_0 = arith.minsi %arg0, %min3A : i32
    %c0_i32 = arith.constant 0 : i32
    %c0_i32_1 = arith.constant 0 : i32
    %c0_i32_2 = arith.constant 0 : i32
    return %min3A_0, %c0_i32, %c0_i32_1 : i32, i32, i32
  }
  func.func @transform_7(%arg0: i32) -> (i32, i32, i32) {
    %min3A = arith.constant 63 : i32
    %min3A_0 = arith.minsi %arg0, %min3A : i32
    %c0_i32 = arith.constant 0 : i32
    %c0_i32_1 = arith.constant 0 : i32
    %c0_i32_2 = arith.constant 0 : i32
    return %min3A_0, %c0_i32, %c0_i32_1 : i32, i32, i32
  }
  func.func @transform_8(%arg0: i32) -> (i32, i32) {
    %c0_i32 = arith.constant 0 : i32
    %c0_i32_0 = arith.constant 0 : i32
    return %arg0, %c0_i32 : i32, i32
  }
}

</mosaic_0001>

<sc_bundles>
// kernel: kernel.6.cloned.1.call-start
scs
__scs_entry_jumppad:
0x0: {  	(pc) =	sbr.rel $0x88, $3  }
0x1: {  	(tag) =	ssettag $0x0;
	lr =	simm.s32 $0x1  }
0x2: {  	[smem:$0x3F92] =	sst lr;
	_ =	strace $0xD0000000  }
0x3: {  	_ = 	snop  }
0x4: {  	_ = 	snop  }
0x5: {  	_ = 	snop  }
0x6: {  	_ = 	snop  }
0x7: {  	_ = 	snop  }
__scs_overlays_trampoline_lowered:
0x8: {  	[smem:$0x3FA1] =	sst s0  }
0x9: {  	[smem:$0x3FA2] =	sst s1  }
0xa: {  	[smem:$0x3FA3] =	sst s2  }
0xb: {  	[smem:$0x3FA4] =	sst s3  }
0xc: {  	[smem:$0x3FA5] =	sst s4  }
0xd: {  	[smem:$0x3FA6] =	sst s5  }
0xe: {  	[smem:$0x3FA7] =	sst s6  }
0xf: {  	[smem:$0x3FA8] =	sst s7  }
0x10: {  	[smem:$0x3FA9] =	sst s8  }
0x11: {  	[smem:$0x3FAA] =	sst s9;
	s0 =	simm.s32 @!p0 $0x0  }
0x12: {  	s1 =	sld [smem:$0x3F90];
	s0 =	simm.s32 @p0 $0x1  }
0x13: {  	[smem:$0x3FAB] =	sst s0;
	s0 =	simm.s32 @!p1 $0x0  }
0x14: {  	s2 =	sld [smem:$0x3F8F];
	s0 =	simm.s32 @p1 $0x1  }
0x15: {  	[smem:$0x3FAC] =	sst s0;
	s0 =	simm.s32 @!p2 $0x0  }
0x16: {  	s3 =	sld [smem:$0x3FDB];
	s0 =	simm.s32 @p2 $0x1  }
0x17: {  	s4 =	simm.s32 $0x1BF5;
	[smem:$0x3FAE] =	sst s0  }
0x18: {  	s0 =	sld [smem:$0x3F91];
	_ =	swait.ge [sflag:s4], $0x0  }
0x19: {  	s7 =	sld [smem:$0x3F92]  }
0x1a: {  	s8 =	sadd.s32 $0xFFFFE003, lr  }
0x1b: {  	s9 =	sadd.s32 $0xFFFFFEF7, lr;
	s5 =	simm.s32 $0xFFFFFFFF;
	p2 =	slt.u32 s8, $0xFFFFF086  }
0x1c: {  	p1 =	slt.u32 s9, $0xF7A;
	s5 =	simm.s32 @!p2 $0x0  }
0x1d: {  	s5 =	simm.s32 @p1 $0x1;
	p0 =	seq.s32 s7, s2  }
0x1e: {  	s7 =	smul.u32 @!p0 $0xF7A, s2;
	p2 =	seq.s32 @!p0 s5, $0x0  }
0x1f: {  	s9 =	smul.u32 $0xF7A, s1;
	s8 =	simm.s32 @!p0 $0x1BF5;
	p2 =	por !p2, p0  }
0x20: {  	[sflag:s8] =	ssyncset.s32 @!p0 $0xFFFFF086;
	s6 =	sadd.s32 @!p0 s3, s7;
	s7 =	simm.s32 @!p0 $0x108  }
0x21: {  	s3 =	sadd.s32 s3, s9;
	s6 =	sadd.s32 @!p0 $0x88, s6;
	s7 =	simm.s32 @p2 $0x1082  }
0x22: {  	[simem:s7], [sflag:s8] =	dma.local @!p0 [hbm:s6], $0xF7A  }
0x23: {  	s9 =	sor.u32 $0xD0000000, s2;
	s6 =	simm.s32 $0x108;
	_ =	swait.ge @!p0 [sflag:s8], $0x0  }
0x24: {  	s3 =	sadd.s32 $0x88, s3;
	s6 =	simm.s32 @!p1 $0x1082;
	[sflag:s4] =	ssyncset.s32 $0xFFFFF086  }
0x25: {  	[simem:s6], [sflag:s4] =	dma.local [hbm:s3], $0xF7A  }
0x26: {  	[smem:$0x3F92] =	sst s1;
	(tag) =	ssettag s2;
	_ =	strace s9  }
0x27: {  	s1 =	sld [smem:$0x3FA2]  }
0x28: {  	s2 =	sld [smem:$0x3FA3]  }
0x29: {  	s4 =	sld [smem:$0x3FA5]  }
0x2a: {  	p0 =	seq.s32 s5, $0x0;
	s5 =	sld [smem:$0x3FA6]  }
0x2b: {  	s6 =	sld [smem:$0x3FA7]  }
0x2c: {  	s7 =	sld [smem:$0x3FA8]  }
0x2d: {  	s3 =	simm.s32 $0x108;
	s8 =	sld [smem:$0x3FA9]  }
0x2e: {  	s3 =	simm.s32 @!p0 $0x1082;
	s9 =	sld [smem:$0x3FAA]  }
0x2f: {  	lr =	sadd.s32 s0, s3;
	s0 =	sld [smem:$0x3FA1]  }
0x30: {  	s3 =	sld [smem:$0x3FA4]  }
0x31: {  	[smem:$0x3FAD] =	sst s10  }
0x32: {  	s10 =	sld [smem:$0x3FAB];
	_ =	sdelay $0x3  }
0x33: {  	p0 =	seq.s32 s10, $0x1;
	s10 =	sld [smem:$0x3FAD];
	_ =	sdelay $0x3  }
0x34: {  	[smem:$0x3FAD] =	sst s10  }
0x35: {  	s10 =	sld [smem:$0x3FAC];
	_ =	sdelay $0x3  }
0x36: {  	p1 =	seq.s32 s10, $0x1;
	s10 =	sld [smem:$0x3FAD];
	_ =	sdelay $0x3  }
0x37: {  	[smem:$0x3FAD] =	sst s10  }
0x38: {  	s10 =	sld [smem:$0x3FAE]  }
0x39: {  	_ = 	snop;
	(pc) =	sbr.ind lr, $3  }
0x3a: {  	_ = 	snop  }
0x3b: {  	_ = 	snop  }
0x3c: {  	p2 =	seq.s32 s10, $0x1;
	s10 =	sld [smem:$0x3FAD]  }
0x3d: {  	_ =	shalt  }
0x3e: {  	_ =	shalt  }
0x3f: {  	_ =	shalt  }
0x40: {  	_ =	shalt  }
0x41: {  	_ =	shalt  }
0x42: {  	_ =	shalt  }
0x43: {  	_ =	shalt  }
0x44: {  	_ =	shalt  }
0x45: {  	_ =	shalt  }
0x46: {  	_ =	shalt  }
0x47: {  	_ =	shalt  }
0x48: {  	_ =	shalt  }
0x49: {  	_ =	shalt  }
0x4a: {  	_ =	shalt  }
0x4b: {  	_ =	shalt  }
0x4c: {  	_ =	shalt  }
0x4d: {  	_ =	shalt  }
0x4e: {  	_ =	shalt  }
0x4f: {  	_ =	shalt  }
0x50: {  	_ =	shalt  }
0x51: {  	_ =	shalt  }
0x52: {  	_ =	shalt  }
0x53: {  	_ =	shalt  }
0x54: {  	_ =	shalt  }
0x55: {  	_ =	shalt  }
0x56: {  	_ =	shalt  }
0x57: {  	_ =	shalt  }
0x58: {  	_ =	shalt  }
0x59: {  	_ =	shalt  }
0x5a: {  	_ =	shalt  }
0x5b: {  	_ =	shalt  }
0x5c: {  	_ =	shalt  }
0x5d: {  	_ =	shalt  }
0x5e: {  	_ =	shalt  }
0x5f: {  	_ =	shalt  }
0x60: {  	_ =	shalt  }
0x61: {  	_ =	shalt  }
0x62: {  	_ =	shalt  }
0x63: {  	_ =	shalt  }
0x64: {  	_ =	shalt  }
0x65: {  	_ =	shalt  }
0x66: {  	_ =	shalt  }
0x67: {  	_ =	shalt  }
0x68: {  	_ =	shalt  }
0x69: {  	_ =	shalt  }
0x6a: {  	_ =	shalt  }
0x6b: {  	_ =	shalt  }
0x6c: {  	_ =	shalt  }
0x6d: {  	_ =	shalt  }
0x6e: {  	_ =	shalt  }
0x6f: {  	_ =	shalt  }
0x70: {  	_ =	shalt  }
0x71: {  	_ =	shalt  }
0x72: {  	_ =	shalt  }
0x73: {  	_ =	shalt  }
0x74: {  	_ =	shalt  }
0x75: {  	_ =	shalt  }
0x76: {  	_ =	shalt  }
0x77: {  	_ =	shalt  }
0x78: {  	_ =	shalt  }
0x79: {  	_ =	shalt  }
0x7a: {  	_ =	shalt  }
0x7b: {  	_ =	shalt  }
0x7c: {  	_ =	shalt  }
0x7d: {  	_ =	shalt  }
0x7e: {  	_ =	shalt  }
0x7f: {  	_ =	shalt  }
0x80: {  	_ =	shalt  }
0x81: {  	_ =	shalt  }
0x82: {  	_ =	shalt  }
0x83: {  	_ =	shalt  }
0x84: {  	_ =	shalt  }
0x85: {  	_ =	shalt  }
0x86: {  	_ =	shalt  }
0x87: {  	_ =	shalt  }
.Lfunc_end0:
.L_simem_size_0:
called_computation_lowered:
.L_overlay_start_0:
0x88: {  	s2 =	sld [smem:$0x3FD9]  }
0x89: {  	s3 =	sld [smem:$0x3FFE];
	_ =	sdelay $0x1  }
0x8a: {  	s1 =	srdreg.scid  }
0x8b: {  	s0 =	sand.u32 $0x1, s1  }
0x8c: {  	s14 =	sshll.u32 s0, $0xA;
	s2 =	sadd.s32 s3, s2  }
0x8d: {  	s2 =	sadd.s32 s2, s14  }
0x8e: {  	[smem:$0x3FB9] =	sst s2  }
0x8f: {  	_ = 	snop  }
0x90: {  	s2 =	sld [smem:$0x3FD0];
	_ =	sdelay $0x2  }
0x91: {  	s15 =	simm.s32 $0xA;
	s4 =	simm.s32 $0x10  }
0x92: {  	[smem:s4], [sflag:s15] =	dma.local [hbm:s2], $0x1  }
0x93: {  	_ =	swait.eq [sflag:s15], $0x1  }
0x94: {  	s16 =	sld [smem:$0x10];
	[sflag:s15] =	ssyncset.done $0x0  }
0x95: {  	s17 =	sld [smem:$0x12];
	[sflag:s15] =	ssyncadd.s32 $0xFFFFFFFF  }
0x96: {  	s18 =	sld [smem:$0x13];
	(tm) =	ssettm $0x1  }
0x97: {  	s5 =	sld [smem:$0x3FFB];
	_ =	sdelay $0x3  }
0x98: {  	_ =	strace s5  }
0x99: {  	s5 =	sld [smem:$0x3FFC];
	_ =	sdelay $0x3  }
0x9a: {  	_ =	strace s5  }
0x9b: {  	s5 =	sld [smem:$0x3FFD];
	_ =	sdelay $0x3  }
0x9c: {  	_ =	strace s5  }
0x9d: {  	_ =	strace $0x8FFFFFFF  }
0x9e: {  	s19 =	sld [smem:$0x3FDB];
	_ =	sdelay $0x1  }
0x9f: {  	s6 =	simm.s32 $_scs_section_size  }
0xa0: {  	s7 =	simm.s32 $_size__tile_overlayer_lowered;
	s8 =	simm.s32 $_tile_overlayer_lowered  }
0xa1: {  	s22 =	simm.s32 $0x1BFF;
	s21 =	sshll.u32 s8, $0x1;
	s5 =	sadd.s32 s6, s19  }
0xa2: {  	s9 =	simm.s32 $0x0;
	s20 =	sshll.u32 s7, $0x1;
	s7 =	sadd.s32 s21, s5  }
0xa3: {  	[timem:s9], [sflag:s22] =	dma.local [hbm:s7], s20  }
0xa4: {  	_ =	swait.ge [sflag:s22], s20  }
0xa5: {  	s6 =	ssub.s32 $0x0, s20;
	[sflag:s22] =	ssyncset.done $0x0  }
0xa6: {  	[sflag:s22] =	ssyncadd.s32 s6;
	_ =	sdelay $0x1  }
0xa7: {  	s23 =	simm.s32 $0x1B8B  }
0xa8: {  	_ =	swait.ge [sflag:s23], $0x1  }
0xa9: {  	[sflag:s23] =	ssyncset.done $0x0  }
0xaa: {  	s25 =	simm.s32 $0x1B8E;
	s24 =	sld [smem:$0x3FFE];
	[sflag:s23] =	ssyncadd.s32 $0xFFFFFFFF  }
0xab: {  	s26 =	simm.s32 $execute0_lowered;
	[smem:$0x3FD2] =	sst s25  }
0xac: {  	s7 =	sshll.u32 s26, $0x1;
	_ =	strace $0x80000046;
	[dreg:$0x1] =	wrdreg $0xFFFFFFFF  }
0xad: {  	s28 =	simm.s32 $_size_execute0_lowered;
	s5 =	sadd.s32 s5, s7;
	[dreg:$0x0] =	wrdreg $0x0  }
0xae: {  	s7 =	sshll.u32 s28, $0x1;
	[dreg:$0x2] =	wrdreg s5  }
0xaf: {  	[dreg:$0x3] =	wrdreg s7  }
0xb0: {  	[dreg:$0x4] =	wrdreg $0xC0  }
0xb1: {  	_ =	task [dreg:s9], $0x5FFFF  }
0xb2: {  	[dreg:$0x1] =	wrdreg $0xFFFFFFFF  }
0xb3: {  	[dreg:$0x0] =	wrdreg $0x60  }
0xb4: {  	[dreg:$0x2] =	wrdreg s24  }
0xb5: {  	[dreg:$0x3] =	wrdreg s18  }
0xb6: {  	[dreg:$0x4] =	wrdreg s17  }
0xb7: {  	[dreg:$0x5] =	wrdreg s16  }
0xb8: {  	[dreg:$0x6] =	wrdreg $0x9  }
0xb9: {  	_ =	task.clear_ibuf [dreg:s9], $0x7FFFF;
	_ =	strace $0x90000046  }
0xba: {  	s29 =	simm.s32 $0x9;
	_ =	strace $0x80000048  }
0xbb: {  	_ =	swait.ge [sflag:s29], $0x1  }
0xbc: {  	[sflag:s29] =	ssyncadd.s32 $0xFFFFFFFF  }
0xbd: {  	_ =	strace $0x90000048  }
0xbe: {  	_ =	sfence  }
0xbf: {  	s30 =	sld [smem:$0x0];
	_ =	sdelay $0x2  }
0xc0: {  	s31 =	sshll.u32 s1, $0xD;
	s1 =	sshrl.u32 s1, $0x2  }
0xc1: {  	s3 =	sand.u32 $0x4000, s31;
	s1 =	sadd.s32 s1, s30  }
0xc2: {  	s0 =	sor.u32 s3, s0;
	s1 =	sshll.u32 s1, $0x11  }
0xc3: {  	s0 =	sor.u32 s1, s0  }
0xc4: {  	s0 =	sadd.s32 $0x8F2B, s0  }
0xc5: {  	[sflag:s0] =	ssyncadd.remote.s32 $0x1  }
0xc6: {  	_ =	sfence.sel $0xFFFF  }
0xc7: {  	[dreg:$0x0] =	wrdreg $0xFFFFFFFF;
	(pc) =	sbr.abs _section_cstart, $3  }
0xc8: {  	[dreg:$0x1] =	wrdreg $0xFFFFFFFF  }
0xc9: {  	_ =	task.clear_ibuf [dreg:s9], $0x2FFFF;
	_ =	strace $0x9FFFFFFF  }
0xca: {  	(tm) =	ssettm $0x7FFFFFFF  }
0xcb: {  	_ =	shalt  }
tec
execute0_lowered:
.L_overlay_start_1:
0x0: {  	(tag) =	ssettag $0x1  }
0x1: {  	s5 =	rddreg [dreg:$0x0]  }
0x2: {  	s0 =	rddreg [dreg:$0x1]  }
0x3: {  	s7 =	rddreg [dreg:$0x2]  }
0x4: {  	s6 =	rddreg [dreg:$0x3];
	s3 =	srdreg.scid  }
0x5: {  	s1 =	stileid.u32;
	s2 =	simm.s32 $0x0;
	s28 =	simm.s32 $0x2000  }
0x6: {  	s29 =	simm.s32 $0x2800;
	s30 =	simm.s32 $0x3000;
	s31 =	simm.s32 $0x3800  }
0x7: {  	s8 =	sand.u32 $0x1, s3;
	s25 =	sshll.u32 s1, $0x1;
	[smem:$0x7FF] =	sst s2  }
0x8: {  	s9 =	sadd.s32 $0x3200, s5;
	s15 =	sadd.s32 $0x20, s0;
	s16 =	sadd.s32 $0x30, s0  }
0x9: {  	s3 =	sor.u32 s8, s25;
	_ =	strace $0x80000047;
	s8 =	ssub.s32 $0x2, s8  }
0xa: {  	s4 =	sshll.u32 s3, $0xC;
	s10 =	sshll.u32 s3, $0x6;
	s11 =	sshll.u32 s3, $0x9  }
0xb: {  	s3 =	sshll.u32 s3, $0xD;
	s4 =	sadd.s32 s9, s4;
	s26 =	sand.u32 $0x40, s10  }
0xc: {  	s12 =	sand.u32 $0x3C00, s11;
	s13 =	sadd.s32 s7, s10;
	[dreg:$0x5] =	wrdreg s4  }
0xd: {  	s3 =	sadd.s32 s6, s3;
	s10 =	sor.u32 $0x20, s10;
	[dreg:$0x6] =	wrdreg s13  }
0xe: {  	s14 =	sor.u32 s26, s12;
	[dreg:$0x7] =	wrdreg s3;
	s20 =	sor.u32 s11, s26  }
0xf: {  	s3 =	sadd.s32 $0xBBC00, s5;
	s7 =	sadd.s32 s7, s10;
	s1 =	sshrl.u32 s14, $0x3  }
0x10: {  	s14 =	sadd.s32 $0x10, s0;
	s17 =	sshrl.u32 s20, $0x3;
	[dreg:$0x11] =	wrdreg s7  }
0x11: {  	s18 =	sadd.s32 s0, s1;
	s19 =	sadd.s32 s1, s14;
	s21 =	sadd.s32 s1, s15  }
0x12: {  	s22 =	sadd.s32 s1, s16;
	s23 =	sor.u32 $0x40, s17;
	[dreg:$0x8] =	wrdreg s18  }
0x13: {  	s24 =	sor.u32 $0x50, s17;
	s25 =	sor.u32 $0x60, s17;
	[dreg:$0x9] =	wrdreg s19  }
0x14: {  	s17 =	sor.u32 $0x70, s17;
	s1 =	sshll.u32 s10, $0x6;
	[dreg:$0xa] =	wrdreg s21  }
0x15: {  	[dreg:$0xb] =	wrdreg s22;
	s4 =	sadd.s32 s0, s23;
	s13 =	sadd.s32 s0, s24  }
0x16: {  	s26 =	sadd.s32 s0, s17;
	s9 =	sadd.s32 s9, s1;
	[dreg:$0xc] =	wrdreg s4  }
0x17: {  	s17 =	sshrl.u32 s8, $0x1;
	s18 =	sand.u32 $0x60, s10;
	[dreg:$0xd] =	wrdreg s13  }
0x18: {  	s10 =	sshll.u32 s10, $0x7;
	s4 =	sadd.s32 $0x3BA00, s5;
	[dreg:$0xf] =	wrdreg s26  }
0x19: {  	s13 =	sadd.s32 s0, s25;
	[dreg:$0x10] =	wrdreg s9;
	s12 =	sor.u32 s12, s18  }
0x1a: {  	s6 =	sadd.s32 s6, s10;
	s20 =	ssub.s32 s8, s17;
	s23 =	sor.u32 s11, s18  }
0x1b: {  	s5 =	sadd.s32 $0xBBD00, s5;
	s17 =	simm.s32 $0xC200;
	[dreg:$0xe] =	wrdreg s13  }
0x1c: {  	s18 =	simm.s32 $0xC280;
	s19 =	sshrl.u32 s12, $0x3;
	[dreg:$0x12] =	wrdreg s6  }
0x1d: {  	s11 =	sshrl.u32 s23, $0x3;
	s12 =	smax.u32 s20, $0x1;
	s13 =	simm.s32 $0xC000  }
0x1e: {  	s20 =	simm.s32 $0xC380;
	s23 =	simm.s32 $0x1;
	s21 =	sadd.s32 s0, s19  }
0x1f: {  	s22 =	sadd.s32 s19, s14;
	s24 =	sadd.s32 s19, s15;
	s7 =	sadd.s32 s19, s16  }
0x20: {  	s8 =	sor.u32 $0x40, s11;
	s25 =	sor.u32 $0x50, s11;
	s26 =	sor.u32 $0x60, s11  }
0x21: {  	s11 =	sor.u32 $0x70, s11;
	s14 =	simm.s32 $0x4000;
	[dreg:$0x13] =	wrdreg s21  }
0x22: {  	s15 =	simm.s32 $0xC100;
	s16 =	simm.s32 $0xC180;
	[dreg:$0x14] =	wrdreg s22  }
0x23: {  	s19 =	simm.s32 $0xC300;
	[dreg:$0x15] =	wrdreg s24;
	s8 =	sadd.s32 s0, s8  }
0x24: {  	v2 =	vlaneseq.u32;
	s9 =	sadd.s32 s0, s25;
	s10 =	sadd.s32 s0, s26;
	s11 =	sadd.s32 s0, s11  }
0x25: {  	vm0 =	vmmov $0xffff;
	v1 =	vshrl.u32 v2, $0x3;
	s21 =	simm.s32 $0xC400;
	s22 =	simm.s32 $0xC480;
	s24 =	simm.s32 $0x800  }
0x26: {  	v0 =	vand.u32 $0x7, v2;
	v2 =	vor.u32 $0x8, v2;
	v1 =	vmul.u32 $0x8, v1;
	s25 =	simm.s32 $0x1000;
	s26 =	simm.s32 $0x1800;
	s0 =	simm.s32 $0x100  }
.LBB2_1:
0x27: {  	s1 =	rddreg [dreg:$0x5]  }
0x28: {  	[tilespmem:s2], [sflag:$0x1] =	stream.linear.gather [hbm4b:s1+s2], $0x4000, $0x38;
	[tilespmem:$0xC500] =	vst v63  }
0x29: {  	s6 =	rddreg [dreg:$0x6]  }
0x2a: {  	[tilespmem:s13], [sflag:$0x1] =	stream.linear.gather [hbm4b:s6+s2], $0x100, $0x38;
	[tilespmem:$0xC500] =	vst v63  }
0x2b: {  	s1 =	rddreg [dreg:$0x7]  }
0x2c: {  	[tilespmem:s14], [sflag:$0x1] =	stream.linear.gather [hbm4b:s1+s2], $0x8000, $0x38;
	[tilespmem:$0xC500] =	vst v63  }
0x2d: {  	s6 =	rddreg [dreg:$0x8]  }
0x2e: {  	[tilespmem:s15], [sflag:$0x1] =	stream.linear.gather [hbm4b:s6+s2], $0x20, $0x38;
	[tilespmem:$0xC500] =	vst v63  }
0x2f: {  	s1 =	rddreg [dreg:$0x9]  }
0x30: {  	[tilespmem:s16], [sflag:$0x1] =	stream.linear.gather [hbm4b:s1+s2], $0x20, $0x38;
	[tilespmem:$0xC500] =	vst v63  }
0x31: {  	s6 =	rddreg [dreg:$0xa]  }
0x32: {  	[tilespmem:s17], [sflag:$0x1] =	stream.linear.gather [hbm4b:s6+s2], $0x20, $0x38;
	[tilespmem:$0xC500] =	vst v63  }
0x33: {  	s1 =	rddreg [dreg:$0xb]  }
0x34: {  	[tilespmem:s18], [sflag:$0x1] =	stream.linear.gather [hbm4b:s1+s2], $0x20, $0x38;
	[tilespmem:$0xC500] =	vst v63  }
0x35: {  	s6 =	rddreg [dreg:$0xc]  }
0x36: {  	[tilespmem:s19], [sflag:$0x1] =	stream.linear.gather [hbm4b:s6+s2], $0x20, $0x38;
	[tilespmem:$0xC500] =	vst v63  }
0x37: {  	s1 =	rddreg [dreg:$0xd]  }
0x38: {  	[tilespmem:s20], [sflag:$0x1] =	stream.linear.gather [hbm4b:s1+s2], $0x20, $0x38;
	[tilespmem:$0xC500] =	vst v63  }
0x39: {  	s6 =	rddreg [dreg:$0xe]  }
0x3a: {  	[tilespmem:s21], [sflag:$0x1] =	stream.linear.gather [hbm4b:s6+s2], $0x20, $0x38;
	[tilespmem:$0xC500] =	vst v63  }
0x3b: {  	s1 =	rddreg [dreg:$0xf]  }
0x3c: {  	[tilespmem:s22], [sflag:$0x1] =	stream.linear.gather [hbm4b:s1+s2], $0x20, $0x38;
	[tilespmem:$0xC500] =	vst v63  }
0x3d: {  	_ =	swait.ge [sflag:s23], $0x4000  }
0x3e: {  	[sflag:s23] =	ssyncset.done $0x0  }
0x3f: {  	[sflag:s23] =	ssyncadd.s32 $0xFFFFC000  }
0x40: {  	_ =	swait.ge [sflag:s23], $0x100  }
0x41: {  	[sflag:s23] =	ssyncset.done $0x0  }
0x42: {  	[sflag:s23] =	ssyncadd.s32 $0xFFFFFF00  }
0x43: {  	_ =	swait.ge [sflag:s23], $0x8000  }
0x44: {  	[sflag:s23] =	ssyncset.done $0x0  }
0x45: {  	[sflag:s23] =	ssyncadd.s32 $0xFFFF8000  }
0x46: {  	_ =	swait.ge [sflag:s23], $0x20  }
0x47: {  	[sflag:s23] =	ssyncset.done $0x0  }
0x48: {  	[sflag:s23] =	ssyncadd.s32 $0xFFFFFFE0  }
0x49: {  	_ =	swait.ge [sflag:s23], $0x20  }
0x4a: {  	[sflag:s23] =	ssyncset.done $0x0  }
0x4b: {  	[sflag:s23] =	ssyncadd.s32 $0xFFFFFFE0  }
0x4c: {  	_ =	swait.ge [sflag:s23], $0x20  }
0x4d: {  	[sflag:s23] =	ssyncset.done $0x0  }
0x4e: {  	[sflag:s23] =	ssyncadd.s32 $0xFFFFFFE0  }
0x4f: {  	_ =	swait.ge [sflag:s23], $0x20  }
0x50: {  	[sflag:s23] =	ssyncset.done $0x0  }
0x51: {  	[sflag:s23] =	ssyncadd.s32 $0xFFFFFFE0  }
0x52: {  	_ =	swait.ge [sflag:s23], $0x20  }
0x53: {  	[sflag:s23] =	ssyncset.done $0x0  }
0x54: {  	[sflag:s23] =	ssyncadd.s32 $0xFFFFFFE0  }
0x55: {  	_ =	swait.ge [sflag:s23], $0x20  }
0x56: {  	[sflag:s23] =	ssyncset.done $0x0  }
0x57: {  	[sflag:s23] =	ssyncadd.s32 $0xFFFFFFE0  }
0x58: {  	_ =	swait.ge [sflag:s23], $0x20  }
0x59: {  	[sflag:s23] =	ssyncset.done $0x0  }
0x5a: {  	[sflag:s23] =	ssyncadd.s32 $0xFFFFFFE0  }
0x5b: {  	_ =	swait.ge [sflag:s23], $0x20  }
0x5c: {  	[sflag:s23] =	ssyncset.done $0x0  }
0x5d: {  	[sflag:s23] =	ssyncadd.s32 $0xFFFFFFE0  }
0x5e: {  	v3 =	vld [tilespmem:$0xC100];
	_ =	sdelay $0x4  }
0x5f: {  	v4 =	vshll.u32 v3, $0x2  }
0x60: {  	v3 =	vand.u32 $0x7, v3;
	v4 =	vand.u32 $0xFFFFFFE0, v4  }
0x61: {  	v3 =	vor.u32 v3, v4  }
0x62: {  	v4 =	vperm.xlane v3, v0;
	_ =	sdelay $0x1  }
0x63: {  	v4 =	vadd.s32 v1, v4;
	_ =	sdelay $0x1  }
0x64: {  	v3 =	vperm.xlane v3, v2;
	_ =	sdelay $0x1  }
0x65: {  	v3 =	vadd.s32 v1, v3  }
0x66: {  	[hbm4b:s3+s2] =	stream.indirect_vreg.scatter [tilespmem:s2], [sflag:$0x1], $0x80, v4, vm0, $0xb8;
	[tilespmem:$0xC500] =	vst v63  }
0x67: {  	_ = 	snop  }
0x68: {  	[hbm4b:s5+s2] =	stream.indirect_vreg.scatter [tilespmem:s24], [sflag:$0x1], $0x80, v4, vm0, $0xb8;
	[tilespmem:$0xC500] =	vst v63  }
0x69: {  	_ = 	snop  }
0x6a: {  	[hbm4b:s3+s2] =	stream.indirect_vreg.scatter [tilespmem:s25], [sflag:$0x1], $0x80, v3, vm0, $0xb8;
	[tilespmem:$0xC500] =	vst v63  }
0x6b: {  	_ = 	snop  }
0x6c: {  	[hbm4b:s5+s2] =	stream.indirect_vreg.scatter [tilespmem:s26], [sflag:$0x1], $0x80, v3, vm0, $0xb8;
	[tilespmem:$0xC500] =	vst v63  }
0x6d: {  	v3 =	vld [tilespmem:$0xC110];
	_ =	sdelay $0x4  }
0x6e: {  	v33 =	vshll.u32 v3, $0x2  }
0x6f: {  	v3 =	vand.u32 $0x7, v3;
	v4 =	vand.u32 $0xFFFFFFE0, v33  }
0x70: {  	v3 =	vor.u32 v3, v4  }
0x71: {  	v4 =	vperm.xlane v3, v0;
	_ =	sdelay $0x1  }
0x72: {  	v4 =	vadd.s32 v1, v4;
	_ =	sdelay $0x1  }
0x73: {  	v3 =	vperm.xlane v3, v2;
	_ =	sdelay $0x1  }
0x74: {  	v3 =	vadd.s32 v1, v3  }
0x75: {  	[hbm4b:s3+s2] =	stream.indirect_vreg.scatter [tilespmem:s28], [sflag:$0x1], $0x80, v4, vm0, $0xb8;
	[tilespmem:$0xC500] =	vst v63  }
0x76: {  	_ = 	snop  }
0x77: {  	[hbm4b:s5+s2] =	stream.indirect_vreg.scatter [tilespmem:s29], [sflag:$0x1], $0x80, v4, vm0, $0xb8;
	[tilespmem:$0xC500] =	vst v63  }
0x78: {  	_ = 	snop  }
0x79: {  	[hbm4b:s3+s2] =	stream.indirect_vreg.scatter [tilespmem:s30], [sflag:$0x1], $0x80, v3, vm0, $0xb8;
	[tilespmem:$0xC500] =	vst v63  }
0x7a: {  	_ = 	snop  }
0x7b: {  	[hbm4b:s5+s2] =	stream.indirect_vreg.scatter [tilespmem:s31], [sflag:$0x1], $0x80, v3, vm0, $0xb8;
	[tilespmem:$0xC500] =	vst v63  }
0x7c: {  	v3 =	vld [tilespmem:$0xC180];
	_ =	sdelay $0x4  }
0x7d: {  	v34 =	vshll.u32 v3, $0x2  }
0x7e: {  	v3 =	vand.u32 $0x7, v3;
	v4 =	vand.u32 $0xFFFFFFE0, v34  }
0x7f: {  	v3 =	vor.u32 v3, v4  }
0x80: {  	v4 =	vperm.xlane v3, v0;
	_ =	sdelay $0x1  }
0x81: {  	v4 =	vadd.s32 v1, v4;
	_ =	sdelay $0x1  }
0x82: {  	v3 =	vperm.xlane v3, v2;
	_ =	sdelay $0x1  }
0x83: {  	v3 =	vadd.s32 v1, v3  }
0x84: {  	[hbm4b:s3+s2] =	stream.indirect_vreg.scatter [tilespmem:s2], [sflag:$0x1], $0x80, v4, vm0, $0xb8;
	[tilespmem:$0xC500] =	vst v63  }
0x85: {  	_ = 	snop  }
0x86: {  	[hbm4b:s5+s2] =	stream.indirect_vreg.scatter [tilespmem:s24], [sflag:$0x1], $0x80, v4, vm0, $0xb8;
	[tilespmem:$0xC500] =	vst v63  }
0x87: {  	_ = 	snop  }
0x88: {  	[hbm4b:s3+s2] =	stream.indirect_vreg.scatter [tilespmem:s25], [sflag:$0x1], $0x80, v3, vm0, $0xb8;
	[tilespmem:$0xC500] =	vst v63  }
0x89: {  	_ = 	snop  }
0x8a: {  	[hbm4b:s5+s2] =	stream.indirect_vreg.scatter [tilespmem:s26], [sflag:$0x1], $0x80, v3, vm0, $0xb8;
	[tilespmem:$0xC500] =	vst v63  }
0x8b: {  	v3 =	vld [tilespmem:$0xC190];
	_ =	sdelay $0x4  }
0x8c: {  	v35 =	vshll.u32 v3, $0x2  }
0x8d: {  	v3 =	vand.u32 $0x7, v3;
	v4 =	vand.u32 $0xFFFFFFE0, v35  }
0x8e: {  	v3 =	vor.u32 v3, v4  }
0x8f: {  	v4 =	vperm.xlane v3, v0;
	_ =	sdelay $0x1  }
0x90: {  	v4 =	vadd.s32 v1, v4;
	_ =	sdelay $0x1  }
0x91: {  	v3 =	vperm.xlane v3, v2;
	_ =	sdelay $0x1  }
0x92: {  	v3 =	vadd.s32 v1, v3  }
0x93: {  	[hbm4b:s3+s2] =	stream.indirect_vreg.scatter [tilespmem:s28], [sflag:$0x1], $0x80, v4, vm0, $0xb8;
	[tilespmem:$0xC500] =	vst v63  }
0x94: {  	_ = 	snop  }
0x95: {  	[hbm4b:s5+s2] =	stream.indirect_vreg.scatter [tilespmem:s29], [sflag:$0x1], $0x80, v4, vm0, $0xb8;
	[tilespmem:$0xC500] =	vst v63  }
0x96: {  	_ = 	snop  }
0x97: {  	[hbm4b:s3+s2] =	stream.indirect_vreg.scatter [tilespmem:s30], [sflag:$0x1], $0x80, v3, vm0, $0xb8;
	[tilespmem:$0xC500] =	vst v63  }
0x98: {  	_ = 	snop  }
0x99: {  	[hbm4b:s5+s2] =	stream.indirect_vreg.scatter [tilespmem:s31], [sflag:$0x1], $0x80, v3, vm0, $0xb8;
	[tilespmem:$0xC500] =	vst v63  }
0x9a: {  	v3 =	vld [tilespmem:$0xC200];
	_ =	sdelay $0x4  }
0x9b: {  	v36 =	vshll.u32 v3, $0x2  }
0x9c: {  	v3 =	vand.u32 $0x7, v3;
	v4 =	vand.u32 $0xFFFFFFE0, v36  }
0x9d: {  	v3 =	vor.u32 v3, v4  }
0x9e: {  	v4 =	vperm.xlane v3, v0;
	_ =	sdelay $0x1  }
0x9f: {  	v4 =	vadd.s32 v1, v4;
	_ =	sdelay $0x1  }
0xa0: {  	v3 =	vperm.xlane v3, v2;
	_ =	sdelay $0x1  }
0xa1: {  	v3 =	vadd.s32 v1, v3  }
0xa2: {  	[hbm4b:s3+s2] =	stream.indirect_vreg.scatter [tilespmem:s2], [sflag:$0x1], $0x80, v4, vm0, $0xb8;
	[tilespmem:$0xC500] =	vst v63  }
0xa3: {  	_ = 	snop  }
0xa4: {  	[hbm4b:s5+s2] =	stream.indirect_vreg.scatter [tilespmem:s24], [sflag:$0x1], $0x80, v4, vm0, $0xb8;
	[tilespmem:$0xC500] =	vst v63  }
0xa5: {  	_ = 	snop  }
0xa6: {  	[hbm4b:s3+s2] =	stream.indirect_vreg.scatter [tilespmem:s25], [sflag:$0x1], $0x80, v3, vm0, $0xb8;
	[tilespmem:$0xC500] =	vst v63  }
0xa7: {  	_ = 	snop  }
0xa8: {  	[hbm4b:s5+s2] =	stream.indirect_vreg.scatter [tilespmem:s26], [sflag:$0x1], $0x80, v3, vm0, $0xb8;
	[tilespmem:$0xC500] =	vst v63  }
0xa9: {  	v3 =	vld [tilespmem:$0xC210];
	_ =	sdelay $0x4  }
0xaa: {  	v37 =	vshll.u32 v3, $0x2  }
0xab: {  	v3 =	vand.u32 $0x7, v3;
	v4 =	vand.u32 $0xFFFFFFE0, v37  }
0xac: {  	v3 =	vor.u32 v3, v4  }
0xad: {  	v4 =	vperm.xlane v3, v0;
	_ =	sdelay $0x1  }
0xae: {  	v4 =	vadd.s32 v1, v4;
	_ =	sdelay $0x1  }
0xaf: {  	v3 =	vperm.xlane v3, v2;
	_ =	sdelay $0x1  }
0xb0: {  	v3 =	vadd.s32 v1, v3  }
0xb1: {  	[hbm4b:s3+s2] =	stream.indirect_vreg.scatter [tilespmem:s28], [sflag:$0x1], $0x80, v4, vm0, $0xb8;
	[tilespmem:$0xC500] =	vst v63  }
0xb2: {  	_ = 	snop  }
0xb3: {  	[hbm4b:s5+s2] =	stream.indirect_vreg.scatter [tilespmem:s29], [sflag:$0x1], $0x80, v4, vm0, $0xb8;
	[tilespmem:$0xC500] =	vst v63  }
0xb4: {  	_ = 	snop  }
0xb5: {  	[hbm4b:s3+s2] =	stream.indirect_vreg.scatter [tilespmem:s30], [sflag:$0x1], $0x80, v3, vm0, $0xb8;
	[tilespmem:$0xC500] =	vst v63  }
0xb6: {  	_ = 	snop  }
0xb7: {  	[hbm4b:s5+s2] =	stream.indirect_vreg.scatter [tilespmem:s31], [sflag:$0x1], $0x80, v3, vm0, $0xb8;
	[tilespmem:$0xC500] =	vst v63  }
0xb8: {  	v3 =	vld [tilespmem:$0xC280];
	_ =	sdelay $0x4  }
0xb9: {  	v38 =	vshll.u32 v3, $0x2  }
0xba: {  	v3 =	vand.u32 $0x7, v3;
	v4 =	vand.u32 $0xFFFFFFE0, v38  }
0xbb: {  	v3 =	vor.u32 v3, v4  }
0xbc: {  	v4 =	vperm.xlane v3, v0;
	_ =	sdelay $0x1  }
0xbd: {  	v4 =	vadd.s32 v1, v4;
	_ =	sdelay $0x1  }
0xbe: {  	v3 =	vperm.xlane v3, v2;
	_ =	sdelay $0x1  }
0xbf: {  	v3 =	vadd.s32 v1, v3  }
0xc0: {  	[hbm4b:s3+s2] =	stream.indirect_vreg.scatter [tilespmem:s2], [sflag:$0x1], $0x80, v4, vm0, $0xb8;
	[tilespmem:$0xC500] =	vst v63  }
0xc1: {  	_ = 	snop  }
0xc2: {  	[hbm4b:s5+s2] =	stream.indirect_vreg.scatter [tilespmem:s24], [sflag:$0x1], $0x80, v4, vm0, $0xb8;
	[tilespmem:$0xC500] =	vst v63  }
0xc3: {  	_ = 	snop  }
0xc4: {  	[hbm4b:s3+s2] =	stream.indirect_vreg.scatter [tilespmem:s25], [sflag:$0x1], $0x80, v3, vm0, $0xb8;
	[tilespmem:$0xC500] =	vst v63  }
0xc5: {  	_ = 	snop  }
0xc6: {  	[hbm4b:s5+s2] =	stream.indirect_vreg.scatter [tilespmem:s26], [sflag:$0x1], $0x80, v3, vm0, $0xb8;
	[tilespmem:$0xC500] =	vst v63  }
0xc7: {  	v3 =	vld [tilespmem:$0xC290];
	_ =	sdelay $0x4  }
0xc8: {  	v39 =	vshll.u32 v3, $0x2  }
0xc9: {  	v3 =	vand.u32 $0x7, v3;
	v4 =	vand.u32 $0xFFFFFFE0, v39  }
0xca: {  	v3 =	vor.u32 v3, v4  }
0xcb: {  	v4 =	vperm.xlane v3, v0;
	_ =	sdelay $0x1  }
0xcc: {  	v4 =	vadd.s32 v1, v4;
	_ =	sdelay $0x1  }
0xcd: {  	v3 =	vperm.xlane v3, v2;
	_ =	sdelay $0x1  }
0xce: {  	v3 =	vadd.s32 v1, v3  }
0xcf: {  	[hbm4b:s3+s2] =	stream.indirect_vreg.scatter [tilespmem:s28], [sflag:$0x1], $0x80, v4, vm0, $0xb8;
	[tilespmem:$0xC500] =	vst v63  }
0xd0: {  	_ = 	snop  }
0xd1: {  	[hbm4b:s5+s2] =	stream.indirect_vreg.scatter [tilespmem:s29], [sflag:$0x1], $0x80, v4, vm0, $0xb8;
	[tilespmem:$0xC500] =	vst v63  }
0xd2: {  	_ = 	snop  }
0xd3: {  	[hbm4b:s3+s2] =	stream.indirect_vreg.scatter [tilespmem:s30], [sflag:$0x1], $0x80, v3, vm0, $0xb8;
	[tilespmem:$0xC500] =	vst v63  }
0xd4: {  	_ = 	snop  }
0xd5: {  	[hbm4b:s5+s2] =	stream.indirect_vreg.scatter [tilespmem:s31], [sflag:$0x1], $0x80, v3, vm0, $0xb8;
	[tilespmem:$0xC500] =	vst v63  }
0xd6: {  	v3 =	vld [tilespmem:$0xC300];
	_ =	sdelay $0x4  }
0xd7: {  	v40 =	vshll.u32 v3, $0x2  }
0xd8: {  	v3 =	vand.u32 $0x7, v3;
	v4 =	vand.u32 $0xFFFFFFE0, v40  }
0xd9: {  	v3 =	vor.u32 v3, v4  }
0xda: {  	v4 =	vperm.xlane v3, v0;
	_ =	sdelay $0x1  }
0xdb: {  	v4 =	vadd.s32 v1, v4;
	_ =	sdelay $0x1  }
0xdc: {  	v3 =	vperm.xlane v3, v2;
	_ =	sdelay $0x1  }
0xdd: {  	v3 =	vadd.s32 v1, v3  }
0xde: {  	[hbm4b:s3+s2] =	stream.indirect_vreg.scatter [tilespmem:s2], [sflag:$0x1], $0x80, v4, vm0, $0xb8;
	[tilespmem:$0xC500] =	vst v63  }
0xdf: {  	_ = 	snop  }
0xe0: {  	[hbm4b:s5+s2] =	stream.indirect_vreg.scatter [tilespmem:s24], [sflag:$0x1], $0x80, v4, vm0, $0xb8;
	[tilespmem:$0xC500] =	vst v63  }
0xe1: {  	_ = 	snop  }
0xe2: {  	[hbm4b:s3+s2] =	stream.indirect_vreg.scatter [tilespmem:s25], [sflag:$0x1], $0x80, v3, vm0, $0xb8;
	[tilespmem:$0xC500] =	vst v63  }
0xe3: {  	_ = 	snop  }
0xe4: {  	[hbm4b:s5+s2] =	stream.indirect_vreg.scatter [tilespmem:s26], [sflag:$0x1], $0x80, v3, vm0, $0xb8;
	[tilespmem:$0xC500] =	vst v63  }
0xe5: {  	v3 =	vld [tilespmem:$0xC310];
	_ =	sdelay $0x4  }
0xe6: {  	v41 =	vshll.u32 v3, $0x2  }
0xe7: {  	v3 =	vand.u32 $0x7, v3;
	v4 =	vand.u32 $0xFFFFFFE0, v41  }
0xe8: {  	v3 =	vor.u32 v3, v4  }
0xe9: {  	v4 =	vperm.xlane v3, v0;
	_ =	sdelay $0x1  }
0xea: {  	v4 =	vadd.s32 v1, v4;
	_ =	sdelay $0x1  }
0xeb: {  	v3 =	vperm.xlane v3, v2;
	_ =	sdelay $0x1  }
0xec: {  	v3 =	vadd.s32 v1, v3  }
0xed: {  	[hbm4b:s3+s2] =	stream.indirect_vreg.scatter [tilespmem:s28], [sflag:$0x1], $0x80, v4, vm0, $0xb8;
	[tilespmem:$0xC500] =	vst v63  }
0xee: {  	_ = 	snop  }
0xef: {  	[hbm4b:s5+s2] =	stream.indirect_vreg.scatter [tilespmem:s29], [sflag:$0x1], $0x80, v4, vm0, $0xb8;
	[tilespmem:$0xC500] =	vst v63  }
0xf0: {  	_ = 	snop  }
0xf1: {  	[hbm4b:s3+s2] =	stream.indirect_vreg.scatter [tilespmem:s30], [sflag:$0x1], $0x80, v3, vm0, $0xb8;
	[tilespmem:$0xC500] =	vst v63  }
0xf2: {  	_ = 	snop  }
0xf3: {  	[hbm4b:s5+s2] =	stream.indirect_vreg.scatter [tilespmem:s31], [sflag:$0x1], $0x80, v3, vm0, $0xb8;
	[tilespmem:$0xC500] =	vst v63  }
0xf4: {  	v3 =	vld [tilespmem:$0xC380];
	_ =	sdelay $0x4  }
0xf5: {  	v42 =	vshll.u32 v3, $0x2  }
0xf6: {  	v3 =	vand.u32 $0x7, v3;
	v4 =	vand.u32 $0xFFFFFFE0, v42  }
0xf7: {  	v3 =	vor.u32 v3, v4  }
0xf8: {  	v4 =	vperm.xlane v3, v0;
	_ =	sdelay $0x1  }
0xf9: {  	v4 =	vadd.s32 v1, v4;
	_ =	sdelay $0x1  }
0xfa: {  	v3 =	vperm.xlane v3, v2;
	_ =	sdelay $0x1  }
0xfb: {  	v3 =	vadd.s32 v1, v3  }
0xfc: {  	[hbm4b:s3+s2] =	stream.indirect_vreg.scatter [tilespmem:s2], [sflag:$0x1], $0x80, v4, vm0, $0xb8;
	[tilespmem:$0xC500] =	vst v63  }
0xfd: {  	_ = 	snop  }
0xfe: {  	[hbm4b:s5+s2] =	stream.indirect_vreg.scatter [tilespmem:s24], [sflag:$0x1], $0x80, v4, vm0, $0xb8;
	[tilespmem:$0xC500] =	vst v63  }
0xff: {  	_ = 	snop  }
0x100: {  	[hbm4b:s3+s2] =	stream.indirect_vreg.scatter [tilespmem:s25], [sflag:$0x1], $0x80, v3, vm0, $0xb8;
	[tilespmem:$0xC500] =	vst v63  }
0x101: {  	_ = 	snop  }
0x102: {  	[hbm4b:s5+s2] =	stream.indirect_vreg.scatter [tilespmem:s26], [sflag:$0x1], $0x80, v3, vm0, $0xb8;
	[tilespmem:$0xC500] =	vst v63  }
0x103: {  	v3 =	vld [tilespmem:$0xC390];
	_ =	sdelay $0x4  }
0x104: {  	v43 =	vshll.u32 v3, $0x2  }
0x105: {  	v3 =	vand.u32 $0x7, v3;
	v4 =	vand.u32 $0xFFFFFFE0, v43  }
0x106: {  	v3 =	vor.u32 v3, v4  }
0x107: {  	v4 =	vperm.xlane v3, v0;
	_ =	sdelay $0x1  }
0x108: {  	v4 =	vadd.s32 v1, v4;
	_ =	sdelay $0x1  }
0x109: {  	v3 =	vperm.xlane v3, v2;
	_ =	sdelay $0x1  }
0x10a: {  	v3 =	vadd.s32 v1, v3  }
0x10b: {  	[hbm4b:s3+s2] =	stream.indirect_vreg.scatter [tilespmem:s28], [sflag:$0x1], $0x80, v4, vm0, $0xb8;
	[tilespmem:$0xC500] =	vst v63  }
0x10c: {  	_ = 	snop  }
0x10d: {  	[hbm4b:s5+s2] =	stream.indirect_vreg.scatter [tilespmem:s29], [sflag:$0x1], $0x80, v4, vm0, $0xb8;
	[tilespmem:$0xC500] =	vst v63  }
0x10e: {  	_ = 	snop  }
0x10f: {  	[hbm4b:s3+s2] =	stream.indirect_vreg.scatter [tilespmem:s30], [sflag:$0x1], $0x80, v3, vm0, $0xb8;
	[tilespmem:$0xC500] =	vst v63  }
0x110: {  	_ = 	snop  }
0x111: {  	[hbm4b:s5+s2] =	stream.indirect_vreg.scatter [tilespmem:s31], [sflag:$0x1], $0x80, v3, vm0, $0xb8;
	[tilespmem:$0xC500] =	vst v63  }
0x112: {  	v3 =	vld [tilespmem:$0xC400];
	_ =	sdelay $0x4  }
0x113: {  	v44 =	vshll.u32 v3, $0x2  }
0x114: {  	v3 =	vand.u32 $0x7, v3;
	v4 =	vand.u32 $0xFFFFFFE0, v44  }
0x115: {  	v3 =	vor.u32 v3, v4  }
0x116: {  	v4 =	vperm.xlane v3, v0;
	_ =	sdelay $0x1  }
0x117: {  	v4 =	vadd.s32 v1, v4;
	_ =	sdelay $0x1  }
0x118: {  	v3 =	vperm.xlane v3, v2;
	_ =	sdelay $0x1  }
0x119: {  	v3 =	vadd.s32 v1, v3  }
0x11a: {  	[hbm4b:s3+s2] =	stream.indirect_vreg.scatter [tilespmem:s2], [sflag:$0x1], $0x80, v4, vm0, $0xb8;
	[tilespmem:$0xC500] =	vst v63  }
0x11b: {  	_ = 	snop  }
0x11c: {  	[hbm4b:s5+s2] =	stream.indirect_vreg.scatter [tilespmem:s24], [sflag:$0x1], $0x80, v4, vm0, $0xb8;
	[tilespmem:$0xC500] =	vst v63  }
0x11d: {  	_ = 	snop  }
0x11e: {  	[hbm4b:s3+s2] =	stream.indirect_vreg.scatter [tilespmem:s25], [sflag:$0x1], $0x80, v3, vm0, $0xb8;
	[tilespmem:$0xC500] =	vst v63  }
0x11f: {  	_ = 	snop  }
0x120: {  	[hbm4b:s5+s2] =	stream.indirect_vreg.scatter [tilespmem:s26], [sflag:$0x1], $0x80, v3, vm0, $0xb8;
	[tilespmem:$0xC500] =	vst v63  }
0x121: {  	v3 =	vld [tilespmem:$0xC410];
	_ =	sdelay $0x4  }
0x122: {  	v45 =	vshll.u32 v3, $0x2  }
0x123: {  	v3 =	vand.u32 $0x7, v3;
	v4 =	vand.u32 $0xFFFFFFE0, v45  }
0x124: {  	v3 =	vor.u32 v3, v4  }
0x125: {  	v4 =	vperm.xlane v3, v0;
	_ =	sdelay $0x1  }
0x126: {  	v4 =	vadd.s32 v1, v4;
	_ =	sdelay $0x1  }
0x127: {  	v3 =	vperm.xlane v3, v2;
	_ =	sdelay $0x1  }
0x128: {  	v3 =	vadd.s32 v1, v3  }
0x129: {  	[hbm4b:s3+s2] =	stream.indirect_vreg.scatter [tilespmem:s28], [sflag:$0x1], $0x80, v4, vm0, $0xb8;
	[tilespmem:$0xC500] =	vst v63  }
0x12a: {  	_ = 	snop  }
0x12b: {  	[hbm4b:s5+s2] =	stream.indirect_vreg.scatter [tilespmem:s29], [sflag:$0x1], $0x80, v4, vm0, $0xb8;
	[tilespmem:$0xC500] =	vst v63  }
0x12c: {  	_ = 	snop  }
0x12d: {  	[hbm4b:s3+s2] =	stream.indirect_vreg.scatter [tilespmem:s30], [sflag:$0x1], $0x80, v3, vm0, $0xb8;
	[tilespmem:$0xC500] =	vst v63  }
0x12e: {  	_ = 	snop  }
0x12f: {  	[hbm4b:s5+s2] =	stream.indirect_vreg.scatter [tilespmem:s31], [sflag:$0x1], $0x80, v3, vm0, $0xb8;
	[tilespmem:$0xC500] =	vst v63  }
0x130: {  	v3 =	vld [tilespmem:$0xC480];
	_ =	sdelay $0x4  }
0x131: {  	v46 =	vshll.u32 v3, $0x2  }
0x132: {  	v3 =	vand.u32 $0x7, v3;
	v4 =	vand.u32 $0xFFFFFFE0, v46  }
0x133: {  	v3 =	vor.u32 v3, v4  }
0x134: {  	v4 =	vperm.xlane v3, v0;
	_ =	sdelay $0x1  }
0x135: {  	v4 =	vadd.s32 v1, v4;
	_ =	sdelay $0x1  }
0x136: {  	v3 =	vperm.xlane v3, v2;
	_ =	sdelay $0x1  }
0x137: {  	v3 =	vadd.s32 v1, v3  }
0x138: {  	[hbm4b:s3+s2] =	stream.indirect_vreg.scatter [tilespmem:s2], [sflag:$0x1], $0x80, v4, vm0, $0xb8;
	[tilespmem:$0xC500] =	vst v63  }
0x139: {  	_ = 	snop  }
0x13a: {  	[hbm4b:s5+s2] =	stream.indirect_vreg.scatter [tilespmem:s24], [sflag:$0x1], $0x80, v4, vm0, $0xb8;
	[tilespmem:$0xC500] =	vst v63  }
0x13b: {  	_ = 	snop  }
0x13c: {  	[hbm4b:s3+s2] =	stream.indirect_vreg.scatter [tilespmem:s25], [sflag:$0x1], $0x80, v3, vm0, $0xb8;
	[tilespmem:$0xC500] =	vst v63  }
0x13d: {  	_ = 	snop  }
0x13e: {  	[hbm4b:s5+s2] =	stream.indirect_vreg.scatter [tilespmem:s26], [sflag:$0x1], $0x80, v3, vm0, $0xb8;
	[tilespmem:$0xC500] =	vst v63  }
0x13f: {  	v3 =	vld [tilespmem:$0xC490];
	_ =	sdelay $0x4  }
0x140: {  	v47 =	vshll.u32 v3, $0x2  }
0x141: {  	v3 =	vand.u32 $0x7, v3;
	v4 =	vand.u32 $0xFFFFFFE0, v47  }
0x142: {  	v3 =	vor.u32 v3, v4  }
0x143: {  	v4 =	vperm.xlane v3, v0;
	_ =	sdelay $0x1  }
0x144: {  	v4 =	vadd.s32 v1, v4;
	_ =	sdelay $0x1  }
0x145: {  	v3 =	vperm.xlane v3, v2;
	_ =	sdelay $0x1  }
0x146: {  	v3 =	vadd.s32 v1, v3  }
0x147: {  	[hbm4b:s3+s2] =	stream.indirect_vreg.scatter [tilespmem:s28], [sflag:$0x1], $0x80, v4, vm0, $0xb8;
	[tilespmem:$0xC500] =	vst v63  }
0x148: {  	_ = 	snop  }
0x149: {  	[hbm4b:s5+s2] =	stream.indirect_vreg.scatter [tilespmem:s29], [sflag:$0x1], $0x80, v4, vm0, $0xb8;
	[tilespmem:$0xC500] =	vst v63  }
0x14a: {  	_ = 	snop  }
0x14b: {  	[hbm4b:s3+s2] =	stream.indirect_vreg.scatter [tilespmem:s30], [sflag:$0x1], $0x80, v3, vm0, $0xb8;
	[tilespmem:$0xC500] =	vst v63  }
0x14c: {  	_ = 	snop  }
0x14d: {  	[hbm4b:s5+s2] =	stream.indirect_vreg.scatter [tilespmem:s31], [sflag:$0x1], $0x80, v3, vm0, $0xb8;
	[tilespmem:$0xC500] =	vst v63  }
0x14e: {  	_ = 	snop  }
0x14f: {  	[hbm4b:s4+s0] =	stream.indirect.scatter [tilespmem:s14], [sflag:$0x1], $0x80, s13, s0, $0xb8;
	[tilespmem:$0xC500] =	vst v63  }
0x150: {  	_ =	swait.ge [sflag:s23], $0x4000  }
0x151: {  	[sflag:s23] =	ssyncset.done $0x0  }
0x152: {  	[sflag:s23] =	ssyncadd.s32 $0xFFFFC000  }
0x153: {  	_ =	swait.ge [sflag:s23], $0x4000  }
0x154: {  	[sflag:s23] =	ssyncset.done $0x0  }
0x155: {  	[sflag:s23] =	ssyncadd.s32 $0xFFFFC000  }
0x156: {  	_ =	swait.ge [sflag:s23], $0x4000  }
0x157: {  	[sflag:s23] =	ssyncset.done $0x0  }
0x158: {  	[sflag:s23] =	ssyncadd.s32 $0xFFFFC000  }
0x159: {  	_ =	swait.ge [sflag:s23], $0x4000  }
0x15a: {  	[sflag:s23] =	ssyncset.done $0x0  }
0x15b: {  	[sflag:s23] =	ssyncadd.s32 $0xFFFFC000  }
0x15c: {  	_ =	swait.ge [sflag:s23], $0x4000  }
0x15d: {  	[sflag:s23] =	ssyncset.done $0x0  }
0x15e: {  	[sflag:s23] =	ssyncadd.s32 $0xFFFFC000  }
0x15f: {  	_ =	swait.ge [sflag:s23], $0x4000  }
0x160: {  	[sflag:s23] =	ssyncset.done $0x0  }
0x161: {  	[sflag:s23] =	ssyncadd.s32 $0xFFFFC000  }
0x162: {  	_ =	swait.ge [sflag:s23], $0x4000  }
0x163: {  	[sflag:s23] =	ssyncset.done $0x0  }
0x164: {  	[sflag:s23] =	ssyncadd.s32 $0xFFFFC000  }
0x165: {  	_ =	swait.ge [sflag:s23], $0x4000  }
0x166: {  	[sflag:s23] =	ssyncset.done $0x0  }
0x167: {  	[sflag:s23] =	ssyncadd.s32 $0xFFFFC000  }
0x168: {  	_ =	swait.ge [sflag:s23], $0x8000  }
0x169: {  	[sflag:s23] =	ssyncset.done $0x0  }
0x16a: {  	s1 =	rddreg [dreg:$0x10];
	[sflag:s23] =	ssyncadd.s32 $0xFFFF8000  }
0x16b: {  	[tilespmem:s2], [sflag:$0x1] =	stream.linear.gather [hbm4b:s1+s2], $0x4000, $0x38;
	[tilespmem:$0xC500] =	vst v63  }
0x16c: {  	s6 =	rddreg [dreg:$0x11]  }
0x16d: {  	[tilespmem:s13], [sflag:$0x1] =	stream.linear.gather [hbm4b:s6+s2], $0x100, $0x38;
	[tilespmem:$0xC500] =	vst v63  }
0x16e: {  	s1 =	rddreg [dreg:$0x12]  }
0x16f: {  	[tilespmem:s14], [sflag:$0x1] =	stream.linear.gather [hbm4b:s1+s2], $0x8000, $0x38;
	[tilespmem:$0xC500] =	vst v63  }
0x170: {  	s6 =	rddreg [dreg:$0x13]  }
0x171: {  	[tilespmem:s15], [sflag:$0x1] =	stream.linear.gather [hbm4b:s6+s2], $0x20, $0x38;
	[tilespmem:$0xC500] =	vst v63  }
0x172: {  	s1 =	rddreg [dreg:$0x14]  }
0x173: {  	[tilespmem:s16], [sflag:$0x1] =	stream.linear.gather [hbm4b:s1+s2], $0x20, $0x38;
	[tilespmem:$0xC500] =	vst v63  }
0x174: {  	s6 =	rddreg [dreg:$0x15]  }
0x175: {  	[tilespmem:s17], [sflag:$0x1] =	stream.linear.gather [hbm4b:s6+s2], $0x20, $0x38;
	[tilespmem:$0xC500] =	vst v63  }
0x176: {  	_ = 	snop  }
0x177: {  	[tilespmem:s18], [sflag:$0x1] =	stream.linear.gather [hbm4b:s7+s2], $0x20, $0x38;
	[tilespmem:$0xC500] =	vst v63  }
0x178: {  	_ = 	snop  }
0x179: {  	[tilespmem:s19], [sflag:$0x1] =	stream.linear.gather [hbm4b:s8+s2], $0x20, $0x38;
	[tilespmem:$0xC500] =	vst v63  }
0x17a: {  	_ = 	snop  }
0x17b: {  	[tilespmem:s20], [sflag:$0x1] =	stream.linear.gather [hbm4b:s9+s2], $0x20, $0x38;
	[tilespmem:$0xC500] =	vst v63  }
0x17c: {  	_ = 	snop  }
0x17d: {  	[tilespmem:s21], [sflag:$0x1] =	stream.linear.gather [hbm4b:s10+s2], $0x20, $0x38;
	[tilespmem:$0xC500] =	vst v63  }
0x17e: {  	_ = 	snop  }
0x17f: {  	[tilespmem:s22], [sflag:$0x1] =	stream.linear.gather [hbm4b:s11+s2], $0x20, $0x38;
	[tilespmem:$0xC500] =	vst v63  }
0x180: {  	_ =	swait.ge [sflag:s23], $0x4000  }
0x181: {  	[sflag:s23] =	ssyncset.done $0x0  }
0x182: {  	[sflag:s23] =	ssyncadd.s32 $0xFFFFC000  }
0x183: {  	_ =	swait.ge [sflag:s23], $0x100  }
0x184: {  	[sflag:s23] =	ssyncset.done $0x0  }
0x185: {  	[sflag:s23] =	ssyncadd.s32 $0xFFFFFF00  }
0x186: {  	_ =	swait.ge [sflag:s23], $0x8000  }
0x187: {  	[sflag:s23] =	ssyncset.done $0x0  }
0x188: {  	[sflag:s23] =	ssyncadd.s32 $0xFFFF8000  }
0x189: {  	_ =	swait.ge [sflag:s23], $0x20  }
0x18a: {  	[sflag:s23] =	ssyncset.done $0x0  }
0x18b: {  	[sflag:s23] =	ssyncadd.s32 $0xFFFFFFE0  }
0x18c: {  	_ =	swait.ge [sflag:s23], $0x20  }
0x18d: {  	[sflag:s23] =	ssyncset.done $0x0  }
0x18e: {  	[sflag:s23] =	ssyncadd.s32 $0xFFFFFFE0  }
0x18f: {  	_ =	swait.ge [sflag:s23], $0x20  }
0x190: {  	[sflag:s23] =	ssyncset.done $0x0  }
0x191: {  	[sflag:s23] =	ssyncadd.s32 $0xFFFFFFE0  }
0x192: {  	_ =	swait.ge [sflag:s23], $0x20  }
0x193: {  	[sflag:s23] =	ssyncset.done $0x0  }
0x194: {  	[sflag:s23] =	ssyncadd.s32 $0xFFFFFFE0  }
0x195: {  	_ =	swait.ge [sflag:s23], $0x20  }
0x196: {  	[sflag:s23] =	ssyncset.done $0x0  }
0x197: {  	[sflag:s23] =	ssyncadd.s32 $0xFFFFFFE0  }
0x198: {  	_ =	swait.ge [sflag:s23], $0x20  }
0x199: {  	[sflag:s23] =	ssyncset.done $0x0  }
0x19a: {  	[sflag:s23] =	ssyncadd.s32 $0xFFFFFFE0  }
0x19b: {  	_ =	swait.ge [sflag:s23], $0x20  }
0x19c: {  	[sflag:s23] =	ssyncset.done $0x0  }
0x19d: {  	[sflag:s23] =	ssyncadd.s32 $0xFFFFFFE0  }
0x19e: {  	_ =	swait.ge [sflag:s23], $0x20  }
0x19f: {  	[sflag:s23] =	ssyncset.done $0x0  }
0x1a0: {  	[sflag:s23] =	ssyncadd.s32 $0xFFFFFFE0  }
0x1a1: {  	v3 =	vld [tilespmem:$0xC100];
	_ =	sdelay $0x4  }
0x1a2: {  	v48 =	vshll.u32 v3, $0x2  }
0x1a3: {  	v3 =	vand.u32 $0x7, v3;
	v4 =	vand.u32 $0xFFFFFFE0, v48  }
0x1a4: {  	v3 =	vor.u32 v3, v4  }
0x1a5: {  	v4 =	vperm.xlane v3, v0;
	_ =	sdelay $0x1  }
0x1a6: {  	v4 =	vadd.s32 v1, v4;
	_ =	sdelay $0x1  }
0x1a7: {  	v3 =	vperm.xlane v3, v2;
	_ =	sdelay $0x1  }
0x1a8: {  	v3 =	vadd.s32 v1, v3  }
0x1a9: {  	[hbm4b:s3+s2] =	stream.indirect_vreg.scatter [tilespmem:s2], [sflag:$0x1], $0x80, v4, vm0, $0xb8;
	[tilespmem:$0xC500] =	vst v63  }
0x1aa: {  	_ = 	snop  }
0x1ab: {  	[hbm4b:s5+s2] =	stream.indirect_vreg.scatter [tilespmem:s24], [sflag:$0x1], $0x80, v4, vm0, $0xb8;
	[tilespmem:$0xC500] =	vst v63  }
0x1ac: {  	_ = 	snop  }
0x1ad: {  	[hbm4b:s3+s2] =	stream.indirect_vreg.scatter [tilespmem:s25], [sflag:$0x1], $0x80, v3, vm0, $0xb8;
	[tilespmem:$0xC500] =	vst v63  }
0x1ae: {  	_ = 	snop  }
0x1af: {  	[hbm4b:s5+s2] =	stream.indirect_vreg.scatter [tilespmem:s26], [sflag:$0x1], $0x80, v3, vm0, $0xb8;
	[tilespmem:$0xC500] =	vst v63  }
0x1b0: {  	v3 =	vld [tilespmem:$0xC110];
	_ =	sdelay $0x4  }
0x1b1: {  	v49 =	vshll.u32 v3, $0x2  }
0x1b2: {  	v3 =	vand.u32 $0x7, v3;
	v4 =	vand.u32 $0xFFFFFFE0, v49  }
0x1b3: {  	v3 =	vor.u32 v3, v4  }
0x1b4: {  	v4 =	vperm.xlane v3, v0;
	_ =	sdelay $0x1  }
0x1b5: {  	v4 =	vadd.s32 v1, v4;
	_ =	sdelay $0x1  }
0x1b6: {  	v3 =	vperm.xlane v3, v2;
	_ =	sdelay $0x1  }
0x1b7: {  	v3 =	vadd.s32 v1, v3  }
0x1b8: {  	[hbm4b:s3+s2] =	stream.indirect_vreg.scatter [tilespmem:s28], [sflag:$0x1], $0x80, v4, vm0, $0xb8;
	[tilespmem:$0xC500] =	vst v63  }
0x1b9: {  	_ = 	snop  }
0x1ba: {  	[hbm4b:s5+s2] =	stream.indirect_vreg.scatter [tilespmem:s29], [sflag:$0x1], $0x80, v4, vm0, $0xb8;
	[tilespmem:$0xC500] =	vst v63  }
0x1bb: {  	_ = 	snop  }
0x1bc: {  	[hbm4b:s3+s2] =	stream.indirect_vreg.scatter [tilespmem:s30], [sflag:$0x1], $0x80, v3, vm0, $0xb8;
	[tilespmem:$0xC500] =	vst v63  }
0x1bd: {  	_ = 	snop  }
0x1be: {  	[hbm4b:s5+s2] =	stream.indirect_vreg.scatter [tilespmem:s31], [sflag:$0x1], $0x80, v3, vm0, $0xb8;
	[tilespmem:$0xC500] =	vst v63  }
0x1bf: {  	v3 =	vld [tilespmem:$0xC180];
	_ =	sdelay $0x4  }
0x1c0: {  	v50 =	vshll.u32 v3, $0x2  }
0x1c1: {  	v3 =	vand.u32 $0x7, v3;
	v4 =	vand.u32 $0xFFFFFFE0, v50  }
0x1c2: {  	v3 =	vor.u32 v3, v4  }
0x1c3: {  	v4 =	vperm.xlane v3, v0;
	_ =	sdelay $0x1  }
0x1c4: {  	v4 =	vadd.s32 v1, v4;
	_ =	sdelay $0x1  }
0x1c5: {  	v3 =	vperm.xlane v3, v2;
	_ =	sdelay $0x1  }
0x1c6: {  	v3 =	vadd.s32 v1, v3  }
0x1c7: {  	[hbm4b:s3+s2] =	stream.indirect_vreg.scatter [tilespmem:s2], [sflag:$0x1], $0x80, v4, vm0, $0xb8;
	[tilespmem:$0xC500] =	vst v63  }
0x1c8: {  	_ = 	snop  }
0x1c9: {  	[hbm4b:s5+s2] =	stream.indirect_vreg.scatter [tilespmem:s24], [sflag:$0x1], $0x80, v4, vm0, $0xb8;
	[tilespmem:$0xC500] =	vst v63  }
0x1ca: {  	_ = 	snop  }
0x1cb: {  	[hbm4b:s3+s2] =	stream.indirect_vreg.scatter [tilespmem:s25], [sflag:$0x1], $0x80, v3, vm0, $0xb8;
	[tilespmem:$0xC500] =	vst v63  }
0x1cc: {  	_ = 	snop  }
0x1cd: {  	[hbm4b:s5+s2] =	stream.indirect_vreg.scatter [tilespmem:s26], [sflag:$0x1], $0x80, v3, vm0, $0xb8;
	[tilespmem:$0xC500] =	vst v63  }
0x1ce: {  	v3 =	vld [tilespmem:$0xC190];
	_ =	sdelay $0x4  }
0x1cf: {  	v51 =	vshll.u32 v3, $0x2  }
0x1d0: {  	v3 =	vand.u32 $0x7, v3;
	v4 =	vand.u32 $0xFFFFFFE0, v51  }
0x1d1: {  	v3 =	vor.u32 v3, v4  }
0x1d2: {  	v4 =	vperm.xlane v3, v0;
	_ =	sdelay $0x1  }
0x1d3: {  	v4 =	vadd.s32 v1, v4;
	_ =	sdelay $0x1  }
0x1d4: {  	v3 =	vperm.xlane v3, v2;
	_ =	sdelay $0x1  }
0x1d5: {  	v3 =	vadd.s32 v1, v3  }
0x1d6: {  	[hbm4b:s3+s2] =	stream.indirect_vreg.scatter [tilespmem:s28], [sflag:$0x1], $0x80, v4, vm0, $0xb8;
	[tilespmem:$0xC500] =	vst v63  }
0x1d7: {  	_ = 	snop  }
0x1d8: {  	[hbm4b:s5+s2] =	stream.indirect_vreg.scatter [tilespmem:s29], [sflag:$0x1], $0x80, v4, vm0, $0xb8;
	[tilespmem:$0xC500] =	vst v63  }
0x1d9: {  	_ = 	snop  }
0x1da: {  	[hbm4b:s3+s2] =	stream.indirect_vreg.scatter [tilespmem:s30], [sflag:$0x1], $0x80, v3, vm0, $0xb8;
	[tilespmem:$0xC500] =	vst v63  }
0x1db: {  	_ = 	snop  }
0x1dc: {  	[hbm4b:s5+s2] =	stream.indirect_vreg.scatter [tilespmem:s31], [sflag:$0x1], $0x80, v3, vm0, $0xb8;
	[tilespmem:$0xC500] =	vst v63  }
0x1dd: {  	v3 =	vld [tilespmem:$0xC200];
	_ =	sdelay $0x4  }
0x1de: {  	v52 =	vshll.u32 v3, $0x2  }
0x1df: {  	v3 =	vand.u32 $0x7, v3;
	v4 =	vand.u32 $0xFFFFFFE0, v52  }
0x1e0: {  	v3 =	vor.u32 v3, v4  }
0x1e1: {  	v4 =	vperm.xlane v3, v0;
	_ =	sdelay $0x1  }
0x1e2: {  	v4 =	vadd.s32 v1, v4;
	_ =	sdelay $0x1  }
0x1e3: {  	v3 =	vperm.xlane v3, v2;
	_ =	sdelay $0x1  }
0x1e4: {  	v3 =	vadd.s32 v1, v3  }
0x1e5: {  	[hbm4b:s3+s2] =	stream.indirect_vreg.scatter [tilespmem:s2], [sflag:$0x1], $0x80, v4, vm0, $0xb8;
	[tilespmem:$0xC500] =	vst v63  }
0x1e6: {  	_ = 	snop  }
0x1e7: {  	[hbm4b:s5+s2] =	stream.indirect_vreg.scatter [tilespmem:s24], [sflag:$0x1], $0x80, v4, vm0, $0xb8;
	[tilespmem:$0xC500] =	vst v63  }
0x1e8: {  	_ = 	snop  }
0x1e9: {  	[hbm4b:s3+s2] =	stream.indirect_vreg.scatter [tilespmem:s25], [sflag:$0x1], $0x80, v3, vm0, $0xb8;
	[tilespmem:$0xC500] =	vst v63  }
0x1ea: {  	_ = 	snop  }
0x1eb: {  	[hbm4b:s5+s2] =	stream.indirect_vreg.scatter [tilespmem:s26], [sflag:$0x1], $0x80, v3, vm0, $0xb8;
	[tilespmem:$0xC500] =	vst v63  }
0x1ec: {  	v3 =	vld [tilespmem:$0xC210];
	_ =	sdelay $0x4  }
0x1ed: {  	v53 =	vshll.u32 v3, $0x2  }
0x1ee: {  	v3 =	vand.u32 $0x7, v3;
	v4 =	vand.u32 $0xFFFFFFE0, v53  }
0x1ef: {  	v3 =	vor.u32 v3, v4  }
0x1f0: {  	v4 =	vperm.xlane v3, v0;
	_ =	sdelay $0x1  }
0x1f1: {  	v4 =	vadd.s32 v1, v4;
	_ =	sdelay $0x1  }
0x1f2: {  	v3 =	vperm.xlane v3, v2;
	_ =	sdelay $0x1  }
0x1f3: {  	v3 =	vadd.s32 v1, v3  }
0x1f4: {  	[hbm4b:s3+s2] =	stream.indirect_vreg.scatter [tilespmem:s28], [sflag:$0x1], $0x80, v4, vm0, $0xb8;
	[tilespmem:$0xC500] =	vst v63  }
0x1f5: {  	_ = 	snop  }
0x1f6: {  	[hbm4b:s5+s2] =	stream.indirect_vreg.scatter [tilespmem:s29], [sflag:$0x1], $0x80, v4, vm0, $0xb8;
	[tilespmem:$0xC500] =	vst v63  }
0x1f7: {  	_ = 	snop  }
0x1f8: {  	[hbm4b:s3+s2] =	stream.indirect_vreg.scatter [tilespmem:s30], [sflag:$0x1], $0x80, v3, vm0, $0xb8;
	[tilespmem:$0xC500] =	vst v63  }
0x1f9: {  	_ = 	snop  }
0x1fa: {  	[hbm4b:s5+s2] =	stream.indirect_vreg.scatter [tilespmem:s31], [sflag:$0x1], $0x80, v3, vm0, $0xb8;
	[tilespmem:$0xC500] =	vst v63  }
0x1fb: {  	v3 =	vld [tilespmem:$0xC280];
	_ =	sdelay $0x4  }
0x1fc: {  	v54 =	vshll.u32 v3, $0x2  }
0x1fd: {  	v3 =	vand.u32 $0x7, v3;
	v4 =	vand.u32 $0xFFFFFFE0, v54  }
0x1fe: {  	v3 =	vor.u32 v3, v4  }
0x1ff: {  	v4 =	vperm.xlane v3, v0;
	_ =	sdelay $0x1  }
0x200: {  	v4 =	vadd.s32 v1, v4;
	_ =	sdelay $0x1  }
0x201: {  	v3 =	vperm.xlane v3, v2;
	_ =	sdelay $0x1  }
0x202: {  	v3 =	vadd.s32 v1, v3  }
0x203: {  	[hbm4b:s3+s2] =	stream.indirect_vreg.scatter [tilespmem:s2], [sflag:$0x1], $0x80, v4, vm0, $0xb8;
	[tilespmem:$0xC500] =	vst v63  }
0x204: {  	_ = 	snop  }
0x205: {  	[hbm4b:s5+s2] =	stream.indirect_vreg.scatter [tilespmem:s24], [sflag:$0x1], $0x80, v4, vm0, $0xb8;
	[tilespmem:$0xC500] =	vst v63  }
0x206: {  	_ = 	snop  }
0x207: {  	[hbm4b:s3+s2] =	stream.indirect_vreg.scatter [tilespmem:s25], [sflag:$0x1], $0x80, v3, vm0, $0xb8;
	[tilespmem:$0xC500] =	vst v63  }
0x208: {  	_ = 	snop  }
0x209: {  	[hbm4b:s5+s2] =	stream.indirect_vreg.scatter [tilespmem:s26], [sflag:$0x1], $0x80, v3, vm0, $0xb8;
	[tilespmem:$0xC500] =	vst v63  }
0x20a: {  	v3 =	vld [tilespmem:$0xC290];
	_ =	sdelay $0x4  }
0x20b: {  	v55 =	vshll.u32 v3, $0x2  }
0x20c: {  	v3 =	vand.u32 $0x7, v3;
	v4 =	vand.u32 $0xFFFFFFE0, v55  }
0x20d: {  	v3 =	vor.u32 v3, v4  }
0x20e: {  	v4 =	vperm.xlane v3, v0;
	_ =	sdelay $0x1  }
0x20f: {  	v4 =	vadd.s32 v1, v4;
	_ =	sdelay $0x1  }
0x210: {  	v3 =	vperm.xlane v3, v2;
	_ =	sdelay $0x1  }
0x211: {  	v3 =	vadd.s32 v1, v3  }
0x212: {  	[hbm4b:s3+s2] =	stream.indirect_vreg.scatter [tilespmem:s28], [sflag:$0x1], $0x80, v4, vm0, $0xb8;
	[tilespmem:$0xC500] =	vst v63  }
0x213: {  	_ = 	snop  }
0x214: {  	[hbm4b:s5+s2] =	stream.indirect_vreg.scatter [tilespmem:s29], [sflag:$0x1], $0x80, v4, vm0, $0xb8;
	[tilespmem:$0xC500] =	vst v63  }
0x215: {  	_ = 	snop  }
0x216: {  	[hbm4b:s3+s2] =	stream.indirect_vreg.scatter [tilespmem:s30], [sflag:$0x1], $0x80, v3, vm0, $0xb8;
	[tilespmem:$0xC500] =	vst v63  }
0x217: {  	_ = 	snop  }
0x218: {  	[hbm4b:s5+s2] =	stream.indirect_vreg.scatter [tilespmem:s31], [sflag:$0x1], $0x80, v3, vm0, $0xb8;
	[tilespmem:$0xC500] =	vst v63  }
0x219: {  	v3 =	vld [tilespmem:$0xC300];
	_ =	sdelay $0x4  }
0x21a: {  	v56 =	vshll.u32 v3, $0x2  }
0x21b: {  	v3 =	vand.u32 $0x7, v3;
	v4 =	vand.u32 $0xFFFFFFE0, v56  }
0x21c: {  	v3 =	vor.u32 v3, v4  }
0x21d: {  	v4 =	vperm.xlane v3, v0;
	_ =	sdelay $0x1  }
0x21e: {  	v4 =	vadd.s32 v1, v4;
	_ =	sdelay $0x1  }
0x21f: {  	v3 =	vperm.xlane v3, v2;
	_ =	sdelay $0x1  }
0x220: {  	v3 =	vadd.s32 v1, v3  }
0x221: {  	[hbm4b:s3+s2] =	stream.indirect_vreg.scatter [tilespmem:s2], [sflag:$0x1], $0x80, v4, vm0, $0xb8;
	[tilespmem:$0xC500] =	vst v63  }
0x222: {  	_ = 	snop  }
0x223: {  	[hbm4b:s5+s2] =	stream.indirect_vreg.scatter [tilespmem:s24], [sflag:$0x1], $0x80, v4, vm0, $0xb8;
	[tilespmem:$0xC500] =	vst v63  }
0x224: {  	_ = 	snop  }
0x225: {  	[hbm4b:s3+s2] =	stream.indirect_vreg.scatter [tilespmem:s25], [sflag:$0x1], $0x80, v3, vm0, $0xb8;
	[tilespmem:$0xC500] =	vst v63  }
0x226: {  	_ = 	snop  }
0x227: {  	[hbm4b:s5+s2] =	stream.indirect_vreg.scatter [tilespmem:s26], [sflag:$0x1], $0x80, v3, vm0, $0xb8;
	[tilespmem:$0xC500] =	vst v63  }
0x228: {  	v3 =	vld [tilespmem:$0xC310];
	_ =	sdelay $0x4  }
0x229: {  	v57 =	vshll.u32 v3, $0x2  }
0x22a: {  	v3 =	vand.u32 $0x7, v3;
	v4 =	vand.u32 $0xFFFFFFE0, v57  }
0x22b: {  	v3 =	vor.u32 v3, v4  }
0x22c: {  	v4 =	vperm.xlane v3, v0;
	_ =	sdelay $0x1  }
0x22d: {  	v4 =	vadd.s32 v1, v4;
	_ =	sdelay $0x1  }
0x22e: {  	v3 =	vperm.xlane v3, v2;
	_ =	sdelay $0x1  }
0x22f: {  	v3 =	vadd.s32 v1, v3  }
0x230: {  	[hbm4b:s3+s2] =	stream.indirect_vreg.scatter [tilespmem:s28], [sflag:$0x1], $0x80, v4, vm0, $0xb8;
	[tilespmem:$0xC500] =	vst v63  }
0x231: {  	_ = 	snop  }
0x232: {  	[hbm4b:s5+s2] =	stream.indirect_vreg.scatter [tilespmem:s29], [sflag:$0x1], $0x80, v4, vm0, $0xb8;
	[tilespmem:$0xC500] =	vst v63  }
0x233: {  	_ = 	snop  }
0x234: {  	[hbm4b:s3+s2] =	stream.indirect_vreg.scatter [tilespmem:s30], [sflag:$0x1], $0x80, v3, vm0, $0xb8;
	[tilespmem:$0xC500] =	vst v63  }
0x235: {  	_ = 	snop  }
0x236: {  	[hbm4b:s5+s2] =	stream.indirect_vreg.scatter [tilespmem:s31], [sflag:$0x1], $0x80, v3, vm0, $0xb8;
	[tilespmem:$0xC500] =	vst v63  }
0x237: {  	v3 =	vld [tilespmem:$0xC380];
	_ =	sdelay $0x4  }
0x238: {  	v58 =	vshll.u32 v3, $0x2  }
0x239: {  	v3 =	vand.u32 $0x7, v3;
	v4 =	vand.u32 $0xFFFFFFE0, v58  }
0x23a: {  	v3 =	vor.u32 v3, v4  }
0x23b: {  	v4 =	vperm.xlane v3, v0;
	_ =	sdelay $0x1  }
0x23c: {  	v4 =	vadd.s32 v1, v4;
	_ =	sdelay $0x1  }
0x23d: {  	v3 =	vperm.xlane v3, v2;
	_ =	sdelay $0x1  }
0x23e: {  	v3 =	vadd.s32 v1, v3  }
0x23f: {  	[hbm4b:s3+s2] =	stream.indirect_vreg.scatter [tilespmem:s2], [sflag:$0x1], $0x80, v4, vm0, $0xb8;
	[tilespmem:$0xC500] =	vst v63  }
0x240: {  	_ = 	snop  }
0x241: {  	[hbm4b:s5+s2] =	stream.indirect_vreg.scatter [tilespmem:s24], [sflag:$0x1], $0x80, v4, vm0, $0xb8;
	[tilespmem:$0xC500] =	vst v63  }
0x242: {  	_ = 	snop  }
0x243: {  	[hbm4b:s3+s2] =	stream.indirect_vreg.scatter [tilespmem:s25], [sflag:$0x1], $0x80, v3, vm0, $0xb8;
	[tilespmem:$0xC500] =	vst v63  }
0x244: {  	_ = 	snop  }
0x245: {  	[hbm4b:s5+s2] =	stream.indirect_vreg.scatter [tilespmem:s26], [sflag:$0x1], $0x80, v3, vm0, $0xb8;
	[tilespmem:$0xC500] =	vst v63  }
0x246: {  	v3 =	vld [tilespmem:$0xC390];
	_ =	sdelay $0x4  }
0x247: {  	v59 =	vshll.u32 v3, $0x2  }
0x248: {  	v3 =	vand.u32 $0x7, v3;
	v4 =	vand.u32 $0xFFFFFFE0, v59  }
0x249: {  	v3 =	vor.u32 v3, v4  }
0x24a: {  	v4 =	vperm.xlane v3, v0;
	_ =	sdelay $0x1  }
0x24b: {  	v4 =	vadd.s32 v1, v4;
	_ =	sdelay $0x1  }
0x24c: {  	v3 =	vperm.xlane v3, v2;
	_ =	sdelay $0x1  }
0x24d: {  	v3 =	vadd.s32 v1, v3  }
0x24e: {  	[hbm4b:s3+s2] =	stream.indirect_vreg.scatter [tilespmem:s28], [sflag:$0x1], $0x80, v4, vm0, $0xb8;
	[tilespmem:$0xC500] =	vst v63  }
0x24f: {  	_ = 	snop  }
0x250: {  	[hbm4b:s5+s2] =	stream.indirect_vreg.scatter [tilespmem:s29], [sflag:$0x1], $0x80, v4, vm0, $0xb8;
	[tilespmem:$0xC500] =	vst v63  }
0x251: {  	_ = 	snop  }
0x252: {  	[hbm4b:s3+s2] =	stream.indirect_vreg.scatter [tilespmem:s30], [sflag:$0x1], $0x80, v3, vm0, $0xb8;
	[tilespmem:$0xC500] =	vst v63  }
0x253: {  	_ = 	snop  }
0x254: {  	[hbm4b:s5+s2] =	stream.indirect_vreg.scatter [tilespmem:s31], [sflag:$0x1], $0x80, v3, vm0, $0xb8;
	[tilespmem:$0xC500] =	vst v63  }
0x255: {  	v3 =	vld [tilespmem:$0xC400];
	_ =	sdelay $0x4  }
0x256: {  	v60 =	vshll.u32 v3, $0x2  }
0x257: {  	v3 =	vand.u32 $0x7, v3;
	v4 =	vand.u32 $0xFFFFFFE0, v60  }
0x258: {  	v3 =	vor.u32 v3, v4  }
0x259: {  	v4 =	vperm.xlane v3, v0;
	_ =	sdelay $0x1  }
0x25a: {  	v4 =	vadd.s32 v1, v4;
	_ =	sdelay $0x1  }
0x25b: {  	v3 =	vperm.xlane v3, v2;
	_ =	sdelay $0x1  }
0x25c: {  	v3 =	vadd.s32 v1, v3  }
0x25d: {  	[hbm4b:s3+s2] =	stream.indirect_vreg.scatter [tilespmem:s2], [sflag:$0x1], $0x80, v4, vm0, $0xb8;
	[tilespmem:$0xC500] =	vst v63  }
0x25e: {  	_ = 	snop  }
0x25f: {  	[hbm4b:s5+s2] =	stream.indirect_vreg.scatter [tilespmem:s24], [sflag:$0x1], $0x80, v4, vm0, $0xb8;
	[tilespmem:$0xC500] =	vst v63  }
0x260: {  	_ = 	snop  }
0x261: {  	[hbm4b:s3+s2] =	stream.indirect_vreg.scatter [tilespmem:s25], [sflag:$0x1], $0x80, v3, vm0, $0xb8;
	[tilespmem:$0xC500] =	vst v63  }
0x262: {  	_ = 	snop  }
0x263: {  	[hbm4b:s5+s2] =	stream.indirect_vreg.scatter [tilespmem:s26], [sflag:$0x1], $0x80, v3, vm0, $0xb8;
	[tilespmem:$0xC500] =	vst v63  }
0x264: {  	v3 =	vld [tilespmem:$0xC410];
	_ =	sdelay $0x4  }
0x265: {  	v61 =	vshll.u32 v3, $0x2  }
0x266: {  	v3 =	vand.u32 $0x7, v3;
	v4 =	vand.u32 $0xFFFFFFE0, v61  }
0x267: {  	v3 =	vor.u32 v3, v4  }
0x268: {  	v4 =	vperm.xlane v3, v0;
	_ =	sdelay $0x1  }
0x269: {  	v4 =	vadd.s32 v1, v4;
	_ =	sdelay $0x1  }
0x26a: {  	v3 =	vperm.xlane v3, v2;
	_ =	sdelay $0x1  }
0x26b: {  	v3 =	vadd.s32 v1, v3  }
0x26c: {  	[hbm4b:s3+s2] =	stream.indirect_vreg.scatter [tilespmem:s28], [sflag:$0x1], $0x80, v4, vm0, $0xb8;
	[tilespmem:$0xC500] =	vst v63  }
0x26d: {  	_ = 	snop  }
0x26e: {  	[hbm4b:s5+s2] =	stream.indirect_vreg.scatter [tilespmem:s29], [sflag:$0x1], $0x80, v4, vm0, $0xb8;
	[tilespmem:$0xC500] =	vst v63  }
0x26f: {  	_ = 	snop  }
0x270: {  	[hbm4b:s3+s2] =	stream.indirect_vreg.scatter [tilespmem:s30], [sflag:$0x1], $0x80, v3, vm0, $0xb8;
	[tilespmem:$0xC500] =	vst v63  }
0x271: {  	_ = 	snop  }
0x272: {  	[hbm4b:s5+s2] =	stream.indirect_vreg.scatter [tilespmem:s31], [sflag:$0x1], $0x80, v3, vm0, $0xb8;
	[tilespmem:$0xC500] =	vst v63  }
0x273: {  	v3 =	vld [tilespmem:$0xC480];
	_ =	sdelay $0x4  }
0x274: {  	v62 =	vshll.u32 v3, $0x2  }
0x275: {  	v3 =	vand.u32 $0x7, v3;
	v4 =	vand.u32 $0xFFFFFFE0, v62  }
0x276: {  	v3 =	vor.u32 v3, v4  }
0x277: {  	v4 =	vperm.xlane v3, v0;
	_ =	sdelay $0x1  }
0x278: {  	v4 =	vadd.s32 v1, v4;
	_ =	sdelay $0x1  }
0x279: {  	v3 =	vperm.xlane v3, v2;
	_ =	sdelay $0x1  }
0x27a: {  	v3 =	vadd.s32 v1, v3  }
0x27b: {  	[hbm4b:s3+s2] =	stream.indirect_vreg.scatter [tilespmem:s2], [sflag:$0x1], $0x80, v4, vm0, $0xb8;
	[tilespmem:$0xC500] =	vst v63  }
0x27c: {  	_ = 	snop  }
0x27d: {  	[hbm4b:s5+s2] =	stream.indirect_vreg.scatter [tilespmem:s24], [sflag:$0x1], $0x80, v4, vm0, $0xb8;
	[tilespmem:$0xC500] =	vst v63  }
0x27e: {  	_ = 	snop  }
0x27f: {  	[hbm4b:s3+s2] =	stream.indirect_vreg.scatter [tilespmem:s25], [sflag:$0x1], $0x80, v3, vm0, $0xb8;
	[tilespmem:$0xC500] =	vst v63  }
0x280: {  	_ = 	snop  }
0x281: {  	[hbm4b:s5+s2] =	stream.indirect_vreg.scatter [tilespmem:s26], [sflag:$0x1], $0x80, v3, vm0, $0xb8;
	[tilespmem:$0xC500] =	vst v63  }
0x282: {  	v3 =	vld [tilespmem:$0xC490];
	_ =	sdelay $0x4  }
0x283: {  	v63 =	vshll.u32 v3, $0x2  }
0x284: {  	v3 =	vand.u32 $0x7, v3;
	v4 =	vand.u32 $0xFFFFFFE0, v63  }
0x285: {  	v3 =	vor.u32 v3, v4  }
0x286: {  	v4 =	vperm.xlane v3, v0;
	_ =	sdelay $0x1  }
0x287: {  	v4 =	vadd.s32 v1, v4;
	_ =	sdelay $0x1  }
0x288: {  	v3 =	vperm.xlane v3, v2;
	_ =	sdelay $0x1  }
0x289: {  	v3 =	vadd.s32 v1, v3  }
0x28a: {  	[hbm4b:s3+s2] =	stream.indirect_vreg.scatter [tilespmem:s28], [sflag:$0x1], $0x80, v4, vm0, $0xb8;
	[tilespmem:$0xC500] =	vst v63  }
0x28b: {  	_ = 	snop  }
0x28c: {  	[hbm4b:s5+s2] =	stream.indirect_vreg.scatter [tilespmem:s29], [sflag:$0x1], $0x80, v4, vm0, $0xb8;
	[tilespmem:$0xC500] =	vst v63  }
0x28d: {  	_ = 	snop  }
0x28e: {  	[hbm4b:s3+s2] =	stream.indirect_vreg.scatter [tilespmem:s30], [sflag:$0x1], $0x80, v3, vm0, $0xb8;
	[tilespmem:$0xC500] =	vst v63  }
0x28f: {  	_ = 	snop  }
0x290: {  	[hbm4b:s5+s2] =	stream.indirect_vreg.scatter [tilespmem:s31], [sflag:$0x1], $0x80, v3, vm0, $0xb8;
	[tilespmem:$0xC500] =	vst v63  }
0x291: {  	_ = 	snop  }
0x292: {  	[hbm4b:s4+s0] =	stream.indirect.scatter [tilespmem:s14], [sflag:$0x1], $0x80, s13, s0, $0xb8;
	[tilespmem:$0xC500] =	vst v63  }
0x293: {  	_ =	swait.ge [sflag:s23], $0x4000  }
0x294: {  	[sflag:s23] =	ssyncset.done $0x0  }
0x295: {  	[sflag:s23] =	ssyncadd.s32 $0xFFFFC000  }
0x296: {  	_ =	swait.ge [sflag:s23], $0x4000  }
0x297: {  	[sflag:s23] =	ssyncset.done $0x0  }
0x298: {  	[sflag:s23] =	ssyncadd.s32 $0xFFFFC000  }
0x299: {  	_ =	swait.ge [sflag:s23], $0x4000  }
0x29a: {  	[sflag:s23] =	ssyncset.done $0x0  }
0x29b: {  	[sflag:s23] =	ssyncadd.s32 $0xFFFFC000  }
0x29c: {  	_ =	swait.ge [sflag:s23], $0x4000  }
0x29d: {  	[sflag:s23] =	ssyncset.done $0x0  }
0x29e: {  	[sflag:s23] =	ssyncadd.s32 $0xFFFFC000  }
0x29f: {  	_ =	swait.ge [sflag:s23], $0x4000  }
0x2a0: {  	[sflag:s23] =	ssyncset.done $0x0  }
0x2a1: {  	[sflag:s23] =	ssyncadd.s32 $0xFFFFC000  }
0x2a2: {  	_ =	swait.ge [sflag:s23], $0x4000  }
0x2a3: {  	[sflag:s23] =	ssyncset.done $0x0  }
0x2a4: {  	[sflag:s23] =	ssyncadd.s32 $0xFFFFC000  }
0x2a5: {  	_ =	swait.ge [sflag:s23], $0x4000  }
0x2a6: {  	[sflag:s23] =	ssyncset.done $0x0  }
0x2a7: {  	[sflag:s23] =	ssyncadd.s32 $0xFFFFC000  }
0x2a8: {  	p0 =	sne.s32 s12, $0x1;
	_ =	swait.ge [sflag:s23], $0x4000  }
.Ltmp0:
0x2a9: {  	[sflag:s23] =	ssyncset.done $0x0;
	(pc) =	sbr.rel @p0 .LBB2_1-.Ltmp0, $4  }
0x2aa: {  	[sflag:s23] =	ssyncadd.s32 $0xFFFFC000  }
0x2ab: {  	_ =	swait.ge [sflag:s23], $0x8000  }
0x2ac: {  	[sflag:s23] =	ssyncset.done $0x0  }
0x2ad: {  	s12 =	sadd.s32 $0xFFFFFFFF, s12;
	[sflag:s23] =	ssyncadd.s32 $0xFFFF8000  }
0x2ae: {  	_ =	sfence.sel $0x180000  }
0x2af: {  	[bflag:$0x0] =	sbarrier.arrive $0xFFFF  }
0x2b0: {  	_ =	strace $0x90000047  }
0x2b1: {  	s0 =	stileid.u32;
	[bflag:$0x2] =	sbarrier.arrive $0xFFFF  }
0x2b2: {  	p0 =	sne.s32 s0, $0x0;
	s0 =	rddreg [dreg:$0x4]  }
0x2b3: {  	s0 =	sadd.s32 @!p0 $0x100000, s0  }
0x2b4: {  	[sflag:s0] =	ssyncadd.tile.s32 @!p0 $0x1;
	_ =	shalt  }
.Lfunc_end2:
_tile_overlayer_lowered:
.L_overlay_start_2:
0x2b5: {  	(tag) =	ssettag $0x2  }
0x2b6: {  	s0 =	rddreg [dreg:$0x0];
	s2 =	stileid.u32  }
0x2b7: {  	s1 =	rddreg [dreg:$0x1];
	p0 =	sne.s32 s2, $0x0  }
0x2b8: {  	s3 =	rddreg [dreg:$0x2];
	[bflag:$0x3] =	sbarrier.arrive $0xFFFF;
	s2 =	simm.s32 @!p0 $0x1C02  }
0x2b9: {  	[timem:s3], [sflag:s2] =	dma.local @!p0 [hbm:s0], s1  }
0x2ba: {  	s0 =	simm.s32 @!p0 $0x2  }
0x2bb: {  	_ =	swait.ge @!p0 [sflag:s0], s1  }
0x2bc: {  	s1 =	ssub.s32 @!p0 $0x0, s1;
	[sflag:s0] =	ssyncset.done @!p0 $0x0  }
0x2bd: {  	[sflag:s0] =	ssyncadd.s32 @!p0 s1  }
0x2be: {  	[bflag:$0x3] =	sbarrier.arrive $0xFFFF  }
0x2bf: {  	_ =	shalt  }

// kernel: kernel.9.cloned.1.call-start
scs
__scs_entry_jumppad:
0x0: {  	(pc) =	sbr.rel $0x88, $3  }
0x1: {  	(tag) =	ssettag $0x0;
	lr =	simm.s32 $0x1  }
0x2: {  	[smem:$0x3F92] =	sst lr;
	_ =	strace $0xD0000000  }
0x3: {  	_ = 	snop  }
0x4: {  	_ = 	snop  }
0x5: {  	_ = 	snop  }
0x6: {  	_ = 	snop  }
0x7: {  	_ = 	snop  }
__scs_overlays_trampoline_lowered:
0x8: {  	[smem:$0x3FA1] =	sst s0  }
0x9: {  	[smem:$0x3FA2] =	sst s1  }
0xa: {  	[smem:$0x3FA3] =	sst s2  }
0xb: {  	[smem:$0x3FA4] =	sst s3  }
0xc: {  	[smem:$0x3FA5] =	sst s4  }
0xd: {  	[smem:$0x3FA6] =	sst s5  }
0xe: {  	[smem:$0x3FA7] =	sst s6  }
0xf: {  	[smem:$0x3FA8] =	sst s7  }
0x10: {  	[smem:$0x3FA9] =	sst s8  }
0x11: {  	[smem:$0x3FAA] =	sst s9;
	s0 =	simm.s32 @!p0 $0x0  }
0x12: {  	s1 =	sld [smem:$0x3F90];
	s0 =	simm.s32 @p0 $0x1  }
0x13: {  	[smem:$0x3FAB] =	sst s0;
	s0 =	simm.s32 @!p1 $0x0  }
0x14: {  	s2 =	sld [smem:$0x3F8F];
	s0 =	simm.s32 @p1 $0x1  }
0x15: {  	[smem:$0x3FAC] =	sst s0;
	s0 =	simm.s32 @!p2 $0x0  }
0x16: {  	s3 =	sld [smem:$0x3FDB];
	s0 =	simm.s32 @p2 $0x1  }
0x17: {  	s4 =	simm.s32 $0x1BF5;
	[smem:$0x3FAE] =	sst s0  }
0x18: {  	s0 =	sld [smem:$0x3F91];
	_ =	swait.ge [sflag:s4], $0x0  }
0x19: {  	s7 =	sld [smem:$0x3F92]  }
0x1a: {  	s8 =	sadd.s32 $0xFFFFE003, lr  }
0x1b: {  	s9 =	sadd.s32 $0xFFFFFEF7, lr;
	s5 =	simm.s32 $0xFFFFFFFF;
	p2 =	slt.u32 s8, $0xFFFFF086  }
0x1c: {  	p1 =	slt.u32 s9, $0xF7A;
	s5 =	simm.s32 @!p2 $0x0  }
0x1d: {  	s5 =	simm.s32 @p1 $0x1;
	p0 =	seq.s32 s7, s2  }
0x1e: {  	s7 =	smul.u32 @!p0 $0xF7A, s2;
	p2 =	seq.s32 @!p0 s5, $0x0  }
0x1f: {  	s9 =	smul.u32 $0xF7A, s1;
	s8 =	simm.s32 @!p0 $0x1BF5;
	p2 =	por !p2, p0  }
0x20: {  	[sflag:s8] =	ssyncset.s32 @!p0 $0xFFFFF086;
	s6 =	sadd.s32 @!p0 s3, s7;
	s7 =	simm.s32 @!p0 $0x108  }
0x21: {  	s3 =	sadd.s32 s3, s9;
	s6 =	sadd.s32 @!p0 $0x88, s6;
	s7 =	simm.s32 @p2 $0x1082  }
0x22: {  	[simem:s7], [sflag:s8] =	dma.local @!p0 [hbm:s6], $0xF7A  }
0x23: {  	s9 =	sor.u32 $0xD0000000, s2;
	s6 =	simm.s32 $0x108;
	_ =	swait.ge @!p0 [sflag:s8], $0x0  }
0x24: {  	s3 =	sadd.s32 $0x88, s3;
	s6 =	simm.s32 @!p1 $0x1082;
	[sflag:s4] =	ssyncset.s32 $0xFFFFF086  }
0x25: {  	[simem:s6], [sflag:s4] =	dma.local [hbm:s3], $0xF7A  }
0x26: {  	[smem:$0x3F92] =	sst s1;
	(tag) =	ssettag s2;
	_ =	strace s9  }
0x27: {  	s1 =	sld [smem:$0x3FA2]  }
0x28: {  	s2 =	sld [smem:$0x3FA3]  }
0x29: {  	s4 =	sld [smem:$0x3FA5]  }
0x2a: {  	p0 =	seq.s32 s5, $0x0;
	s5 =	sld [smem:$0x3FA6]  }
0x2b: {  	s6 =	sld [smem:$0x3FA7]  }
0x2c: {  	s7 =	sld [smem:$0x3FA8]  }
0x2d: {  	s3 =	simm.s32 $0x108;
	s8 =	sld [smem:$0x3FA9]  }
0x2e: {  	s3 =	simm.s32 @!p0 $0x1082;
	s9 =	sld [smem:$0x3FAA]  }
0x2f: {  	lr =	sadd.s32 s0, s3;
	s0 =	sld [smem:$0x3FA1]  }
0x30: {  	s3 =	sld [smem:$0x3FA4]  }
0x31: {  	[smem:$0x3FAD] =	sst s10  }
0x32: {  	s10 =	sld [smem:$0x3FAB];
	_ =	sdelay $0x3  }
0x33: {  	p0 =	seq.s32 s10, $0x1;
	s10 =	sld [smem:$0x3FAD];
	_ =	sdelay $0x3  }
0x34: {  	[smem:$0x3FAD] =	sst s10  }
0x35: {  	s10 =	sld [smem:$0x3FAC];
	_ =	sdelay $0x3  }
0x36: {  	p1 =	seq.s32 s10, $0x1;
	s10 =	sld [smem:$0x3FAD];
	_ =	sdelay $0x3  }
0x37: {  	[smem:$0x3FAD] =	sst s10  }
0x38: {  	s10 =	sld [smem:$0x3FAE]  }
0x39: {  	_ = 	snop;
	(pc) =	sbr.ind lr, $3  }
0x3a: {  	_ = 	snop  }
0x3b: {  	_ = 	snop  }
0x3c: {  	p2 =	seq.s32 s10, $0x1;
	s10 =	sld [smem:$0x3FAD]  }
0x3d: {  	_ =	shalt  }
0x3e: {  	_ =	shalt  }
0x3f: {  	_ =	shalt  }
0x40: {  	_ =	shalt  }
0x41: {  	_ =	shalt  }
0x42: {  	_ =	shalt  }
0x43: {  	_ =	shalt  }
0x44: {  	_ =	shalt  }
0x45: {  	_ =	shalt  }
0x46: {  	_ =	shalt  }
0x47: {  	_ =	shalt  }
0x48: {  	_ =	shalt  }
0x49: {  	_ =	shalt  }
0x4a: {  	_ =	shalt  }
0x4b: {  	_ =	shalt  }
0x4c: {  	_ =	shalt  }
0x4d: {  	_ =	shalt  }
0x4e: {  	_ =	shalt  }
0x4f: {  	_ =	shalt  }
0x50: {  	_ =	shalt  }
0x51: {  	_ =	shalt  }
0x52: {  	_ =	shalt  }
0x53: {  	_ =	shalt  }
0x54: {  	_ =	shalt  }
0x55: {  	_ =	shalt  }
0x56: {  	_ =	shalt  }
0x57: {  	_ =	shalt  }
0x58: {  	_ =	shalt  }
0x59: {  	_ =	shalt  }
0x5a: {  	_ =	shalt  }
0x5b: {  	_ =	shalt  }
0x5c: {  	_ =	shalt  }
0x5d: {  	_ =	shalt  }
0x5e: {  	_ =	shalt  }
0x5f: {  	_ =	shalt  }
0x60: {  	_ =	shalt  }
0x61: {  	_ =	shalt  }
0x62: {  	_ =	shalt  }
0x63: {  	_ =	shalt  }
0x64: {  	_ =	shalt  }
0x65: {  	_ =	shalt  }
0x66: {  	_ =	shalt  }
0x67: {  	_ =	shalt  }
0x68: {  	_ =	shalt  }
0x69: {  	_ =	shalt  }
0x6a: {  	_ =	shalt  }
0x6b: {  	_ =	shalt  }
0x6c: {  	_ =	shalt  }
0x6d: {  	_ =	shalt  }
0x6e: {  	_ =	shalt  }
0x6f: {  	_ =	shalt  }
0x70: {  	_ =	shalt  }
0x71: {  	_ =	shalt  }
0x72: {  	_ =	shalt  }
0x73: {  	_ =	shalt  }
0x74: {  	_ =	shalt  }
0x75: {  	_ =	shalt  }
0x76: {  	_ =	shalt  }
0x77: {  	_ =	shalt  }
0x78: {  	_ =	shalt  }
0x79: {  	_ =	shalt  }
0x7a: {  	_ =	shalt  }
0x7b: {  	_ =	shalt  }
0x7c: {  	_ =	shalt  }
0x7d: {  	_ =	shalt  }
0x7e: {  	_ =	shalt  }
0x7f: {  	_ =	shalt  }
0x80: {  	_ =	shalt  }
0x81: {  	_ =	shalt  }
0x82: {  	_ =	shalt  }
0x83: {  	_ =	shalt  }
0x84: {  	_ =	shalt  }
0x85: {  	_ =	shalt  }
0x86: {  	_ =	shalt  }
0x87: {  	_ =	shalt  }
.Lfunc_end0:
.L_simem_size_0:
called_computation.1_lowered:
.L_overlay_start_0:
0x88: {  	s2 =	sld [smem:$0x3FD9]  }
0x89: {  	s3 =	sld [smem:$0x3FFE];
	_ =	sdelay $0x1  }
0x8a: {  	s1 =	srdreg.scid  }
0x8b: {  	s0 =	sand.u32 $0x1, s1  }
0x8c: {  	s16 =	sshll.u32 s0, $0xA;
	s2 =	sadd.s32 s3, s2  }
0x8d: {  	s2 =	sadd.s32 s2, s16  }
0x8e: {  	[smem:$0x3FB9] =	sst s2  }
0x8f: {  	_ = 	snop  }
0x90: {  	(tm) =	ssettm $0x1  }
0x91: {  	s17 =	sld [smem:$0x3FFB];
	_ =	sdelay $0x3  }
0x92: {  	_ =	strace s17  }
0x93: {  	s2 =	sld [smem:$0x3FFC];
	_ =	sdelay $0x3  }
0x94: {  	_ =	strace s2  }
0x95: {  	s2 =	sld [smem:$0x3FFD];
	_ =	sdelay $0x3  }
0x96: {  	_ =	strace s2  }
0x97: {  	_ =	strace $0x8FFFFFFF  }
0x98: {  	s18 =	sld [smem:$0x3FDB];
	_ =	sdelay $0x1  }
0x99: {  	s19 =	simm.s32 $_scs_section_size  }
0x9a: {  	s4 =	simm.s32 $_size__tile_overlayer_lowered;
	s5 =	simm.s32 $_tile_overlayer_lowered  }
0x9b: {  	s22 =	simm.s32 $0x1BFF;
	s21 =	sshll.u32 s5, $0x1;
	s2 =	sadd.s32 s19, s18  }
0x9c: {  	s6 =	simm.s32 $0x0;
	s20 =	sshll.u32 s4, $0x1;
	s4 =	sadd.s32 s21, s2  }
0x9d: {  	[timem:s6], [sflag:s22] =	dma.local [hbm:s4], s20  }
0x9e: {  	_ =	swait.ge [sflag:s22], s20  }
0x9f: {  	s3 =	ssub.s32 $0x0, s20;
	[sflag:s22] =	ssyncset.done $0x0  }
0xa0: {  	[sflag:s22] =	ssyncadd.s32 s3;
	_ =	sdelay $0x1  }
0xa1: {  	s23 =	simm.s32 $0x1B8B  }
0xa2: {  	_ =	swait.ge [sflag:s23], $0x1  }
0xa3: {  	[sflag:s23] =	ssyncset.done $0x0  }
0xa4: {  	s25 =	simm.s32 $0x1B8E;
	s24 =	sld [smem:$0x3FFE];
	[sflag:s23] =	ssyncadd.s32 $0xFFFFFFFF  }
0xa5: {  	s26 =	simm.s32 $execute0_lowered;
	[smem:$0x3FD2] =	sst s25  }
0xa6: {  	s4 =	sshll.u32 s26, $0x1;
	_ =	strace $0x80000049;
	[dreg:$0x1] =	wrdreg $0xFFFFFFFF  }
0xa7: {  	s28 =	simm.s32 $_size_execute0_lowered;
	s2 =	sadd.s32 s2, s4;
	[dreg:$0x0] =	wrdreg $0x0  }
0xa8: {  	s4 =	sshll.u32 s28, $0x1;
	[dreg:$0x2] =	wrdreg s2  }
0xa9: {  	[dreg:$0x3] =	wrdreg s4  }
0xaa: {  	[dreg:$0x4] =	wrdreg $0xC0  }
0xab: {  	_ =	task [dreg:s6], $0x5FFFF  }
0xac: {  	[dreg:$0x1] =	wrdreg $0xFFFFFFFF  }
0xad: {  	[dreg:$0x0] =	wrdreg $0x60  }
0xae: {  	[dreg:$0x2] =	wrdreg s24  }
0xaf: {  	[dreg:$0x3] =	wrdreg $0x9  }
0xb0: {  	_ =	task.clear_ibuf [dreg:s6], $0x4FFFF;
	_ =	strace $0x90000049  }
0xb1: {  	s29 =	simm.s32 $0x9;
	_ =	strace $0x8000004B  }
0xb2: {  	_ =	swait.ge [sflag:s29], $0x1  }
0xb3: {  	[sflag:s29] =	ssyncadd.s32 $0xFFFFFFFF  }
0xb4: {  	_ =	strace $0x9000004B  }
0xb5: {  	_ =	sfence  }
0xb6: {  	s30 =	sld [smem:$0x0];
	_ =	sdelay $0x2  }
0xb7: {  	s31 =	sshll.u32 s1, $0xD;
	s1 =	sshrl.u32 s1, $0x2  }
0xb8: {  	s3 =	sand.u32 $0x4000, s31;
	s1 =	sadd.s32 s1, s30  }
0xb9: {  	s0 =	sor.u32 s3, s0;
	s1 =	sshll.u32 s1, $0x11  }
0xba: {  	s0 =	sor.u32 s1, s0  }
0xbb: {  	s0 =	sadd.s32 $0x8F2B, s0  }
0xbc: {  	[sflag:s0] =	ssyncadd.remote.s32 $0x1  }
0xbd: {  	_ =	sfence.sel $0xFFFF  }
0xbe: {  	[dreg:$0x0] =	wrdreg $0xFFFFFFFF;
	(pc) =	sbr.abs _section_cstart, $3  }
0xbf: {  	[dreg:$0x1] =	wrdreg $0xFFFFFFFF  }
0xc0: {  	_ =	task.clear_ibuf [dreg:s6], $0x2FFFF;
	_ =	strace $0x9FFFFFFF  }
0xc1: {  	(tm) =	ssettm $0x7FFFFFFF  }
tec
execute0_lowered:
.L_overlay_start_1:
0x0: {  	(tag) =	ssettag $0x1  }
0x1: {  	s0 =	rddreg [dreg:$0x0];
	s2 =	simm.s32 $0x0;
	s1 =	srdreg.scid  }
0x2: {  	s9 =	stileid.u32;
	s30 =	simm.s32 $0x1;
	s21 =	simm.s32 $0x12000  }
0x3: {  	s22 =	simm.s32 $0x2;
	[smem:$0x7FF] =	sst s2;
	s2 =	sadd.s32 $0x2BBE00, s0  }
0x4: {  	s1 =	sand.u32 $0x1, s1;
	s4 =	sadd.s32 $0x5FBE00, s0;
	s5 =	sadd.s32 $0x3B200, s0  }
0x5: {  	s6 =	sadd.s32 $0x3BA00, s0;
	s8 =	sshll.u32 s9, $0xE;
	s9 =	sshll.u32 s9, $0xA  }
0x6: {  	s10 =	sadd.s32 $0x3B210, s0;
	s11 =	sadd.s32 $0x3B220, s0;
	s12 =	sadd.s32 $0x3B230, s0  }
0x7: {  	s13 =	sadd.s32 $0x3B240, s0;
	s14 =	sadd.s32 $0x3B250, s0;
	s3 =	ssub.s32 $0x2, s1  }
0x8: {  	s15 =	sadd.s32 $0x3B260, s0;
	s16 =	sadd.s32 $0x3B270, s0;
	s7 =	sshrl.u32 s3, $0x1  }
0x9: {  	v0 =	vlaneseq.u32;
	s17 =	sadd.s32 $0x5FBF00, s0;
	s18 =	sadd.s32 $0x5FC000, s0;
	s3 =	ssub.s32 s3, s7  }
0xa: {  	s19 =	sadd.s32 $0x5FC100, s0;
	v1 =	vshrl.u32 v0, $0x3;
	_ =	strace $0x8000004A;
	s31 =	smax.u32 s3, $0x1  }
0xb: {  	vm0 =	vmmov $0xffff;
	v0 =	vand.u32 $0x7, v0;
	v1 =	vmul.u32 $0x8, v1;
	s7 =	sshll.u32 s1, $0x6;
	s1 =	simm.s32 $0x0;
	[dreg:$0x2] =	wrdreg s31  }
.LBB2_1:
0xc: {  	[dreg:$0x3] =	wrdreg s1;
	s23 =	simm.s32 $0x0  }
.LBB2_2:
0xd: {  	s0 =	sshll.u32 s23, $0x3  }
0xe: {  	s0 =	sadd.s32 s7, s0  }
0xf: {  	s3 =	sshll.u32 s0, $0x7  }
0x10: {  	s26 =	simm.s32 $0x0;
	s0 =	sadd.s32 s9, s0;
	s24 =	sadd.s32 s8, s3  }
0x11: {  	s25 =	simm.s32 $0x10000;
	s0 =	sshrl.u32 s0, $0x3;
	s3 =	sadd.s32 s2, s24  }
0x12: {  	[tilespmem:s25], [sflag:$0x1] =	stream.linear.gather [hbm4b:s3+s26], $0x2000, $0x38;
	[tilespmem:$0x14400] =	vst v63  }
0x13: {  	s1 =	simm.s32 $0x14000;
	s20 =	sadd.s32 s5, s0  }
0x14: {  	[tilespmem:s1], [sflag:$0x1] =	stream.linear.gather [hbm4b:s20+s26], $0x8, $0x38;
	[tilespmem:$0x14400] =	vst v63  }
0x15: {  	s1 =	sadd.s32 s0, s10;
	s20 =	simm.s32 $0x14080  }
0x16: {  	[tilespmem:s20], [sflag:$0x1] =	stream.linear.gather [hbm4b:s1+s26], $0x8, $0x38;
	[tilespmem:$0x14400] =	vst v63  }
0x17: {  	s1 =	sadd.s32 s0, s11;
	s20 =	simm.s32 $0x14100  }
0x18: {  	[tilespmem:s20], [sflag:$0x1] =	stream.linear.gather [hbm4b:s1+s26], $0x8, $0x38;
	[tilespmem:$0x14400] =	vst v63  }
0x19: {  	s1 =	sadd.s32 s0, s12;
	s20 =	simm.s32 $0x14180  }
0x1a: {  	[tilespmem:s20], [sflag:$0x1] =	stream.linear.gather [hbm4b:s1+s26], $0x8, $0x38;
	[tilespmem:$0x14400] =	vst v63  }
0x1b: {  	s1 =	sadd.s32 s0, s13;
	s20 =	simm.s32 $0x14200  }
0x1c: {  	[tilespmem:s20], [sflag:$0x1] =	stream.linear.gather [hbm4b:s1+s26], $0x8, $0x38;
	[tilespmem:$0x14400] =	vst v63  }
0x1d: {  	s1 =	sadd.s32 s0, s14;
	s20 =	simm.s32 $0x14280  }
0x1e: {  	[tilespmem:s20], [sflag:$0x1] =	stream.linear.gather [hbm4b:s1+s26], $0x8, $0x38;
	[tilespmem:$0x14400] =	vst v63  }
0x1f: {  	s1 =	sadd.s32 s0, s15;
	s20 =	simm.s32 $0x14300  }
0x20: {  	[tilespmem:s20], [sflag:$0x1] =	stream.linear.gather [hbm4b:s1+s26], $0x8, $0x38;
	[tilespmem:$0x14400] =	vst v63  }
0x21: {  	s0 =	sadd.s32 s0, s16;
	s20 =	simm.s32 $0x14380  }
0x22: {  	[tilespmem:s20], [sflag:$0x1] =	stream.linear.gather [hbm4b:s0+s26], $0x8, $0x38;
	[tilespmem:$0x14400] =	vst v63  }
0x23: {  	_ =	swait.ge [sflag:s30], $0x2000  }
0x24: {  	[sflag:s30] =	ssyncset.done $0x0  }
0x25: {  	[sflag:s30] =	ssyncadd.s32 $0xFFFFE000  }
0x26: {  	_ =	swait.ge [sflag:s30], $0x8  }
0x27: {  	[sflag:s30] =	ssyncset.done $0x0  }
0x28: {  	[sflag:s30] =	ssyncadd.s32 $0xFFFFFFF8  }
0x29: {  	_ =	swait.ge [sflag:s30], $0x8  }
0x2a: {  	[sflag:s30] =	ssyncset.done $0x0  }
0x2b: {  	[sflag:s30] =	ssyncadd.s32 $0xFFFFFFF8  }
0x2c: {  	_ =	swait.ge [sflag:s30], $0x8  }
0x2d: {  	[sflag:s30] =	ssyncset.done $0x0  }
0x2e: {  	[sflag:s30] =	ssyncadd.s32 $0xFFFFFFF8  }
0x2f: {  	_ =	swait.ge [sflag:s30], $0x8  }
0x30: {  	[sflag:s30] =	ssyncset.done $0x0  }
0x31: {  	[sflag:s30] =	ssyncadd.s32 $0xFFFFFFF8  }
0x32: {  	_ =	swait.ge [sflag:s30], $0x8  }
0x33: {  	[sflag:s30] =	ssyncset.done $0x0  }
0x34: {  	[sflag:s30] =	ssyncadd.s32 $0xFFFFFFF8  }
0x35: {  	_ =	swait.ge [sflag:s30], $0x8  }
0x36: {  	[sflag:s30] =	ssyncset.done $0x0  }
0x37: {  	[sflag:s30] =	ssyncadd.s32 $0xFFFFFFF8  }
0x38: {  	_ =	swait.ge [sflag:s30], $0x8  }
0x39: {  	[sflag:s30] =	ssyncset.done $0x0  }
0x3a: {  	[sflag:s30] =	ssyncadd.s32 $0xFFFFFFF8  }
0x3b: {  	_ =	swait.ge [sflag:s30], $0x8  }
0x3c: {  	[sflag:s30] =	ssyncset.done $0x0  }
0x3d: {  	[sflag:s30] =	ssyncadd.s32 $0xFFFFFFF8  }
0x3e: {  	v2 =	vld.msk [tilespmem:$0x14000], $0xff;
	_ =	sdelay $0x4  }
0x3f: {  	v3 =	vshll.u32 v2, $0x3  }
0x40: {  	v2 =	vand.u32 $0x7, v2;
	v3 =	vand.u32 $0xFFFFFFC0, v3  }
0x41: {  	v2 =	vor.u32 v2, v3  }
0x42: {  	v2 =	vperm.xlane v2, v0;
	_ =	sdelay $0x1  }
0x43: {  	v2 =	vadd.s32 v1, v2;
	_ =	sdelay $0x4  }
0x44: {  	[tilespmem:s26], [sflag:$0x1] =	stream.indirect_vreg.gather [hbm4b:s4+s26], $0x80, v2, vm0, $0xb8;
	[tilespmem:$0x14400] =	vst v63  }
0x45: {  	s3 =	simm.s32 $0x800  }
0x46: {  	[tilespmem:s3], [sflag:$0x1] =	stream.indirect_vreg.gather [hbm4b:s17+s26], $0x80, v2, vm0, $0xb8;
	[tilespmem:$0x14400] =	vst v63  }
0x47: {  	s20 =	simm.s32 $0x1000  }
0x48: {  	[tilespmem:s20], [sflag:$0x1] =	stream.indirect_vreg.gather [hbm4b:s18+s26], $0x80, v2, vm0, $0xb8;
	[tilespmem:$0x14400] =	vst v63  }
0x49: {  	s1 =	simm.s32 $0x1800  }
0x4a: {  	[tilespmem:s1], [sflag:$0x1] =	stream.indirect_vreg.gather [hbm4b:s19+s26], $0x80, v2, vm0, $0xb8;
	[tilespmem:$0x14400] =	vst v63  }
0x4b: {  	v2 =	vld.msk [tilespmem:$0x14080], $0xff;
	_ =	sdelay $0x4  }
0x4c: {  	v3 =	vshll.u32 v2, $0x3  }
0x4d: {  	v2 =	vand.u32 $0x7, v2;
	v3 =	vand.u32 $0xFFFFFFC0, v3  }
0x4e: {  	v2 =	vor.u32 v2, v3  }
0x4f: {  	v2 =	vperm.xlane v2, v0;
	_ =	sdelay $0x1  }
0x50: {  	v2 =	vadd.s32 v1, v2;
	_ =	sdelay $0x3  }
0x51: {  	s3 =	simm.s32 $0x2000  }
0x52: {  	[tilespmem:s3], [sflag:$0x1] =	stream.indirect_vreg.gather [hbm4b:s4+s26], $0x80, v2, vm0, $0xb8;
	[tilespmem:$0x14400] =	vst v63  }
0x53: {  	s20 =	simm.s32 $0x2800  }
0x54: {  	[tilespmem:s20], [sflag:$0x1] =	stream.indirect_vreg.gather [hbm4b:s17+s26], $0x80, v2, vm0, $0xb8;
	[tilespmem:$0x14400] =	vst v63  }
0x55: {  	s1 =	simm.s32 $0x3000  }
0x56: {  	[tilespmem:s1], [sflag:$0x1] =	stream.indirect_vreg.gather [hbm4b:s18+s26], $0x80, v2, vm0, $0xb8;
	[tilespmem:$0x14400] =	vst v63  }
0x57: {  	s3 =	simm.s32 $0x3800  }
0x58: {  	[tilespmem:s3], [sflag:$0x1] =	stream.indirect_vreg.gather [hbm4b:s19+s26], $0x80, v2, vm0, $0xb8;
	[tilespmem:$0x14400] =	vst v63  }
0x59: {  	v2 =	vld.msk [tilespmem:$0x14100], $0xff;
	_ =	sdelay $0x4  }
0x5a: {  	v3 =	vshll.u32 v2, $0x3  }
0x5b: {  	v2 =	vand.u32 $0x7, v2;
	v3 =	vand.u32 $0xFFFFFFC0, v3  }
0x5c: {  	v2 =	vor.u32 v2, v3  }
0x5d: {  	v2 =	vperm.xlane v2, v0;
	_ =	sdelay $0x1  }
0x5e: {  	v2 =	vadd.s32 v1, v2;
	_ =	sdelay $0x3  }
0x5f: {  	s20 =	simm.s32 $0x4000  }
0x60: {  	[tilespmem:s20], [sflag:$0x1] =	stream.indirect_vreg.gather [hbm4b:s4+s26], $0x80, v2, vm0, $0xb8;
	[tilespmem:$0x14400] =	vst v63  }
0x61: {  	s1 =	simm.s32 $0x4800  }
0x62: {  	[tilespmem:s1], [sflag:$0x1] =	stream.indirect_vreg.gather [hbm4b:s17+s26], $0x80, v2, vm0, $0xb8;
	[tilespmem:$0x14400] =	vst v63  }
0x63: {  	s3 =	simm.s32 $0x5000  }
0x64: {  	[tilespmem:s3], [sflag:$0x1] =	stream.indirect_vreg.gather [hbm4b:s18+s26], $0x80, v2, vm0, $0xb8;
	[tilespmem:$0x14400] =	vst v63  }
0x65: {  	s20 =	simm.s32 $0x5800  }
0x66: {  	[tilespmem:s20], [sflag:$0x1] =	stream.indirect_vreg.gather [hbm4b:s19+s26], $0x80, v2, vm0, $0xb8;
	[tilespmem:$0x14400] =	vst v63  }
0x67: {  	v2 =	vld.msk [tilespmem:$0x14180], $0xff;
	_ =	sdelay $0x4  }
0x68: {  	v3 =	vshll.u32 v2, $0x3  }
0x69: {  	v2 =	vand.u32 $0x7, v2;
	v3 =	vand.u32 $0xFFFFFFC0, v3  }
0x6a: {  	v2 =	vor.u32 v2, v3  }
0x6b: {  	v2 =	vperm.xlane v2, v0;
	_ =	sdelay $0x1  }
0x6c: {  	v2 =	vadd.s32 v1, v2;
	_ =	sdelay $0x3  }
0x6d: {  	s1 =	simm.s32 $0x6000  }
0x6e: {  	[tilespmem:s1], [sflag:$0x1] =	stream.indirect_vreg.gather [hbm4b:s4+s26], $0x80, v2, vm0, $0xb8;
	[tilespmem:$0x14400] =	vst v63  }
0x6f: {  	s3 =	simm.s32 $0x6800  }
0x70: {  	[tilespmem:s3], [sflag:$0x1] =	stream.indirect_vreg.gather [hbm4b:s17+s26], $0x80, v2, vm0, $0xb8;
	[tilespmem:$0x14400] =	vst v63  }
0x71: {  	s20 =	simm.s32 $0x7000  }
0x72: {  	[tilespmem:s20], [sflag:$0x1] =	stream.indirect_vreg.gather [hbm4b:s18+s26], $0x80, v2, vm0, $0xb8;
	[tilespmem:$0x14400] =	vst v63  }
0x73: {  	s1 =	simm.s32 $0x7800  }
0x74: {  	[tilespmem:s1], [sflag:$0x1] =	stream.indirect_vreg.gather [hbm4b:s19+s26], $0x80, v2, vm0, $0xb8;
	[tilespmem:$0x14400] =	vst v63  }
0x75: {  	v2 =	vld.msk [tilespmem:$0x14200], $0xff;
	_ =	sdelay $0x4  }
0x76: {  	v3 =	vshll.u32 v2, $0x3  }
0x77: {  	v2 =	vand.u32 $0x7, v2;
	v3 =	vand.u32 $0xFFFFFFC0, v3  }
0x78: {  	v2 =	vor.u32 v2, v3  }
0x79: {  	v2 =	vperm.xlane v2, v0;
	_ =	sdelay $0x1  }
0x7a: {  	v2 =	vadd.s32 v1, v2;
	_ =	sdelay $0x3  }
0x7b: {  	s3 =	simm.s32 $0x8000  }
0x7c: {  	[tilespmem:s3], [sflag:$0x1] =	stream.indirect_vreg.gather [hbm4b:s4+s26], $0x80, v2, vm0, $0xb8;
	[tilespmem:$0x14400] =	vst v63  }
0x7d: {  	s20 =	simm.s32 $0x8800  }
0x7e: {  	[tilespmem:s20], [sflag:$0x1] =	stream.indirect_vreg.gather [hbm4b:s17+s26], $0x80, v2, vm0, $0xb8;
	[tilespmem:$0x14400] =	vst v63  }
0x7f: {  	s1 =	simm.s32 $0x9000  }
0x80: {  	[tilespmem:s1], [sflag:$0x1] =	stream.indirect_vreg.gather [hbm4b:s18+s26], $0x80, v2, vm0, $0xb8;
	[tilespmem:$0x14400] =	vst v63  }
0x81: {  	s3 =	simm.s32 $0x9800  }
0x82: {  	[tilespmem:s3], [sflag:$0x1] =	stream.indirect_vreg.gather [hbm4b:s19+s26], $0x80, v2, vm0, $0xb8;
	[tilespmem:$0x14400] =	vst v63  }
0x83: {  	v2 =	vld.msk [tilespmem:$0x14280], $0xff;
	_ =	sdelay $0x4  }
0x84: {  	v3 =	vshll.u32 v2, $0x3  }
0x85: {  	v2 =	vand.u32 $0x7, v2;
	v3 =	vand.u32 $0xFFFFFFC0, v3  }
0x86: {  	v2 =	vor.u32 v2, v3  }
0x87: {  	v2 =	vperm.xlane v2, v0;
	_ =	sdelay $0x1  }
0x88: {  	v2 =	vadd.s32 v1, v2;
	_ =	sdelay $0x3  }
0x89: {  	s20 =	simm.s32 $0xA000  }
0x8a: {  	[tilespmem:s20], [sflag:$0x1] =	stream.indirect_vreg.gather [hbm4b:s4+s26], $0x80, v2, vm0, $0xb8;
	[tilespmem:$0x14400] =	vst v63  }
0x8b: {  	s1 =	simm.s32 $0xA800  }
0x8c: {  	[tilespmem:s1], [sflag:$0x1] =	stream.indirect_vreg.gather [hbm4b:s17+s26], $0x80, v2, vm0, $0xb8;
	[tilespmem:$0x14400] =	vst v63  }
0x8d: {  	s3 =	simm.s32 $0xB000  }
0x8e: {  	[tilespmem:s3], [sflag:$0x1] =	stream.indirect_vreg.gather [hbm4b:s18+s26], $0x80, v2, vm0, $0xb8;
	[tilespmem:$0x14400] =	vst v63  }
0x8f: {  	s20 =	simm.s32 $0xB800  }
0x90: {  	[tilespmem:s20], [sflag:$0x1] =	stream.indirect_vreg.gather [hbm4b:s19+s26], $0x80, v2, vm0, $0xb8;
	[tilespmem:$0x14400] =	vst v63  }
0x91: {  	v2 =	vld.msk [tilespmem:$0x14300], $0xff;
	_ =	sdelay $0x4  }
0x92: {  	v3 =	vshll.u32 v2, $0x3  }
0x93: {  	v2 =	vand.u32 $0x7, v2;
	v3 =	vand.u32 $0xFFFFFFC0, v3  }
0x94: {  	v2 =	vor.u32 v2, v3  }
0x95: {  	v2 =	vperm.xlane v2, v0;
	_ =	sdelay $0x1  }
0x96: {  	v2 =	vadd.s32 v1, v2;
	_ =	sdelay $0x3  }
0x97: {  	s1 =	simm.s32 $0xC000  }
0x98: {  	[tilespmem:s1], [sflag:$0x1] =	stream.indirect_vreg.gather [hbm4b:s4+s26], $0x80, v2, vm0, $0xb8;
	[tilespmem:$0x14400] =	vst v63  }
0x99: {  	s3 =	simm.s32 $0xC800  }
0x9a: {  	[tilespmem:s3], [sflag:$0x1] =	stream.indirect_vreg.gather [hbm4b:s17+s26], $0x80, v2, vm0, $0xb8;
	[tilespmem:$0x14400] =	vst v63  }
0x9b: {  	s20 =	simm.s32 $0xD000  }
0x9c: {  	[tilespmem:s20], [sflag:$0x1] =	stream.indirect_vreg.gather [hbm4b:s18+s26], $0x80, v2, vm0, $0xb8;
	[tilespmem:$0x14400] =	vst v63  }
0x9d: {  	s1 =	simm.s32 $0xD800  }
0x9e: {  	[tilespmem:s1], [sflag:$0x1] =	stream.indirect_vreg.gather [hbm4b:s19+s26], $0x80, v2, vm0, $0xb8;
	[tilespmem:$0x14400] =	vst v63  }
0x9f: {  	v2 =	vld.msk [tilespmem:$0x14380], $0xff;
	_ =	sdelay $0x4  }
0xa0: {  	v3 =	vshll.u32 v2, $0x3  }
0xa1: {  	v2 =	vand.u32 $0x7, v2;
	v3 =	vand.u32 $0xFFFFFFC0, v3  }
0xa2: {  	v2 =	vor.u32 v2, v3  }
0xa3: {  	v2 =	vperm.xlane v2, v0;
	_ =	sdelay $0x1  }
0xa4: {  	v2 =	vadd.s32 v1, v2;
	_ =	sdelay $0x3  }
0xa5: {  	s3 =	simm.s32 $0xE000  }
0xa6: {  	[tilespmem:s3], [sflag:$0x1] =	stream.indirect_vreg.gather [hbm4b:s4+s26], $0x80, v2, vm0, $0xb8;
	[tilespmem:$0x14400] =	vst v63  }
0xa7: {  	s20 =	simm.s32 $0xE800  }
0xa8: {  	[tilespmem:s20], [sflag:$0x1] =	stream.indirect_vreg.gather [hbm4b:s17+s26], $0x80, v2, vm0, $0xb8;
	[tilespmem:$0x14400] =	vst v63  }
0xa9: {  	s1 =	simm.s32 $0xF000  }
0xaa: {  	[tilespmem:s1], [sflag:$0x1] =	stream.indirect_vreg.gather [hbm4b:s18+s26], $0x80, v2, vm0, $0xb8;
	[tilespmem:$0x14400] =	vst v63  }
0xab: {  	s3 =	simm.s32 $0xF800  }
0xac: {  	[tilespmem:s3], [sflag:$0x1] =	stream.indirect_vreg.gather [hbm4b:s19+s26], $0x80, v2, vm0, $0xb8;
	[tilespmem:$0x14400] =	vst v63  }
0xad: {  	_ =	swait.ge [sflag:s30], $0x2000  }
0xae: {  	[sflag:s30] =	ssyncset.done $0x0  }
0xaf: {  	[sflag:s30] =	ssyncadd.s32 $0xFFFFE000  }
0xb0: {  	_ =	swait.ge [sflag:s30], $0x2000  }
0xb1: {  	[sflag:s30] =	ssyncset.done $0x0  }
0xb2: {  	[sflag:s30] =	ssyncadd.s32 $0xFFFFE000  }
0xb3: {  	_ =	swait.ge [sflag:s30], $0x2000  }
0xb4: {  	[sflag:s30] =	ssyncset.done $0x0  }
0xb5: {  	[sflag:s30] =	ssyncadd.s32 $0xFFFFE000  }
0xb6: {  	_ =	swait.ge [sflag:s30], $0x2000  }
0xb7: {  	[sflag:s30] =	ssyncset.done $0x0  }
0xb8: {  	[sflag:s30] =	ssyncadd.s32 $0xFFFFE000  }
0xb9: {  	_ =	swait.ge [sflag:s30], $0x2000  }
0xba: {  	[sflag:s30] =	ssyncset.done $0x0  }
0xbb: {  	[sflag:s30] =	ssyncadd.s32 $0xFFFFE000  }
0xbc: {  	_ =	swait.ge [sflag:s30], $0x2000  }
0xbd: {  	[sflag:s30] =	ssyncset.done $0x0  }
0xbe: {  	[sflag:s30] =	ssyncadd.s32 $0xFFFFE000  }
0xbf: {  	_ =	swait.ge [sflag:s30], $0x2000  }
0xc0: {  	[sflag:s30] =	ssyncset.done $0x0  }
0xc1: {  	[sflag:s30] =	ssyncadd.s32 $0xFFFFE000  }
0xc2: {  	_ =	swait.ge [sflag:s30], $0x2000  }
0xc3: {  	s20 =	sand.u32 $0x70, s26;
	s1 =	sand.u32 $0x1C00, s26;
	[sflag:s30] =	ssyncset.done $0x0  }
0xc4: {  	s26 =	sor.u32 s20, s1;
	[sflag:s30] =	ssyncadd.s32 $0xFFFFE000  }
0xc5: {  	v2 =	vld [tilespmem:s26+$0x0]  }
0xc6: {  	v3 =	vld [tilespmem:s25+$0x0];
	_ =	sdelay $0x1  }
0xc7: {  	v4 =	vld [tilespmem:s26+$0x2000];
	_ =	sdelay $0x1  }
0xc8: {  	v5 =	vld [tilespmem:s26+$0x4000]  }
0xc9: {  	v2 =	vadd.f32 v2, v3  }
0xca: {  	v3 =	vld [tilespmem:s26+$0x6000]  }
0xcb: {  	v2 =	vadd.f32 v4, v2  }
0xcc: {  	v61 =	vld [tilespmem:s26+$0x8000]  }
0xcd: {  	v2 =	vadd.f32 v5, v2  }
0xce: {  	v62 =	vld [tilespmem:s26+$0xA000]  }
0xcf: {  	v2 =	vadd.f32 v3, v2  }
0xd0: {  	v3 =	vld [tilespmem:s26+$0xC000]  }
0xd1: {  	v2 =	vadd.f32 v61, v2  }
0xd2: {  	v63 =	vld [tilespmem:s26+$0xE000]  }
0xd3: {  	v2 =	vadd.f32 v62, v2;
	_ =	sdelay $0x1  }
0xd4: {  	v2 =	vadd.f32 v3, v2;
	_ =	sdelay $0x1  }
0xd5: {  	s31 =	simm.s32 $0x80;
	s3 =	simm.s32 $0x10;
	v2 =	vadd.f32 v63, v2  }
0xd6: {  	s29 =	simm.s32 $0x12000;
	s20 =	sand.u32 $0x1C00, s31;
	s28 =	sand.u32 $0x70, s3  }
0xd7: {  	s3 =	simm.s32 $0x20;
	s0 =	sor.u32 s28, s20;
	[tilespmem:s29+$0x0] =	vst v2  }
.LBB2_3:
0xd8: {  	p0 =	sne.s32 s3, $0x3F0;
	v2 =	vld [tilespmem:s0+$0x0];
	s25 =	sadd.s32 $0x10, s25  }
0xd9: {  	v3 =	vld [tilespmem:s25+$0x0];
	_ =	sdelay $0x1  }
0xda: {  	v4 =	vld [tilespmem:s0+$0x2000];
	_ =	sdelay $0x1  }
0xdb: {  	v5 =	vld [tilespmem:s0+$0x4000]  }
0xdc: {  	v2 =	vadd.f32 v2, v3  }
0xdd: {  	v3 =	vld [tilespmem:s0+$0x6000]  }
0xde: {  	v2 =	vadd.f32 v4, v2  }
0xdf: {  	v4 =	vld [tilespmem:s0+$0x8000]  }
0xe0: {  	v2 =	vadd.f32 v5, v2  }
0xe1: {  	v5 =	vld [tilespmem:s0+$0xA000]  }
0xe2: {  	v2 =	vadd.f32 v3, v2  }
0xe3: {  	v3 =	vld [tilespmem:s0+$0xC000]  }
0xe4: {  	v2 =	vadd.f32 v4, v2  }
0xe5: {  	v4 =	vld [tilespmem:s0+$0xE000]  }
0xe6: {  	v2 =	vadd.f32 v5, v2;
	_ =	sdelay $0x1  }
.Ltmp0:
0xe7: {  	v2 =	vadd.f32 v3, v2;
	(pc) =	sbr.rel @p0 .LBB2_3-.Ltmp0, $4  }
0xe8: {  	_ = 	snop  }
0xe9: {  	s31 =	sadd.s32 $0x80, s31;
	v2 =	vadd.f32 v4, v2  }
0xea: {  	s29 =	sadd.s32 $0x10, s29;
	s20 =	sand.u32 $0x1C00, s31;
	s0 =	sand.u32 $0x70, s3  }
0xeb: {  	s3 =	sadd.s32 $0x10, s3;
	s0 =	sor.u32 s0, s20;
	[tilespmem:s29+$0x0] =	vst v2  }
0xec: {  	v2 =	vld [tilespmem:s0+$0x0];
	s3 =	sadd.s32 $0x10, s25  }
0xed: {  	v3 =	vld [tilespmem:s3+$0x0];
	_ =	sdelay $0x1  }
0xee: {  	v4 =	vld [tilespmem:s0+$0x2000];
	_ =	sdelay $0x1  }
0xef: {  	v5 =	vld [tilespmem:s0+$0x4000]  }
0xf0: {  	v2 =	vadd.f32 v2, v3  }
0xf1: {  	v3 =	vld [tilespmem:s0+$0x6000]  }
0xf2: {  	v2 =	vadd.f32 v4, v2  }
0xf3: {  	v56 =	vld [tilespmem:s0+$0x8000]  }
0xf4: {  	v2 =	vadd.f32 v5, v2  }
0xf5: {  	v57 =	vld [tilespmem:s0+$0xA000]  }
0xf6: {  	v2 =	vadd.f32 v3, v2  }
0xf7: {  	v3 =	vld [tilespmem:s0+$0xC000]  }
0xf8: {  	v2 =	vadd.f32 v56, v2  }
0xf9: {  	v58 =	vld [tilespmem:s0+$0xE000]  }
0xfa: {  	v2 =	vadd.f32 v57, v2;
	_ =	sdelay $0x1  }
0xfb: {  	v2 =	vadd.f32 v3, v2;
	_ =	sdelay $0x1  }
0xfc: {  	v2 =	vadd.f32 v58, v2  }
0xfd: {  	s29 =	sadd.s32 $0x10, s29  }
0xfe: {  	[tilespmem:s29+$0x0] =	vst v2  }
0xff: {  	s25 =	simm.s32 $0x10400;
	v2 =	vld [tilespmem:s26+$0x80]  }
0x100: {  	v3 =	vld [tilespmem:s25+$0x0];
	_ =	sdelay $0x1  }
0x101: {  	v59 =	vld [tilespmem:s26+$0x2080];
	_ =	sdelay $0x1  }
0x102: {  	v60 =	vld [tilespmem:s26+$0x4080]  }
0x103: {  	v2 =	vadd.f32 v2, v3  }
0x104: {  	v3 =	vld [tilespmem:s26+$0x6080]  }
0x105: {  	v2 =	vadd.f32 v59, v2  }
0x106: {  	v61 =	vld [tilespmem:s26+$0x8080]  }
0x107: {  	v2 =	vadd.f32 v60, v2  }
0x108: {  	v62 =	vld [tilespmem:s26+$0xA080]  }
0x109: {  	v2 =	vadd.f32 v3, v2  }
0x10a: {  	v3 =	vld [tilespmem:s26+$0xC080]  }
0x10b: {  	v2 =	vadd.f32 v61, v2  }
0x10c: {  	v63 =	vld [tilespmem:s26+$0xE080]  }
0x10d: {  	v2 =	vadd.f32 v62, v2;
	_ =	sdelay $0x1  }
0x10e: {  	v2 =	vadd.f32 v3, v2;
	_ =	sdelay $0x1  }
0x10f: {  	s0 =	simm.s32 $0x80;
	v2 =	vadd.f32 v63, v2  }
0x110: {  	s31 =	sand.u32 $0x1C00, s0;
	s26 =	simm.s32 $0x12400  }
0x111: {  	s3 =	simm.s32 $0x20;
	s28 =	sor.u32 s28, s31;
	[tilespmem:s26+$0x0] =	vst v2  }
.LBB2_5:
0x112: {  	p0 =	sne.s32 s3, $0x3F0;
	v2 =	vld [tilespmem:s28+$0x80];
	s25 =	sadd.s32 $0x10, s25  }
0x113: {  	v3 =	vld [tilespmem:s25+$0x0];
	_ =	sdelay $0x1  }
0x114: {  	v4 =	vld [tilespmem:s28+$0x2080];
	_ =	sdelay $0x1  }
0x115: {  	v5 =	vld [tilespmem:s28+$0x4080]  }
0x116: {  	v2 =	vadd.f32 v2, v3  }
0x117: {  	v3 =	vld [tilespmem:s28+$0x6080]  }
0x118: {  	v2 =	vadd.f32 v4, v2  }
0x119: {  	v4 =	vld [tilespmem:s28+$0x8080]  }
0x11a: {  	v2 =	vadd.f32 v5, v2  }
0x11b: {  	v5 =	vld [tilespmem:s28+$0xA080]  }
0x11c: {  	v2 =	vadd.f32 v3, v2  }
0x11d: {  	v3 =	vld [tilespmem:s28+$0xC080]  }
0x11e: {  	v2 =	vadd.f32 v4, v2  }
0x11f: {  	v4 =	vld [tilespmem:s28+$0xE080]  }
0x120: {  	v2 =	vadd.f32 v5, v2;
	_ =	sdelay $0x1  }
.Ltmp1:
0x121: {  	v2 =	vadd.f32 v3, v2;
	(pc) =	sbr.rel @p0 .LBB2_5-.Ltmp1, $4  }
0x122: {  	_ = 	snop  }
0x123: {  	s0 =	sadd.s32 $0x80, s0;
	v2 =	vadd.f32 v4, v2  }
0x124: {  	s20 =	sand.u32 $0x70, s3;
	s26 =	sadd.s32 $0x10, s26;
	s28 =	sand.u32 $0x1C00, s0  }
0x125: {  	s3 =	sadd.s32 $0x10, s3;
	s28 =	sor.u32 s20, s28;
	[tilespmem:s26+$0x0] =	vst v2  }
0x126: {  	v2 =	vld [tilespmem:s28+$0x80];
	s0 =	sadd.s32 $0x10, s25  }
0x127: {  	v3 =	vld [tilespmem:s0+$0x0];
	_ =	sdelay $0x1  }
0x128: {  	v4 =	vld [tilespmem:s28+$0x2080];
	_ =	sdelay $0x1  }
0x129: {  	v5 =	vld [tilespmem:s28+$0x4080]  }
0x12a: {  	v2 =	vadd.f32 v2, v3  }
0x12b: {  	v3 =	vld [tilespmem:s28+$0x6080]  }
0x12c: {  	v2 =	vadd.f32 v4, v2  }
0x12d: {  	v56 =	vld [tilespmem:s28+$0x8080]  }
0x12e: {  	v2 =	vadd.f32 v5, v2  }
0x12f: {  	v57 =	vld [tilespmem:s28+$0xA080]  }
0x130: {  	v2 =	vadd.f32 v3, v2  }
0x131: {  	v3 =	vld [tilespmem:s28+$0xC080]  }
0x132: {  	v2 =	vadd.f32 v56, v2  }
0x133: {  	v58 =	vld [tilespmem:s28+$0xE080]  }
0x134: {  	v2 =	vadd.f32 v57, v2;
	_ =	sdelay $0x1  }
0x135: {  	v2 =	vadd.f32 v3, v2;
	_ =	sdelay $0x1  }
0x136: {  	s1 =	simm.s32 $0x0;
	v2 =	vadd.f32 v58, v2  }
0x137: {  	s3 =	sadd.s32 $0x10, s26;
	s20 =	sand.u32 $0x70, s1;
	s0 =	sand.u32 $0x1C00, s1  }
0x138: {  	s25 =	sor.u32 s20, s0;
	[tilespmem:s3+$0x0] =	vst v2  }
0x139: {  	s28 =	simm.s32 $0x10800;
	v2 =	vld [tilespmem:s25+$0x100]  }
0x13a: {  	v3 =	vld [tilespmem:s28+$0x0];
	_ =	sdelay $0x1  }
0x13b: {  	v59 =	vld [tilespmem:s25+$0x2100];
	_ =	sdelay $0x1  }
0x13c: {  	v60 =	vld [tilespmem:s25+$0x4100]  }
0x13d: {  	v2 =	vadd.f32 v2, v3  }
0x13e: {  	v3 =	vld [tilespmem:s25+$0x6100]  }
0x13f: {  	v2 =	vadd.f32 v59, v2  }
0x140: {  	v61 =	vld [tilespmem:s25+$0x8100]  }
0x141: {  	v2 =	vadd.f32 v60, v2  }
0x142: {  	v62 =	vld [tilespmem:s25+$0xA100]  }
0x143: {  	v2 =	vadd.f32 v3, v2  }
0x144: {  	v3 =	vld [tilespmem:s25+$0xC100]  }
0x145: {  	v2 =	vadd.f32 v61, v2  }
0x146: {  	v63 =	vld [tilespmem:s25+$0xE100]  }
0x147: {  	v2 =	vadd.f32 v62, v2;
	_ =	sdelay $0x1  }
0x148: {  	v2 =	vadd.f32 v3, v2;
	_ =	sdelay $0x1  }
0x149: {  	s31 =	simm.s32 $0x80;
	s3 =	simm.s32 $0x10;
	v2 =	vadd.f32 v63, v2  }
0x14a: {  	s29 =	simm.s32 $0x12800;
	s20 =	sand.u32 $0x1C00, s31;
	s26 =	sand.u32 $0x70, s3  }
0x14b: {  	s3 =	simm.s32 $0x20;
	s0 =	sor.u32 s26, s20;
	[tilespmem:s29+$0x0] =	vst v2  }
.LBB2_7:
0x14c: {  	p0 =	sne.s32 s3, $0x3F0;
	v2 =	vld [tilespmem:s0+$0x100];
	s28 =	sadd.s32 $0x10, s28  }
0x14d: {  	v3 =	vld [tilespmem:s28+$0x0];
	_ =	sdelay $0x1  }
0x14e: {  	v4 =	vld [tilespmem:s0+$0x2100];
	_ =	sdelay $0x1  }
0x14f: {  	v5 =	vld [tilespmem:s0+$0x4100]  }
0x150: {  	v2 =	vadd.f32 v2, v3  }
0x151: {  	v3 =	vld [tilespmem:s0+$0x6100]  }
0x152: {  	v2 =	vadd.f32 v4, v2  }
0x153: {  	v4 =	vld [tilespmem:s0+$0x8100]  }
0x154: {  	v2 =	vadd.f32 v5, v2  }
0x155: {  	v5 =	vld [tilespmem:s0+$0xA100]  }
0x156: {  	v2 =	vadd.f32 v3, v2  }
0x157: {  	v3 =	vld [tilespmem:s0+$0xC100]  }
0x158: {  	v2 =	vadd.f32 v4, v2  }
0x159: {  	v4 =	vld [tilespmem:s0+$0xE100]  }
0x15a: {  	v2 =	vadd.f32 v5, v2;
	_ =	sdelay $0x1  }
.Ltmp2:
0x15b: {  	v2 =	vadd.f32 v3, v2;
	(pc) =	sbr.rel @p0 .LBB2_7-.Ltmp2, $4  }
0x15c: {  	_ = 	snop  }
0x15d: {  	s31 =	sadd.s32 $0x80, s31;
	v2 =	vadd.f32 v4, v2  }
0x15e: {  	s29 =	sadd.s32 $0x10, s29;
	s20 =	sand.u32 $0x1C00, s31;
	s0 =	sand.u32 $0x70, s3  }
0x15f: {  	s3 =	sadd.s32 $0x10, s3;
	s0 =	sor.u32 s0, s20;
	[tilespmem:s29+$0x0] =	vst v2  }
0x160: {  	v2 =	vld [tilespmem:s0+$0x100];
	s3 =	sadd.s32 $0x10, s28  }
0x161: {  	v3 =	vld [tilespmem:s3+$0x0];
	_ =	sdelay $0x1  }
0x162: {  	v4 =	vld [tilespmem:s0+$0x2100];
	_ =	sdelay $0x1  }
0x163: {  	v5 =	vld [tilespmem:s0+$0x4100]  }
0x164: {  	v2 =	vadd.f32 v2, v3  }
0x165: {  	v3 =	vld [tilespmem:s0+$0x6100]  }
0x166: {  	v2 =	vadd.f32 v4, v2  }
0x167: {  	v56 =	vld [tilespmem:s0+$0x8100]  }
0x168: {  	v2 =	vadd.f32 v5, v2  }
0x169: {  	v57 =	vld [tilespmem:s0+$0xA100]  }
0x16a: {  	v2 =	vadd.f32 v3, v2  }
0x16b: {  	v3 =	vld [tilespmem:s0+$0xC100]  }
0x16c: {  	v2 =	vadd.f32 v56, v2  }
0x16d: {  	v58 =	vld [tilespmem:s0+$0xE100]  }
0x16e: {  	v2 =	vadd.f32 v57, v2;
	_ =	sdelay $0x1  }
0x16f: {  	v2 =	vadd.f32 v3, v2;
	_ =	sdelay $0x1  }
0x170: {  	v2 =	vadd.f32 v58, v2  }
0x171: {  	s29 =	sadd.s32 $0x10, s29  }
0x172: {  	[tilespmem:s29+$0x0] =	vst v2  }
0x173: {  	s28 =	simm.s32 $0x10C00;
	v2 =	vld [tilespmem:s25+$0x180]  }
0x174: {  	v3 =	vld [tilespmem:s28+$0x0];
	_ =	sdelay $0x1  }
0x175: {  	v59 =	vld [tilespmem:s25+$0x2180];
	_ =	sdelay $0x1  }
0x176: {  	v60 =	vld [tilespmem:s25+$0x4180]  }
0x177: {  	v2 =	vadd.f32 v2, v3  }
0x178: {  	v3 =	vld [tilespmem:s25+$0x6180]  }
0x179: {  	v2 =	vadd.f32 v59, v2  }
0x17a: {  	v61 =	vld [tilespmem:s25+$0x8180]  }
0x17b: {  	v2 =	vadd.f32 v60, v2  }
0x17c: {  	v62 =	vld [tilespmem:s25+$0xA180]  }
0x17d: {  	v2 =	vadd.f32 v3, v2  }
0x17e: {  	v3 =	vld [tilespmem:s25+$0xC180]  }
0x17f: {  	v2 =	vadd.f32 v61, v2  }
0x180: {  	v63 =	vld [tilespmem:s25+$0xE180]  }
0x181: {  	v2 =	vadd.f32 v62, v2;
	_ =	sdelay $0x1  }
0x182: {  	v2 =	vadd.f32 v3, v2;
	_ =	sdelay $0x1  }
0x183: {  	s0 =	simm.s32 $0x80;
	v2 =	vadd.f32 v63, v2  }
0x184: {  	s31 =	sand.u32 $0x1C00, s0;
	s25 =	simm.s32 $0x12C00  }
0x185: {  	s3 =	simm.s32 $0x20;
	s26 =	sor.u32 s26, s31;
	[tilespmem:s25+$0x0] =	vst v2  }
.LBB2_9:
0x186: {  	p0 =	sne.s32 s3, $0x3F0;
	v2 =	vld [tilespmem:s26+$0x180];
	s28 =	sadd.s32 $0x10, s28  }
0x187: {  	v3 =	vld [tilespmem:s28+$0x0];
	_ =	sdelay $0x1  }
0x188: {  	v4 =	vld [tilespmem:s26+$0x2180];
	_ =	sdelay $0x1  }
0x189: {  	v5 =	vld [tilespmem:s26+$0x4180]  }
0x18a: {  	v2 =	vadd.f32 v2, v3  }
0x18b: {  	v3 =	vld [tilespmem:s26+$0x6180]  }
0x18c: {  	v2 =	vadd.f32 v4, v2  }
0x18d: {  	v4 =	vld [tilespmem:s26+$0x8180]  }
0x18e: {  	v2 =	vadd.f32 v5, v2  }
0x18f: {  	v5 =	vld [tilespmem:s26+$0xA180]  }
0x190: {  	v2 =	vadd.f32 v3, v2  }
0x191: {  	v3 =	vld [tilespmem:s26+$0xC180]  }
0x192: {  	v2 =	vadd.f32 v4, v2  }
0x193: {  	v4 =	vld [tilespmem:s26+$0xE180]  }
0x194: {  	v2 =	vadd.f32 v5, v2;
	_ =	sdelay $0x1  }
.Ltmp3:
0x195: {  	v2 =	vadd.f32 v3, v2;
	(pc) =	sbr.rel @p0 .LBB2_9-.Ltmp3, $4  }
0x196: {  	_ = 	snop  }
0x197: {  	s0 =	sadd.s32 $0x80, s0;
	v2 =	vadd.f32 v4, v2  }
0x198: {  	s20 =	sand.u32 $0x70, s3;
	s25 =	sadd.s32 $0x10, s25;
	s26 =	sand.u32 $0x1C00, s0  }
0x199: {  	s3 =	sadd.s32 $0x10, s3;
	s26 =	sor.u32 s20, s26;
	[tilespmem:s25+$0x0] =	vst v2  }
0x19a: {  	v2 =	vld [tilespmem:s26+$0x180];
	s0 =	sadd.s32 $0x10, s28  }
0x19b: {  	v3 =	vld [tilespmem:s0+$0x0];
	_ =	sdelay $0x1  }
0x19c: {  	v4 =	vld [tilespmem:s26+$0x2180];
	_ =	sdelay $0x1  }
0x19d: {  	v5 =	vld [tilespmem:s26+$0x4180]  }
0x19e: {  	v2 =	vadd.f32 v2, v3  }
0x19f: {  	v3 =	vld [tilespmem:s26+$0x6180]  }
0x1a0: {  	v2 =	vadd.f32 v4, v2  }
0x1a1: {  	v56 =	vld [tilespmem:s26+$0x8180]  }
0x1a2: {  	v2 =	vadd.f32 v5, v2  }
0x1a3: {  	v57 =	vld [tilespmem:s26+$0xA180]  }
0x1a4: {  	v2 =	vadd.f32 v3, v2  }
0x1a5: {  	v3 =	vld [tilespmem:s26+$0xC180]  }
0x1a6: {  	v2 =	vadd.f32 v56, v2  }
0x1a7: {  	v58 =	vld [tilespmem:s26+$0xE180]  }
0x1a8: {  	v2 =	vadd.f32 v57, v2;
	_ =	sdelay $0x1  }
0x1a9: {  	v2 =	vadd.f32 v3, v2;
	_ =	sdelay $0x1  }
0x1aa: {  	s1 =	simm.s32 $0x0;
	v2 =	vadd.f32 v58, v2  }
0x1ab: {  	s3 =	sadd.s32 $0x10, s25;
	s20 =	sand.u32 $0x70, s1;
	s0 =	sand.u32 $0x1C00, s1  }
0x1ac: {  	s25 =	sor.u32 s20, s0;
	[tilespmem:s3+$0x0] =	vst v2  }
0x1ad: {  	s28 =	simm.s32 $0x11000;
	v2 =	vld [tilespmem:s25+$0x200]  }
0x1ae: {  	v3 =	vld [tilespmem:s28+$0x0];
	_ =	sdelay $0x1  }
0x1af: {  	v59 =	vld [tilespmem:s25+$0x2200];
	_ =	sdelay $0x1  }
0x1b0: {  	v60 =	vld [tilespmem:s25+$0x4200]  }
0x1b1: {  	v2 =	vadd.f32 v2, v3  }
0x1b2: {  	v3 =	vld [tilespmem:s25+$0x6200]  }
0x1b3: {  	v2 =	vadd.f32 v59, v2  }
0x1b4: {  	v61 =	vld [tilespmem:s25+$0x8200]  }
0x1b5: {  	v2 =	vadd.f32 v60, v2  }
0x1b6: {  	v62 =	vld [tilespmem:s25+$0xA200]  }
0x1b7: {  	v2 =	vadd.f32 v3, v2  }
0x1b8: {  	v3 =	vld [tilespmem:s25+$0xC200]  }
0x1b9: {  	v2 =	vadd.f32 v61, v2  }
0x1ba: {  	v63 =	vld [tilespmem:s25+$0xE200]  }
0x1bb: {  	v2 =	vadd.f32 v62, v2;
	_ =	sdelay $0x1  }
0x1bc: {  	v2 =	vadd.f32 v3, v2;
	_ =	sdelay $0x1  }
0x1bd: {  	s31 =	simm.s32 $0x80;
	s3 =	simm.s32 $0x10;
	v2 =	vadd.f32 v63, v2  }
0x1be: {  	s29 =	simm.s32 $0x13000;
	s20 =	sand.u32 $0x1C00, s31;
	s26 =	sand.u32 $0x70, s3  }
0x1bf: {  	s3 =	simm.s32 $0x20;
	s0 =	sor.u32 s26, s20;
	[tilespmem:s29+$0x0] =	vst v2  }
.LBB2_11:
0x1c0: {  	p0 =	sne.s32 s3, $0x3F0;
	v2 =	vld [tilespmem:s0+$0x200];
	s28 =	sadd.s32 $0x10, s28  }
0x1c1: {  	v3 =	vld [tilespmem:s28+$0x0];
	_ =	sdelay $0x1  }
0x1c2: {  	v4 =	vld [tilespmem:s0+$0x2200];
	_ =	sdelay $0x1  }
0x1c3: {  	v5 =	vld [tilespmem:s0+$0x4200]  }
0x1c4: {  	v2 =	vadd.f32 v2, v3  }
0x1c5: {  	v3 =	vld [tilespmem:s0+$0x6200]  }
0x1c6: {  	v2 =	vadd.f32 v4, v2  }
0x1c7: {  	v4 =	vld [tilespmem:s0+$0x8200]  }
0x1c8: {  	v2 =	vadd.f32 v5, v2  }
0x1c9: {  	v5 =	vld [tilespmem:s0+$0xA200]  }
0x1ca: {  	v2 =	vadd.f32 v3, v2  }
0x1cb: {  	v3 =	vld [tilespmem:s0+$0xC200]  }
0x1cc: {  	v2 =	vadd.f32 v4, v2  }
0x1cd: {  	v4 =	vld [tilespmem:s0+$0xE200]  }
0x1ce: {  	v2 =	vadd.f32 v5, v2;
	_ =	sdelay $0x1  }
.Ltmp4:
0x1cf: {  	v2 =	vadd.f32 v3, v2;
	(pc) =	sbr.rel @p0 .LBB2_11-.Ltmp4, $4  }
0x1d0: {  	_ = 	snop  }
0x1d1: {  	s31 =	sadd.s32 $0x80, s31;
	v2 =	vadd.f32 v4, v2  }
0x1d2: {  	s29 =	sadd.s32 $0x10, s29;
	s20 =	sand.u32 $0x1C00, s31;
	s0 =	sand.u32 $0x70, s3  }
0x1d3: {  	s3 =	sadd.s32 $0x10, s3;
	s0 =	sor.u32 s0, s20;
	[tilespmem:s29+$0x0] =	vst v2  }
0x1d4: {  	v2 =	vld [tilespmem:s0+$0x200];
	s3 =	sadd.s32 $0x10, s28  }
0x1d5: {  	v3 =	vld [tilespmem:s3+$0x0];
	_ =	sdelay $0x1  }
0x1d6: {  	v4 =	vld [tilespmem:s0+$0x2200];
	_ =	sdelay $0x1  }
0x1d7: {  	v5 =	vld [tilespmem:s0+$0x4200]  }
0x1d8: {  	v2 =	vadd.f32 v2, v3  }
0x1d9: {  	v3 =	vld [tilespmem:s0+$0x6200]  }
0x1da: {  	v2 =	vadd.f32 v4, v2  }
0x1db: {  	v56 =	vld [tilespmem:s0+$0x8200]  }
0x1dc: {  	v2 =	vadd.f32 v5, v2  }
0x1dd: {  	v57 =	vld [tilespmem:s0+$0xA200]  }
0x1de: {  	v2 =	vadd.f32 v3, v2  }
0x1df: {  	v3 =	vld [tilespmem:s0+$0xC200]  }
0x1e0: {  	v2 =	vadd.f32 v56, v2  }
0x1e1: {  	v58 =	vld [tilespmem:s0+$0xE200]  }
0x1e2: {  	v2 =	vadd.f32 v57, v2;
	_ =	sdelay $0x1  }
0x1e3: {  	v2 =	vadd.f32 v3, v2;
	_ =	sdelay $0x1  }
0x1e4: {  	v2 =	vadd.f32 v58, v2  }
0x1e5: {  	s29 =	sadd.s32 $0x10, s29  }
0x1e6: {  	[tilespmem:s29+$0x0] =	vst v2  }
0x1e7: {  	s28 =	simm.s32 $0x11400;
	v2 =	vld [tilespmem:s25+$0x280]  }
0x1e8: {  	v3 =	vld [tilespmem:s28+$0x0];
	_ =	sdelay $0x1  }
0x1e9: {  	v59 =	vld [tilespmem:s25+$0x2280];
	_ =	sdelay $0x1  }
0x1ea: {  	v60 =	vld [tilespmem:s25+$0x4280]  }
0x1eb: {  	v2 =	vadd.f32 v2, v3  }
0x1ec: {  	v3 =	vld [tilespmem:s25+$0x6280]  }
0x1ed: {  	v2 =	vadd.f32 v59, v2  }
0x1ee: {  	v61 =	vld [tilespmem:s25+$0x8280]  }
0x1ef: {  	v2 =	vadd.f32 v60, v2  }
0x1f0: {  	v62 =	vld [tilespmem:s25+$0xA280]  }
0x1f1: {  	v2 =	vadd.f32 v3, v2  }
0x1f2: {  	v3 =	vld [tilespmem:s25+$0xC280]  }
0x1f3: {  	v2 =	vadd.f32 v61, v2  }
0x1f4: {  	v63 =	vld [tilespmem:s25+$0xE280]  }
0x1f5: {  	v2 =	vadd.f32 v62, v2;
	_ =	sdelay $0x1  }
0x1f6: {  	v2 =	vadd.f32 v3, v2;
	_ =	sdelay $0x1  }
0x1f7: {  	s0 =	simm.s32 $0x80;
	v2 =	vadd.f32 v63, v2  }
0x1f8: {  	s31 =	sand.u32 $0x1C00, s0;
	s25 =	simm.s32 $0x13400  }
0x1f9: {  	s3 =	simm.s32 $0x20;
	s26 =	sor.u32 s26, s31;
	[tilespmem:s25+$0x0] =	vst v2  }
.LBB2_13:
0x1fa: {  	p0 =	sne.s32 s3, $0x3F0;
	v2 =	vld [tilespmem:s26+$0x280];
	s28 =	sadd.s32 $0x10, s28  }
0x1fb: {  	v3 =	vld [tilespmem:s28+$0x0];
	_ =	sdelay $0x1  }
0x1fc: {  	v4 =	vld [tilespmem:s26+$0x2280];
	_ =	sdelay $0x1  }
0x1fd: {  	v5 =	vld [tilespmem:s26+$0x4280]  }
0x1fe: {  	v2 =	vadd.f32 v2, v3  }
0x1ff: {  	v3 =	vld [tilespmem:s26+$0x6280]  }
0x200: {  	v2 =	vadd.f32 v4, v2  }
0x201: {  	v4 =	vld [tilespmem:s26+$0x8280]  }
0x202: {  	v2 =	vadd.f32 v5, v2  }
0x203: {  	v5 =	vld [tilespmem:s26+$0xA280]  }
0x204: {  	v2 =	vadd.f32 v3, v2  }
0x205: {  	v3 =	vld [tilespmem:s26+$0xC280]  }
0x206: {  	v2 =	vadd.f32 v4, v2  }
0x207: {  	v4 =	vld [tilespmem:s26+$0xE280]  }
0x208: {  	v2 =	vadd.f32 v5, v2;
	_ =	sdelay $0x1  }
.Ltmp5:
0x209: {  	v2 =	vadd.f32 v3, v2;
	(pc) =	sbr.rel @p0 .LBB2_13-.Ltmp5, $4  }
0x20a: {  	_ = 	snop  }
0x20b: {  	s0 =	sadd.s32 $0x80, s0;
	v2 =	vadd.f32 v4, v2  }
0x20c: {  	s20 =	sand.u32 $0x70, s3;
	s25 =	sadd.s32 $0x10, s25;
	s26 =	sand.u32 $0x1C00, s0  }
0x20d: {  	s3 =	sadd.s32 $0x10, s3;
	s26 =	sor.u32 s20, s26;
	[tilespmem:s25+$0x0] =	vst v2  }
0x20e: {  	v2 =	vld [tilespmem:s26+$0x280];
	s0 =	sadd.s32 $0x10, s28  }
0x20f: {  	v3 =	vld [tilespmem:s0+$0x0];
	_ =	sdelay $0x1  }
0x210: {  	v4 =	vld [tilespmem:s26+$0x2280];
	_ =	sdelay $0x1  }
0x211: {  	v5 =	vld [tilespmem:s26+$0x4280]  }
0x212: {  	v2 =	vadd.f32 v2, v3  }
0x213: {  	v3 =	vld [tilespmem:s26+$0x6280]  }
0x214: {  	v2 =	vadd.f32 v4, v2  }
0x215: {  	v56 =	vld [tilespmem:s26+$0x8280]  }
0x216: {  	v2 =	vadd.f32 v5, v2  }
0x217: {  	v57 =	vld [tilespmem:s26+$0xA280]  }
0x218: {  	v2 =	vadd.f32 v3, v2  }
0x219: {  	v3 =	vld [tilespmem:s26+$0xC280]  }
0x21a: {  	v2 =	vadd.f32 v56, v2  }
0x21b: {  	v58 =	vld [tilespmem:s26+$0xE280]  }
0x21c: {  	v2 =	vadd.f32 v57, v2;
	_ =	sdelay $0x1  }
0x21d: {  	v2 =	vadd.f32 v3, v2;
	_ =	sdelay $0x1  }
0x21e: {  	s26 =	simm.s32 $0x0;
	v2 =	vadd.f32 v58, v2  }
0x21f: {  	s20 =	sadd.s32 $0x10, s25;
	s3 =	sand.u32 $0x70, s26;
	s28 =	sand.u32 $0x1C00, s26  }
0x220: {  	s25 =	sor.u32 s3, s28;
	[tilespmem:s20+$0x0] =	vst v2  }
0x221: {  	s29 =	simm.s32 $0x11800;
	v2 =	vld [tilespmem:s25+$0x300]  }
0x222: {  	v3 =	vld [tilespmem:s29+$0x0];
	_ =	sdelay $0x1  }
0x223: {  	v59 =	vld [tilespmem:s25+$0x2300];
	_ =	sdelay $0x1  }
0x224: {  	v60 =	vld [tilespmem:s25+$0x4300]  }
0x225: {  	v2 =	vadd.f32 v2, v3  }
0x226: {  	v3 =	vld [tilespmem:s25+$0x6300]  }
0x227: {  	v2 =	vadd.f32 v59, v2  }
0x228: {  	v61 =	vld [tilespmem:s25+$0x8300]  }
0x229: {  	v2 =	vadd.f32 v60, v2  }
0x22a: {  	v62 =	vld [tilespmem:s25+$0xA300]  }
0x22b: {  	v2 =	vadd.f32 v3, v2  }
0x22c: {  	v3 =	vld [tilespmem:s25+$0xC300]  }
0x22d: {  	v2 =	vadd.f32 v61, v2  }
0x22e: {  	v63 =	vld [tilespmem:s25+$0xE300]  }
0x22f: {  	v2 =	vadd.f32 v62, v2;
	_ =	sdelay $0x1  }
0x230: {  	v2 =	vadd.f32 v3, v2;
	_ =	sdelay $0x1  }
0x231: {  	s0 =	simm.s32 $0x80;
	s25 =	simm.s32 $0x10;
	v2 =	vadd.f32 v63, v2  }
0x232: {  	s31 =	simm.s32 $0x13800;
	s20 =	sand.u32 $0x1C00, s0;
	s1 =	sand.u32 $0x70, s25  }
0x233: {  	s3 =	sor.u32 s1, s20;
	s20 =	simm.s32 $0x20;
	[tilespmem:s31+$0x0] =	vst v2  }
.LBB2_15:
0x234: {  	p0 =	sne.s32 s20, $0x3F0;
	v2 =	vld [tilespmem:s3+$0x300];
	s29 =	sadd.s32 $0x10, s29  }
0x235: {  	v3 =	vld [tilespmem:s29+$0x0];
	_ =	sdelay $0x1  }
0x236: {  	v4 =	vld [tilespmem:s3+$0x2300];
	_ =	sdelay $0x1  }
0x237: {  	v5 =	vld [tilespmem:s3+$0x4300]  }
0x238: {  	v2 =	vadd.f32 v2, v3  }
0x239: {  	v3 =	vld [tilespmem:s3+$0x6300]  }
0x23a: {  	v2 =	vadd.f32 v4, v2  }
0x23b: {  	v4 =	vld [tilespmem:s3+$0x8300]  }
0x23c: {  	v2 =	vadd.f32 v5, v2  }
0x23d: {  	v5 =	vld [tilespmem:s3+$0xA300]  }
0x23e: {  	v2 =	vadd.f32 v3, v2  }
0x23f: {  	v3 =	vld [tilespmem:s3+$0xC300]  }
0x240: {  	v2 =	vadd.f32 v4, v2  }
0x241: {  	v4 =	vld [tilespmem:s3+$0xE300]  }
0x242: {  	v2 =	vadd.f32 v5, v2;
	_ =	sdelay $0x1  }
.Ltmp6:
0x243: {  	v2 =	vadd.f32 v3, v2;
	(pc) =	sbr.rel @p0 .LBB2_15-.Ltmp6, $4  }
0x244: {  	_ = 	snop  }
0x245: {  	s0 =	sadd.s32 $0x80, s0;
	v2 =	vadd.f32 v4, v2  }
0x246: {  	s31 =	sadd.s32 $0x10, s31;
	s1 =	sand.u32 $0x1C00, s0;
	s3 =	sand.u32 $0x70, s20  }
0x247: {  	s20 =	sadd.s32 $0x10, s20;
	s3 =	sor.u32 s3, s1;
	[tilespmem:s31+$0x0] =	vst v2  }
0x248: {  	v2 =	vld [tilespmem:s3+$0x300];
	s0 =	sadd.s32 $0x10, s29  }
0x249: {  	v3 =	vld [tilespmem:s0+$0x0];
	_ =	sdelay $0x1  }
0x24a: {  	v4 =	vld [tilespmem:s3+$0x2300];
	_ =	sdelay $0x1  }
0x24b: {  	v5 =	vld [tilespmem:s3+$0x4300]  }
0x24c: {  	v2 =	vadd.f32 v2, v3  }
0x24d: {  	v3 =	vld [tilespmem:s3+$0x6300]  }
0x24e: {  	v2 =	vadd.f32 v4, v2  }
0x24f: {  	v56 =	vld [tilespmem:s3+$0x8300]  }
0x250: {  	v2 =	vadd.f32 v5, v2  }
0x251: {  	v57 =	vld [tilespmem:s3+$0xA300]  }
0x252: {  	v2 =	vadd.f32 v3, v2  }
0x253: {  	v3 =	vld [tilespmem:s3+$0xC300]  }
0x254: {  	v2 =	vadd.f32 v56, v2  }
0x255: {  	v58 =	vld [tilespmem:s3+$0xE300]  }
0x256: {  	v2 =	vadd.f32 v57, v2;
	_ =	sdelay $0x1  }
0x257: {  	v2 =	vadd.f32 v3, v2;
	_ =	sdelay $0x1  }
0x258: {  	v2 =	vadd.f32 v58, v2  }
0x259: {  	s1 =	sor.u32 s26, s26;
	s3 =	sadd.s32 $0x10, s31  }
0x25a: {  	s20 =	sor.u32 $0x380, s1;
	[tilespmem:s3+$0x0] =	vst v2  }
0x25b: {  	s29 =	simm.s32 $0x11C00;
	v2 =	vld [tilespmem:s20+$0x0]  }
0x25c: {  	s26 =	sand.u32 $0x70, s26;
	v3 =	vld [tilespmem:s29+$0x0]  }
0x25d: {  	s0 =	sor.u32 s26, s28  }
0x25e: {  	v59 =	vld [tilespmem:s0+$0x2380];
	_ =	sdelay $0x1  }
0x25f: {  	v60 =	vld [tilespmem:s0+$0x4380]  }
0x260: {  	v2 =	vadd.f32 v2, v3  }
0x261: {  	v3 =	vld [tilespmem:s0+$0x6380]  }
0x262: {  	v2 =	vadd.f32 v59, v2  }
0x263: {  	v61 =	vld [tilespmem:s0+$0x8380]  }
0x264: {  	v2 =	vadd.f32 v60, v2  }
0x265: {  	v62 =	vld [tilespmem:s0+$0xA380]  }
0x266: {  	v2 =	vadd.f32 v3, v2  }
0x267: {  	v3 =	vld [tilespmem:s0+$0xC380]  }
0x268: {  	v2 =	vadd.f32 v61, v2  }
0x269: {  	v63 =	vld [tilespmem:s0+$0xE380]  }
0x26a: {  	v2 =	vadd.f32 v62, v2;
	_ =	sdelay $0x1  }
0x26b: {  	v2 =	vadd.f32 v3, v2;
	_ =	sdelay $0x1  }
0x26c: {  	s28 =	simm.s32 $0x80;
	v2 =	vadd.f32 v63, v2  }
0x26d: {  	s26 =	simm.s32 $0x13C00;
	s31 =	sor.u32 s28, s25  }
0x26e: {  	s3 =	sor.u32 $0x380, s31;
	s0 =	simm.s32 $0x20;
	[tilespmem:s26+$0x0] =	vst v2  }
.LBB2_17:
0x26f: {  	p0 =	sne.s32 s0, $0x3F0;
	v2 =	vld [tilespmem:s3+$0x0];
	s29 =	sadd.s32 $0x10, s29  }
0x270: {  	s1 =	sand.u32 $0x70, s25;
	s3 =	sand.u32 $0x1C00, s28;
	s25 =	smov.u32 s0;
	v3 =	vld [tilespmem:s29+$0x0]  }
0x271: {  	s1 =	sor.u32 s1, s3  }
0x272: {  	v4 =	vld [tilespmem:s1+$0x2380];
	_ =	sdelay $0x1  }
0x273: {  	v5 =	vld [tilespmem:s1+$0x4380]  }
0x274: {  	v2 =	vadd.f32 v2, v3  }
0x275: {  	v3 =	vld [tilespmem:s1+$0x6380]  }
0x276: {  	v2 =	vadd.f32 v4, v2  }
0x277: {  	v4 =	vld [tilespmem:s1+$0x8380]  }
0x278: {  	v2 =	vadd.f32 v5, v2  }
0x279: {  	v5 =	vld [tilespmem:s1+$0xA380]  }
0x27a: {  	v2 =	vadd.f32 v3, v2  }
0x27b: {  	v3 =	vld [tilespmem:s1+$0xC380]  }
0x27c: {  	v2 =	vadd.f32 v4, v2  }
0x27d: {  	v4 =	vld [tilespmem:s1+$0xE380]  }
0x27e: {  	v2 =	vadd.f32 v5, v2;
	_ =	sdelay $0x1  }
.Ltmp7:
0x27f: {  	v2 =	vadd.f32 v3, v2;
	(pc) =	sbr.rel @p0 .LBB2_17-.Ltmp7, $4  }
0x280: {  	_ = 	snop  }
0x281: {  	s28 =	sadd.s32 $0x80, s28;
	v2 =	vadd.f32 v4, v2  }
0x282: {  	s26 =	sadd.s32 $0x10, s26;
	s1 =	sor.u32 s28, s0  }
0x283: {  	s0 =	sadd.s32 $0x10, s0;
	s3 =	sor.u32 $0x380, s1;
	[tilespmem:s26+$0x0] =	vst v2  }
0x284: {  	v2 =	vld [tilespmem:s3+$0x0];
	s0 =	sadd.s32 $0x10, s29  }
0x285: {  	s25 =	sand.u32 $0x70, s25;
	s1 =	sand.u32 $0x1C00, s28;
	v3 =	vld [tilespmem:s0+$0x0]  }
0x286: {  	s0 =	sor.u32 s25, s1  }
0x287: {  	v4 =	vld [tilespmem:s0+$0x2380];
	_ =	sdelay $0x1  }
0x288: {  	v5 =	vld [tilespmem:s0+$0x4380]  }
0x289: {  	v2 =	vadd.f32 v2, v3  }
0x28a: {  	v3 =	vld [tilespmem:s0+$0x6380]  }
0x28b: {  	v2 =	vadd.f32 v4, v2  }
0x28c: {  	v61 =	vld [tilespmem:s0+$0x8380]  }
0x28d: {  	v2 =	vadd.f32 v5, v2  }
0x28e: {  	v62 =	vld [tilespmem:s0+$0xA380]  }
0x28f: {  	v2 =	vadd.f32 v3, v2  }
0x290: {  	v3 =	vld [tilespmem:s0+$0xC380]  }
0x291: {  	v2 =	vadd.f32 v61, v2  }
0x292: {  	v63 =	vld [tilespmem:s0+$0xE380]  }
0x293: {  	v2 =	vadd.f32 v62, v2;
	_ =	sdelay $0x1  }
0x294: {  	v2 =	vadd.f32 v3, v2;
	_ =	sdelay $0x1  }
0x295: {  	s23 =	sadd.s32 $0x1, s23;
	v2 =	vadd.f32 v63, v2  }
0x296: {  	s28 =	sadd.s32 $0x10, s26;
	p0 =	sne.s32 s23, $0x8  }
.Ltmp8:
0x297: {  	s29 =	sadd.s32 s6, s24;
	s31 =	simm.s32 $0x0;
	[tilespmem:s28+$0x0] =	vst v2;
	(pc) =	sbr.rel @p0 .LBB2_2-.Ltmp8, $4  }
0x298: {  	[hbm4b:s29+s31] =	stream.linear.scatter [tilespmem:s21], [sflag:$0x2], $0x2000, $0x38;
	[tilespmem:$0x14400] =	vst v63  }
0x299: {  	_ =	swait.ge [sflag:s22], $0x2000  }
0x29a: {  	[sflag:s22] =	ssyncset.done $0x0  }
0x29b: {  	[sflag:s22] =	ssyncadd.s32 $0xFFFFE000  }
0x29c: {  	s1 =	rddreg [dreg:$0x3]  }
0x29d: {  	s0 =	rddreg [dreg:$0x2];
	s1 =	sadd.s32 $0x1, s1  }
0x29e: {  	p0 =	sne.s32 s1, s0  }
.Ltmp9:
0x29f: {  	_ = 	snop;
	(pc) =	sbr.rel @p0 .LBB2_1-.Ltmp9, $1  }
0x2a0: {  	_ =	sdelay $0x3  }
0x2a1: {  	_ =	sfence.sel $0x180000  }
0x2a2: {  	[bflag:$0x0] =	sbarrier.arrive $0xFFFF  }
0x2a3: {  	_ =	strace $0x9000004A  }
0x2a4: {  	s0 =	stileid.u32;
	[bflag:$0x2] =	sbarrier.arrive $0xFFFF  }
0x2a5: {  	p0 =	sne.s32 s0, $0x0;
	s0 =	rddreg [dreg:$0x1]  }
0x2a6: {  	s0 =	sadd.s32 @!p0 $0x100000, s0  }
0x2a7: {  	[sflag:s0] =	ssyncadd.tile.s32 @!p0 $0x1;
	_ =	shalt  }
.Lfunc_end2:
_tile_overlayer_lowered:
.L_overlay_start_2:
0x2a8: {  	(tag) =	ssettag $0x2  }
0x2a9: {  	s0 =	rddreg [dreg:$0x0];
	s2 =	stileid.u32  }
0x2aa: {  	s1 =	rddreg [dreg:$0x1];
	p0 =	sne.s32 s2, $0x0  }
0x2ab: {  	s3 =	rddreg [dreg:$0x2];
	[bflag:$0x3] =	sbarrier.arrive $0xFFFF;
	s2 =	simm.s32 @!p0 $0x1C02  }
0x2ac: {  	[timem:s3], [sflag:s2] =	dma.local @!p0 [hbm:s0], s1  }
0x2ad: {  	s0 =	simm.s32 @!p0 $0x2  }
0x2ae: {  	_ =	swait.ge @!p0 [sflag:s0], s1  }
0x2af: {  	s1 =	ssub.s32 @!p0 $0x0, s1;
	[sflag:s0] =	ssyncset.done @!p0 $0x0  }
0x2b0: {  	[sflag:s0] =	ssyncadd.s32 @!p0 s1  }
0x2b1: {  	[bflag:$0x3] =	sbarrier.arrive $0xFFFF  }
0x2b2: {  	_ =	shalt  }

</sc_bundles>
